<compile_context>
chip_gen: v7x
topology: tpu7x:2x2x1
jax: 0.10.2.dev20260603
libtpu: 0.0.44.dev20260713+nightly
codegen_flags: <defaults>
</compile_context>

<pallas_src>
import functools

import jax
import jax.numpy as jnp
from jax import lax
from jax.experimental import pallas as pl
from jax.experimental.pallas import tpu as pltpu
from jax.experimental.pallas import tpu_sc as plsc

VOCAB = 1_000_000
D = 64
NSEQS = 16384
SEQ = 50
NTOK = NSEQS * SEQ
IDXW = 128
IDXROWS = NTOK // IDXW

NCHUNK = 4
CSEQS = NSEQS // NCHUNK
CTOK = CSEQS * SEQ
CROWS = CTOK // IDXW

NC, NS = 2, 16
NW = NC * NS

K = 5
NBUF = 2

ROWS_PER_W = CROWS // NW
NSTEPS = ROWS_PER_W // K

SBLK = 128
CTILES = CSEQS // SBLK
TCB = 1

_mesh = plsc.VectorSubcoreMesh(
    core_axis_name="c", subcore_axis_name="s", num_cores=NC, num_subcores=NS
)


def _make_gather(chunk):
    @functools.partial(
        pl.kernel,
        out_type=jax.ShapeDtypeStruct((CTOK, D), jnp.float32),
        mesh=_mesh,
        scratch_types=[
            pltpu.VMEM((NBUF, K, IDXW), jnp.int32),
            pltpu.VMEM((NBUF, K * IDXW, D), jnp.float32),
            pltpu.SemaphoreType.DMA,
            pltpu.SemaphoreType.DMA,
        ],
        compiler_params=pltpu.CompilerParams(use_tc_tiling_on_sc=False),
    )
    def _embed_gather(table_hbm, idx_hbm, out_hbm, idx_v, rows_v, sem0, sem1):
        sems = (sem0, sem1)
        wid = lax.axis_index("s") * NC + lax.axis_index("c")
        row0 = chunk * CROWS + wid * ROWS_PER_W
        out0 = wid * ROWS_PER_W * IDXW

        def fire(slot, s):
            pltpu.sync_copy(idx_hbm.at[pl.ds(row0 + s * K, K)], idx_v.at[slot])
            for j in range(K):
                pltpu.async_copy(
                    table_hbm.at[idx_v.at[slot, j]],
                    rows_v.at[slot, pl.ds(j * IDXW, IDXW)],
                    sems[slot],
                )

        def drain_flush(slot, s):
            pltpu.make_async_copy(
                out_hbm.at[pl.ds(0, K * IDXW)],
                rows_v.at[slot],
                sems[slot],
            ).wait()
            pltpu.sync_copy(
                rows_v.at[slot],
                out_hbm.at[pl.ds(out0 + s * K * IDXW, K * IDXW)],
            )

        for b in range(NBUF):
            fire(b, b)

        @pl.loop(0, NSTEPS, step=NBUF)
        def _(g):
            for b in range(NBUF):
                s = g + b
                drain_flush(b, s)

                @pl.when(s + NBUF < NSTEPS)
                def _():
                    fire(b, s + NBUF)

    return _embed_gather


def _retile_body(i_ref, o_ref):
    x = i_ref[...]
    x3 = x.reshape(TCB * SBLK, 25, IDXW)
    t3 = jnp.transpose(x3, (1, 2, 0))
    t4 = t3.reshape(25, 2, D // 8, 8, TCB, SBLK)
    t5 = jnp.transpose(t4, (0, 1, 2, 4, 3, 5))
    o_ref[...] = t5.reshape(SEQ, D // 8, TCB, 8, SBLK)


def _aliased_body(i_ref, a_ref, o_ref):
    del a_ref
    _retile_body(i_ref, o_ref)


_O5 = jax.ShapeDtypeStruct((SEQ, D // 8, NSEQS // SBLK, 8, SBLK), jnp.float32)


def _make_retile(chunk, aliased):
    body = _aliased_body if aliased else _retile_body
    in_specs = [
        pl.BlockSpec((TCB * SBLK * 25, IDXW), lambda g: (g, 0)),
    ]
    if aliased:
        in_specs.append(pl.BlockSpec(memory_space=pltpu.MemorySpace.HBM))
    return pl.pallas_call(
        body,
        out_shape=_O5,
        grid=(CTILES // TCB,),
        in_specs=in_specs,
        out_specs=pl.BlockSpec(
            (SEQ, D // 8, TCB, 8, SBLK),
            lambda g: (0, 0, chunk * (CTILES // TCB) + g, 0, 0),
        ),
        input_output_aliases={1: 0} if aliased else {},
        compiler_params=pltpu.CompilerParams(
            dimension_semantics=("parallel",)
        ),
    )


_gathers = [_make_gather(h) for h in range(NCHUNK)]
_retiles = [_make_retile(h, h > 0) for h in range(NCHUNK)]


def kernel(token_ids, embeddings):
    idx = token_ids.astype(jnp.int32).reshape(IDXROWS, IDXW)
    out5 = None
    for h in range(NCHUNK):
        flat = _gathers[h](embeddings, idx)
        flat2 = flat.reshape(CTOK * D // IDXW, IDXW)
        if h == 0:
            out5 = _retiles[h](flat2)
        else:
            out5 = _retiles[h](flat2, out5)
    return jnp.transpose(out5, (2, 4, 0, 1, 3)).reshape(NSEQS, SEQ, D)

# --- scband reference (transcript-rebuilt; emitter-appended) ---
"""Pipeline reference for scband-embedding-layer-51230369907069 (READ-ONLY COPY).

The authoritative reference and input builder live on the scoring server;
editing this copy changes nothing except your own understanding.
"""

import jax, jax.numpy as jnp
import numpy as np
import math

VOCAB_SIZE = 1000000
D_MODEL = 64

def setup_inputs(seed: int = 0) -> dict:
    key = jax.random.key(seed)
    k1, k2 = jax.random.split(key)
    token_ids = jax.random.randint(k1, (16384, 50), 0, VOCAB_SIZE, dtype=jnp.int64 if jax.config.jax_enable_x64 else jnp.int32)
    std = math.sqrt(1.0 / D_MODEL)
    embeddings = jax.random.normal(k2, (VOCAB_SIZE, D_MODEL), dtype=jnp.float32) * std
    return {"token_ids": token_ids, "embeddings": embeddings}

def reference(token_ids, embeddings):
    # Faithful translation of: return self.embeddings[token_ids]
    return jnp.take(embeddings, token_ids, axis=0)

if __name__ == "__main__":
    import jax
    _d = setup_inputs()
    print(jax.jit(kernel)(*tuple(_d.values())))

</pallas_src>

<mosaic_0001>
#map = affine_map<(d0, d1) -> (0, 0)>
module attributes {stable_mosaic.version = 14 : i64} {
  func.func @_embed_gather(%arg0: i32, %arg1: i32, %arg2: memref<1000000x64xf32, #tpu.memory_space<hbm>>, %arg3: memref<6400x128xi32, #tpu.memory_space<hbm>>, %arg4: memref<204800x64xf32, #tpu.memory_space<hbm>>, %arg5: memref<2x5x128xi32, #tpu.memory_space<vmem>>, %arg6: memref<2x640x64xf32, #tpu.memory_space<vmem>>, %arg7: memref<!tpu.dma_semaphore, #tpu.memory_space<semaphore_mem>>, %arg8: memref<!tpu.dma_semaphore, #tpu.memory_space<semaphore_mem>>) attributes {dimension_semantics = [#tpu.dimension_semantics<core_parallel>, #tpu.dimension_semantics<subcore_parallel>], iteration_bounds = array<i64: 2, 16>, scalar_prefetch = 0 : i64, scratch_operands = 4 : i64, tpu.core_type = #tpu.core_type<sc_vector_subcore>, window_params = [{transform_indices = #map}, {transform_indices = #map}, {transform_indices = #map}]} {
    %mul3A = arith.constant 2 : i32
    %mul3A_0 = arith.muli %arg1, %mul3A : i32
    %add3A = arith.addi %mul3A_0, %arg0 : i32
    %mul3A_1 = arith.constant 50 : i32
    %mul3A_2 = arith.muli %add3A, %mul3A_1 : i32
    %add3A_3 = arith.constant 0 : i32
    %add3A_4 = arith.addi %add3A_3, %mul3A_2 : i32
    %mul3A_5 = arith.constant 50 : i32
    %mul3A_6 = arith.muli %add3A, %mul3A_5 : i32
    %mul3A_7 = arith.constant 128 : i32
    %mul3A_8 = arith.muli %mul3A_6, %mul3A_7 : i32
    %add3A_9 = arith.constant 0 : i32
    %add3A_10 = arith.addi %add3A_4, %add3A_9 : i32
    %run_scoped3A = arith.constant 0 : i32
    "tpu.region"() ({
      %run_scoped3A_147 = tpu.sem_alloc : memref<!tpu.dma_semaphore, #tpu.memory_space<semaphore_mem>>
      %dma_start3A_148 = arith.constant 0 : i32
      %dma_start3A_149 = arith.constant 0 : i32
      %dma_start3A_150 = tpu.memref_slice %arg5[%run_scoped3A, %dma_start3A_148, %dma_start3A_149] : memref<2x5x128xi32, #tpu.memory_space<vmem>> -> memref<1x5x128xi32, #tpu.memory_space<vmem>>
      %dma_start3A_151 = tpu.memref_squeeze %dma_start3A_150 : memref<1x5x128xi32, #tpu.memory_space<vmem>> -> memref<5x128xi32, #tpu.memory_space<vmem>>
      %dma_start3A_152 = arith.constant 0 : i32
      %dma_start3A_153 = tpu.memref_slice %arg3[%add3A_10, %dma_start3A_152] : memref<6400x128xi32, #tpu.memory_space<hbm>> -> memref<5x128xi32, #tpu.memory_space<hbm>>
      %dma_start3A_154 = arith.constant 0 : i32
      %dma_start3A_155 = arith.constant 0 : i32
      %dma_start3A_156 = tpu.memref_slice %arg5[%run_scoped3A, %dma_start3A_154, %dma_start3A_155] : memref<2x5x128xi32, #tpu.memory_space<vmem>> -> memref<1x5x128xi32, #tpu.memory_space<vmem>>
      %dma_start3A_157 = tpu.memref_squeeze %dma_start3A_156 : memref<1x5x128xi32, #tpu.memory_space<vmem>> -> memref<5x128xi32, #tpu.memory_space<vmem>>
      %dma_start3A_158 = arith.constant 0 : i32
      %dma_start3A_159 = tpu.memref_slice %arg3[%add3A_10, %dma_start3A_158] : memref<6400x128xi32, #tpu.memory_space<hbm>> -> memref<5x128xi32, #tpu.memory_space<hbm>>
      tpu.enqueue_dma source(%dma_start3A_159 : memref<5x128xi32, #tpu.memory_space<hbm>>) target(%dma_start3A_157 : memref<5x128xi32, #tpu.memory_space<vmem>>) target_semaphore(%run_scoped3A_147 : memref<!tpu.dma_semaphore, #tpu.memory_space<semaphore_mem>>)
      %dma_wait3A = arith.constant 0 : i32
      %dma_wait3A_160 = arith.constant 0 : i32
      %dma_wait3A_161 = tpu.memref_slice %arg5[%run_scoped3A, %dma_wait3A, %dma_wait3A_160] : memref<2x5x128xi32, #tpu.memory_space<vmem>> -> memref<1x5x128xi32, #tpu.memory_space<vmem>>
      %dma_wait3A_162 = tpu.memref_squeeze %dma_wait3A_161 : memref<1x5x128xi32, #tpu.memory_space<vmem>> -> memref<5x128xi32, #tpu.memory_space<vmem>>
      %dma_wait3A_163 = arith.constant 0 : i32
      %dma_wait3A_164 = tpu.memref_slice %arg3[%add3A_10, %dma_wait3A_163] : memref<6400x128xi32, #tpu.memory_space<hbm>> -> memref<5x128xi32, #tpu.memory_space<hbm>>
      %dma_wait3A_165 = arith.constant 0 : i32
      %dma_wait3A_166 = arith.constant 0 : i32
      %dma_wait3A_167 = tpu.memref_slice %arg5[%run_scoped3A, %dma_wait3A_165, %dma_wait3A_166] : memref<2x5x128xi32, #tpu.memory_space<vmem>> -> memref<1x5x128xi32, #tpu.memory_space<vmem>>
      %dma_wait3A_168 = tpu.memref_squeeze %dma_wait3A_167 : memref<1x5x128xi32, #tpu.memory_space<vmem>> -> memref<5x128xi32, #tpu.memory_space<vmem>>
      %dma_wait3A_169 = arith.constant 0 : i32
      %dma_wait3A_170 = tpu.memref_slice %arg3[%add3A_10, %dma_wait3A_169] : memref<6400x128xi32, #tpu.memory_space<hbm>> -> memref<5x128xi32, #tpu.memory_space<hbm>>
      tpu.wait_dma2 semaphore(%run_scoped3A_147 : memref<!tpu.dma_semaphore, #tpu.memory_space<semaphore_mem>>) src(%dma_wait3A_170 : memref<5x128xi32, #tpu.memory_space<hbm>>) dst(%dma_wait3A_168 : memref<5x128xi32, #tpu.memory_space<vmem>>)
      tpu.yield
    }) : () -> ()
    %dma_start3A = arith.constant 0 : i32
    %dma_start3A_11 = arith.constant 0 : i32
    %dma_start3A_12 = arith.constant 0 : i32
    %dma_start3A_13 = arith.constant 0 : i32
    %dma_start3A_14 = arith.constant 0 : i32
    %dma_start3A_15 = tpu.memref_slice %arg6[%dma_start3A_12, %dma_start3A_13, %dma_start3A_14] : memref<2x640x64xf32, #tpu.memory_space<vmem>> -> memref<1x128x64xf32, #tpu.memory_space<vmem>>
    %dma_start3A_16 = tpu.memref_squeeze %dma_start3A_15 : memref<1x128x64xf32, #tpu.memory_space<vmem>> -> memref<128x64xf32, #tpu.memory_space<vmem>>
    %dma_start3A_17 = arith.constant 0 : i32
    %dma_start3A_18 = tpu.memref_slice %arg5[%dma_start3A, %dma_start3A_11, %dma_start3A_17] : memref<2x5x128xi32, #tpu.memory_space<vmem>> -> memref<1x1x128xi32, #tpu.memory_space<vmem>>
    %dma_start3A_19 = tpu.memref_squeeze %dma_start3A_18 : memref<1x1x128xi32, #tpu.memory_space<vmem>> -> memref<128xi32, #tpu.memory_space<vmem>>
    %dma_start3A_20 = arith.constant 0 : i32
    %dma_start3A_21 = arith.constant 0 : i32
    %dma_start3A_22 = tpu.memref_slice %arg2[%dma_start3A_20, %dma_start3A_21] : memref<1000000x64xf32, #tpu.memory_space<hbm>> -> memref<1000000x64xf32, #tpu.memory_space<hbm>>
    tpu.enqueue_indirect_dma source(%dma_start3A_22 : memref<1000000x64xf32, #tpu.memory_space<hbm>>) target(%dma_start3A_16 : memref<128x64xf32, #tpu.memory_space<vmem>>) offsets(%dma_start3A_19 : memref<128xi32, #tpu.memory_space<vmem>>) semaphore(%arg7 : memref<!tpu.dma_semaphore, #tpu.memory_space<semaphore_mem>>)
    %dma_start3A_23 = arith.constant 0 : i32
    %dma_start3A_24 = arith.constant 1 : i32
    %dma_start3A_25 = arith.constant 0 : i32
    %dma_start3A_26 = arith.constant 128 : i32
    %dma_start3A_27 = arith.constant 0 : i32
    %dma_start3A_28 = tpu.memref_slice %arg6[%dma_start3A_25, %dma_start3A_26, %dma_start3A_27] : memref<2x640x64xf32, #tpu.memory_space<vmem>> -> memref<1x128x64xf32, #tpu.memory_space<vmem>>
    %dma_start3A_29 = tpu.memref_squeeze %dma_start3A_28 : memref<1x128x64xf32, #tpu.memory_space<vmem>> -> memref<128x64xf32, #tpu.memory_space<vmem>>
    %dma_start3A_30 = arith.constant 0 : i32
    %dma_start3A_31 = tpu.memref_slice %arg5[%dma_start3A_23, %dma_start3A_24, %dma_start3A_30] : memref<2x5x128xi32, #tpu.memory_space<vmem>> -> memref<1x1x128xi32, #tpu.memory_space<vmem>>
    %dma_start3A_32 = tpu.memref_squeeze %dma_start3A_31 : memref<1x1x128xi32, #tpu.memory_space<vmem>> -> memref<128xi32, #tpu.memory_space<vmem>>
    %dma_start3A_33 = arith.constant 0 : i32
    %dma_start3A_34 = arith.constant 0 : i32
    %dma_start3A_35 = tpu.memref_slice %arg2[%dma_start3A_33, %dma_start3A_34] : memref<1000000x64xf32, #tpu.memory_space<hbm>> -> memref<1000000x64xf32, #tpu.memory_space<hbm>>
    tpu.enqueue_indirect_dma source(%dma_start3A_35 : memref<1000000x64xf32, #tpu.memory_space<hbm>>) target(%dma_start3A_29 : memref<128x64xf32, #tpu.memory_space<vmem>>) offsets(%dma_start3A_32 : memref<128xi32, #tpu.memory_space<vmem>>) semaphore(%arg7 : memref<!tpu.dma_semaphore, #tpu.memory_space<semaphore_mem>>)
    %dma_start3A_36 = arith.constant 0 : i32
    %dma_start3A_37 = arith.constant 2 : i32
    %dma_start3A_38 = arith.constant 0 : i32
    %dma_start3A_39 = arith.constant 256 : i32
    %dma_start3A_40 = arith.constant 0 : i32
    %dma_start3A_41 = tpu.memref_slice %arg6[%dma_start3A_38, %dma_start3A_39, %dma_start3A_40] : memref<2x640x64xf32, #tpu.memory_space<vmem>> -> memref<1x128x64xf32, #tpu.memory_space<vmem>>
    %dma_start3A_42 = tpu.memref_squeeze %dma_start3A_41 : memref<1x128x64xf32, #tpu.memory_space<vmem>> -> memref<128x64xf32, #tpu.memory_space<vmem>>
    %dma_start3A_43 = arith.constant 0 : i32
    %dma_start3A_44 = tpu.memref_slice %arg5[%dma_start3A_36, %dma_start3A_37, %dma_start3A_43] : memref<2x5x128xi32, #tpu.memory_space<vmem>> -> memref<1x1x128xi32, #tpu.memory_space<vmem>>
    %dma_start3A_45 = tpu.memref_squeeze %dma_start3A_44 : memref<1x1x128xi32, #tpu.memory_space<vmem>> -> memref<128xi32, #tpu.memory_space<vmem>>
    %dma_start3A_46 = arith.constant 0 : i32
    %dma_start3A_47 = arith.constant 0 : i32
    %dma_start3A_48 = tpu.memref_slice %arg2[%dma_start3A_46, %dma_start3A_47] : memref<1000000x64xf32, #tpu.memory_space<hbm>> -> memref<1000000x64xf32, #tpu.memory_space<hbm>>
    tpu.enqueue_indirect_dma source(%dma_start3A_48 : memref<1000000x64xf32, #tpu.memory_space<hbm>>) target(%dma_start3A_42 : memref<128x64xf32, #tpu.memory_space<vmem>>) offsets(%dma_start3A_45 : memref<128xi32, #tpu.memory_space<vmem>>) semaphore(%arg7 : memref<!tpu.dma_semaphore, #tpu.memory_space<semaphore_mem>>)
    %dma_start3A_49 = arith.constant 0 : i32
    %dma_start3A_50 = arith.constant 3 : i32
    %dma_start3A_51 = arith.constant 0 : i32
    %dma_start3A_52 = arith.constant 384 : i32
    %dma_start3A_53 = arith.constant 0 : i32
    %dma_start3A_54 = tpu.memref_slice %arg6[%dma_start3A_51, %dma_start3A_52, %dma_start3A_53] : memref<2x640x64xf32, #tpu.memory_space<vmem>> -> memref<1x128x64xf32, #tpu.memory_space<vmem>>
    %dma_start3A_55 = tpu.memref_squeeze %dma_start3A_54 : memref<1x128x64xf32, #tpu.memory_space<vmem>> -> memref<128x64xf32, #tpu.memory_space<vmem>>
    %dma_start3A_56 = arith.constant 0 : i32
    %dma_start3A_57 = tpu.memref_slice %arg5[%dma_start3A_49, %dma_start3A_50, %dma_start3A_56] : memref<2x5x128xi32, #tpu.memory_space<vmem>> -> memref<1x1x128xi32, #tpu.memory_space<vmem>>
    %dma_start3A_58 = tpu.memref_squeeze %dma_start3A_57 : memref<1x1x128xi32, #tpu.memory_space<vmem>> -> memref<128xi32, #tpu.memory_space<vmem>>
    %dma_start3A_59 = arith.constant 0 : i32
    %dma_start3A_60 = arith.constant 0 : i32
    %dma_start3A_61 = tpu.memref_slice %arg2[%dma_start3A_59, %dma_start3A_60] : memref<1000000x64xf32, #tpu.memory_space<hbm>> -> memref<1000000x64xf32, #tpu.memory_space<hbm>>
    tpu.enqueue_indirect_dma source(%dma_start3A_61 : memref<1000000x64xf32, #tpu.memory_space<hbm>>) target(%dma_start3A_55 : memref<128x64xf32, #tpu.memory_space<vmem>>) offsets(%dma_start3A_58 : memref<128xi32, #tpu.memory_space<vmem>>) semaphore(%arg7 : memref<!tpu.dma_semaphore, #tpu.memory_space<semaphore_mem>>)
    %dma_start3A_62 = arith.constant 0 : i32
    %dma_start3A_63 = arith.constant 4 : i32
    %dma_start3A_64 = arith.constant 0 : i32
    %dma_start3A_65 = arith.constant 512 : i32
    %dma_start3A_66 = arith.constant 0 : i32
    %dma_start3A_67 = tpu.memref_slice %arg6[%dma_start3A_64, %dma_start3A_65, %dma_start3A_66] : memref<2x640x64xf32, #tpu.memory_space<vmem>> -> memref<1x128x64xf32, #tpu.memory_space<vmem>>
    %dma_start3A_68 = tpu.memref_squeeze %dma_start3A_67 : memref<1x128x64xf32, #tpu.memory_space<vmem>> -> memref<128x64xf32, #tpu.memory_space<vmem>>
    %dma_start3A_69 = arith.constant 0 : i32
    %dma_start3A_70 = tpu.memref_slice %arg5[%dma_start3A_62, %dma_start3A_63, %dma_start3A_69] : memref<2x5x128xi32, #tpu.memory_space<vmem>> -> memref<1x1x128xi32, #tpu.memory_space<vmem>>
    %dma_start3A_71 = tpu.memref_squeeze %dma_start3A_70 : memref<1x1x128xi32, #tpu.memory_space<vmem>> -> memref<128xi32, #tpu.memory_space<vmem>>
    %dma_start3A_72 = arith.constant 0 : i32
    %dma_start3A_73 = arith.constant 0 : i32
    %dma_start3A_74 = tpu.memref_slice %arg2[%dma_start3A_72, %dma_start3A_73] : memref<1000000x64xf32, #tpu.memory_space<hbm>> -> memref<1000000x64xf32, #tpu.memory_space<hbm>>
    tpu.enqueue_indirect_dma source(%dma_start3A_74 : memref<1000000x64xf32, #tpu.memory_space<hbm>>) target(%dma_start3A_68 : memref<128x64xf32, #tpu.memory_space<vmem>>) offsets(%dma_start3A_71 : memref<128xi32, #tpu.memory_space<vmem>>) semaphore(%arg7 : memref<!tpu.dma_semaphore, #tpu.memory_space<semaphore_mem>>)
    %add3A_75 = arith.constant 5 : i32
    %add3A_76 = arith.addi %add3A_4, %add3A_75 : i32
    %run_scoped3A_77 = arith.constant 1 : i32
    "tpu.region"() ({
      %run_scoped3A_147 = tpu.sem_alloc : memref<!tpu.dma_semaphore, #tpu.memory_space<semaphore_mem>>
      %dma_start3A_148 = arith.constant 0 : i32
      %dma_start3A_149 = arith.constant 0 : i32
      %dma_start3A_150 = tpu.memref_slice %arg5[%run_scoped3A_77, %dma_start3A_148, %dma_start3A_149] : memref<2x5x128xi32, #tpu.memory_space<vmem>> -> memref<1x5x128xi32, #tpu.memory_space<vmem>>
      %dma_start3A_151 = tpu.memref_squeeze %dma_start3A_150 : memref<1x5x128xi32, #tpu.memory_space<vmem>> -> memref<5x128xi32, #tpu.memory_space<vmem>>
      %dma_start3A_152 = arith.constant 0 : i32
      %dma_start3A_153 = tpu.memref_slice %arg3[%add3A_76, %dma_start3A_152] : memref<6400x128xi32, #tpu.memory_space<hbm>> -> memref<5x128xi32, #tpu.memory_space<hbm>>
      %dma_start3A_154 = arith.constant 0 : i32
      %dma_start3A_155 = arith.constant 0 : i32
      %dma_start3A_156 = tpu.memref_slice %arg5[%run_scoped3A_77, %dma_start3A_154, %dma_start3A_155] : memref<2x5x128xi32, #tpu.memory_space<vmem>> -> memref<1x5x128xi32, #tpu.memory_space<vmem>>
      %dma_start3A_157 = tpu.memref_squeeze %dma_start3A_156 : memref<1x5x128xi32, #tpu.memory_space<vmem>> -> memref<5x128xi32, #tpu.memory_space<vmem>>
      %dma_start3A_158 = arith.constant 0 : i32
      %dma_start3A_159 = tpu.memref_slice %arg3[%add3A_76, %dma_start3A_158] : memref<6400x128xi32, #tpu.memory_space<hbm>> -> memref<5x128xi32, #tpu.memory_space<hbm>>
      tpu.enqueue_dma source(%dma_start3A_159 : memref<5x128xi32, #tpu.memory_space<hbm>>) target(%dma_start3A_157 : memref<5x128xi32, #tpu.memory_space<vmem>>) target_semaphore(%run_scoped3A_147 : memref<!tpu.dma_semaphore, #tpu.memory_space<semaphore_mem>>)
      %dma_wait3A = arith.constant 0 : i32
      %dma_wait3A_160 = arith.constant 0 : i32
      %dma_wait3A_161 = tpu.memref_slice %arg5[%run_scoped3A_77, %dma_wait3A, %dma_wait3A_160] : memref<2x5x128xi32, #tpu.memory_space<vmem>> -> memref<1x5x128xi32, #tpu.memory_space<vmem>>
      %dma_wait3A_162 = tpu.memref_squeeze %dma_wait3A_161 : memref<1x5x128xi32, #tpu.memory_space<vmem>> -> memref<5x128xi32, #tpu.memory_space<vmem>>
      %dma_wait3A_163 = arith.constant 0 : i32
      %dma_wait3A_164 = tpu.memref_slice %arg3[%add3A_76, %dma_wait3A_163] : memref<6400x128xi32, #tpu.memory_space<hbm>> -> memref<5x128xi32, #tpu.memory_space<hbm>>
      %dma_wait3A_165 = arith.constant 0 : i32
      %dma_wait3A_166 = arith.constant 0 : i32
      %dma_wait3A_167 = tpu.memref_slice %arg5[%run_scoped3A_77, %dma_wait3A_165, %dma_wait3A_166] : memref<2x5x128xi32, #tpu.memory_space<vmem>> -> memref<1x5x128xi32, #tpu.memory_space<vmem>>
      %dma_wait3A_168 = tpu.memref_squeeze %dma_wait3A_167 : memref<1x5x128xi32, #tpu.memory_space<vmem>> -> memref<5x128xi32, #tpu.memory_space<vmem>>
      %dma_wait3A_169 = arith.constant 0 : i32
      %dma_wait3A_170 = tpu.memref_slice %arg3[%add3A_76, %dma_wait3A_169] : memref<6400x128xi32, #tpu.memory_space<hbm>> -> memref<5x128xi32, #tpu.memory_space<hbm>>
      tpu.wait_dma2 semaphore(%run_scoped3A_147 : memref<!tpu.dma_semaphore, #tpu.memory_space<semaphore_mem>>) src(%dma_wait3A_170 : memref<5x128xi32, #tpu.memory_space<hbm>>) dst(%dma_wait3A_168 : memref<5x128xi32, #tpu.memory_space<vmem>>)
      tpu.yield
    }) : () -> ()
    %dma_start3A_78 = arith.constant 1 : i32
    %dma_start3A_79 = arith.constant 0 : i32
    %dma_start3A_80 = arith.constant 1 : i32
    %dma_start3A_81 = arith.constant 0 : i32
    %dma_start3A_82 = arith.constant 0 : i32
    %dma_start3A_83 = tpu.memref_slice %arg6[%dma_start3A_80, %dma_start3A_81, %dma_start3A_82] : memref<2x640x64xf32, #tpu.memory_space<vmem>> -> memref<1x128x64xf32, #tpu.memory_space<vmem>>
    %dma_start3A_84 = tpu.memref_squeeze %dma_start3A_83 : memref<1x128x64xf32, #tpu.memory_space<vmem>> -> memref<128x64xf32, #tpu.memory_space<vmem>>
    %dma_start3A_85 = arith.constant 0 : i32
    %dma_start3A_86 = tpu.memref_slice %arg5[%dma_start3A_78, %dma_start3A_79, %dma_start3A_85] : memref<2x5x128xi32, #tpu.memory_space<vmem>> -> memref<1x1x128xi32, #tpu.memory_space<vmem>>
    %dma_start3A_87 = tpu.memref_squeeze %dma_start3A_86 : memref<1x1x128xi32, #tpu.memory_space<vmem>> -> memref<128xi32, #tpu.memory_space<vmem>>
    %dma_start3A_88 = arith.constant 0 : i32
    %dma_start3A_89 = arith.constant 0 : i32
    %dma_start3A_90 = tpu.memref_slice %arg2[%dma_start3A_88, %dma_start3A_89] : memref<1000000x64xf32, #tpu.memory_space<hbm>> -> memref<1000000x64xf32, #tpu.memory_space<hbm>>
    tpu.enqueue_indirect_dma source(%dma_start3A_90 : memref<1000000x64xf32, #tpu.memory_space<hbm>>) target(%dma_start3A_84 : memref<128x64xf32, #tpu.memory_space<vmem>>) offsets(%dma_start3A_87 : memref<128xi32, #tpu.memory_space<vmem>>) semaphore(%arg8 : memref<!tpu.dma_semaphore, #tpu.memory_space<semaphore_mem>>)
    %dma_start3A_91 = arith.constant 1 : i32
    %dma_start3A_92 = arith.constant 1 : i32
    %dma_start3A_93 = arith.constant 1 : i32
    %dma_start3A_94 = arith.constant 128 : i32
    %dma_start3A_95 = arith.constant 0 : i32
    %dma_start3A_96 = tpu.memref_slice %arg6[%dma_start3A_93, %dma_start3A_94, %dma_start3A_95] : memref<2x640x64xf32, #tpu.memory_space<vmem>> -> memref<1x128x64xf32, #tpu.memory_space<vmem>>
    %dma_start3A_97 = tpu.memref_squeeze %dma_start3A_96 : memref<1x128x64xf32, #tpu.memory_space<vmem>> -> memref<128x64xf32, #tpu.memory_space<vmem>>
    %dma_start3A_98 = arith.constant 0 : i32
    %dma_start3A_99 = tpu.memref_slice %arg5[%dma_start3A_91, %dma_start3A_92, %dma_start3A_98] : memref<2x5x128xi32, #tpu.memory_space<vmem>> -> memref<1x1x128xi32, #tpu.memory_space<vmem>>
    %dma_start3A_100 = tpu.memref_squeeze %dma_start3A_99 : memref<1x1x128xi32, #tpu.memory_space<vmem>> -> memref<128xi32, #tpu.memory_space<vmem>>
    %dma_start3A_101 = arith.constant 0 : i32
    %dma_start3A_102 = arith.constant 0 : i32
    %dma_start3A_103 = tpu.memref_slice %arg2[%dma_start3A_101, %dma_start3A_102] : memref<1000000x64xf32, #tpu.memory_space<hbm>> -> memref<1000000x64xf32, #tpu.memory_space<hbm>>
    tpu.enqueue_indirect_dma source(%dma_start3A_103 : memref<1000000x64xf32, #tpu.memory_space<hbm>>) target(%dma_start3A_97 : memref<128x64xf32, #tpu.memory_space<vmem>>) offsets(%dma_start3A_100 : memref<128xi32, #tpu.memory_space<vmem>>) semaphore(%arg8 : memref<!tpu.dma_semaphore, #tpu.memory_space<semaphore_mem>>)
    %dma_start3A_104 = arith.constant 1 : i32
    %dma_start3A_105 = arith.constant 2 : i32
    %dma_start3A_106 = arith.constant 1 : i32
    %dma_start3A_107 = arith.constant 256 : i32
    %dma_start3A_108 = arith.constant 0 : i32
    %dma_start3A_109 = tpu.memref_slice %arg6[%dma_start3A_106, %dma_start3A_107, %dma_start3A_108] : memref<2x640x64xf32, #tpu.memory_space<vmem>> -> memref<1x128x64xf32, #tpu.memory_space<vmem>>
    %dma_start3A_110 = tpu.memref_squeeze %dma_start3A_109 : memref<1x128x64xf32, #tpu.memory_space<vmem>> -> memref<128x64xf32, #tpu.memory_space<vmem>>
    %dma_start3A_111 = arith.constant 0 : i32
    %dma_start3A_112 = tpu.memref_slice %arg5[%dma_start3A_104, %dma_start3A_105, %dma_start3A_111] : memref<2x5x128xi32, #tpu.memory_space<vmem>> -> memref<1x1x128xi32, #tpu.memory_space<vmem>>
    %dma_start3A_113 = tpu.memref_squeeze %dma_start3A_112 : memref<1x1x128xi32, #tpu.memory_space<vmem>> -> memref<128xi32, #tpu.memory_space<vmem>>
    %dma_start3A_114 = arith.constant 0 : i32
    %dma_start3A_115 = arith.constant 0 : i32
    %dma_start3A_116 = tpu.memref_slice %arg2[%dma_start3A_114, %dma_start3A_115] : memref<1000000x64xf32, #tpu.memory_space<hbm>> -> memref<1000000x64xf32, #tpu.memory_space<hbm>>
    tpu.enqueue_indirect_dma source(%dma_start3A_116 : memref<1000000x64xf32, #tpu.memory_space<hbm>>) target(%dma_start3A_110 : memref<128x64xf32, #tpu.memory_space<vmem>>) offsets(%dma_start3A_113 : memref<128xi32, #tpu.memory_space<vmem>>) semaphore(%arg8 : memref<!tpu.dma_semaphore, #tpu.memory_space<semaphore_mem>>)
    %dma_start3A_117 = arith.constant 1 : i32
    %dma_start3A_118 = arith.constant 3 : i32
    %dma_start3A_119 = arith.constant 1 : i32
    %dma_start3A_120 = arith.constant 384 : i32
    %dma_start3A_121 = arith.constant 0 : i32
    %dma_start3A_122 = tpu.memref_slice %arg6[%dma_start3A_119, %dma_start3A_120, %dma_start3A_121] : memref<2x640x64xf32, #tpu.memory_space<vmem>> -> memref<1x128x64xf32, #tpu.memory_space<vmem>>
    %dma_start3A_123 = tpu.memref_squeeze %dma_start3A_122 : memref<1x128x64xf32, #tpu.memory_space<vmem>> -> memref<128x64xf32, #tpu.memory_space<vmem>>
    %dma_start3A_124 = arith.constant 0 : i32
    %dma_start3A_125 = tpu.memref_slice %arg5[%dma_start3A_117, %dma_start3A_118, %dma_start3A_124] : memref<2x5x128xi32, #tpu.memory_space<vmem>> -> memref<1x1x128xi32, #tpu.memory_space<vmem>>
    %dma_start3A_126 = tpu.memref_squeeze %dma_start3A_125 : memref<1x1x128xi32, #tpu.memory_space<vmem>> -> memref<128xi32, #tpu.memory_space<vmem>>
    %dma_start3A_127 = arith.constant 0 : i32
    %dma_start3A_128 = arith.constant 0 : i32
    %dma_start3A_129 = tpu.memref_slice %arg2[%dma_start3A_127, %dma_start3A_128] : memref<1000000x64xf32, #tpu.memory_space<hbm>> -> memref<1000000x64xf32, #tpu.memory_space<hbm>>
    tpu.enqueue_indirect_dma source(%dma_start3A_129 : memref<1000000x64xf32, #tpu.memory_space<hbm>>) target(%dma_start3A_123 : memref<128x64xf32, #tpu.memory_space<vmem>>) offsets(%dma_start3A_126 : memref<128xi32, #tpu.memory_space<vmem>>) semaphore(%arg8 : memref<!tpu.dma_semaphore, #tpu.memory_space<semaphore_mem>>)
    %dma_start3A_130 = arith.constant 1 : i32
    %dma_start3A_131 = arith.constant 4 : i32
    %dma_start3A_132 = arith.constant 1 : i32
    %dma_start3A_133 = arith.constant 512 : i32
    %dma_start3A_134 = arith.constant 0 : i32
    %dma_start3A_135 = tpu.memref_slice %arg6[%dma_start3A_132, %dma_start3A_133, %dma_start3A_134] : memref<2x640x64xf32, #tpu.memory_space<vmem>> -> memref<1x128x64xf32, #tpu.memory_space<vmem>>
    %dma_start3A_136 = tpu.memref_squeeze %dma_start3A_135 : memref<1x128x64xf32, #tpu.memory_space<vmem>> -> memref<128x64xf32, #tpu.memory_space<vmem>>
    %dma_start3A_137 = arith.constant 0 : i32
    %dma_start3A_138 = tpu.memref_slice %arg5[%dma_start3A_130, %dma_start3A_131, %dma_start3A_137] : memref<2x5x128xi32, #tpu.memory_space<vmem>> -> memref<1x1x128xi32, #tpu.memory_space<vmem>>
    %dma_start3A_139 = tpu.memref_squeeze %dma_start3A_138 : memref<1x1x128xi32, #tpu.memory_space<vmem>> -> memref<128xi32, #tpu.memory_space<vmem>>
    %dma_start3A_140 = arith.constant 0 : i32
    %dma_start3A_141 = arith.constant 0 : i32
    %dma_start3A_142 = tpu.memref_slice %arg2[%dma_start3A_140, %dma_start3A_141] : memref<1000000x64xf32, #tpu.memory_space<hbm>> -> memref<1000000x64xf32, #tpu.memory_space<hbm>>
    tpu.enqueue_indirect_dma source(%dma_start3A_142 : memref<1000000x64xf32, #tpu.memory_space<hbm>>) target(%dma_start3A_136 : memref<128x64xf32, #tpu.memory_space<vmem>>) offsets(%dma_start3A_139 : memref<128xi32, #tpu.memory_space<vmem>>) semaphore(%arg8 : memref<!tpu.dma_semaphore, #tpu.memory_space<semaphore_mem>>)
    %scan3A = arith.constant 0 : i32
    %scan3A_143 = arith.constant 5 : i32
    %scan3A_144 = arith.addi %scan3A, %scan3A_143 : i32
    %scan3A_145 = arith.constant 1 : i32
    scf.for %scan3A_147 = %scan3A to %scan3A_144 step %scan3A_145  : i32 {
      %mul3A_148 = arith.constant 2 : i32
      %mul3A_149 = arith.muli %scan3A_147, %mul3A_148 : i32
      %add3A_150 = arith.constant 0 : i32
      %add3A_151 = arith.addi %add3A_150, %mul3A_149 : i32
      %add3A_152 = arith.constant 0 : i32
      %add3A_153 = arith.addi %add3A_151, %add3A_152 : i32
      %dma_wait3A = arith.constant 0 : i32
      %dma_wait3A_154 = arith.constant 0 : i32
      %dma_wait3A_155 = arith.constant 0 : i32
      %dma_wait3A_156 = tpu.memref_slice %arg6[%dma_wait3A, %dma_wait3A_154, %dma_wait3A_155] : memref<2x640x64xf32, #tpu.memory_space<vmem>> -> memref<1x640x64xf32, #tpu.memory_space<vmem>>
      %dma_wait3A_157 = tpu.memref_squeeze %dma_wait3A_156 : memref<1x640x64xf32, #tpu.memory_space<vmem>> -> memref<640x64xf32, #tpu.memory_space<vmem>>
      %dma_wait3A_158 = arith.constant 0 : i32
      %dma_wait3A_159 = arith.constant 0 : i32
      %dma_wait3A_160 = tpu.memref_slice %arg4[%dma_wait3A_158, %dma_wait3A_159] : memref<204800x64xf32, #tpu.memory_space<hbm>> -> memref<640x64xf32, #tpu.memory_space<hbm>>
      %dma_wait3A_161 = arith.constant 0 : i32
      %dma_wait3A_162 = arith.constant 0 : i32
      %dma_wait3A_163 = tpu.memref_slice %arg6[%dma_wait3A, %dma_wait3A_161, %dma_wait3A_162] : memref<2x640x64xf32, #tpu.memory_space<vmem>> -> memref<1x640x64xf32, #tpu.memory_space<vmem>>
      %dma_wait3A_164 = tpu.memref_squeeze %dma_wait3A_163 : memref<1x640x64xf32, #tpu.memory_space<vmem>> -> memref<640x64xf32, #tpu.memory_space<vmem>>
      %dma_wait3A_165 = arith.constant 0 : i32
      %dma_wait3A_166 = arith.constant 0 : i32
      %dma_wait3A_167 = tpu.memref_slice %arg4[%dma_wait3A_165, %dma_wait3A_166] : memref<204800x64xf32, #tpu.memory_space<hbm>> -> memref<640x64xf32, #tpu.memory_space<hbm>>
      tpu.wait_dma2 semaphore(%arg7 : memref<!tpu.dma_semaphore, #tpu.memory_space<semaphore_mem>>) src(%dma_wait3A_167 : memref<640x64xf32, #tpu.memory_space<hbm>>) dst(%dma_wait3A_164 : memref<640x64xf32, #tpu.memory_space<vmem>>)
      %mul3A_168 = arith.constant 5 : i32
      %mul3A_169 = arith.muli %add3A_153, %mul3A_168 : i32
      %mul3A_170 = arith.constant 128 : i32
      %mul3A_171 = arith.muli %mul3A_169, %mul3A_170 : i32
      %add3A_172 = arith.addi %mul3A_8, %mul3A_171 : i32
      %run_scoped3A_173 = arith.constant 0 : i32
      "tpu.region"() ({
        %run_scoped3A_208 = tpu.sem_alloc : memref<!tpu.dma_semaphore, #tpu.memory_space<semaphore_mem>>
        %dma_start3A_209 = arith.constant 0 : i32
        %dma_start3A_210 = arith.constant 0 : i32
        %dma_start3A_211 = tpu.memref_slice %arg6[%run_scoped3A_173, %dma_start3A_209, %dma_start3A_210] : memref<2x640x64xf32, #tpu.memory_space<vmem>> -> memref<1x640x64xf32, #tpu.memory_space<vmem>>
        %dma_start3A_212 = tpu.memref_squeeze %dma_start3A_211 : memref<1x640x64xf32, #tpu.memory_space<vmem>> -> memref<640x64xf32, #tpu.memory_space<vmem>>
        %dma_start3A_213 = arith.constant 0 : i32
        %dma_start3A_214 = tpu.memref_slice %arg4[%add3A_172, %dma_start3A_213] : memref<204800x64xf32, #tpu.memory_space<hbm>> -> memref<640x64xf32, #tpu.memory_space<hbm>>
        %dma_start3A_215 = arith.constant 0 : i32
        %dma_start3A_216 = tpu.memref_slice %arg4[%add3A_172, %dma_start3A_215] : memref<204800x64xf32, #tpu.memory_space<hbm>> -> memref<640x64xf32, #tpu.memory_space<hbm>>
        %dma_start3A_217 = arith.constant 0 : i32
        %dma_start3A_218 = arith.constant 0 : i32
        %dma_start3A_219 = tpu.memref_slice %arg6[%run_scoped3A_173, %dma_start3A_217, %dma_start3A_218] : memref<2x640x64xf32, #tpu.memory_space<vmem>> -> memref<1x640x64xf32, #tpu.memory_space<vmem>>
        %dma_start3A_220 = tpu.memref_squeeze %dma_start3A_219 : memref<1x640x64xf32, #tpu.memory_space<vmem>> -> memref<640x64xf32, #tpu.memory_space<vmem>>
        tpu.enqueue_dma source(%dma_start3A_220 : memref<640x64xf32, #tpu.memory_space<vmem>>) target(%dma_start3A_216 : memref<640x64xf32, #tpu.memory_space<hbm>>) target_semaphore(%run_scoped3A_208 : memref<!tpu.dma_semaphore, #tpu.memory_space<semaphore_mem>>)
        %dma_wait3A_221 = arith.constant 0 : i32
        %dma_wait3A_222 = arith.constant 0 : i32
        %dma_wait3A_223 = tpu.memref_slice %arg6[%run_scoped3A_173, %dma_wait3A_221, %dma_wait3A_222] : memref<2x640x64xf32, #tpu.memory_space<vmem>> -> memref<1x640x64xf32, #tpu.memory_space<vmem>>
        %dma_wait3A_224 = tpu.memref_squeeze %dma_wait3A_223 : memref<1x640x64xf32, #tpu.memory_space<vmem>> -> memref<640x64xf32, #tpu.memory_space<vmem>>
        %dma_wait3A_225 = arith.constant 0 : i32
        %dma_wait3A_226 = tpu.memref_slice %arg4[%add3A_172, %dma_wait3A_225] : memref<204800x64xf32, #tpu.memory_space<hbm>> -> memref<640x64xf32, #tpu.memory_space<hbm>>
        %dma_wait3A_227 = arith.constant 0 : i32
        %dma_wait3A_228 = tpu.memref_slice %arg4[%add3A_172, %dma_wait3A_227] : memref<204800x64xf32, #tpu.memory_space<hbm>> -> memref<640x64xf32, #tpu.memory_space<hbm>>
        %dma_wait3A_229 = arith.constant 0 : i32
        %dma_wait3A_230 = arith.constant 0 : i32
        %dma_wait3A_231 = tpu.memref_slice %arg6[%run_scoped3A_173, %dma_wait3A_229, %dma_wait3A_230] : memref<2x640x64xf32, #tpu.memory_space<vmem>> -> memref<1x640x64xf32, #tpu.memory_space<vmem>>
        %dma_wait3A_232 = tpu.memref_squeeze %dma_wait3A_231 : memref<1x640x64xf32, #tpu.memory_space<vmem>> -> memref<640x64xf32, #tpu.memory_space<vmem>>
        tpu.wait_dma2 semaphore(%run_scoped3A_208 : memref<!tpu.dma_semaphore, #tpu.memory_space<semaphore_mem>>) src(%dma_wait3A_232 : memref<640x64xf32, #tpu.memory_space<vmem>>) dst(%dma_wait3A_228 : memref<640x64xf32, #tpu.memory_space<hbm>>)
        tpu.yield
      }) : () -> ()
      %add3A_174 = arith.constant 2 : i32
      %add3A_175 = arith.addi %add3A_153, %add3A_174 : i32
      %lt3A = arith.constant 10 : i32
      %lt3A_176 = arith.cmpi slt, %add3A_175, %lt3A : i32
      %convert_element_type3A = arith.extui %lt3A_176 : i1 to i32
      %cond3A = arith.constant 0 : i32
      %cond3A_177 = arith.cmpi ne, %convert_element_type3A, %cond3A : i32
      scf.if %cond3A_177 {
        %add3A_208 = arith.constant 2 : i32
        %add3A_209 = arith.addi %add3A_153, %add3A_208 : i32
        %mul3A_210 = arith.constant 5 : i32
        %mul3A_211 = arith.muli %add3A_209, %mul3A_210 : i32
        %add3A_212 = arith.addi %add3A_4, %mul3A_211 : i32
        %run_scoped3A_213 = arith.constant 0 : i32
        "tpu.region"() ({
          %run_scoped3A_279 = tpu.sem_alloc : memref<!tpu.dma_semaphore, #tpu.memory_space<semaphore_mem>>
          %dma_start3A_280 = arith.constant 0 : i32
          %dma_start3A_281 = arith.constant 0 : i32
          %dma_start3A_282 = tpu.memref_slice %arg5[%run_scoped3A_213, %dma_start3A_280, %dma_start3A_281] : memref<2x5x128xi32, #tpu.memory_space<vmem>> -> memref<1x5x128xi32, #tpu.memory_space<vmem>>
          %dma_start3A_283 = tpu.memref_squeeze %dma_start3A_282 : memref<1x5x128xi32, #tpu.memory_space<vmem>> -> memref<5x128xi32, #tpu.memory_space<vmem>>
          %dma_start3A_284 = arith.constant 0 : i32
          %dma_start3A_285 = tpu.memref_slice %arg3[%add3A_212, %dma_start3A_284] : memref<6400x128xi32, #tpu.memory_space<hbm>> -> memref<5x128xi32, #tpu.memory_space<hbm>>
          %dma_start3A_286 = arith.constant 0 : i32
          %dma_start3A_287 = arith.constant 0 : i32
          %dma_start3A_288 = tpu.memref_slice %arg5[%run_scoped3A_213, %dma_start3A_286, %dma_start3A_287] : memref<2x5x128xi32, #tpu.memory_space<vmem>> -> memref<1x5x128xi32, #tpu.memory_space<vmem>>
          %dma_start3A_289 = tpu.memref_squeeze %dma_start3A_288 : memref<1x5x128xi32, #tpu.memory_space<vmem>> -> memref<5x128xi32, #tpu.memory_space<vmem>>
          %dma_start3A_290 = arith.constant 0 : i32
          %dma_start3A_291 = tpu.memref_slice %arg3[%add3A_212, %dma_start3A_290] : memref<6400x128xi32, #tpu.memory_space<hbm>> -> memref<5x128xi32, #tpu.memory_space<hbm>>
          tpu.enqueue_dma source(%dma_start3A_291 : memref<5x128xi32, #tpu.memory_space<hbm>>) target(%dma_start3A_289 : memref<5x128xi32, #tpu.memory_space<vmem>>) target_semaphore(%run_scoped3A_279 : memref<!tpu.dma_semaphore, #tpu.memory_space<semaphore_mem>>)
          %dma_wait3A_292 = arith.constant 0 : i32
          %dma_wait3A_293 = arith.constant 0 : i32
          %dma_wait3A_294 = tpu.memref_slice %arg5[%run_scoped3A_213, %dma_wait3A_292, %dma_wait3A_293] : memref<2x5x128xi32, #tpu.memory_space<vmem>> -> memref<1x5x128xi32, #tpu.memory_space<vmem>>
          %dma_wait3A_295 = tpu.memref_squeeze %dma_wait3A_294 : memref<1x5x128xi32, #tpu.memory_space<vmem>> -> memref<5x128xi32, #tpu.memory_space<vmem>>
          %dma_wait3A_296 = arith.constant 0 : i32
          %dma_wait3A_297 = tpu.memref_slice %arg3[%add3A_212, %dma_wait3A_296] : memref<6400x128xi32, #tpu.memory_space<hbm>> -> memref<5x128xi32, #tpu.memory_space<hbm>>
          %dma_wait3A_298 = arith.constant 0 : i32
          %dma_wait3A_299 = arith.constant 0 : i32
          %dma_wait3A_300 = tpu.memref_slice %arg5[%run_scoped3A_213, %dma_wait3A_298, %dma_wait3A_299] : memref<2x5x128xi32, #tpu.memory_space<vmem>> -> memref<1x5x128xi32, #tpu.memory_space<vmem>>
          %dma_wait3A_301 = tpu.memref_squeeze %dma_wait3A_300 : memref<1x5x128xi32, #tpu.memory_space<vmem>> -> memref<5x128xi32, #tpu.memory_space<vmem>>
          %dma_wait3A_302 = arith.constant 0 : i32
          %dma_wait3A_303 = tpu.memref_slice %arg3[%add3A_212, %dma_wait3A_302] : memref<6400x128xi32, #tpu.memory_space<hbm>> -> memref<5x128xi32, #tpu.memory_space<hbm>>
          tpu.wait_dma2 semaphore(%run_scoped3A_279 : memref<!tpu.dma_semaphore, #tpu.memory_space<semaphore_mem>>) src(%dma_wait3A_303 : memref<5x128xi32, #tpu.memory_space<hbm>>) dst(%dma_wait3A_301 : memref<5x128xi32, #tpu.memory_space<vmem>>)
          tpu.yield
        }) : () -> ()
        %dma_start3A_214 = arith.constant 0 : i32
        %dma_start3A_215 = arith.constant 0 : i32
        %dma_start3A_216 = arith.constant 0 : i32
        %dma_start3A_217 = arith.constant 0 : i32
        %dma_start3A_218 = arith.constant 0 : i32
        %dma_start3A_219 = tpu.memref_slice %arg6[%dma_start3A_216, %dma_start3A_217, %dma_start3A_218] : memref<2x640x64xf32, #tpu.memory_space<vmem>> -> memref<1x128x64xf32, #tpu.memory_space<vmem>>
        %dma_start3A_220 = tpu.memref_squeeze %dma_start3A_219 : memref<1x128x64xf32, #tpu.memory_space<vmem>> -> memref<128x64xf32, #tpu.memory_space<vmem>>
        %dma_start3A_221 = arith.constant 0 : i32
        %dma_start3A_222 = tpu.memref_slice %arg5[%dma_start3A_214, %dma_start3A_215, %dma_start3A_221] : memref<2x5x128xi32, #tpu.memory_space<vmem>> -> memref<1x1x128xi32, #tpu.memory_space<vmem>>
        %dma_start3A_223 = tpu.memref_squeeze %dma_start3A_222 : memref<1x1x128xi32, #tpu.memory_space<vmem>> -> memref<128xi32, #tpu.memory_space<vmem>>
        %dma_start3A_224 = arith.constant 0 : i32
        %dma_start3A_225 = arith.constant 0 : i32
        %dma_start3A_226 = tpu.memref_slice %arg2[%dma_start3A_224, %dma_start3A_225] : memref<1000000x64xf32, #tpu.memory_space<hbm>> -> memref<1000000x64xf32, #tpu.memory_space<hbm>>
        tpu.enqueue_indirect_dma source(%dma_start3A_226 : memref<1000000x64xf32, #tpu.memory_space<hbm>>) target(%dma_start3A_220 : memref<128x64xf32, #tpu.memory_space<vmem>>) offsets(%dma_start3A_223 : memref<128xi32, #tpu.memory_space<vmem>>) semaphore(%arg7 : memref<!tpu.dma_semaphore, #tpu.memory_space<semaphore_mem>>)
        %dma_start3A_227 = arith.constant 0 : i32
        %dma_start3A_228 = arith.constant 1 : i32
        %dma_start3A_229 = arith.constant 0 : i32
        %dma_start3A_230 = arith.constant 128 : i32
        %dma_start3A_231 = arith.constant 0 : i32
        %dma_start3A_232 = tpu.memref_slice %arg6[%dma_start3A_229, %dma_start3A_230, %dma_start3A_231] : memref<2x640x64xf32, #tpu.memory_space<vmem>> -> memref<1x128x64xf32, #tpu.memory_space<vmem>>
        %dma_start3A_233 = tpu.memref_squeeze %dma_start3A_232 : memref<1x128x64xf32, #tpu.memory_space<vmem>> -> memref<128x64xf32, #tpu.memory_space<vmem>>
        %dma_start3A_234 = arith.constant 0 : i32
        %dma_start3A_235 = tpu.memref_slice %arg5[%dma_start3A_227, %dma_start3A_228, %dma_start3A_234] : memref<2x5x128xi32, #tpu.memory_space<vmem>> -> memref<1x1x128xi32, #tpu.memory_space<vmem>>
        %dma_start3A_236 = tpu.memref_squeeze %dma_start3A_235 : memref<1x1x128xi32, #tpu.memory_space<vmem>> -> memref<128xi32, #tpu.memory_space<vmem>>
        %dma_start3A_237 = arith.constant 0 : i32
        %dma_start3A_238 = arith.constant 0 : i32
        %dma_start3A_239 = tpu.memref_slice %arg2[%dma_start3A_237, %dma_start3A_238] : memref<1000000x64xf32, #tpu.memory_space<hbm>> -> memref<1000000x64xf32, #tpu.memory_space<hbm>>
        tpu.enqueue_indirect_dma source(%dma_start3A_239 : memref<1000000x64xf32, #tpu.memory_space<hbm>>) target(%dma_start3A_233 : memref<128x64xf32, #tpu.memory_space<vmem>>) offsets(%dma_start3A_236 : memref<128xi32, #tpu.memory_space<vmem>>) semaphore(%arg7 : memref<!tpu.dma_semaphore, #tpu.memory_space<semaphore_mem>>)
        %dma_start3A_240 = arith.constant 0 : i32
        %dma_start3A_241 = arith.constant 2 : i32
        %dma_start3A_242 = arith.constant 0 : i32
        %dma_start3A_243 = arith.constant 256 : i32
        %dma_start3A_244 = arith.constant 0 : i32
        %dma_start3A_245 = tpu.memref_slice %arg6[%dma_start3A_242, %dma_start3A_243, %dma_start3A_244] : memref<2x640x64xf32, #tpu.memory_space<vmem>> -> memref<1x128x64xf32, #tpu.memory_space<vmem>>
        %dma_start3A_246 = tpu.memref_squeeze %dma_start3A_245 : memref<1x128x64xf32, #tpu.memory_space<vmem>> -> memref<128x64xf32, #tpu.memory_space<vmem>>
        %dma_start3A_247 = arith.constant 0 : i32
        %dma_start3A_248 = tpu.memref_slice %arg5[%dma_start3A_240, %dma_start3A_241, %dma_start3A_247] : memref<2x5x128xi32, #tpu.memory_space<vmem>> -> memref<1x1x128xi32, #tpu.memory_space<vmem>>
        %dma_start3A_249 = tpu.memref_squeeze %dma_start3A_248 : memref<1x1x128xi32, #tpu.memory_space<vmem>> -> memref<128xi32, #tpu.memory_space<vmem>>
        %dma_start3A_250 = arith.constant 0 : i32
        %dma_start3A_251 = arith.constant 0 : i32
        %dma_start3A_252 = tpu.memref_slice %arg2[%dma_start3A_250, %dma_start3A_251] : memref<1000000x64xf32, #tpu.memory_space<hbm>> -> memref<1000000x64xf32, #tpu.memory_space<hbm>>
        tpu.enqueue_indirect_dma source(%dma_start3A_252 : memref<1000000x64xf32, #tpu.memory_space<hbm>>) target(%dma_start3A_246 : memref<128x64xf32, #tpu.memory_space<vmem>>) offsets(%dma_start3A_249 : memref<128xi32, #tpu.memory_space<vmem>>) semaphore(%arg7 : memref<!tpu.dma_semaphore, #tpu.memory_space<semaphore_mem>>)
        %dma_start3A_253 = arith.constant 0 : i32
        %dma_start3A_254 = arith.constant 3 : i32
        %dma_start3A_255 = arith.constant 0 : i32
        %dma_start3A_256 = arith.constant 384 : i32
        %dma_start3A_257 = arith.constant 0 : i32
        %dma_start3A_258 = tpu.memref_slice %arg6[%dma_start3A_255, %dma_start3A_256, %dma_start3A_257] : memref<2x640x64xf32, #tpu.memory_space<vmem>> -> memref<1x128x64xf32, #tpu.memory_space<vmem>>
        %dma_start3A_259 = tpu.memref_squeeze %dma_start3A_258 : memref<1x128x64xf32, #tpu.memory_space<vmem>> -> memref<128x64xf32, #tpu.memory_space<vmem>>
        %dma_start3A_260 = arith.constant 0 : i32
        %dma_start3A_261 = tpu.memref_slice %arg5[%dma_start3A_253, %dma_start3A_254, %dma_start3A_260] : memref<2x5x128xi32, #tpu.memory_space<vmem>> -> memref<1x1x128xi32, #tpu.memory_space<vmem>>
        %dma_start3A_262 = tpu.memref_squeeze %dma_start3A_261 : memref<1x1x128xi32, #tpu.memory_space<vmem>> -> memref<128xi32, #tpu.memory_space<vmem>>
        %dma_start3A_263 = arith.constant 0 : i32
        %dma_start3A_264 = arith.constant 0 : i32
        %dma_start3A_265 = tpu.memref_slice %arg2[%dma_start3A_263, %dma_start3A_264] : memref<1000000x64xf32, #tpu.memory_space<hbm>> -> memref<1000000x64xf32, #tpu.memory_space<hbm>>
        tpu.enqueue_indirect_dma source(%dma_start3A_265 : memref<1000000x64xf32, #tpu.memory_space<hbm>>) target(%dma_start3A_259 : memref<128x64xf32, #tpu.memory_space<vmem>>) offsets(%dma_start3A_262 : memref<128xi32, #tpu.memory_space<vmem>>) semaphore(%arg7 : memref<!tpu.dma_semaphore, #tpu.memory_space<semaphore_mem>>)
        %dma_start3A_266 = arith.constant 0 : i32
        %dma_start3A_267 = arith.constant 4 : i32
        %dma_start3A_268 = arith.constant 0 : i32
        %dma_start3A_269 = arith.constant 512 : i32
        %dma_start3A_270 = arith.constant 0 : i32
        %dma_start3A_271 = tpu.memref_slice %arg6[%dma_start3A_268, %dma_start3A_269, %dma_start3A_270] : memref<2x640x64xf32, #tpu.memory_space<vmem>> -> memref<1x128x64xf32, #tpu.memory_space<vmem>>
        %dma_start3A_272 = tpu.memref_squeeze %dma_start3A_271 : memref<1x128x64xf32, #tpu.memory_space<vmem>> -> memref<128x64xf32, #tpu.memory_space<vmem>>
        %dma_start3A_273 = arith.constant 0 : i32
        %dma_start3A_274 = tpu.memref_slice %arg5[%dma_start3A_266, %dma_start3A_267, %dma_start3A_273] : memref<2x5x128xi32, #tpu.memory_space<vmem>> -> memref<1x1x128xi32, #tpu.memory_space<vmem>>
        %dma_start3A_275 = tpu.memref_squeeze %dma_start3A_274 : memref<1x1x128xi32, #tpu.memory_space<vmem>> -> memref<128xi32, #tpu.memory_space<vmem>>
        %dma_start3A_276 = arith.constant 0 : i32
        %dma_start3A_277 = arith.constant 0 : i32
        %dma_start3A_278 = tpu.memref_slice %arg2[%dma_start3A_276, %dma_start3A_277] : memref<1000000x64xf32, #tpu.memory_space<hbm>> -> memref<1000000x64xf32, #tpu.memory_space<hbm>>
        tpu.enqueue_indirect_dma source(%dma_start3A_278 : memref<1000000x64xf32, #tpu.memory_space<hbm>>) target(%dma_start3A_272 : memref<128x64xf32, #tpu.memory_space<vmem>>) offsets(%dma_start3A_275 : memref<128xi32, #tpu.memory_space<vmem>>) semaphore(%arg7 : memref<!tpu.dma_semaphore, #tpu.memory_space<semaphore_mem>>)
      } else {
      }
      %add3A_178 = arith.constant 1 : i32
      %add3A_179 = arith.addi %add3A_151, %add3A_178 : i32
      %dma_wait3A_180 = arith.constant 1 : i32
      %dma_wait3A_181 = arith.constant 0 : i32
      %dma_wait3A_182 = arith.constant 0 : i32
      %dma_wait3A_183 = tpu.memref_slice %arg6[%dma_wait3A_180, %dma_wait3A_181, %dma_wait3A_182] : memref<2x640x64xf32, #tpu.memory_space<vmem>> -> memref<1x640x64xf32, #tpu.memory_space<vmem>>
      %dma_wait3A_184 = tpu.memref_squeeze %dma_wait3A_183 : memref<1x640x64xf32, #tpu.memory_space<vmem>> -> memref<640x64xf32, #tpu.memory_space<vmem>>
      %dma_wait3A_185 = arith.constant 0 : i32
      %dma_wait3A_186 = arith.constant 0 : i32
      %dma_wait3A_187 = tpu.memref_slice %arg4[%dma_wait3A_185, %dma_wait3A_186] : memref<204800x64xf32, #tpu.memory_space<hbm>> -> memref<640x64xf32, #tpu.memory_space<hbm>>
      %dma_wait3A_188 = arith.constant 0 : i32
      %dma_wait3A_189 = arith.constant 0 : i32
      %dma_wait3A_190 = tpu.memref_slice %arg6[%dma_wait3A_180, %dma_wait3A_188, %dma_wait3A_189] : memref<2x640x64xf32, #tpu.memory_space<vmem>> -> memref<1x640x64xf32, #tpu.memory_space<vmem>>
      %dma_wait3A_191 = tpu.memref_squeeze %dma_wait3A_190 : memref<1x640x64xf32, #tpu.memory_space<vmem>> -> memref<640x64xf32, #tpu.memory_space<vmem>>
      %dma_wait3A_192 = arith.constant 0 : i32
      %dma_wait3A_193 = arith.constant 0 : i32
      %dma_wait3A_194 = tpu.memref_slice %arg4[%dma_wait3A_192, %dma_wait3A_193] : memref<204800x64xf32, #tpu.memory_space<hbm>> -> memref<640x64xf32, #tpu.memory_space<hbm>>
      tpu.wait_dma2 semaphore(%arg8 : memref<!tpu.dma_semaphore, #tpu.memory_space<semaphore_mem>>) src(%dma_wait3A_194 : memref<640x64xf32, #tpu.memory_space<hbm>>) dst(%dma_wait3A_191 : memref<640x64xf32, #tpu.memory_space<vmem>>)
      %mul3A_195 = arith.constant 5 : i32
      %mul3A_196 = arith.muli %add3A_179, %mul3A_195 : i32
      %mul3A_197 = arith.constant 128 : i32
      %mul3A_198 = arith.muli %mul3A_196, %mul3A_197 : i32
      %add3A_199 = arith.addi %mul3A_8, %mul3A_198 : i32
      %run_scoped3A_200 = arith.constant 1 : i32
      "tpu.region"() ({
        %run_scoped3A_208 = tpu.sem_alloc : memref<!tpu.dma_semaphore, #tpu.memory_space<semaphore_mem>>
        %dma_start3A_209 = arith.constant 0 : i32
        %dma_start3A_210 = arith.constant 0 : i32
        %dma_start3A_211 = tpu.memref_slice %arg6[%run_scoped3A_200, %dma_start3A_209, %dma_start3A_210] : memref<2x640x64xf32, #tpu.memory_space<vmem>> -> memref<1x640x64xf32, #tpu.memory_space<vmem>>
        %dma_start3A_212 = tpu.memref_squeeze %dma_start3A_211 : memref<1x640x64xf32, #tpu.memory_space<vmem>> -> memref<640x64xf32, #tpu.memory_space<vmem>>
        %dma_start3A_213 = arith.constant 0 : i32
        %dma_start3A_214 = tpu.memref_slice %arg4[%add3A_199, %dma_start3A_213] : memref<204800x64xf32, #tpu.memory_space<hbm>> -> memref<640x64xf32, #tpu.memory_space<hbm>>
        %dma_start3A_215 = arith.constant 0 : i32
        %dma_start3A_216 = tpu.memref_slice %arg4[%add3A_199, %dma_start3A_215] : memref<204800x64xf32, #tpu.memory_space<hbm>> -> memref<640x64xf32, #tpu.memory_space<hbm>>
        %dma_start3A_217 = arith.constant 0 : i32
        %dma_start3A_218 = arith.constant 0 : i32
        %dma_start3A_219 = tpu.memref_slice %arg6[%run_scoped3A_200, %dma_start3A_217, %dma_start3A_218] : memref<2x640x64xf32, #tpu.memory_space<vmem>> -> memref<1x640x64xf32, #tpu.memory_space<vmem>>
        %dma_start3A_220 = tpu.memref_squeeze %dma_start3A_219 : memref<1x640x64xf32, #tpu.memory_space<vmem>> -> memref<640x64xf32, #tpu.memory_space<vmem>>
        tpu.enqueue_dma source(%dma_start3A_220 : memref<640x64xf32, #tpu.memory_space<vmem>>) target(%dma_start3A_216 : memref<640x64xf32, #tpu.memory_space<hbm>>) target_semaphore(%run_scoped3A_208 : memref<!tpu.dma_semaphore, #tpu.memory_space<semaphore_mem>>)
        %dma_wait3A_221 = arith.constant 0 : i32
        %dma_wait3A_222 = arith.constant 0 : i32
        %dma_wait3A_223 = tpu.memref_slice %arg6[%run_scoped3A_200, %dma_wait3A_221, %dma_wait3A_222] : memref<2x640x64xf32, #tpu.memory_space<vmem>> -> memref<1x640x64xf32, #tpu.memory_space<vmem>>
        %dma_wait3A_224 = tpu.memref_squeeze %dma_wait3A_223 : memref<1x640x64xf32, #tpu.memory_space<vmem>> -> memref<640x64xf32, #tpu.memory_space<vmem>>
        %dma_wait3A_225 = arith.constant 0 : i32
        %dma_wait3A_226 = tpu.memref_slice %arg4[%add3A_199, %dma_wait3A_225] : memref<204800x64xf32, #tpu.memory_space<hbm>> -> memref<640x64xf32, #tpu.memory_space<hbm>>
        %dma_wait3A_227 = arith.constant 0 : i32
        %dma_wait3A_228 = tpu.memref_slice %arg4[%add3A_199, %dma_wait3A_227] : memref<204800x64xf32, #tpu.memory_space<hbm>> -> memref<640x64xf32, #tpu.memory_space<hbm>>
        %dma_wait3A_229 = arith.constant 0 : i32
        %dma_wait3A_230 = arith.constant 0 : i32
        %dma_wait3A_231 = tpu.memref_slice %arg6[%run_scoped3A_200, %dma_wait3A_229, %dma_wait3A_230] : memref<2x640x64xf32, #tpu.memory_space<vmem>> -> memref<1x640x64xf32, #tpu.memory_space<vmem>>
        %dma_wait3A_232 = tpu.memref_squeeze %dma_wait3A_231 : memref<1x640x64xf32, #tpu.memory_space<vmem>> -> memref<640x64xf32, #tpu.memory_space<vmem>>
        tpu.wait_dma2 semaphore(%run_scoped3A_208 : memref<!tpu.dma_semaphore, #tpu.memory_space<semaphore_mem>>) src(%dma_wait3A_232 : memref<640x64xf32, #tpu.memory_space<vmem>>) dst(%dma_wait3A_228 : memref<640x64xf32, #tpu.memory_space<hbm>>)
        tpu.yield
      }) : () -> ()
      %add3A_201 = arith.constant 2 : i32
      %add3A_202 = arith.addi %add3A_179, %add3A_201 : i32
      %lt3A_203 = arith.constant 10 : i32
      %lt3A_204 = arith.cmpi slt, %add3A_202, %lt3A_203 : i32
      %convert_element_type3A_205 = arith.extui %lt3A_204 : i1 to i32
      %cond3A_206 = arith.constant 0 : i32
      %cond3A_207 = arith.cmpi ne, %convert_element_type3A_205, %cond3A_206 : i32
      scf.if %cond3A_207 {
        %add3A_208 = arith.constant 2 : i32
        %add3A_209 = arith.addi %add3A_179, %add3A_208 : i32
        %mul3A_210 = arith.constant 5 : i32
        %mul3A_211 = arith.muli %add3A_209, %mul3A_210 : i32
        %add3A_212 = arith.addi %add3A_4, %mul3A_211 : i32
        %run_scoped3A_213 = arith.constant 1 : i32
        "tpu.region"() ({
          %run_scoped3A_279 = tpu.sem_alloc : memref<!tpu.dma_semaphore, #tpu.memory_space<semaphore_mem>>
          %dma_start3A_280 = arith.constant 0 : i32
          %dma_start3A_281 = arith.constant 0 : i32
          %dma_start3A_282 = tpu.memref_slice %arg5[%run_scoped3A_213, %dma_start3A_280, %dma_start3A_281] : memref<2x5x128xi32, #tpu.memory_space<vmem>> -> memref<1x5x128xi32, #tpu.memory_space<vmem>>
          %dma_start3A_283 = tpu.memref_squeeze %dma_start3A_282 : memref<1x5x128xi32, #tpu.memory_space<vmem>> -> memref<5x128xi32, #tpu.memory_space<vmem>>
          %dma_start3A_284 = arith.constant 0 : i32
          %dma_start3A_285 = tpu.memref_slice %arg3[%add3A_212, %dma_start3A_284] : memref<6400x128xi32, #tpu.memory_space<hbm>> -> memref<5x128xi32, #tpu.memory_space<hbm>>
          %dma_start3A_286 = arith.constant 0 : i32
          %dma_start3A_287 = arith.constant 0 : i32
          %dma_start3A_288 = tpu.memref_slice %arg5[%run_scoped3A_213, %dma_start3A_286, %dma_start3A_287] : memref<2x5x128xi32, #tpu.memory_space<vmem>> -> memref<1x5x128xi32, #tpu.memory_space<vmem>>
          %dma_start3A_289 = tpu.memref_squeeze %dma_start3A_288 : memref<1x5x128xi32, #tpu.memory_space<vmem>> -> memref<5x128xi32, #tpu.memory_space<vmem>>
          %dma_start3A_290 = arith.constant 0 : i32
          %dma_start3A_291 = tpu.memref_slice %arg3[%add3A_212, %dma_start3A_290] : memref<6400x128xi32, #tpu.memory_space<hbm>> -> memref<5x128xi32, #tpu.memory_space<hbm>>
          tpu.enqueue_dma source(%dma_start3A_291 : memref<5x128xi32, #tpu.memory_space<hbm>>) target(%dma_start3A_289 : memref<5x128xi32, #tpu.memory_space<vmem>>) target_semaphore(%run_scoped3A_279 : memref<!tpu.dma_semaphore, #tpu.memory_space<semaphore_mem>>)
          %dma_wait3A_292 = arith.constant 0 : i32
          %dma_wait3A_293 = arith.constant 0 : i32
          %dma_wait3A_294 = tpu.memref_slice %arg5[%run_scoped3A_213, %dma_wait3A_292, %dma_wait3A_293] : memref<2x5x128xi32, #tpu.memory_space<vmem>> -> memref<1x5x128xi32, #tpu.memory_space<vmem>>
          %dma_wait3A_295 = tpu.memref_squeeze %dma_wait3A_294 : memref<1x5x128xi32, #tpu.memory_space<vmem>> -> memref<5x128xi32, #tpu.memory_space<vmem>>
          %dma_wait3A_296 = arith.constant 0 : i32
          %dma_wait3A_297 = tpu.memref_slice %arg3[%add3A_212, %dma_wait3A_296] : memref<6400x128xi32, #tpu.memory_space<hbm>> -> memref<5x128xi32, #tpu.memory_space<hbm>>
          %dma_wait3A_298 = arith.constant 0 : i32
          %dma_wait3A_299 = arith.constant 0 : i32
          %dma_wait3A_300 = tpu.memref_slice %arg5[%run_scoped3A_213, %dma_wait3A_298, %dma_wait3A_299] : memref<2x5x128xi32, #tpu.memory_space<vmem>> -> memref<1x5x128xi32, #tpu.memory_space<vmem>>
          %dma_wait3A_301 = tpu.memref_squeeze %dma_wait3A_300 : memref<1x5x128xi32, #tpu.memory_space<vmem>> -> memref<5x128xi32, #tpu.memory_space<vmem>>
          %dma_wait3A_302 = arith.constant 0 : i32
          %dma_wait3A_303 = tpu.memref_slice %arg3[%add3A_212, %dma_wait3A_302] : memref<6400x128xi32, #tpu.memory_space<hbm>> -> memref<5x128xi32, #tpu.memory_space<hbm>>
          tpu.wait_dma2 semaphore(%run_scoped3A_279 : memref<!tpu.dma_semaphore, #tpu.memory_space<semaphore_mem>>) src(%dma_wait3A_303 : memref<5x128xi32, #tpu.memory_space<hbm>>) dst(%dma_wait3A_301 : memref<5x128xi32, #tpu.memory_space<vmem>>)
          tpu.yield
        }) : () -> ()
        %dma_start3A_214 = arith.constant 1 : i32
        %dma_start3A_215 = arith.constant 0 : i32
        %dma_start3A_216 = arith.constant 1 : i32
        %dma_start3A_217 = arith.constant 0 : i32
        %dma_start3A_218 = arith.constant 0 : i32
        %dma_start3A_219 = tpu.memref_slice %arg6[%dma_start3A_216, %dma_start3A_217, %dma_start3A_218] : memref<2x640x64xf32, #tpu.memory_space<vmem>> -> memref<1x128x64xf32, #tpu.memory_space<vmem>>
        %dma_start3A_220 = tpu.memref_squeeze %dma_start3A_219 : memref<1x128x64xf32, #tpu.memory_space<vmem>> -> memref<128x64xf32, #tpu.memory_space<vmem>>
        %dma_start3A_221 = arith.constant 0 : i32
        %dma_start3A_222 = tpu.memref_slice %arg5[%dma_start3A_214, %dma_start3A_215, %dma_start3A_221] : memref<2x5x128xi32, #tpu.memory_space<vmem>> -> memref<1x1x128xi32, #tpu.memory_space<vmem>>
        %dma_start3A_223 = tpu.memref_squeeze %dma_start3A_222 : memref<1x1x128xi32, #tpu.memory_space<vmem>> -> memref<128xi32, #tpu.memory_space<vmem>>
        %dma_start3A_224 = arith.constant 0 : i32
        %dma_start3A_225 = arith.constant 0 : i32
        %dma_start3A_226 = tpu.memref_slice %arg2[%dma_start3A_224, %dma_start3A_225] : memref<1000000x64xf32, #tpu.memory_space<hbm>> -> memref<1000000x64xf32, #tpu.memory_space<hbm>>
        tpu.enqueue_indirect_dma source(%dma_start3A_226 : memref<1000000x64xf32, #tpu.memory_space<hbm>>) target(%dma_start3A_220 : memref<128x64xf32, #tpu.memory_space<vmem>>) offsets(%dma_start3A_223 : memref<128xi32, #tpu.memory_space<vmem>>) semaphore(%arg8 : memref<!tpu.dma_semaphore, #tpu.memory_space<semaphore_mem>>)
        %dma_start3A_227 = arith.constant 1 : i32
        %dma_start3A_228 = arith.constant 1 : i32
        %dma_start3A_229 = arith.constant 1 : i32
        %dma_start3A_230 = arith.constant 128 : i32
        %dma_start3A_231 = arith.constant 0 : i32
        %dma_start3A_232 = tpu.memref_slice %arg6[%dma_start3A_229, %dma_start3A_230, %dma_start3A_231] : memref<2x640x64xf32, #tpu.memory_space<vmem>> -> memref<1x128x64xf32, #tpu.memory_space<vmem>>
        %dma_start3A_233 = tpu.memref_squeeze %dma_start3A_232 : memref<1x128x64xf32, #tpu.memory_space<vmem>> -> memref<128x64xf32, #tpu.memory_space<vmem>>
        %dma_start3A_234 = arith.constant 0 : i32
        %dma_start3A_235 = tpu.memref_slice %arg5[%dma_start3A_227, %dma_start3A_228, %dma_start3A_234] : memref<2x5x128xi32, #tpu.memory_space<vmem>> -> memref<1x1x128xi32, #tpu.memory_space<vmem>>
        %dma_start3A_236 = tpu.memref_squeeze %dma_start3A_235 : memref<1x1x128xi32, #tpu.memory_space<vmem>> -> memref<128xi32, #tpu.memory_space<vmem>>
        %dma_start3A_237 = arith.constant 0 : i32
        %dma_start3A_238 = arith.constant 0 : i32
        %dma_start3A_239 = tpu.memref_slice %arg2[%dma_start3A_237, %dma_start3A_238] : memref<1000000x64xf32, #tpu.memory_space<hbm>> -> memref<1000000x64xf32, #tpu.memory_space<hbm>>
        tpu.enqueue_indirect_dma source(%dma_start3A_239 : memref<1000000x64xf32, #tpu.memory_space<hbm>>) target(%dma_start3A_233 : memref<128x64xf32, #tpu.memory_space<vmem>>) offsets(%dma_start3A_236 : memref<128xi32, #tpu.memory_space<vmem>>) semaphore(%arg8 : memref<!tpu.dma_semaphore, #tpu.memory_space<semaphore_mem>>)
        %dma_start3A_240 = arith.constant 1 : i32
        %dma_start3A_241 = arith.constant 2 : i32
        %dma_start3A_242 = arith.constant 1 : i32
        %dma_start3A_243 = arith.constant 256 : i32
        %dma_start3A_244 = arith.constant 0 : i32
        %dma_start3A_245 = tpu.memref_slice %arg6[%dma_start3A_242, %dma_start3A_243, %dma_start3A_244] : memref<2x640x64xf32, #tpu.memory_space<vmem>> -> memref<1x128x64xf32, #tpu.memory_space<vmem>>
        %dma_start3A_246 = tpu.memref_squeeze %dma_start3A_245 : memref<1x128x64xf32, #tpu.memory_space<vmem>> -> memref<128x64xf32, #tpu.memory_space<vmem>>
        %dma_start3A_247 = arith.constant 0 : i32
        %dma_start3A_248 = tpu.memref_slice %arg5[%dma_start3A_240, %dma_start3A_241, %dma_start3A_247] : memref<2x5x128xi32, #tpu.memory_space<vmem>> -> memref<1x1x128xi32, #tpu.memory_space<vmem>>
        %dma_start3A_249 = tpu.memref_squeeze %dma_start3A_248 : memref<1x1x128xi32, #tpu.memory_space<vmem>> -> memref<128xi32, #tpu.memory_space<vmem>>
        %dma_start3A_250 = arith.constant 0 : i32
        %dma_start3A_251 = arith.constant 0 : i32
        %dma_start3A_252 = tpu.memref_slice %arg2[%dma_start3A_250, %dma_start3A_251] : memref<1000000x64xf32, #tpu.memory_space<hbm>> -> memref<1000000x64xf32, #tpu.memory_space<hbm>>
        tpu.enqueue_indirect_dma source(%dma_start3A_252 : memref<1000000x64xf32, #tpu.memory_space<hbm>>) target(%dma_start3A_246 : memref<128x64xf32, #tpu.memory_space<vmem>>) offsets(%dma_start3A_249 : memref<128xi32, #tpu.memory_space<vmem>>) semaphore(%arg8 : memref<!tpu.dma_semaphore, #tpu.memory_space<semaphore_mem>>)
        %dma_start3A_253 = arith.constant 1 : i32
        %dma_start3A_254 = arith.constant 3 : i32
        %dma_start3A_255 = arith.constant 1 : i32
        %dma_start3A_256 = arith.constant 384 : i32
        %dma_start3A_257 = arith.constant 0 : i32
        %dma_start3A_258 = tpu.memref_slice %arg6[%dma_start3A_255, %dma_start3A_256, %dma_start3A_257] : memref<2x640x64xf32, #tpu.memory_space<vmem>> -> memref<1x128x64xf32, #tpu.memory_space<vmem>>
        %dma_start3A_259 = tpu.memref_squeeze %dma_start3A_258 : memref<1x128x64xf32, #tpu.memory_space<vmem>> -> memref<128x64xf32, #tpu.memory_space<vmem>>
        %dma_start3A_260 = arith.constant 0 : i32
        %dma_start3A_261 = tpu.memref_slice %arg5[%dma_start3A_253, %dma_start3A_254, %dma_start3A_260] : memref<2x5x128xi32, #tpu.memory_space<vmem>> -> memref<1x1x128xi32, #tpu.memory_space<vmem>>
        %dma_start3A_262 = tpu.memref_squeeze %dma_start3A_261 : memref<1x1x128xi32, #tpu.memory_space<vmem>> -> memref<128xi32, #tpu.memory_space<vmem>>
        %dma_start3A_263 = arith.constant 0 : i32
        %dma_start3A_264 = arith.constant 0 : i32
        %dma_start3A_265 = tpu.memref_slice %arg2[%dma_start3A_263, %dma_start3A_264] : memref<1000000x64xf32, #tpu.memory_space<hbm>> -> memref<1000000x64xf32, #tpu.memory_space<hbm>>
        tpu.enqueue_indirect_dma source(%dma_start3A_265 : memref<1000000x64xf32, #tpu.memory_space<hbm>>) target(%dma_start3A_259 : memref<128x64xf32, #tpu.memory_space<vmem>>) offsets(%dma_start3A_262 : memref<128xi32, #tpu.memory_space<vmem>>) semaphore(%arg8 : memref<!tpu.dma_semaphore, #tpu.memory_space<semaphore_mem>>)
        %dma_start3A_266 = arith.constant 1 : i32
        %dma_start3A_267 = arith.constant 4 : i32
        %dma_start3A_268 = arith.constant 1 : i32
        %dma_start3A_269 = arith.constant 512 : i32
        %dma_start3A_270 = arith.constant 0 : i32
        %dma_start3A_271 = tpu.memref_slice %arg6[%dma_start3A_268, %dma_start3A_269, %dma_start3A_270] : memref<2x640x64xf32, #tpu.memory_space<vmem>> -> memref<1x128x64xf32, #tpu.memory_space<vmem>>
        %dma_start3A_272 = tpu.memref_squeeze %dma_start3A_271 : memref<1x128x64xf32, #tpu.memory_space<vmem>> -> memref<128x64xf32, #tpu.memory_space<vmem>>
        %dma_start3A_273 = arith.constant 0 : i32
        %dma_start3A_274 = tpu.memref_slice %arg5[%dma_start3A_266, %dma_start3A_267, %dma_start3A_273] : memref<2x5x128xi32, #tpu.memory_space<vmem>> -> memref<1x1x128xi32, #tpu.memory_space<vmem>>
        %dma_start3A_275 = tpu.memref_squeeze %dma_start3A_274 : memref<1x1x128xi32, #tpu.memory_space<vmem>> -> memref<128xi32, #tpu.memory_space<vmem>>
        %dma_start3A_276 = arith.constant 0 : i32
        %dma_start3A_277 = arith.constant 0 : i32
        %dma_start3A_278 = tpu.memref_slice %arg2[%dma_start3A_276, %dma_start3A_277] : memref<1000000x64xf32, #tpu.memory_space<hbm>> -> memref<1000000x64xf32, #tpu.memory_space<hbm>>
        tpu.enqueue_indirect_dma source(%dma_start3A_278 : memref<1000000x64xf32, #tpu.memory_space<hbm>>) target(%dma_start3A_272 : memref<128x64xf32, #tpu.memory_space<vmem>>) offsets(%dma_start3A_275 : memref<128xi32, #tpu.memory_space<vmem>>) semaphore(%arg8 : memref<!tpu.dma_semaphore, #tpu.memory_space<semaphore_mem>>)
      } else {
      }
    }
    %scan3A_146 = arith.constant 5 : i32
    return
  }
}

#map = affine_map<(d0, d1) -> (0, 0)>
module attributes {stable_mosaic.version = 14 : i64} {
  func.func @_embed_gather(%arg0: i32, %arg1: i32, %arg2: memref<1000000x64xf32, #tpu.memory_space<hbm>>, %arg3: memref<6400x128xi32, #tpu.memory_space<hbm>>, %arg4: memref<204800x64xf32, #tpu.memory_space<hbm>>, %arg5: memref<2x5x128xi32, #tpu.memory_space<vmem>>, %arg6: memref<2x640x64xf32, #tpu.memory_space<vmem>>, %arg7: memref<!tpu.dma_semaphore, #tpu.memory_space<semaphore_mem>>, %arg8: memref<!tpu.dma_semaphore, #tpu.memory_space<semaphore_mem>>) attributes {dimension_semantics = [#tpu.dimension_semantics<core_parallel>, #tpu.dimension_semantics<subcore_parallel>], iteration_bounds = array<i64: 2, 16>, scalar_prefetch = 0 : i64, scratch_operands = 4 : i64, tpu.core_type = #tpu.core_type<sc_vector_subcore>, window_params = [{transform_indices = #map}, {transform_indices = #map}, {transform_indices = #map}]} {
    %mul3A = arith.constant 2 : i32
    %mul3A_0 = arith.muli %arg1, %mul3A : i32
    %add3A = arith.addi %mul3A_0, %arg0 : i32
    %mul3A_1 = arith.constant 50 : i32
    %mul3A_2 = arith.muli %add3A, %mul3A_1 : i32
    %add3A_3 = arith.constant 1600 : i32
    %add3A_4 = arith.addi %add3A_3, %mul3A_2 : i32
    %mul3A_5 = arith.constant 50 : i32
    %mul3A_6 = arith.muli %add3A, %mul3A_5 : i32
    %mul3A_7 = arith.constant 128 : i32
    %mul3A_8 = arith.muli %mul3A_6, %mul3A_7 : i32
    %add3A_9 = arith.constant 0 : i32
    %add3A_10 = arith.addi %add3A_4, %add3A_9 : i32
    %run_scoped3A = arith.constant 0 : i32
    "tpu.region"() ({
      %run_scoped3A_147 = tpu.sem_alloc : memref<!tpu.dma_semaphore, #tpu.memory_space<semaphore_mem>>
      %dma_start3A_148 = arith.constant 0 : i32
      %dma_start3A_149 = arith.constant 0 : i32
      %dma_start3A_150 = tpu.memref_slice %arg5[%run_scoped3A, %dma_start3A_148, %dma_start3A_149] : memref<2x5x128xi32, #tpu.memory_space<vmem>> -> memref<1x5x128xi32, #tpu.memory_space<vmem>>
      %dma_start3A_151 = tpu.memref_squeeze %dma_start3A_150 : memref<1x5x128xi32, #tpu.memory_space<vmem>> -> memref<5x128xi32, #tpu.memory_space<vmem>>
      %dma_start3A_152 = arith.constant 0 : i32
      %dma_start3A_153 = tpu.memref_slice %arg3[%add3A_10, %dma_start3A_152] : memref<6400x128xi32, #tpu.memory_space<hbm>> -> memref<5x128xi32, #tpu.memory_space<hbm>>
      %dma_start3A_154 = arith.constant 0 : i32
      %dma_start3A_155 = arith.constant 0 : i32
      %dma_start3A_156 = tpu.memref_slice %arg5[%run_scoped3A, %dma_start3A_154, %dma_start3A_155] : memref<2x5x128xi32, #tpu.memory_space<vmem>> -> memref<1x5x128xi32, #tpu.memory_space<vmem>>
      %dma_start3A_157 = tpu.memref_squeeze %dma_start3A_156 : memref<1x5x128xi32, #tpu.memory_space<vmem>> -> memref<5x128xi32, #tpu.memory_space<vmem>>
      %dma_start3A_158 = arith.constant 0 : i32
      %dma_start3A_159 = tpu.memref_slice %arg3[%add3A_10, %dma_start3A_158] : memref<6400x128xi32, #tpu.memory_space<hbm>> -> memref<5x128xi32, #tpu.memory_space<hbm>>
      tpu.enqueue_dma source(%dma_start3A_159 : memref<5x128xi32, #tpu.memory_space<hbm>>) target(%dma_start3A_157 : memref<5x128xi32, #tpu.memory_space<vmem>>) target_semaphore(%run_scoped3A_147 : memref<!tpu.dma_semaphore, #tpu.memory_space<semaphore_mem>>)
      %dma_wait3A = arith.constant 0 : i32
      %dma_wait3A_160 = arith.constant 0 : i32
      %dma_wait3A_161 = tpu.memref_slice %arg5[%run_scoped3A, %dma_wait3A, %dma_wait3A_160] : memref<2x5x128xi32, #tpu.memory_space<vmem>> -> memref<1x5x128xi32, #tpu.memory_space<vmem>>
      %dma_wait3A_162 = tpu.memref_squeeze %dma_wait3A_161 : memref<1x5x128xi32, #tpu.memory_space<vmem>> -> memref<5x128xi32, #tpu.memory_space<vmem>>
      %dma_wait3A_163 = arith.constant 0 : i32
      %dma_wait3A_164 = tpu.memref_slice %arg3[%add3A_10, %dma_wait3A_163] : memref<6400x128xi32, #tpu.memory_space<hbm>> -> memref<5x128xi32, #tpu.memory_space<hbm>>
      %dma_wait3A_165 = arith.constant 0 : i32
      %dma_wait3A_166 = arith.constant 0 : i32
      %dma_wait3A_167 = tpu.memref_slice %arg5[%run_scoped3A, %dma_wait3A_165, %dma_wait3A_166] : memref<2x5x128xi32, #tpu.memory_space<vmem>> -> memref<1x5x128xi32, #tpu.memory_space<vmem>>
      %dma_wait3A_168 = tpu.memref_squeeze %dma_wait3A_167 : memref<1x5x128xi32, #tpu.memory_space<vmem>> -> memref<5x128xi32, #tpu.memory_space<vmem>>
      %dma_wait3A_169 = arith.constant 0 : i32
      %dma_wait3A_170 = tpu.memref_slice %arg3[%add3A_10, %dma_wait3A_169] : memref<6400x128xi32, #tpu.memory_space<hbm>> -> memref<5x128xi32, #tpu.memory_space<hbm>>
      tpu.wait_dma2 semaphore(%run_scoped3A_147 : memref<!tpu.dma_semaphore, #tpu.memory_space<semaphore_mem>>) src(%dma_wait3A_170 : memref<5x128xi32, #tpu.memory_space<hbm>>) dst(%dma_wait3A_168 : memref<5x128xi32, #tpu.memory_space<vmem>>)
      tpu.yield
    }) : () -> ()
    %dma_start3A = arith.constant 0 : i32
    %dma_start3A_11 = arith.constant 0 : i32
    %dma_start3A_12 = arith.constant 0 : i32
    %dma_start3A_13 = arith.constant 0 : i32
    %dma_start3A_14 = arith.constant 0 : i32
    %dma_start3A_15 = tpu.memref_slice %arg6[%dma_start3A_12, %dma_start3A_13, %dma_start3A_14] : memref<2x640x64xf32, #tpu.memory_space<vmem>> -> memref<1x128x64xf32, #tpu.memory_space<vmem>>
    %dma_start3A_16 = tpu.memref_squeeze %dma_start3A_15 : memref<1x128x64xf32, #tpu.memory_space<vmem>> -> memref<128x64xf32, #tpu.memory_space<vmem>>
    %dma_start3A_17 = arith.constant 0 : i32
    %dma_start3A_18 = tpu.memref_slice %arg5[%dma_start3A, %dma_start3A_11, %dma_start3A_17] : memref<2x5x128xi32, #tpu.memory_space<vmem>> -> memref<1x1x128xi32, #tpu.memory_space<vmem>>
    %dma_start3A_19 = tpu.memref_squeeze %dma_start3A_18 : memref<1x1x128xi32, #tpu.memory_space<vmem>> -> memref<128xi32, #tpu.memory_space<vmem>>
    %dma_start3A_20 = arith.constant 0 : i32
    %dma_start3A_21 = arith.constant 0 : i32
    %dma_start3A_22 = tpu.memref_slice %arg2[%dma_start3A_20, %dma_start3A_21] : memref<1000000x64xf32, #tpu.memory_space<hbm>> -> memref<1000000x64xf32, #tpu.memory_space<hbm>>
    tpu.enqueue_indirect_dma source(%dma_start3A_22 : memref<1000000x64xf32, #tpu.memory_space<hbm>>) target(%dma_start3A_16 : memref<128x64xf32, #tpu.memory_space<vmem>>) offsets(%dma_start3A_19 : memref<128xi32, #tpu.memory_space<vmem>>) semaphore(%arg7 : memref<!tpu.dma_semaphore, #tpu.memory_space<semaphore_mem>>)
    %dma_start3A_23 = arith.constant 0 : i32
    %dma_start3A_24 = arith.constant 1 : i32
    %dma_start3A_25 = arith.constant 0 : i32
    %dma_start3A_26 = arith.constant 128 : i32
    %dma_start3A_27 = arith.constant 0 : i32
    %dma_start3A_28 = tpu.memref_slice %arg6[%dma_start3A_25, %dma_start3A_26, %dma_start3A_27] : memref<2x640x64xf32, #tpu.memory_space<vmem>> -> memref<1x128x64xf32, #tpu.memory_space<vmem>>
    %dma_start3A_29 = tpu.memref_squeeze %dma_start3A_28 : memref<1x128x64xf32, #tpu.memory_space<vmem>> -> memref<128x64xf32, #tpu.memory_space<vmem>>
    %dma_start3A_30 = arith.constant 0 : i32
    %dma_start3A_31 = tpu.memref_slice %arg5[%dma_start3A_23, %dma_start3A_24, %dma_start3A_30] : memref<2x5x128xi32, #tpu.memory_space<vmem>> -> memref<1x1x128xi32, #tpu.memory_space<vmem>>
    %dma_start3A_32 = tpu.memref_squeeze %dma_start3A_31 : memref<1x1x128xi32, #tpu.memory_space<vmem>> -> memref<128xi32, #tpu.memory_space<vmem>>
    %dma_start3A_33 = arith.constant 0 : i32
    %dma_start3A_34 = arith.constant 0 : i32
    %dma_start3A_35 = tpu.memref_slice %arg2[%dma_start3A_33, %dma_start3A_34] : memref<1000000x64xf32, #tpu.memory_space<hbm>> -> memref<1000000x64xf32, #tpu.memory_space<hbm>>
    tpu.enqueue_indirect_dma source(%dma_start3A_35 : memref<1000000x64xf32, #tpu.memory_space<hbm>>) target(%dma_start3A_29 : memref<128x64xf32, #tpu.memory_space<vmem>>) offsets(%dma_start3A_32 : memref<128xi32, #tpu.memory_space<vmem>>) semaphore(%arg7 : memref<!tpu.dma_semaphore, #tpu.memory_space<semaphore_mem>>)
    %dma_start3A_36 = arith.constant 0 : i32
    %dma_start3A_37 = arith.constant 2 : i32
    %dma_start3A_38 = arith.constant 0 : i32
    %dma_start3A_39 = arith.constant 256 : i32
    %dma_start3A_40 = arith.constant 0 : i32
    %dma_start3A_41 = tpu.memref_slice %arg6[%dma_start3A_38, %dma_start3A_39, %dma_start3A_40] : memref<2x640x64xf32, #tpu.memory_space<vmem>> -> memref<1x128x64xf32, #tpu.memory_space<vmem>>
    %dma_start3A_42 = tpu.memref_squeeze %dma_start3A_41 : memref<1x128x64xf32, #tpu.memory_space<vmem>> -> memref<128x64xf32, #tpu.memory_space<vmem>>
    %dma_start3A_43 = arith.constant 0 : i32
    %dma_start3A_44 = tpu.memref_slice %arg5[%dma_start3A_36, %dma_start3A_37, %dma_start3A_43] : memref<2x5x128xi32, #tpu.memory_space<vmem>> -> memref<1x1x128xi32, #tpu.memory_space<vmem>>
    %dma_start3A_45 = tpu.memref_squeeze %dma_start3A_44 : memref<1x1x128xi32, #tpu.memory_space<vmem>> -> memref<128xi32, #tpu.memory_space<vmem>>
    %dma_start3A_46 = arith.constant 0 : i32
    %dma_start3A_47 = arith.constant 0 : i32
    %dma_start3A_48 = tpu.memref_slice %arg2[%dma_start3A_46, %dma_start3A_47] : memref<1000000x64xf32, #tpu.memory_space<hbm>> -> memref<1000000x64xf32, #tpu.memory_space<hbm>>
    tpu.enqueue_indirect_dma source(%dma_start3A_48 : memref<1000000x64xf32, #tpu.memory_space<hbm>>) target(%dma_start3A_42 : memref<128x64xf32, #tpu.memory_space<vmem>>) offsets(%dma_start3A_45 : memref<128xi32, #tpu.memory_space<vmem>>) semaphore(%arg7 : memref<!tpu.dma_semaphore, #tpu.memory_space<semaphore_mem>>)
    %dma_start3A_49 = arith.constant 0 : i32
    %dma_start3A_50 = arith.constant 3 : i32
    %dma_start3A_51 = arith.constant 0 : i32
    %dma_start3A_52 = arith.constant 384 : i32
    %dma_start3A_53 = arith.constant 0 : i32
    %dma_start3A_54 = tpu.memref_slice %arg6[%dma_start3A_51, %dma_start3A_52, %dma_start3A_53] : memref<2x640x64xf32, #tpu.memory_space<vmem>> -> memref<1x128x64xf32, #tpu.memory_space<vmem>>
    %dma_start3A_55 = tpu.memref_squeeze %dma_start3A_54 : memref<1x128x64xf32, #tpu.memory_space<vmem>> -> memref<128x64xf32, #tpu.memory_space<vmem>>
    %dma_start3A_56 = arith.constant 0 : i32
    %dma_start3A_57 = tpu.memref_slice %arg5[%dma_start3A_49, %dma_start3A_50, %dma_start3A_56] : memref<2x5x128xi32, #tpu.memory_space<vmem>> -> memref<1x1x128xi32, #tpu.memory_space<vmem>>
    %dma_start3A_58 = tpu.memref_squeeze %dma_start3A_57 : memref<1x1x128xi32, #tpu.memory_space<vmem>> -> memref<128xi32, #tpu.memory_space<vmem>>
    %dma_start3A_59 = arith.constant 0 : i32
    %dma_start3A_60 = arith.constant 0 : i32
    %dma_start3A_61 = tpu.memref_slice %arg2[%dma_start3A_59, %dma_start3A_60] : memref<1000000x64xf32, #tpu.memory_space<hbm>> -> memref<1000000x64xf32, #tpu.memory_space<hbm>>
    tpu.enqueue_indirect_dma source(%dma_start3A_61 : memref<1000000x64xf32, #tpu.memory_space<hbm>>) target(%dma_start3A_55 : memref<128x64xf32, #tpu.memory_space<vmem>>) offsets(%dma_start3A_58 : memref<128xi32, #tpu.memory_space<vmem>>) semaphore(%arg7 : memref<!tpu.dma_semaphore, #tpu.memory_space<semaphore_mem>>)
    %dma_start3A_62 = arith.constant 0 : i32
    %dma_start3A_63 = arith.constant 4 : i32
    %dma_start3A_64 = arith.constant 0 : i32
    %dma_start3A_65 = arith.constant 512 : i32
    %dma_start3A_66 = arith.constant 0 : i32
    %dma_start3A_67 = tpu.memref_slice %arg6[%dma_start3A_64, %dma_start3A_65, %dma_start3A_66] : memref<2x640x64xf32, #tpu.memory_space<vmem>> -> memref<1x128x64xf32, #tpu.memory_space<vmem>>
    %dma_start3A_68 = tpu.memref_squeeze %dma_start3A_67 : memref<1x128x64xf32, #tpu.memory_space<vmem>> -> memref<128x64xf32, #tpu.memory_space<vmem>>
    %dma_start3A_69 = arith.constant 0 : i32
    %dma_start3A_70 = tpu.memref_slice %arg5[%dma_start3A_62, %dma_start3A_63, %dma_start3A_69] : memref<2x5x128xi32, #tpu.memory_space<vmem>> -> memref<1x1x128xi32, #tpu.memory_space<vmem>>
    %dma_start3A_71 = tpu.memref_squeeze %dma_start3A_70 : memref<1x1x128xi32, #tpu.memory_space<vmem>> -> memref<128xi32, #tpu.memory_space<vmem>>
    %dma_start3A_72 = arith.constant 0 : i32
    %dma_start3A_73 = arith.constant 0 : i32
    %dma_start3A_74 = tpu.memref_slice %arg2[%dma_start3A_72, %dma_start3A_73] : memref<1000000x64xf32, #tpu.memory_space<hbm>> -> memref<1000000x64xf32, #tpu.memory_space<hbm>>
    tpu.enqueue_indirect_dma source(%dma_start3A_74 : memref<1000000x64xf32, #tpu.memory_space<hbm>>) target(%dma_start3A_68 : memref<128x64xf32, #tpu.memory_space<vmem>>) offsets(%dma_start3A_71 : memref<128xi32, #tpu.memory_space<vmem>>) semaphore(%arg7 : memref<!tpu.dma_semaphore, #tpu.memory_space<semaphore_mem>>)
    %add3A_75 = arith.constant 5 : i32
    %add3A_76 = arith.addi %add3A_4, %add3A_75 : i32
    %run_scoped3A_77 = arith.constant 1 : i32
    "tpu.region"() ({
      %run_scoped3A_147 = tpu.sem_alloc : memref<!tpu.dma_semaphore, #tpu.memory_space<semaphore_mem>>
      %dma_start3A_148 = arith.constant 0 : i32
      %dma_start3A_149 = arith.constant 0 : i32
      %dma_start3A_150 = tpu.memref_slice %arg5[%run_scoped3A_77, %dma_start3A_148, %dma_start3A_149] : memref<2x5x128xi32, #tpu.memory_space<vmem>> -> memref<1x5x128xi32, #tpu.memory_space<vmem>>
      %dma_start3A_151 = tpu.memref_squeeze %dma_start3A_150 : memref<1x5x128xi32, #tpu.memory_space<vmem>> -> memref<5x128xi32, #tpu.memory_space<vmem>>
      %dma_start3A_152 = arith.constant 0 : i32
      %dma_start3A_153 = tpu.memref_slice %arg3[%add3A_76, %dma_start3A_152] : memref<6400x128xi32, #tpu.memory_space<hbm>> -> memref<5x128xi32, #tpu.memory_space<hbm>>
      %dma_start3A_154 = arith.constant 0 : i32
      %dma_start3A_155 = arith.constant 0 : i32
      %dma_start3A_156 = tpu.memref_slice %arg5[%run_scoped3A_77, %dma_start3A_154, %dma_start3A_155] : memref<2x5x128xi32, #tpu.memory_space<vmem>> -> memref<1x5x128xi32, #tpu.memory_space<vmem>>
      %dma_start3A_157 = tpu.memref_squeeze %dma_start3A_156 : memref<1x5x128xi32, #tpu.memory_space<vmem>> -> memref<5x128xi32, #tpu.memory_space<vmem>>
      %dma_start3A_158 = arith.constant 0 : i32
      %dma_start3A_159 = tpu.memref_slice %arg3[%add3A_76, %dma_start3A_158] : memref<6400x128xi32, #tpu.memory_space<hbm>> -> memref<5x128xi32, #tpu.memory_space<hbm>>
      tpu.enqueue_dma source(%dma_start3A_159 : memref<5x128xi32, #tpu.memory_space<hbm>>) target(%dma_start3A_157 : memref<5x128xi32, #tpu.memory_space<vmem>>) target_semaphore(%run_scoped3A_147 : memref<!tpu.dma_semaphore, #tpu.memory_space<semaphore_mem>>)
      %dma_wait3A = arith.constant 0 : i32
      %dma_wait3A_160 = arith.constant 0 : i32
      %dma_wait3A_161 = tpu.memref_slice %arg5[%run_scoped3A_77, %dma_wait3A, %dma_wait3A_160] : memref<2x5x128xi32, #tpu.memory_space<vmem>> -> memref<1x5x128xi32, #tpu.memory_space<vmem>>
      %dma_wait3A_162 = tpu.memref_squeeze %dma_wait3A_161 : memref<1x5x128xi32, #tpu.memory_space<vmem>> -> memref<5x128xi32, #tpu.memory_space<vmem>>
      %dma_wait3A_163 = arith.constant 0 : i32
      %dma_wait3A_164 = tpu.memref_slice %arg3[%add3A_76, %dma_wait3A_163] : memref<6400x128xi32, #tpu.memory_space<hbm>> -> memref<5x128xi32, #tpu.memory_space<hbm>>
      %dma_wait3A_165 = arith.constant 0 : i32
      %dma_wait3A_166 = arith.constant 0 : i32
      %dma_wait3A_167 = tpu.memref_slice %arg5[%run_scoped3A_77, %dma_wait3A_165, %dma_wait3A_166] : memref<2x5x128xi32, #tpu.memory_space<vmem>> -> memref<1x5x128xi32, #tpu.memory_space<vmem>>
      %dma_wait3A_168 = tpu.memref_squeeze %dma_wait3A_167 : memref<1x5x128xi32, #tpu.memory_space<vmem>> -> memref<5x128xi32, #tpu.memory_space<vmem>>
      %dma_wait3A_169 = arith.constant 0 : i32
      %dma_wait3A_170 = tpu.memref_slice %arg3[%add3A_76, %dma_wait3A_169] : memref<6400x128xi32, #tpu.memory_space<hbm>> -> memref<5x128xi32, #tpu.memory_space<hbm>>
      tpu.wait_dma2 semaphore(%run_scoped3A_147 : memref<!tpu.dma_semaphore, #tpu.memory_space<semaphore_mem>>) src(%dma_wait3A_170 : memref<5x128xi32, #tpu.memory_space<hbm>>) dst(%dma_wait3A_168 : memref<5x128xi32, #tpu.memory_space<vmem>>)
      tpu.yield
    }) : () -> ()
    %dma_start3A_78 = arith.constant 1 : i32
    %dma_start3A_79 = arith.constant 0 : i32
    %dma_start3A_80 = arith.constant 1 : i32
    %dma_start3A_81 = arith.constant 0 : i32
    %dma_start3A_82 = arith.constant 0 : i32
    %dma_start3A_83 = tpu.memref_slice %arg6[%dma_start3A_80, %dma_start3A_81, %dma_start3A_82] : memref<2x640x64xf32, #tpu.memory_space<vmem>> -> memref<1x128x64xf32, #tpu.memory_space<vmem>>
    %dma_start3A_84 = tpu.memref_squeeze %dma_start3A_83 : memref<1x128x64xf32, #tpu.memory_space<vmem>> -> memref<128x64xf32, #tpu.memory_space<vmem>>
    %dma_start3A_85 = arith.constant 0 : i32
    %dma_start3A_86 = tpu.memref_slice %arg5[%dma_start3A_78, %dma_start3A_79, %dma_start3A_85] : memref<2x5x128xi32, #tpu.memory_space<vmem>> -> memref<1x1x128xi32, #tpu.memory_space<vmem>>
    %dma_start3A_87 = tpu.memref_squeeze %dma_start3A_86 : memref<1x1x128xi32, #tpu.memory_space<vmem>> -> memref<128xi32, #tpu.memory_space<vmem>>
    %dma_start3A_88 = arith.constant 0 : i32
    %dma_start3A_89 = arith.constant 0 : i32
    %dma_start3A_90 = tpu.memref_slice %arg2[%dma_start3A_88, %dma_start3A_89] : memref<1000000x64xf32, #tpu.memory_space<hbm>> -> memref<1000000x64xf32, #tpu.memory_space<hbm>>
    tpu.enqueue_indirect_dma source(%dma_start3A_90 : memref<1000000x64xf32, #tpu.memory_space<hbm>>) target(%dma_start3A_84 : memref<128x64xf32, #tpu.memory_space<vmem>>) offsets(%dma_start3A_87 : memref<128xi32, #tpu.memory_space<vmem>>) semaphore(%arg8 : memref<!tpu.dma_semaphore, #tpu.memory_space<semaphore_mem>>)
    %dma_start3A_91 = arith.constant 1 : i32
    %dma_start3A_92 = arith.constant 1 : i32
    %dma_start3A_93 = arith.constant 1 : i32
    %dma_start3A_94 = arith.constant 128 : i32
    %dma_start3A_95 = arith.constant 0 : i32
    %dma_start3A_96 = tpu.memref_slice %arg6[%dma_start3A_93, %dma_start3A_94, %dma_start3A_95] : memref<2x640x64xf32, #tpu.memory_space<vmem>> -> memref<1x128x64xf32, #tpu.memory_space<vmem>>
    %dma_start3A_97 = tpu.memref_squeeze %dma_start3A_96 : memref<1x128x64xf32, #tpu.memory_space<vmem>> -> memref<128x64xf32, #tpu.memory_space<vmem>>
    %dma_start3A_98 = arith.constant 0 : i32
    %dma_start3A_99 = tpu.memref_slice %arg5[%dma_start3A_91, %dma_start3A_92, %dma_start3A_98] : memref<2x5x128xi32, #tpu.memory_space<vmem>> -> memref<1x1x128xi32, #tpu.memory_space<vmem>>
    %dma_start3A_100 = tpu.memref_squeeze %dma_start3A_99 : memref<1x1x128xi32, #tpu.memory_space<vmem>> -> memref<128xi32, #tpu.memory_space<vmem>>
    %dma_start3A_101 = arith.constant 0 : i32
    %dma_start3A_102 = arith.constant 0 : i32
    %dma_start3A_103 = tpu.memref_slice %arg2[%dma_start3A_101, %dma_start3A_102] : memref<1000000x64xf32, #tpu.memory_space<hbm>> -> memref<1000000x64xf32, #tpu.memory_space<hbm>>
    tpu.enqueue_indirect_dma source(%dma_start3A_103 : memref<1000000x64xf32, #tpu.memory_space<hbm>>) target(%dma_start3A_97 : memref<128x64xf32, #tpu.memory_space<vmem>>) offsets(%dma_start3A_100 : memref<128xi32, #tpu.memory_space<vmem>>) semaphore(%arg8 : memref<!tpu.dma_semaphore, #tpu.memory_space<semaphore_mem>>)
    %dma_start3A_104 = arith.constant 1 : i32
    %dma_start3A_105 = arith.constant 2 : i32
    %dma_start3A_106 = arith.constant 1 : i32
    %dma_start3A_107 = arith.constant 256 : i32
    %dma_start3A_108 = arith.constant 0 : i32
    %dma_start3A_109 = tpu.memref_slice %arg6[%dma_start3A_106, %dma_start3A_107, %dma_start3A_108] : memref<2x640x64xf32, #tpu.memory_space<vmem>> -> memref<1x128x64xf32, #tpu.memory_space<vmem>>
    %dma_start3A_110 = tpu.memref_squeeze %dma_start3A_109 : memref<1x128x64xf32, #tpu.memory_space<vmem>> -> memref<128x64xf32, #tpu.memory_space<vmem>>
    %dma_start3A_111 = arith.constant 0 : i32
    %dma_start3A_112 = tpu.memref_slice %arg5[%dma_start3A_104, %dma_start3A_105, %dma_start3A_111] : memref<2x5x128xi32, #tpu.memory_space<vmem>> -> memref<1x1x128xi32, #tpu.memory_space<vmem>>
    %dma_start3A_113 = tpu.memref_squeeze %dma_start3A_112 : memref<1x1x128xi32, #tpu.memory_space<vmem>> -> memref<128xi32, #tpu.memory_space<vmem>>
    %dma_start3A_114 = arith.constant 0 : i32
    %dma_start3A_115 = arith.constant 0 : i32
    %dma_start3A_116 = tpu.memref_slice %arg2[%dma_start3A_114, %dma_start3A_115] : memref<1000000x64xf32, #tpu.memory_space<hbm>> -> memref<1000000x64xf32, #tpu.memory_space<hbm>>
    tpu.enqueue_indirect_dma source(%dma_start3A_116 : memref<1000000x64xf32, #tpu.memory_space<hbm>>) target(%dma_start3A_110 : memref<128x64xf32, #tpu.memory_space<vmem>>) offsets(%dma_start3A_113 : memref<128xi32, #tpu.memory_space<vmem>>) semaphore(%arg8 : memref<!tpu.dma_semaphore, #tpu.memory_space<semaphore_mem>>)
    %dma_start3A_117 = arith.constant 1 : i32
    %dma_start3A_118 = arith.constant 3 : i32
    %dma_start3A_119 = arith.constant 1 : i32
    %dma_start3A_120 = arith.constant 384 : i32
    %dma_start3A_121 = arith.constant 0 : i32
    %dma_start3A_122 = tpu.memref_slice %arg6[%dma_start3A_119, %dma_start3A_120, %dma_start3A_121] : memref<2x640x64xf32, #tpu.memory_space<vmem>> -> memref<1x128x64xf32, #tpu.memory_space<vmem>>
    %dma_start3A_123 = tpu.memref_squeeze %dma_start3A_122 : memref<1x128x64xf32, #tpu.memory_space<vmem>> -> memref<128x64xf32, #tpu.memory_space<vmem>>
    %dma_start3A_124 = arith.constant 0 : i32
    %dma_start3A_125 = tpu.memref_slice %arg5[%dma_start3A_117, %dma_start3A_118, %dma_start3A_124] : memref<2x5x128xi32, #tpu.memory_space<vmem>> -> memref<1x1x128xi32, #tpu.memory_space<vmem>>
    %dma_start3A_126 = tpu.memref_squeeze %dma_start3A_125 : memref<1x1x128xi32, #tpu.memory_space<vmem>> -> memref<128xi32, #tpu.memory_space<vmem>>
    %dma_start3A_127 = arith.constant 0 : i32
    %dma_start3A_128 = arith.constant 0 : i32
    %dma_start3A_129 = tpu.memref_slice %arg2[%dma_start3A_127, %dma_start3A_128] : memref<1000000x64xf32, #tpu.memory_space<hbm>> -> memref<1000000x64xf32, #tpu.memory_space<hbm>>
    tpu.enqueue_indirect_dma source(%dma_start3A_129 : memref<1000000x64xf32, #tpu.memory_space<hbm>>) target(%dma_start3A_123 : memref<128x64xf32, #tpu.memory_space<vmem>>) offsets(%dma_start3A_126 : memref<128xi32, #tpu.memory_space<vmem>>) semaphore(%arg8 : memref<!tpu.dma_semaphore, #tpu.memory_space<semaphore_mem>>)
    %dma_start3A_130 = arith.constant 1 : i32
    %dma_start3A_131 = arith.constant 4 : i32
    %dma_start3A_132 = arith.constant 1 : i32
    %dma_start3A_133 = arith.constant 512 : i32
    %dma_start3A_134 = arith.constant 0 : i32
    %dma_start3A_135 = tpu.memref_slice %arg6[%dma_start3A_132, %dma_start3A_133, %dma_start3A_134] : memref<2x640x64xf32, #tpu.memory_space<vmem>> -> memref<1x128x64xf32, #tpu.memory_space<vmem>>
    %dma_start3A_136 = tpu.memref_squeeze %dma_start3A_135 : memref<1x128x64xf32, #tpu.memory_space<vmem>> -> memref<128x64xf32, #tpu.memory_space<vmem>>
    %dma_start3A_137 = arith.constant 0 : i32
    %dma_start3A_138 = tpu.memref_slice %arg5[%dma_start3A_130, %dma_start3A_131, %dma_start3A_137] : memref<2x5x128xi32, #tpu.memory_space<vmem>> -> memref<1x1x128xi32, #tpu.memory_space<vmem>>
    %dma_start3A_139 = tpu.memref_squeeze %dma_start3A_138 : memref<1x1x128xi32, #tpu.memory_space<vmem>> -> memref<128xi32, #tpu.memory_space<vmem>>
    %dma_start3A_140 = arith.constant 0 : i32
    %dma_start3A_141 = arith.constant 0 : i32
    %dma_start3A_142 = tpu.memref_slice %arg2[%dma_start3A_140, %dma_start3A_141] : memref<1000000x64xf32, #tpu.memory_space<hbm>> -> memref<1000000x64xf32, #tpu.memory_space<hbm>>
    tpu.enqueue_indirect_dma source(%dma_start3A_142 : memref<1000000x64xf32, #tpu.memory_space<hbm>>) target(%dma_start3A_136 : memref<128x64xf32, #tpu.memory_space<vmem>>) offsets(%dma_start3A_139 : memref<128xi32, #tpu.memory_space<vmem>>) semaphore(%arg8 : memref<!tpu.dma_semaphore, #tpu.memory_space<semaphore_mem>>)
    %scan3A = arith.constant 0 : i32
    %scan3A_143 = arith.constant 5 : i32
    %scan3A_144 = arith.addi %scan3A, %scan3A_143 : i32
    %scan3A_145 = arith.constant 1 : i32
    scf.for %scan3A_147 = %scan3A to %scan3A_144 step %scan3A_145  : i32 {
      %mul3A_148 = arith.constant 2 : i32
      %mul3A_149 = arith.muli %scan3A_147, %mul3A_148 : i32
      %add3A_150 = arith.constant 0 : i32
      %add3A_151 = arith.addi %add3A_150, %mul3A_149 : i32
      %add3A_152 = arith.constant 0 : i32
      %add3A_153 = arith.addi %add3A_151, %add3A_152 : i32
      %dma_wait3A = arith.constant 0 : i32
      %dma_wait3A_154 = arith.constant 0 : i32
      %dma_wait3A_155 = arith.constant 0 : i32
      %dma_wait3A_156 = tpu.memref_slice %arg6[%dma_wait3A, %dma_wait3A_154, %dma_wait3A_155] : memref<2x640x64xf32, #tpu.memory_space<vmem>> -> memref<1x640x64xf32, #tpu.memory_space<vmem>>
      %dma_wait3A_157 = tpu.memref_squeeze %dma_wait3A_156 : memref<1x640x64xf32, #tpu.memory_space<vmem>> -> memref<640x64xf32, #tpu.memory_space<vmem>>
      %dma_wait3A_158 = arith.constant 0 : i32
      %dma_wait3A_159 = arith.constant 0 : i32
      %dma_wait3A_160 = tpu.memref_slice %arg4[%dma_wait3A_158, %dma_wait3A_159] : memref<204800x64xf32, #tpu.memory_space<hbm>> -> memref<640x64xf32, #tpu.memory_space<hbm>>
      %dma_wait3A_161 = arith.constant 0 : i32
      %dma_wait3A_162 = arith.constant 0 : i32
      %dma_wait3A_163 = tpu.memref_slice %arg6[%dma_wait3A, %dma_wait3A_161, %dma_wait3A_162] : memref<2x640x64xf32, #tpu.memory_space<vmem>> -> memref<1x640x64xf32, #tpu.memory_space<vmem>>
      %dma_wait3A_164 = tpu.memref_squeeze %dma_wait3A_163 : memref<1x640x64xf32, #tpu.memory_space<vmem>> -> memref<640x64xf32, #tpu.memory_space<vmem>>
      %dma_wait3A_165 = arith.constant 0 : i32
      %dma_wait3A_166 = arith.constant 0 : i32
      %dma_wait3A_167 = tpu.memref_slice %arg4[%dma_wait3A_165, %dma_wait3A_166] : memref<204800x64xf32, #tpu.memory_space<hbm>> -> memref<640x64xf32, #tpu.memory_space<hbm>>
      tpu.wait_dma2 semaphore(%arg7 : memref<!tpu.dma_semaphore, #tpu.memory_space<semaphore_mem>>) src(%dma_wait3A_167 : memref<640x64xf32, #tpu.memory_space<hbm>>) dst(%dma_wait3A_164 : memref<640x64xf32, #tpu.memory_space<vmem>>)
      %mul3A_168 = arith.constant 5 : i32
      %mul3A_169 = arith.muli %add3A_153, %mul3A_168 : i32
      %mul3A_170 = arith.constant 128 : i32
      %mul3A_171 = arith.muli %mul3A_169, %mul3A_170 : i32
      %add3A_172 = arith.addi %mul3A_8, %mul3A_171 : i32
      %run_scoped3A_173 = arith.constant 0 : i32
      "tpu.region"() ({
        %run_scoped3A_208 = tpu.sem_alloc : memref<!tpu.dma_semaphore, #tpu.memory_space<semaphore_mem>>
        %dma_start3A_209 = arith.constant 0 : i32
        %dma_start3A_210 = arith.constant 0 : i32
        %dma_start3A_211 = tpu.memref_slice %arg6[%run_scoped3A_173, %dma_start3A_209, %dma_start3A_210] : memref<2x640x64xf32, #tpu.memory_space<vmem>> -> memref<1x640x64xf32, #tpu.memory_space<vmem>>
        %dma_start3A_212 = tpu.memref_squeeze %dma_start3A_211 : memref<1x640x64xf32, #tpu.memory_space<vmem>> -> memref<640x64xf32, #tpu.memory_space<vmem>>
        %dma_start3A_213 = arith.constant 0 : i32
        %dma_start3A_214 = tpu.memref_slice %arg4[%add3A_172, %dma_start3A_213] : memref<204800x64xf32, #tpu.memory_space<hbm>> -> memref<640x64xf32, #tpu.memory_space<hbm>>
        %dma_start3A_215 = arith.constant 0 : i32
        %dma_start3A_216 = tpu.memref_slice %arg4[%add3A_172, %dma_start3A_215] : memref<204800x64xf32, #tpu.memory_space<hbm>> -> memref<640x64xf32, #tpu.memory_space<hbm>>
        %dma_start3A_217 = arith.constant 0 : i32
        %dma_start3A_218 = arith.constant 0 : i32
        %dma_start3A_219 = tpu.memref_slice %arg6[%run_scoped3A_173, %dma_start3A_217, %dma_start3A_218] : memref<2x640x64xf32, #tpu.memory_space<vmem>> -> memref<1x640x64xf32, #tpu.memory_space<vmem>>
        %dma_start3A_220 = tpu.memref_squeeze %dma_start3A_219 : memref<1x640x64xf32, #tpu.memory_space<vmem>> -> memref<640x64xf32, #tpu.memory_space<vmem>>
        tpu.enqueue_dma source(%dma_start3A_220 : memref<640x64xf32, #tpu.memory_space<vmem>>) target(%dma_start3A_216 : memref<640x64xf32, #tpu.memory_space<hbm>>) target_semaphore(%run_scoped3A_208 : memref<!tpu.dma_semaphore, #tpu.memory_space<semaphore_mem>>)
        %dma_wait3A_221 = arith.constant 0 : i32
        %dma_wait3A_222 = arith.constant 0 : i32
        %dma_wait3A_223 = tpu.memref_slice %arg6[%run_scoped3A_173, %dma_wait3A_221, %dma_wait3A_222] : memref<2x640x64xf32, #tpu.memory_space<vmem>> -> memref<1x640x64xf32, #tpu.memory_space<vmem>>
        %dma_wait3A_224 = tpu.memref_squeeze %dma_wait3A_223 : memref<1x640x64xf32, #tpu.memory_space<vmem>> -> memref<640x64xf32, #tpu.memory_space<vmem>>
        %dma_wait3A_225 = arith.constant 0 : i32
        %dma_wait3A_226 = tpu.memref_slice %arg4[%add3A_172, %dma_wait3A_225] : memref<204800x64xf32, #tpu.memory_space<hbm>> -> memref<640x64xf32, #tpu.memory_space<hbm>>
        %dma_wait3A_227 = arith.constant 0 : i32
        %dma_wait3A_228 = tpu.memref_slice %arg4[%add3A_172, %dma_wait3A_227] : memref<204800x64xf32, #tpu.memory_space<hbm>> -> memref<640x64xf32, #tpu.memory_space<hbm>>
        %dma_wait3A_229 = arith.constant 0 : i32
        %dma_wait3A_230 = arith.constant 0 : i32
        %dma_wait3A_231 = tpu.memref_slice %arg6[%run_scoped3A_173, %dma_wait3A_229, %dma_wait3A_230] : memref<2x640x64xf32, #tpu.memory_space<vmem>> -> memref<1x640x64xf32, #tpu.memory_space<vmem>>
        %dma_wait3A_232 = tpu.memref_squeeze %dma_wait3A_231 : memref<1x640x64xf32, #tpu.memory_space<vmem>> -> memref<640x64xf32, #tpu.memory_space<vmem>>
        tpu.wait_dma2 semaphore(%run_scoped3A_208 : memref<!tpu.dma_semaphore, #tpu.memory_space<semaphore_mem>>) src(%dma_wait3A_232 : memref<640x64xf32, #tpu.memory_space<vmem>>) dst(%dma_wait3A_228 : memref<640x64xf32, #tpu.memory_space<hbm>>)
        tpu.yield
      }) : () -> ()
      %add3A_174 = arith.constant 2 : i32
      %add3A_175 = arith.addi %add3A_153, %add3A_174 : i32
      %lt3A = arith.constant 10 : i32
      %lt3A_176 = arith.cmpi slt, %add3A_175, %lt3A : i32
      %convert_element_type3A = arith.extui %lt3A_176 : i1 to i32
      %cond3A = arith.constant 0 : i32
      %cond3A_177 = arith.cmpi ne, %convert_element_type3A, %cond3A : i32
      scf.if %cond3A_177 {
        %add3A_208 = arith.constant 2 : i32
        %add3A_209 = arith.addi %add3A_153, %add3A_208 : i32
        %mul3A_210 = arith.constant 5 : i32
        %mul3A_211 = arith.muli %add3A_209, %mul3A_210 : i32
        %add3A_212 = arith.addi %add3A_4, %mul3A_211 : i32
        %run_scoped3A_213 = arith.constant 0 : i32
        "tpu.region"() ({
          %run_scoped3A_279 = tpu.sem_alloc : memref<!tpu.dma_semaphore, #tpu.memory_space<semaphore_mem>>
          %dma_start3A_280 = arith.constant 0 : i32
          %dma_start3A_281 = arith.constant 0 : i32
          %dma_start3A_282 = tpu.memref_slice %arg5[%run_scoped3A_213, %dma_start3A_280, %dma_start3A_281] : memref<2x5x128xi32, #tpu.memory_space<vmem>> -> memref<1x5x128xi32, #tpu.memory_space<vmem>>
          %dma_start3A_283 = tpu.memref_squeeze %dma_start3A_282 : memref<1x5x128xi32, #tpu.memory_space<vmem>> -> memref<5x128xi32, #tpu.memory_space<vmem>>
          %dma_start3A_284 = arith.constant 0 : i32
          %dma_start3A_285 = tpu.memref_slice %arg3[%add3A_212, %dma_start3A_284] : memref<6400x128xi32, #tpu.memory_space<hbm>> -> memref<5x128xi32, #tpu.memory_space<hbm>>
          %dma_start3A_286 = arith.constant 0 : i32
          %dma_start3A_287 = arith.constant 0 : i32
          %dma_start3A_288 = tpu.memref_slice %arg5[%run_scoped3A_213, %dma_start3A_286, %dma_start3A_287] : memref<2x5x128xi32, #tpu.memory_space<vmem>> -> memref<1x5x128xi32, #tpu.memory_space<vmem>>
          %dma_start3A_289 = tpu.memref_squeeze %dma_start3A_288 : memref<1x5x128xi32, #tpu.memory_space<vmem>> -> memref<5x128xi32, #tpu.memory_space<vmem>>
          %dma_start3A_290 = arith.constant 0 : i32
          %dma_start3A_291 = tpu.memref_slice %arg3[%add3A_212, %dma_start3A_290] : memref<6400x128xi32, #tpu.memory_space<hbm>> -> memref<5x128xi32, #tpu.memory_space<hbm>>
          tpu.enqueue_dma source(%dma_start3A_291 : memref<5x128xi32, #tpu.memory_space<hbm>>) target(%dma_start3A_289 : memref<5x128xi32, #tpu.memory_space<vmem>>) target_semaphore(%run_scoped3A_279 : memref<!tpu.dma_semaphore, #tpu.memory_space<semaphore_mem>>)
          %dma_wait3A_292 = arith.constant 0 : i32
          %dma_wait3A_293 = arith.constant 0 : i32
          %dma_wait3A_294 = tpu.memref_slice %arg5[%run_scoped3A_213, %dma_wait3A_292, %dma_wait3A_293] : memref<2x5x128xi32, #tpu.memory_space<vmem>> -> memref<1x5x128xi32, #tpu.memory_space<vmem>>
          %dma_wait3A_295 = tpu.memref_squeeze %dma_wait3A_294 : memref<1x5x128xi32, #tpu.memory_space<vmem>> -> memref<5x128xi32, #tpu.memory_space<vmem>>
          %dma_wait3A_296 = arith.constant 0 : i32
          %dma_wait3A_297 = tpu.memref_slice %arg3[%add3A_212, %dma_wait3A_296] : memref<6400x128xi32, #tpu.memory_space<hbm>> -> memref<5x128xi32, #tpu.memory_space<hbm>>
          %dma_wait3A_298 = arith.constant 0 : i32
          %dma_wait3A_299 = arith.constant 0 : i32
          %dma_wait3A_300 = tpu.memref_slice %arg5[%run_scoped3A_213, %dma_wait3A_298, %dma_wait3A_299] : memref<2x5x128xi32, #tpu.memory_space<vmem>> -> memref<1x5x128xi32, #tpu.memory_space<vmem>>
          %dma_wait3A_301 = tpu.memref_squeeze %dma_wait3A_300 : memref<1x5x128xi32, #tpu.memory_space<vmem>> -> memref<5x128xi32, #tpu.memory_space<vmem>>
          %dma_wait3A_302 = arith.constant 0 : i32
          %dma_wait3A_303 = tpu.memref_slice %arg3[%add3A_212, %dma_wait3A_302] : memref<6400x128xi32, #tpu.memory_space<hbm>> -> memref<5x128xi32, #tpu.memory_space<hbm>>
          tpu.wait_dma2 semaphore(%run_scoped3A_279 : memref<!tpu.dma_semaphore, #tpu.memory_space<semaphore_mem>>) src(%dma_wait3A_303 : memref<5x128xi32, #tpu.memory_space<hbm>>) dst(%dma_wait3A_301 : memref<5x128xi32, #tpu.memory_space<vmem>>)
          tpu.yield
        }) : () -> ()
        %dma_start3A_214 = arith.constant 0 : i32
        %dma_start3A_215 = arith.constant 0 : i32
        %dma_start3A_216 = arith.constant 0 : i32
        %dma_start3A_217 = arith.constant 0 : i32
        %dma_start3A_218 = arith.constant 0 : i32
        %dma_start3A_219 = tpu.memref_slice %arg6[%dma_start3A_216, %dma_start3A_217, %dma_start3A_218] : memref<2x640x64xf32, #tpu.memory_space<vmem>> -> memref<1x128x64xf32, #tpu.memory_space<vmem>>
        %dma_start3A_220 = tpu.memref_squeeze %dma_start3A_219 : memref<1x128x64xf32, #tpu.memory_space<vmem>> -> memref<128x64xf32, #tpu.memory_space<vmem>>
        %dma_start3A_221 = arith.constant 0 : i32
        %dma_start3A_222 = tpu.memref_slice %arg5[%dma_start3A_214, %dma_start3A_215, %dma_start3A_221] : memref<2x5x128xi32, #tpu.memory_space<vmem>> -> memref<1x1x128xi32, #tpu.memory_space<vmem>>
        %dma_start3A_223 = tpu.memref_squeeze %dma_start3A_222 : memref<1x1x128xi32, #tpu.memory_space<vmem>> -> memref<128xi32, #tpu.memory_space<vmem>>
        %dma_start3A_224 = arith.constant 0 : i32
        %dma_start3A_225 = arith.constant 0 : i32
        %dma_start3A_226 = tpu.memref_slice %arg2[%dma_start3A_224, %dma_start3A_225] : memref<1000000x64xf32, #tpu.memory_space<hbm>> -> memref<1000000x64xf32, #tpu.memory_space<hbm>>
        tpu.enqueue_indirect_dma source(%dma_start3A_226 : memref<1000000x64xf32, #tpu.memory_space<hbm>>) target(%dma_start3A_220 : memref<128x64xf32, #tpu.memory_space<vmem>>) offsets(%dma_start3A_223 : memref<128xi32, #tpu.memory_space<vmem>>) semaphore(%arg7 : memref<!tpu.dma_semaphore, #tpu.memory_space<semaphore_mem>>)
        %dma_start3A_227 = arith.constant 0 : i32
        %dma_start3A_228 = arith.constant 1 : i32
        %dma_start3A_229 = arith.constant 0 : i32
        %dma_start3A_230 = arith.constant 128 : i32
        %dma_start3A_231 = arith.constant 0 : i32
        %dma_start3A_232 = tpu.memref_slice %arg6[%dma_start3A_229, %dma_start3A_230, %dma_start3A_231] : memref<2x640x64xf32, #tpu.memory_space<vmem>> -> memref<1x128x64xf32, #tpu.memory_space<vmem>>
        %dma_start3A_233 = tpu.memref_squeeze %dma_start3A_232 : memref<1x128x64xf32, #tpu.memory_space<vmem>> -> memref<128x64xf32, #tpu.memory_space<vmem>>
        %dma_start3A_234 = arith.constant 0 : i32
        %dma_start3A_235 = tpu.memref_slice %arg5[%dma_start3A_227, %dma_start3A_228, %dma_start3A_234] : memref<2x5x128xi32, #tpu.memory_space<vmem>> -> memref<1x1x128xi32, #tpu.memory_space<vmem>>
        %dma_start3A_236 = tpu.memref_squeeze %dma_start3A_235 : memref<1x1x128xi32, #tpu.memory_space<vmem>> -> memref<128xi32, #tpu.memory_space<vmem>>
        %dma_start3A_237 = arith.constant 0 : i32
        %dma_start3A_238 = arith.constant 0 : i32
        %dma_start3A_239 = tpu.memref_slice %arg2[%dma_start3A_237, %dma_start3A_238] : memref<1000000x64xf32, #tpu.memory_space<hbm>> -> memref<1000000x64xf32, #tpu.memory_space<hbm>>
        tpu.enqueue_indirect_dma source(%dma_start3A_239 : memref<1000000x64xf32, #tpu.memory_space<hbm>>) target(%dma_start3A_233 : memref<128x64xf32, #tpu.memory_space<vmem>>) offsets(%dma_start3A_236 : memref<128xi32, #tpu.memory_space<vmem>>) semaphore(%arg7 : memref<!tpu.dma_semaphore, #tpu.memory_space<semaphore_mem>>)
        %dma_start3A_240 = arith.constant 0 : i32
        %dma_start3A_241 = arith.constant 2 : i32
        %dma_start3A_242 = arith.constant 0 : i32
        %dma_start3A_243 = arith.constant 256 : i32
        %dma_start3A_244 = arith.constant 0 : i32
        %dma_start3A_245 = tpu.memref_slice %arg6[%dma_start3A_242, %dma_start3A_243, %dma_start3A_244] : memref<2x640x64xf32, #tpu.memory_space<vmem>> -> memref<1x128x64xf32, #tpu.memory_space<vmem>>
        %dma_start3A_246 = tpu.memref_squeeze %dma_start3A_245 : memref<1x128x64xf32, #tpu.memory_space<vmem>> -> memref<128x64xf32, #tpu.memory_space<vmem>>
        %dma_start3A_247 = arith.constant 0 : i32
        %dma_start3A_248 = tpu.memref_slice %arg5[%dma_start3A_240, %dma_start3A_241, %dma_start3A_247] : memref<2x5x128xi32, #tpu.memory_space<vmem>> -> memref<1x1x128xi32, #tpu.memory_space<vmem>>
        %dma_start3A_249 = tpu.memref_squeeze %dma_start3A_248 : memref<1x1x128xi32, #tpu.memory_space<vmem>> -> memref<128xi32, #tpu.memory_space<vmem>>
        %dma_start3A_250 = arith.constant 0 : i32
        %dma_start3A_251 = arith.constant 0 : i32
        %dma_start3A_252 = tpu.memref_slice %arg2[%dma_start3A_250, %dma_start3A_251] : memref<1000000x64xf32, #tpu.memory_space<hbm>> -> memref<1000000x64xf32, #tpu.memory_space<hbm>>
        tpu.enqueue_indirect_dma source(%dma_start3A_252 : memref<1000000x64xf32, #tpu.memory_space<hbm>>) target(%dma_start3A_246 : memref<128x64xf32, #tpu.memory_space<vmem>>) offsets(%dma_start3A_249 : memref<128xi32, #tpu.memory_space<vmem>>) semaphore(%arg7 : memref<!tpu.dma_semaphore, #tpu.memory_space<semaphore_mem>>)
        %dma_start3A_253 = arith.constant 0 : i32
        %dma_start3A_254 = arith.constant 3 : i32
        %dma_start3A_255 = arith.constant 0 : i32
        %dma_start3A_256 = arith.constant 384 : i32
        %dma_start3A_257 = arith.constant 0 : i32
        %dma_start3A_258 = tpu.memref_slice %arg6[%dma_start3A_255, %dma_start3A_256, %dma_start3A_257] : memref<2x640x64xf32, #tpu.memory_space<vmem>> -> memref<1x128x64xf32, #tpu.memory_space<vmem>>
        %dma_start3A_259 = tpu.memref_squeeze %dma_start3A_258 : memref<1x128x64xf32, #tpu.memory_space<vmem>> -> memref<128x64xf32, #tpu.memory_space<vmem>>
        %dma_start3A_260 = arith.constant 0 : i32
        %dma_start3A_261 = tpu.memref_slice %arg5[%dma_start3A_253, %dma_start3A_254, %dma_start3A_260] : memref<2x5x128xi32, #tpu.memory_space<vmem>> -> memref<1x1x128xi32, #tpu.memory_space<vmem>>
        %dma_start3A_262 = tpu.memref_squeeze %dma_start3A_261 : memref<1x1x128xi32, #tpu.memory_space<vmem>> -> memref<128xi32, #tpu.memory_space<vmem>>
        %dma_start3A_263 = arith.constant 0 : i32
        %dma_start3A_264 = arith.constant 0 : i32
        %dma_start3A_265 = tpu.memref_slice %arg2[%dma_start3A_263, %dma_start3A_264] : memref<1000000x64xf32, #tpu.memory_space<hbm>> -> memref<1000000x64xf32, #tpu.memory_space<hbm>>
        tpu.enqueue_indirect_dma source(%dma_start3A_265 : memref<1000000x64xf32, #tpu.memory_space<hbm>>) target(%dma_start3A_259 : memref<128x64xf32, #tpu.memory_space<vmem>>) offsets(%dma_start3A_262 : memref<128xi32, #tpu.memory_space<vmem>>) semaphore(%arg7 : memref<!tpu.dma_semaphore, #tpu.memory_space<semaphore_mem>>)
        %dma_start3A_266 = arith.constant 0 : i32
        %dma_start3A_267 = arith.constant 4 : i32
        %dma_start3A_268 = arith.constant 0 : i32
        %dma_start3A_269 = arith.constant 512 : i32
        %dma_start3A_270 = arith.constant 0 : i32
        %dma_start3A_271 = tpu.memref_slice %arg6[%dma_start3A_268, %dma_start3A_269, %dma_start3A_270] : memref<2x640x64xf32, #tpu.memory_space<vmem>> -> memref<1x128x64xf32, #tpu.memory_space<vmem>>
        %dma_start3A_272 = tpu.memref_squeeze %dma_start3A_271 : memref<1x128x64xf32, #tpu.memory_space<vmem>> -> memref<128x64xf32, #tpu.memory_space<vmem>>
        %dma_start3A_273 = arith.constant 0 : i32
        %dma_start3A_274 = tpu.memref_slice %arg5[%dma_start3A_266, %dma_start3A_267, %dma_start3A_273] : memref<2x5x128xi32, #tpu.memory_space<vmem>> -> memref<1x1x128xi32, #tpu.memory_space<vmem>>
        %dma_start3A_275 = tpu.memref_squeeze %dma_start3A_274 : memref<1x1x128xi32, #tpu.memory_space<vmem>> -> memref<128xi32, #tpu.memory_space<vmem>>
        %dma_start3A_276 = arith.constant 0 : i32
        %dma_start3A_277 = arith.constant 0 : i32
        %dma_start3A_278 = tpu.memref_slice %arg2[%dma_start3A_276, %dma_start3A_277] : memref<1000000x64xf32, #tpu.memory_space<hbm>> -> memref<1000000x64xf32, #tpu.memory_space<hbm>>
        tpu.enqueue_indirect_dma source(%dma_start3A_278 : memref<1000000x64xf32, #tpu.memory_space<hbm>>) target(%dma_start3A_272 : memref<128x64xf32, #tpu.memory_space<vmem>>) offsets(%dma_start3A_275 : memref<128xi32, #tpu.memory_space<vmem>>) semaphore(%arg7 : memref<!tpu.dma_semaphore, #tpu.memory_space<semaphore_mem>>)
      } else {
      }
      %add3A_178 = arith.constant 1 : i32
      %add3A_179 = arith.addi %add3A_151, %add3A_178 : i32
      %dma_wait3A_180 = arith.constant 1 : i32
      %dma_wait3A_181 = arith.constant 0 : i32
      %dma_wait3A_182 = arith.constant 0 : i32
      %dma_wait3A_183 = tpu.memref_slice %arg6[%dma_wait3A_180, %dma_wait3A_181, %dma_wait3A_182] : memref<2x640x64xf32, #tpu.memory_space<vmem>> -> memref<1x640x64xf32, #tpu.memory_space<vmem>>
      %dma_wait3A_184 = tpu.memref_squeeze %dma_wait3A_183 : memref<1x640x64xf32, #tpu.memory_space<vmem>> -> memref<640x64xf32, #tpu.memory_space<vmem>>
      %dma_wait3A_185 = arith.constant 0 : i32
      %dma_wait3A_186 = arith.constant 0 : i32
      %dma_wait3A_187 = tpu.memref_slice %arg4[%dma_wait3A_185, %dma_wait3A_186] : memref<204800x64xf32, #tpu.memory_space<hbm>> -> memref<640x64xf32, #tpu.memory_space<hbm>>
      %dma_wait3A_188 = arith.constant 0 : i32
      %dma_wait3A_189 = arith.constant 0 : i32
      %dma_wait3A_190 = tpu.memref_slice %arg6[%dma_wait3A_180, %dma_wait3A_188, %dma_wait3A_189] : memref<2x640x64xf32, #tpu.memory_space<vmem>> -> memref<1x640x64xf32, #tpu.memory_space<vmem>>
      %dma_wait3A_191 = tpu.memref_squeeze %dma_wait3A_190 : memref<1x640x64xf32, #tpu.memory_space<vmem>> -> memref<640x64xf32, #tpu.memory_space<vmem>>
      %dma_wait3A_192 = arith.constant 0 : i32
      %dma_wait3A_193 = arith.constant 0 : i32
      %dma_wait3A_194 = tpu.memref_slice %arg4[%dma_wait3A_192, %dma_wait3A_193] : memref<204800x64xf32, #tpu.memory_space<hbm>> -> memref<640x64xf32, #tpu.memory_space<hbm>>
      tpu.wait_dma2 semaphore(%arg8 : memref<!tpu.dma_semaphore, #tpu.memory_space<semaphore_mem>>) src(%dma_wait3A_194 : memref<640x64xf32, #tpu.memory_space<hbm>>) dst(%dma_wait3A_191 : memref<640x64xf32, #tpu.memory_space<vmem>>)
      %mul3A_195 = arith.constant 5 : i32
      %mul3A_196 = arith.muli %add3A_179, %mul3A_195 : i32
      %mul3A_197 = arith.constant 128 : i32
      %mul3A_198 = arith.muli %mul3A_196, %mul3A_197 : i32
      %add3A_199 = arith.addi %mul3A_8, %mul3A_198 : i32
      %run_scoped3A_200 = arith.constant 1 : i32
      "tpu.region"() ({
        %run_scoped3A_208 = tpu.sem_alloc : memref<!tpu.dma_semaphore, #tpu.memory_space<semaphore_mem>>
        %dma_start3A_209 = arith.constant 0 : i32
        %dma_start3A_210 = arith.constant 0 : i32
        %dma_start3A_211 = tpu.memref_slice %arg6[%run_scoped3A_200, %dma_start3A_209, %dma_start3A_210] : memref<2x640x64xf32, #tpu.memory_space<vmem>> -> memref<1x640x64xf32, #tpu.memory_space<vmem>>
        %dma_start3A_212 = tpu.memref_squeeze %dma_start3A_211 : memref<1x640x64xf32, #tpu.memory_space<vmem>> -> memref<640x64xf32, #tpu.memory_space<vmem>>
        %dma_start3A_213 = arith.constant 0 : i32
        %dma_start3A_214 = tpu.memref_slice %arg4[%add3A_199, %dma_start3A_213] : memref<204800x64xf32, #tpu.memory_space<hbm>> -> memref<640x64xf32, #tpu.memory_space<hbm>>
        %dma_start3A_215 = arith.constant 0 : i32
        %dma_start3A_216 = tpu.memref_slice %arg4[%add3A_199, %dma_start3A_215] : memref<204800x64xf32, #tpu.memory_space<hbm>> -> memref<640x64xf32, #tpu.memory_space<hbm>>
        %dma_start3A_217 = arith.constant 0 : i32
        %dma_start3A_218 = arith.constant 0 : i32
        %dma_start3A_219 = tpu.memref_slice %arg6[%run_scoped3A_200, %dma_start3A_217, %dma_start3A_218] : memref<2x640x64xf32, #tpu.memory_space<vmem>> -> memref<1x640x64xf32, #tpu.memory_space<vmem>>
        %dma_start3A_220 = tpu.memref_squeeze %dma_start3A_219 : memref<1x640x64xf32, #tpu.memory_space<vmem>> -> memref<640x64xf32, #tpu.memory_space<vmem>>
        tpu.enqueue_dma source(%dma_start3A_220 : memref<640x64xf32, #tpu.memory_space<vmem>>) target(%dma_start3A_216 : memref<640x64xf32, #tpu.memory_space<hbm>>) target_semaphore(%run_scoped3A_208 : memref<!tpu.dma_semaphore, #tpu.memory_space<semaphore_mem>>)
        %dma_wait3A_221 = arith.constant 0 : i32
        %dma_wait3A_222 = arith.constant 0 : i32
        %dma_wait3A_223 = tpu.memref_slice %arg6[%run_scoped3A_200, %dma_wait3A_221, %dma_wait3A_222] : memref<2x640x64xf32, #tpu.memory_space<vmem>> -> memref<1x640x64xf32, #tpu.memory_space<vmem>>
        %dma_wait3A_224 = tpu.memref_squeeze %dma_wait3A_223 : memref<1x640x64xf32, #tpu.memory_space<vmem>> -> memref<640x64xf32, #tpu.memory_space<vmem>>
        %dma_wait3A_225 = arith.constant 0 : i32
        %dma_wait3A_226 = tpu.memref_slice %arg4[%add3A_199, %dma_wait3A_225] : memref<204800x64xf32, #tpu.memory_space<hbm>> -> memref<640x64xf32, #tpu.memory_space<hbm>>
        %dma_wait3A_227 = arith.constant 0 : i32
        %dma_wait3A_228 = tpu.memref_slice %arg4[%add3A_199, %dma_wait3A_227] : memref<204800x64xf32, #tpu.memory_space<hbm>> -> memref<640x64xf32, #tpu.memory_space<hbm>>
        %dma_wait3A_229 = arith.constant 0 : i32
        %dma_wait3A_230 = arith.constant 0 : i32
        %dma_wait3A_231 = tpu.memref_slice %arg6[%run_scoped3A_200, %dma_wait3A_229, %dma_wait3A_230] : memref<2x640x64xf32, #tpu.memory_space<vmem>> -> memref<1x640x64xf32, #tpu.memory_space<vmem>>
        %dma_wait3A_232 = tpu.memref_squeeze %dma_wait3A_231 : memref<1x640x64xf32, #tpu.memory_space<vmem>> -> memref<640x64xf32, #tpu.memory_space<vmem>>
        tpu.wait_dma2 semaphore(%run_scoped3A_208 : memref<!tpu.dma_semaphore, #tpu.memory_space<semaphore_mem>>) src(%dma_wait3A_232 : memref<640x64xf32, #tpu.memory_space<vmem>>) dst(%dma_wait3A_228 : memref<640x64xf32, #tpu.memory_space<hbm>>)
        tpu.yield
      }) : () -> ()
      %add3A_201 = arith.constant 2 : i32
      %add3A_202 = arith.addi %add3A_179, %add3A_201 : i32
      %lt3A_203 = arith.constant 10 : i32
      %lt3A_204 = arith.cmpi slt, %add3A_202, %lt3A_203 : i32
      %convert_element_type3A_205 = arith.extui %lt3A_204 : i1 to i32
      %cond3A_206 = arith.constant 0 : i32
      %cond3A_207 = arith.cmpi ne, %convert_element_type3A_205, %cond3A_206 : i32
      scf.if %cond3A_207 {
        %add3A_208 = arith.constant 2 : i32
        %add3A_209 = arith.addi %add3A_179, %add3A_208 : i32
        %mul3A_210 = arith.constant 5 : i32
        %mul3A_211 = arith.muli %add3A_209, %mul3A_210 : i32
        %add3A_212 = arith.addi %add3A_4, %mul3A_211 : i32
        %run_scoped3A_213 = arith.constant 1 : i32
        "tpu.region"() ({
          %run_scoped3A_279 = tpu.sem_alloc : memref<!tpu.dma_semaphore, #tpu.memory_space<semaphore_mem>>
          %dma_start3A_280 = arith.constant 0 : i32
          %dma_start3A_281 = arith.constant 0 : i32
          %dma_start3A_282 = tpu.memref_slice %arg5[%run_scoped3A_213, %dma_start3A_280, %dma_start3A_281] : memref<2x5x128xi32, #tpu.memory_space<vmem>> -> memref<1x5x128xi32, #tpu.memory_space<vmem>>
          %dma_start3A_283 = tpu.memref_squeeze %dma_start3A_282 : memref<1x5x128xi32, #tpu.memory_space<vmem>> -> memref<5x128xi32, #tpu.memory_space<vmem>>
          %dma_start3A_284 = arith.constant 0 : i32
          %dma_start3A_285 = tpu.memref_slice %arg3[%add3A_212, %dma_start3A_284] : memref<6400x128xi32, #tpu.memory_space<hbm>> -> memref<5x128xi32, #tpu.memory_space<hbm>>
          %dma_start3A_286 = arith.constant 0 : i32
          %dma_start3A_287 = arith.constant 0 : i32
          %dma_start3A_288 = tpu.memref_slice %arg5[%run_scoped3A_213, %dma_start3A_286, %dma_start3A_287] : memref<2x5x128xi32, #tpu.memory_space<vmem>> -> memref<1x5x128xi32, #tpu.memory_space<vmem>>
          %dma_start3A_289 = tpu.memref_squeeze %dma_start3A_288 : memref<1x5x128xi32, #tpu.memory_space<vmem>> -> memref<5x128xi32, #tpu.memory_space<vmem>>
          %dma_start3A_290 = arith.constant 0 : i32
          %dma_start3A_291 = tpu.memref_slice %arg3[%add3A_212, %dma_start3A_290] : memref<6400x128xi32, #tpu.memory_space<hbm>> -> memref<5x128xi32, #tpu.memory_space<hbm>>
          tpu.enqueue_dma source(%dma_start3A_291 : memref<5x128xi32, #tpu.memory_space<hbm>>) target(%dma_start3A_289 : memref<5x128xi32, #tpu.memory_space<vmem>>) target_semaphore(%run_scoped3A_279 : memref<!tpu.dma_semaphore, #tpu.memory_space<semaphore_mem>>)
          %dma_wait3A_292 = arith.constant 0 : i32
          %dma_wait3A_293 = arith.constant 0 : i32
          %dma_wait3A_294 = tpu.memref_slice %arg5[%run_scoped3A_213, %dma_wait3A_292, %dma_wait3A_293] : memref<2x5x128xi32, #tpu.memory_space<vmem>> -> memref<1x5x128xi32, #tpu.memory_space<vmem>>
          %dma_wait3A_295 = tpu.memref_squeeze %dma_wait3A_294 : memref<1x5x128xi32, #tpu.memory_space<vmem>> -> memref<5x128xi32, #tpu.memory_space<vmem>>
          %dma_wait3A_296 = arith.constant 0 : i32
          %dma_wait3A_297 = tpu.memref_slice %arg3[%add3A_212, %dma_wait3A_296] : memref<6400x128xi32, #tpu.memory_space<hbm>> -> memref<5x128xi32, #tpu.memory_space<hbm>>
          %dma_wait3A_298 = arith.constant 0 : i32
          %dma_wait3A_299 = arith.constant 0 : i32
          %dma_wait3A_300 = tpu.memref_slice %arg5[%run_scoped3A_213, %dma_wait3A_298, %dma_wait3A_299] : memref<2x5x128xi32, #tpu.memory_space<vmem>> -> memref<1x5x128xi32, #tpu.memory_space<vmem>>
          %dma_wait3A_301 = tpu.memref_squeeze %dma_wait3A_300 : memref<1x5x128xi32, #tpu.memory_space<vmem>> -> memref<5x128xi32, #tpu.memory_space<vmem>>
          %dma_wait3A_302 = arith.constant 0 : i32
          %dma_wait3A_303 = tpu.memref_slice %arg3[%add3A_212, %dma_wait3A_302] : memref<6400x128xi32, #tpu.memory_space<hbm>> -> memref<5x128xi32, #tpu.memory_space<hbm>>
          tpu.wait_dma2 semaphore(%run_scoped3A_279 : memref<!tpu.dma_semaphore, #tpu.memory_space<semaphore_mem>>) src(%dma_wait3A_303 : memref<5x128xi32, #tpu.memory_space<hbm>>) dst(%dma_wait3A_301 : memref<5x128xi32, #tpu.memory_space<vmem>>)
          tpu.yield
        }) : () -> ()
        %dma_start3A_214 = arith.constant 1 : i32
        %dma_start3A_215 = arith.constant 0 : i32
        %dma_start3A_216 = arith.constant 1 : i32
        %dma_start3A_217 = arith.constant 0 : i32
        %dma_start3A_218 = arith.constant 0 : i32
        %dma_start3A_219 = tpu.memref_slice %arg6[%dma_start3A_216, %dma_start3A_217, %dma_start3A_218] : memref<2x640x64xf32, #tpu.memory_space<vmem>> -> memref<1x128x64xf32, #tpu.memory_space<vmem>>
        %dma_start3A_220 = tpu.memref_squeeze %dma_start3A_219 : memref<1x128x64xf32, #tpu.memory_space<vmem>> -> memref<128x64xf32, #tpu.memory_space<vmem>>
        %dma_start3A_221 = arith.constant 0 : i32
        %dma_start3A_222 = tpu.memref_slice %arg5[%dma_start3A_214, %dma_start3A_215, %dma_start3A_221] : memref<2x5x128xi32, #tpu.memory_space<vmem>> -> memref<1x1x128xi32, #tpu.memory_space<vmem>>
        %dma_start3A_223 = tpu.memref_squeeze %dma_start3A_222 : memref<1x1x128xi32, #tpu.memory_space<vmem>> -> memref<128xi32, #tpu.memory_space<vmem>>
        %dma_start3A_224 = arith.constant 0 : i32
        %dma_start3A_225 = arith.constant 0 : i32
        %dma_start3A_226 = tpu.memref_slice %arg2[%dma_start3A_224, %dma_start3A_225] : memref<1000000x64xf32, #tpu.memory_space<hbm>> -> memref<1000000x64xf32, #tpu.memory_space<hbm>>
        tpu.enqueue_indirect_dma source(%dma_start3A_226 : memref<1000000x64xf32, #tpu.memory_space<hbm>>) target(%dma_start3A_220 : memref<128x64xf32, #tpu.memory_space<vmem>>) offsets(%dma_start3A_223 : memref<128xi32, #tpu.memory_space<vmem>>) semaphore(%arg8 : memref<!tpu.dma_semaphore, #tpu.memory_space<semaphore_mem>>)
        %dma_start3A_227 = arith.constant 1 : i32
        %dma_start3A_228 = arith.constant 1 : i32
        %dma_start3A_229 = arith.constant 1 : i32
        %dma_start3A_230 = arith.constant 128 : i32
        %dma_start3A_231 = arith.constant 0 : i32
        %dma_start3A_232 = tpu.memref_slice %arg6[%dma_start3A_229, %dma_start3A_230, %dma_start3A_231] : memref<2x640x64xf32, #tpu.memory_space<vmem>> -> memref<1x128x64xf32, #tpu.memory_space<vmem>>
        %dma_start3A_233 = tpu.memref_squeeze %dma_start3A_232 : memref<1x128x64xf32, #tpu.memory_space<vmem>> -> memref<128x64xf32, #tpu.memory_space<vmem>>
        %dma_start3A_234 = arith.constant 0 : i32
        %dma_start3A_235 = tpu.memref_slice %arg5[%dma_start3A_227, %dma_start3A_228, %dma_start3A_234] : memref<2x5x128xi32, #tpu.memory_space<vmem>> -> memref<1x1x128xi32, #tpu.memory_space<vmem>>
        %dma_start3A_236 = tpu.memref_squeeze %dma_start3A_235 : memref<1x1x128xi32, #tpu.memory_space<vmem>> -> memref<128xi32, #tpu.memory_space<vmem>>
        %dma_start3A_237 = arith.constant 0 : i32
        %dma_start3A_238 = arith.constant 0 : i32
        %dma_start3A_239 = tpu.memref_slice %arg2[%dma_start3A_237, %dma_start3A_238] : memref<1000000x64xf32, #tpu.memory_space<hbm>> -> memref<1000000x64xf32, #tpu.memory_space<hbm>>
        tpu.enqueue_indirect_dma source(%dma_start3A_239 : memref<1000000x64xf32, #tpu.memory_space<hbm>>) target(%dma_start3A_233 : memref<128x64xf32, #tpu.memory_space<vmem>>) offsets(%dma_start3A_236 : memref<128xi32, #tpu.memory_space<vmem>>) semaphore(%arg8 : memref<!tpu.dma_semaphore, #tpu.memory_space<semaphore_mem>>)
        %dma_start3A_240 = arith.constant 1 : i32
        %dma_start3A_241 = arith.constant 2 : i32
        %dma_start3A_242 = arith.constant 1 : i32
        %dma_start3A_243 = arith.constant 256 : i32
        %dma_start3A_244 = arith.constant 0 : i32
        %dma_start3A_245 = tpu.memref_slice %arg6[%dma_start3A_242, %dma_start3A_243, %dma_start3A_244] : memref<2x640x64xf32, #tpu.memory_space<vmem>> -> memref<1x128x64xf32, #tpu.memory_space<vmem>>
        %dma_start3A_246 = tpu.memref_squeeze %dma_start3A_245 : memref<1x128x64xf32, #tpu.memory_space<vmem>> -> memref<128x64xf32, #tpu.memory_space<vmem>>
        %dma_start3A_247 = arith.constant 0 : i32
        %dma_start3A_248 = tpu.memref_slice %arg5[%dma_start3A_240, %dma_start3A_241, %dma_start3A_247] : memref<2x5x128xi32, #tpu.memory_space<vmem>> -> memref<1x1x128xi32, #tpu.memory_space<vmem>>
        %dma_start3A_249 = tpu.memref_squeeze %dma_start3A_248 : memref<1x1x128xi32, #tpu.memory_space<vmem>> -> memref<128xi32, #tpu.memory_space<vmem>>
        %dma_start3A_250 = arith.constant 0 : i32
        %dma_start3A_251 = arith.constant 0 : i32
        %dma_start3A_252 = tpu.memref_slice %arg2[%dma_start3A_250, %dma_start3A_251] : memref<1000000x64xf32, #tpu.memory_space<hbm>> -> memref<1000000x64xf32, #tpu.memory_space<hbm>>
        tpu.enqueue_indirect_dma source(%dma_start3A_252 : memref<1000000x64xf32, #tpu.memory_space<hbm>>) target(%dma_start3A_246 : memref<128x64xf32, #tpu.memory_space<vmem>>) offsets(%dma_start3A_249 : memref<128xi32, #tpu.memory_space<vmem>>) semaphore(%arg8 : memref<!tpu.dma_semaphore, #tpu.memory_space<semaphore_mem>>)
        %dma_start3A_253 = arith.constant 1 : i32
        %dma_start3A_254 = arith.constant 3 : i32
        %dma_start3A_255 = arith.constant 1 : i32
        %dma_start3A_256 = arith.constant 384 : i32
        %dma_start3A_257 = arith.constant 0 : i32
        %dma_start3A_258 = tpu.memref_slice %arg6[%dma_start3A_255, %dma_start3A_256, %dma_start3A_257] : memref<2x640x64xf32, #tpu.memory_space<vmem>> -> memref<1x128x64xf32, #tpu.memory_space<vmem>>
        %dma_start3A_259 = tpu.memref_squeeze %dma_start3A_258 : memref<1x128x64xf32, #tpu.memory_space<vmem>> -> memref<128x64xf32, #tpu.memory_space<vmem>>
        %dma_start3A_260 = arith.constant 0 : i32
        %dma_start3A_261 = tpu.memref_slice %arg5[%dma_start3A_253, %dma_start3A_254, %dma_start3A_260] : memref<2x5x128xi32, #tpu.memory_space<vmem>> -> memref<1x1x128xi32, #tpu.memory_space<vmem>>
        %dma_start3A_262 = tpu.memref_squeeze %dma_start3A_261 : memref<1x1x128xi32, #tpu.memory_space<vmem>> -> memref<128xi32, #tpu.memory_space<vmem>>
        %dma_start3A_263 = arith.constant 0 : i32
        %dma_start3A_264 = arith.constant 0 : i32
        %dma_start3A_265 = tpu.memref_slice %arg2[%dma_start3A_263, %dma_start3A_264] : memref<1000000x64xf32, #tpu.memory_space<hbm>> -> memref<1000000x64xf32, #tpu.memory_space<hbm>>
        tpu.enqueue_indirect_dma source(%dma_start3A_265 : memref<1000000x64xf32, #tpu.memory_space<hbm>>) target(%dma_start3A_259 : memref<128x64xf32, #tpu.memory_space<vmem>>) offsets(%dma_start3A_262 : memref<128xi32, #tpu.memory_space<vmem>>) semaphore(%arg8 : memref<!tpu.dma_semaphore, #tpu.memory_space<semaphore_mem>>)
        %dma_start3A_266 = arith.constant 1 : i32
        %dma_start3A_267 = arith.constant 4 : i32
        %dma_start3A_268 = arith.constant 1 : i32
        %dma_start3A_269 = arith.constant 512 : i32
        %dma_start3A_270 = arith.constant 0 : i32
        %dma_start3A_271 = tpu.memref_slice %arg6[%dma_start3A_268, %dma_start3A_269, %dma_start3A_270] : memref<2x640x64xf32, #tpu.memory_space<vmem>> -> memref<1x128x64xf32, #tpu.memory_space<vmem>>
        %dma_start3A_272 = tpu.memref_squeeze %dma_start3A_271 : memref<1x128x64xf32, #tpu.memory_space<vmem>> -> memref<128x64xf32, #tpu.memory_space<vmem>>
        %dma_start3A_273 = arith.constant 0 : i32
        %dma_start3A_274 = tpu.memref_slice %arg5[%dma_start3A_266, %dma_start3A_267, %dma_start3A_273] : memref<2x5x128xi32, #tpu.memory_space<vmem>> -> memref<1x1x128xi32, #tpu.memory_space<vmem>>
        %dma_start3A_275 = tpu.memref_squeeze %dma_start3A_274 : memref<1x1x128xi32, #tpu.memory_space<vmem>> -> memref<128xi32, #tpu.memory_space<vmem>>
        %dma_start3A_276 = arith.constant 0 : i32
        %dma_start3A_277 = arith.constant 0 : i32
        %dma_start3A_278 = tpu.memref_slice %arg2[%dma_start3A_276, %dma_start3A_277] : memref<1000000x64xf32, #tpu.memory_space<hbm>> -> memref<1000000x64xf32, #tpu.memory_space<hbm>>
        tpu.enqueue_indirect_dma source(%dma_start3A_278 : memref<1000000x64xf32, #tpu.memory_space<hbm>>) target(%dma_start3A_272 : memref<128x64xf32, #tpu.memory_space<vmem>>) offsets(%dma_start3A_275 : memref<128xi32, #tpu.memory_space<vmem>>) semaphore(%arg8 : memref<!tpu.dma_semaphore, #tpu.memory_space<semaphore_mem>>)
      } else {
      }
    }
    %scan3A_146 = arith.constant 5 : i32
    return
  }
}

#map = affine_map<(d0, d1) -> (0, 0)>
module attributes {stable_mosaic.version = 14 : i64} {
  func.func @_embed_gather(%arg0: i32, %arg1: i32, %arg2: memref<1000000x64xf32, #tpu.memory_space<hbm>>, %arg3: memref<6400x128xi32, #tpu.memory_space<hbm>>, %arg4: memref<204800x64xf32, #tpu.memory_space<hbm>>, %arg5: memref<2x5x128xi32, #tpu.memory_space<vmem>>, %arg6: memref<2x640x64xf32, #tpu.memory_space<vmem>>, %arg7: memref<!tpu.dma_semaphore, #tpu.memory_space<semaphore_mem>>, %arg8: memref<!tpu.dma_semaphore, #tpu.memory_space<semaphore_mem>>) attributes {dimension_semantics = [#tpu.dimension_semantics<core_parallel>, #tpu.dimension_semantics<subcore_parallel>], iteration_bounds = array<i64: 2, 16>, scalar_prefetch = 0 : i64, scratch_operands = 4 : i64, tpu.core_type = #tpu.core_type<sc_vector_subcore>, window_params = [{transform_indices = #map}, {transform_indices = #map}, {transform_indices = #map}]} {
    %mul3A = arith.constant 2 : i32
    %mul3A_0 = arith.muli %arg1, %mul3A : i32
    %add3A = arith.addi %mul3A_0, %arg0 : i32
    %mul3A_1 = arith.constant 50 : i32
    %mul3A_2 = arith.muli %add3A, %mul3A_1 : i32
    %add3A_3 = arith.constant 3200 : i32
    %add3A_4 = arith.addi %add3A_3, %mul3A_2 : i32
    %mul3A_5 = arith.constant 50 : i32
    %mul3A_6 = arith.muli %add3A, %mul3A_5 : i32
    %mul3A_7 = arith.constant 128 : i32
    %mul3A_8 = arith.muli %mul3A_6, %mul3A_7 : i32
    %add3A_9 = arith.constant 0 : i32
    %add3A_10 = arith.addi %add3A_4, %add3A_9 : i32
    %run_scoped3A = arith.constant 0 : i32
    "tpu.region"() ({
      %run_scoped3A_147 = tpu.sem_alloc : memref<!tpu.dma_semaphore, #tpu.memory_space<semaphore_mem>>
      %dma_start3A_148 = arith.constant 0 : i32
      %dma_start3A_149 = arith.constant 0 : i32
      %dma_start3A_150 = tpu.memref_slice %arg5[%run_scoped3A, %dma_start3A_148, %dma_start3A_149] : memref<2x5x128xi32, #tpu.memory_space<vmem>> -> memref<1x5x128xi32, #tpu.memory_space<vmem>>
      %dma_start3A_151 = tpu.memref_squeeze %dma_start3A_150 : memref<1x5x128xi32, #tpu.memory_space<vmem>> -> memref<5x128xi32, #tpu.memory_space<vmem>>
      %dma_start3A_152 = arith.constant 0 : i32
      %dma_start3A_153 = tpu.memref_slice %arg3[%add3A_10, %dma_start3A_152] : memref<6400x128xi32, #tpu.memory_space<hbm>> -> memref<5x128xi32, #tpu.memory_space<hbm>>
      %dma_start3A_154 = arith.constant 0 : i32
      %dma_start3A_155 = arith.constant 0 : i32
      %dma_start3A_156 = tpu.memref_slice %arg5[%run_scoped3A, %dma_start3A_154, %dma_start3A_155] : memref<2x5x128xi32, #tpu.memory_space<vmem>> -> memref<1x5x128xi32, #tpu.memory_space<vmem>>
      %dma_start3A_157 = tpu.memref_squeeze %dma_start3A_156 : memref<1x5x128xi32, #tpu.memory_space<vmem>> -> memref<5x128xi32, #tpu.memory_space<vmem>>
      %dma_start3A_158 = arith.constant 0 : i32
      %dma_start3A_159 = tpu.memref_slice %arg3[%add3A_10, %dma_start3A_158] : memref<6400x128xi32, #tpu.memory_space<hbm>> -> memref<5x128xi32, #tpu.memory_space<hbm>>
      tpu.enqueue_dma source(%dma_start3A_159 : memref<5x128xi32, #tpu.memory_space<hbm>>) target(%dma_start3A_157 : memref<5x128xi32, #tpu.memory_space<vmem>>) target_semaphore(%run_scoped3A_147 : memref<!tpu.dma_semaphore, #tpu.memory_space<semaphore_mem>>)
      %dma_wait3A = arith.constant 0 : i32
      %dma_wait3A_160 = arith.constant 0 : i32
      %dma_wait3A_161 = tpu.memref_slice %arg5[%run_scoped3A, %dma_wait3A, %dma_wait3A_160] : memref<2x5x128xi32, #tpu.memory_space<vmem>> -> memref<1x5x128xi32, #tpu.memory_space<vmem>>
      %dma_wait3A_162 = tpu.memref_squeeze %dma_wait3A_161 : memref<1x5x128xi32, #tpu.memory_space<vmem>> -> memref<5x128xi32, #tpu.memory_space<vmem>>
      %dma_wait3A_163 = arith.constant 0 : i32
      %dma_wait3A_164 = tpu.memref_slice %arg3[%add3A_10, %dma_wait3A_163] : memref<6400x128xi32, #tpu.memory_space<hbm>> -> memref<5x128xi32, #tpu.memory_space<hbm>>
      %dma_wait3A_165 = arith.constant 0 : i32
      %dma_wait3A_166 = arith.constant 0 : i32
      %dma_wait3A_167 = tpu.memref_slice %arg5[%run_scoped3A, %dma_wait3A_165, %dma_wait3A_166] : memref<2x5x128xi32, #tpu.memory_space<vmem>> -> memref<1x5x128xi32, #tpu.memory_space<vmem>>
      %dma_wait3A_168 = tpu.memref_squeeze %dma_wait3A_167 : memref<1x5x128xi32, #tpu.memory_space<vmem>> -> memref<5x128xi32, #tpu.memory_space<vmem>>
      %dma_wait3A_169 = arith.constant 0 : i32
      %dma_wait3A_170 = tpu.memref_slice %arg3[%add3A_10, %dma_wait3A_169] : memref<6400x128xi32, #tpu.memory_space<hbm>> -> memref<5x128xi32, #tpu.memory_space<hbm>>
      tpu.wait_dma2 semaphore(%run_scoped3A_147 : memref<!tpu.dma_semaphore, #tpu.memory_space<semaphore_mem>>) src(%dma_wait3A_170 : memref<5x128xi32, #tpu.memory_space<hbm>>) dst(%dma_wait3A_168 : memref<5x128xi32, #tpu.memory_space<vmem>>)
      tpu.yield
    }) : () -> ()
    %dma_start3A = arith.constant 0 : i32
    %dma_start3A_11 = arith.constant 0 : i32
    %dma_start3A_12 = arith.constant 0 : i32
    %dma_start3A_13 = arith.constant 0 : i32
    %dma_start3A_14 = arith.constant 0 : i32
    %dma_start3A_15 = tpu.memref_slice %arg6[%dma_start3A_12, %dma_start3A_13, %dma_start3A_14] : memref<2x640x64xf32, #tpu.memory_space<vmem>> -> memref<1x128x64xf32, #tpu.memory_space<vmem>>
    %dma_start3A_16 = tpu.memref_squeeze %dma_start3A_15 : memref<1x128x64xf32, #tpu.memory_space<vmem>> -> memref<128x64xf32, #tpu.memory_space<vmem>>
    %dma_start3A_17 = arith.constant 0 : i32
    %dma_start3A_18 = tpu.memref_slice %arg5[%dma_start3A, %dma_start3A_11, %dma_start3A_17] : memref<2x5x128xi32, #tpu.memory_space<vmem>> -> memref<1x1x128xi32, #tpu.memory_space<vmem>>
    %dma_start3A_19 = tpu.memref_squeeze %dma_start3A_18 : memref<1x1x128xi32, #tpu.memory_space<vmem>> -> memref<128xi32, #tpu.memory_space<vmem>>
    %dma_start3A_20 = arith.constant 0 : i32
    %dma_start3A_21 = arith.constant 0 : i32
    %dma_start3A_22 = tpu.memref_slice %arg2[%dma_start3A_20, %dma_start3A_21] : memref<1000000x64xf32, #tpu.memory_space<hbm>> -> memref<1000000x64xf32, #tpu.memory_space<hbm>>
    tpu.enqueue_indirect_dma source(%dma_start3A_22 : memref<1000000x64xf32, #tpu.memory_space<hbm>>) target(%dma_start3A_16 : memref<128x64xf32, #tpu.memory_space<vmem>>) offsets(%dma_start3A_19 : memref<128xi32, #tpu.memory_space<vmem>>) semaphore(%arg7 : memref<!tpu.dma_semaphore, #tpu.memory_space<semaphore_mem>>)
    %dma_start3A_23 = arith.constant 0 : i32
    %dma_start3A_24 = arith.constant 1 : i32
    %dma_start3A_25 = arith.constant 0 : i32
    %dma_start3A_26 = arith.constant 128 : i32
    %dma_start3A_27 = arith.constant 0 : i32
    %dma_start3A_28 = tpu.memref_slice %arg6[%dma_start3A_25, %dma_start3A_26, %dma_start3A_27] : memref<2x640x64xf32, #tpu.memory_space<vmem>> -> memref<1x128x64xf32, #tpu.memory_space<vmem>>
    %dma_start3A_29 = tpu.memref_squeeze %dma_start3A_28 : memref<1x128x64xf32, #tpu.memory_space<vmem>> -> memref<128x64xf32, #tpu.memory_space<vmem>>
    %dma_start3A_30 = arith.constant 0 : i32
    %dma_start3A_31 = tpu.memref_slice %arg5[%dma_start3A_23, %dma_start3A_24, %dma_start3A_30] : memref<2x5x128xi32, #tpu.memory_space<vmem>> -> memref<1x1x128xi32, #tpu.memory_space<vmem>>
    %dma_start3A_32 = tpu.memref_squeeze %dma_start3A_31 : memref<1x1x128xi32, #tpu.memory_space<vmem>> -> memref<128xi32, #tpu.memory_space<vmem>>
    %dma_start3A_33 = arith.constant 0 : i32
    %dma_start3A_34 = arith.constant 0 : i32
    %dma_start3A_35 = tpu.memref_slice %arg2[%dma_start3A_33, %dma_start3A_34] : memref<1000000x64xf32, #tpu.memory_space<hbm>> -> memref<1000000x64xf32, #tpu.memory_space<hbm>>
    tpu.enqueue_indirect_dma source(%dma_start3A_35 : memref<1000000x64xf32, #tpu.memory_space<hbm>>) target(%dma_start3A_29 : memref<128x64xf32, #tpu.memory_space<vmem>>) offsets(%dma_start3A_32 : memref<128xi32, #tpu.memory_space<vmem>>) semaphore(%arg7 : memref<!tpu.dma_semaphore, #tpu.memory_space<semaphore_mem>>)
    %dma_start3A_36 = arith.constant 0 : i32
    %dma_start3A_37 = arith.constant 2 : i32
    %dma_start3A_38 = arith.constant 0 : i32
    %dma_start3A_39 = arith.constant 256 : i32
    %dma_start3A_40 = arith.constant 0 : i32
    %dma_start3A_41 = tpu.memref_slice %arg6[%dma_start3A_38, %dma_start3A_39, %dma_start3A_40] : memref<2x640x64xf32, #tpu.memory_space<vmem>> -> memref<1x128x64xf32, #tpu.memory_space<vmem>>
    %dma_start3A_42 = tpu.memref_squeeze %dma_start3A_41 : memref<1x128x64xf32, #tpu.memory_space<vmem>> -> memref<128x64xf32, #tpu.memory_space<vmem>>
    %dma_start3A_43 = arith.constant 0 : i32
    %dma_start3A_44 = tpu.memref_slice %arg5[%dma_start3A_36, %dma_start3A_37, %dma_start3A_43] : memref<2x5x128xi32, #tpu.memory_space<vmem>> -> memref<1x1x128xi32, #tpu.memory_space<vmem>>
    %dma_start3A_45 = tpu.memref_squeeze %dma_start3A_44 : memref<1x1x128xi32, #tpu.memory_space<vmem>> -> memref<128xi32, #tpu.memory_space<vmem>>
    %dma_start3A_46 = arith.constant 0 : i32
    %dma_start3A_47 = arith.constant 0 : i32
    %dma_start3A_48 = tpu.memref_slice %arg2[%dma_start3A_46, %dma_start3A_47] : memref<1000000x64xf32, #tpu.memory_space<hbm>> -> memref<1000000x64xf32, #tpu.memory_space<hbm>>
    tpu.enqueue_indirect_dma source(%dma_start3A_48 : memref<1000000x64xf32, #tpu.memory_space<hbm>>) target(%dma_start3A_42 : memref<128x64xf32, #tpu.memory_space<vmem>>) offsets(%dma_start3A_45 : memref<128xi32, #tpu.memory_space<vmem>>) semaphore(%arg7 : memref<!tpu.dma_semaphore, #tpu.memory_space<semaphore_mem>>)
    %dma_start3A_49 = arith.constant 0 : i32
    %dma_start3A_50 = arith.constant 3 : i32
    %dma_start3A_51 = arith.constant 0 : i32
    %dma_start3A_52 = arith.constant 384 : i32
    %dma_start3A_53 = arith.constant 0 : i32
    %dma_start3A_54 = tpu.memref_slice %arg6[%dma_start3A_51, %dma_start3A_52, %dma_start3A_53] : memref<2x640x64xf32, #tpu.memory_space<vmem>> -> memref<1x128x64xf32, #tpu.memory_space<vmem>>
    %dma_start3A_55 = tpu.memref_squeeze %dma_start3A_54 : memref<1x128x64xf32, #tpu.memory_space<vmem>> -> memref<128x64xf32, #tpu.memory_space<vmem>>
    %dma_start3A_56 = arith.constant 0 : i32
    %dma_start3A_57 = tpu.memref_slice %arg5[%dma_start3A_49, %dma_start3A_50, %dma_start3A_56] : memref<2x5x128xi32, #tpu.memory_space<vmem>> -> memref<1x1x128xi32, #tpu.memory_space<vmem>>
    %dma_start3A_58 = tpu.memref_squeeze %dma_start3A_57 : memref<1x1x128xi32, #tpu.memory_space<vmem>> -> memref<128xi32, #tpu.memory_space<vmem>>
    %dma_start3A_59 = arith.constant 0 : i32
    %dma_start3A_60 = arith.constant 0 : i32
    %dma_start3A_61 = tpu.memref_slice %arg2[%dma_start3A_59, %dma_start3A_60] : memref<1000000x64xf32, #tpu.memory_space<hbm>> -> memref<1000000x64xf32, #tpu.memory_space<hbm>>
    tpu.enqueue_indirect_dma source(%dma_start3A_61 : memref<1000000x64xf32, #tpu.memory_space<hbm>>) target(%dma_start3A_55 : memref<128x64xf32, #tpu.memory_space<vmem>>) offsets(%dma_start3A_58 : memref<128xi32, #tpu.memory_space<vmem>>) semaphore(%arg7 : memref<!tpu.dma_semaphore, #tpu.memory_space<semaphore_mem>>)
    %dma_start3A_62 = arith.constant 0 : i32
    %dma_start3A_63 = arith.constant 4 : i32
    %dma_start3A_64 = arith.constant 0 : i32
    %dma_start3A_65 = arith.constant 512 : i32
    %dma_start3A_66 = arith.constant 0 : i32
    %dma_start3A_67 = tpu.memref_slice %arg6[%dma_start3A_64, %dma_start3A_65, %dma_start3A_66] : memref<2x640x64xf32, #tpu.memory_space<vmem>> -> memref<1x128x64xf32, #tpu.memory_space<vmem>>
    %dma_start3A_68 = tpu.memref_squeeze %dma_start3A_67 : memref<1x128x64xf32, #tpu.memory_space<vmem>> -> memref<128x64xf32, #tpu.memory_space<vmem>>
    %dma_start3A_69 = arith.constant 0 : i32
    %dma_start3A_70 = tpu.memref_slice %arg5[%dma_start3A_62, %dma_start3A_63, %dma_start3A_69] : memref<2x5x128xi32, #tpu.memory_space<vmem>> -> memref<1x1x128xi32, #tpu.memory_space<vmem>>
    %dma_start3A_71 = tpu.memref_squeeze %dma_start3A_70 : memref<1x1x128xi32, #tpu.memory_space<vmem>> -> memref<128xi32, #tpu.memory_space<vmem>>
    %dma_start3A_72 = arith.constant 0 : i32
    %dma_start3A_73 = arith.constant 0 : i32
    %dma_start3A_74 = tpu.memref_slice %arg2[%dma_start3A_72, %dma_start3A_73] : memref<1000000x64xf32, #tpu.memory_space<hbm>> -> memref<1000000x64xf32, #tpu.memory_space<hbm>>
    tpu.enqueue_indirect_dma source(%dma_start3A_74 : memref<1000000x64xf32, #tpu.memory_space<hbm>>) target(%dma_start3A_68 : memref<128x64xf32, #tpu.memory_space<vmem>>) offsets(%dma_start3A_71 : memref<128xi32, #tpu.memory_space<vmem>>) semaphore(%arg7 : memref<!tpu.dma_semaphore, #tpu.memory_space<semaphore_mem>>)
    %add3A_75 = arith.constant 5 : i32
    %add3A_76 = arith.addi %add3A_4, %add3A_75 : i32
    %run_scoped3A_77 = arith.constant 1 : i32
    "tpu.region"() ({
      %run_scoped3A_147 = tpu.sem_alloc : memref<!tpu.dma_semaphore, #tpu.memory_space<semaphore_mem>>
      %dma_start3A_148 = arith.constant 0 : i32
      %dma_start3A_149 = arith.constant 0 : i32
      %dma_start3A_150 = tpu.memref_slice %arg5[%run_scoped3A_77, %dma_start3A_148, %dma_start3A_149] : memref<2x5x128xi32, #tpu.memory_space<vmem>> -> memref<1x5x128xi32, #tpu.memory_space<vmem>>
      %dma_start3A_151 = tpu.memref_squeeze %dma_start3A_150 : memref<1x5x128xi32, #tpu.memory_space<vmem>> -> memref<5x128xi32, #tpu.memory_space<vmem>>
      %dma_start3A_152 = arith.constant 0 : i32
      %dma_start3A_153 = tpu.memref_slice %arg3[%add3A_76, %dma_start3A_152] : memref<6400x128xi32, #tpu.memory_space<hbm>> -> memref<5x128xi32, #tpu.memory_space<hbm>>
      %dma_start3A_154 = arith.constant 0 : i32
      %dma_start3A_155 = arith.constant 0 : i32
      %dma_start3A_156 = tpu.memref_slice %arg5[%run_scoped3A_77, %dma_start3A_154, %dma_start3A_155] : memref<2x5x128xi32, #tpu.memory_space<vmem>> -> memref<1x5x128xi32, #tpu.memory_space<vmem>>
      %dma_start3A_157 = tpu.memref_squeeze %dma_start3A_156 : memref<1x5x128xi32, #tpu.memory_space<vmem>> -> memref<5x128xi32, #tpu.memory_space<vmem>>
      %dma_start3A_158 = arith.constant 0 : i32
      %dma_start3A_159 = tpu.memref_slice %arg3[%add3A_76, %dma_start3A_158] : memref<6400x128xi32, #tpu.memory_space<hbm>> -> memref<5x128xi32, #tpu.memory_space<hbm>>
      tpu.enqueue_dma source(%dma_start3A_159 : memref<5x128xi32, #tpu.memory_space<hbm>>) target(%dma_start3A_157 : memref<5x128xi32, #tpu.memory_space<vmem>>) target_semaphore(%run_scoped3A_147 : memref<!tpu.dma_semaphore, #tpu.memory_space<semaphore_mem>>)
      %dma_wait3A = arith.constant 0 : i32
      %dma_wait3A_160 = arith.constant 0 : i32
      %dma_wait3A_161 = tpu.memref_slice %arg5[%run_scoped3A_77, %dma_wait3A, %dma_wait3A_160] : memref<2x5x128xi32, #tpu.memory_space<vmem>> -> memref<1x5x128xi32, #tpu.memory_space<vmem>>
      %dma_wait3A_162 = tpu.memref_squeeze %dma_wait3A_161 : memref<1x5x128xi32, #tpu.memory_space<vmem>> -> memref<5x128xi32, #tpu.memory_space<vmem>>
      %dma_wait3A_163 = arith.constant 0 : i32
      %dma_wait3A_164 = tpu.memref_slice %arg3[%add3A_76, %dma_wait3A_163] : memref<6400x128xi32, #tpu.memory_space<hbm>> -> memref<5x128xi32, #tpu.memory_space<hbm>>
      %dma_wait3A_165 = arith.constant 0 : i32
      %dma_wait3A_166 = arith.constant 0 : i32
      %dma_wait3A_167 = tpu.memref_slice %arg5[%run_scoped3A_77, %dma_wait3A_165, %dma_wait3A_166] : memref<2x5x128xi32, #tpu.memory_space<vmem>> -> memref<1x5x128xi32, #tpu.memory_space<vmem>>
      %dma_wait3A_168 = tpu.memref_squeeze %dma_wait3A_167 : memref<1x5x128xi32, #tpu.memory_space<vmem>> -> memref<5x128xi32, #tpu.memory_space<vmem>>
      %dma_wait3A_169 = arith.constant 0 : i32
      %dma_wait3A_170 = tpu.memref_slice %arg3[%add3A_76, %dma_wait3A_169] : memref<6400x128xi32, #tpu.memory_space<hbm>> -> memref<5x128xi32, #tpu.memory_space<hbm>>
      tpu.wait_dma2 semaphore(%run_scoped3A_147 : memref<!tpu.dma_semaphore, #tpu.memory_space<semaphore_mem>>) src(%dma_wait3A_170 : memref<5x128xi32, #tpu.memory_space<hbm>>) dst(%dma_wait3A_168 : memref<5x128xi32, #tpu.memory_space<vmem>>)
      tpu.yield
    }) : () -> ()
    %dma_start3A_78 = arith.constant 1 : i32
    %dma_start3A_79 = arith.constant 0 : i32
    %dma_start3A_80 = arith.constant 1 : i32
    %dma_start3A_81 = arith.constant 0 : i32
    %dma_start3A_82 = arith.constant 0 : i32
    %dma_start3A_83 = tpu.memref_slice %arg6[%dma_start3A_80, %dma_start3A_81, %dma_start3A_82] : memref<2x640x64xf32, #tpu.memory_space<vmem>> -> memref<1x128x64xf32, #tpu.memory_space<vmem>>
    %dma_start3A_84 = tpu.memref_squeeze %dma_start3A_83 : memref<1x128x64xf32, #tpu.memory_space<vmem>> -> memref<128x64xf32, #tpu.memory_space<vmem>>
    %dma_start3A_85 = arith.constant 0 : i32
    %dma_start3A_86 = tpu.memref_slice %arg5[%dma_start3A_78, %dma_start3A_79, %dma_start3A_85] : memref<2x5x128xi32, #tpu.memory_space<vmem>> -> memref<1x1x128xi32, #tpu.memory_space<vmem>>
    %dma_start3A_87 = tpu.memref_squeeze %dma_start3A_86 : memref<1x1x128xi32, #tpu.memory_space<vmem>> -> memref<128xi32, #tpu.memory_space<vmem>>
    %dma_start3A_88 = arith.constant 0 : i32
    %dma_start3A_89 = arith.constant 0 : i32
    %dma_start3A_90 = tpu.memref_slice %arg2[%dma_start3A_88, %dma_start3A_89] : memref<1000000x64xf32, #tpu.memory_space<hbm>> -> memref<1000000x64xf32, #tpu.memory_space<hbm>>
    tpu.enqueue_indirect_dma source(%dma_start3A_90 : memref<1000000x64xf32, #tpu.memory_space<hbm>>) target(%dma_start3A_84 : memref<128x64xf32, #tpu.memory_space<vmem>>) offsets(%dma_start3A_87 : memref<128xi32, #tpu.memory_space<vmem>>) semaphore(%arg8 : memref<!tpu.dma_semaphore, #tpu.memory_space<semaphore_mem>>)
    %dma_start3A_91 = arith.constant 1 : i32
    %dma_start3A_92 = arith.constant 1 : i32
    %dma_start3A_93 = arith.constant 1 : i32
    %dma_start3A_94 = arith.constant 128 : i32
    %dma_start3A_95 = arith.constant 0 : i32
    %dma_start3A_96 = tpu.memref_slice %arg6[%dma_start3A_93, %dma_start3A_94, %dma_start3A_95] : memref<2x640x64xf32, #tpu.memory_space<vmem>> -> memref<1x128x64xf32, #tpu.memory_space<vmem>>
    %dma_start3A_97 = tpu.memref_squeeze %dma_start3A_96 : memref<1x128x64xf32, #tpu.memory_space<vmem>> -> memref<128x64xf32, #tpu.memory_space<vmem>>
    %dma_start3A_98 = arith.constant 0 : i32
    %dma_start3A_99 = tpu.memref_slice %arg5[%dma_start3A_91, %dma_start3A_92, %dma_start3A_98] : memref<2x5x128xi32, #tpu.memory_space<vmem>> -> memref<1x1x128xi32, #tpu.memory_space<vmem>>
    %dma_start3A_100 = tpu.memref_squeeze %dma_start3A_99 : memref<1x1x128xi32, #tpu.memory_space<vmem>> -> memref<128xi32, #tpu.memory_space<vmem>>
    %dma_start3A_101 = arith.constant 0 : i32
    %dma_start3A_102 = arith.constant 0 : i32
    %dma_start3A_103 = tpu.memref_slice %arg2[%dma_start3A_101, %dma_start3A_102] : memref<1000000x64xf32, #tpu.memory_space<hbm>> -> memref<1000000x64xf32, #tpu.memory_space<hbm>>
    tpu.enqueue_indirect_dma source(%dma_start3A_103 : memref<1000000x64xf32, #tpu.memory_space<hbm>>) target(%dma_start3A_97 : memref<128x64xf32, #tpu.memory_space<vmem>>) offsets(%dma_start3A_100 : memref<128xi32, #tpu.memory_space<vmem>>) semaphore(%arg8 : memref<!tpu.dma_semaphore, #tpu.memory_space<semaphore_mem>>)
    %dma_start3A_104 = arith.constant 1 : i32
    %dma_start3A_105 = arith.constant 2 : i32
    %dma_start3A_106 = arith.constant 1 : i32
    %dma_start3A_107 = arith.constant 256 : i32
    %dma_start3A_108 = arith.constant 0 : i32
    %dma_start3A_109 = tpu.memref_slice %arg6[%dma_start3A_106, %dma_start3A_107, %dma_start3A_108] : memref<2x640x64xf32, #tpu.memory_space<vmem>> -> memref<1x128x64xf32, #tpu.memory_space<vmem>>
    %dma_start3A_110 = tpu.memref_squeeze %dma_start3A_109 : memref<1x128x64xf32, #tpu.memory_space<vmem>> -> memref<128x64xf32, #tpu.memory_space<vmem>>
    %dma_start3A_111 = arith.constant 0 : i32
    %dma_start3A_112 = tpu.memref_slice %arg5[%dma_start3A_104, %dma_start3A_105, %dma_start3A_111] : memref<2x5x128xi32, #tpu.memory_space<vmem>> -> memref<1x1x128xi32, #tpu.memory_space<vmem>>
    %dma_start3A_113 = tpu.memref_squeeze %dma_start3A_112 : memref<1x1x128xi32, #tpu.memory_space<vmem>> -> memref<128xi32, #tpu.memory_space<vmem>>
    %dma_start3A_114 = arith.constant 0 : i32
    %dma_start3A_115 = arith.constant 0 : i32
    %dma_start3A_116 = tpu.memref_slice %arg2[%dma_start3A_114, %dma_start3A_115] : memref<1000000x64xf32, #tpu.memory_space<hbm>> -> memref<1000000x64xf32, #tpu.memory_space<hbm>>
    tpu.enqueue_indirect_dma source(%dma_start3A_116 : memref<1000000x64xf32, #tpu.memory_space<hbm>>) target(%dma_start3A_110 : memref<128x64xf32, #tpu.memory_space<vmem>>) offsets(%dma_start3A_113 : memref<128xi32, #tpu.memory_space<vmem>>) semaphore(%arg8 : memref<!tpu.dma_semaphore, #tpu.memory_space<semaphore_mem>>)
    %dma_start3A_117 = arith.constant 1 : i32
    %dma_start3A_118 = arith.constant 3 : i32
    %dma_start3A_119 = arith.constant 1 : i32
    %dma_start3A_120 = arith.constant 384 : i32
    %dma_start3A_121 = arith.constant 0 : i32
    %dma_start3A_122 = tpu.memref_slice %arg6[%dma_start3A_119, %dma_start3A_120, %dma_start3A_121] : memref<2x640x64xf32, #tpu.memory_space<vmem>> -> memref<1x128x64xf32, #tpu.memory_space<vmem>>
    %dma_start3A_123 = tpu.memref_squeeze %dma_start3A_122 : memref<1x128x64xf32, #tpu.memory_space<vmem>> -> memref<128x64xf32, #tpu.memory_space<vmem>>
    %dma_start3A_124 = arith.constant 0 : i32
    %dma_start3A_125 = tpu.memref_slice %arg5[%dma_start3A_117, %dma_start3A_118, %dma_start3A_124] : memref<2x5x128xi32, #tpu.memory_space<vmem>> -> memref<1x1x128xi32, #tpu.memory_space<vmem>>
    %dma_start3A_126 = tpu.memref_squeeze %dma_start3A_125 : memref<1x1x128xi32, #tpu.memory_space<vmem>> -> memref<128xi32, #tpu.memory_space<vmem>>
    %dma_start3A_127 = arith.constant 0 : i32
    %dma_start3A_128 = arith.constant 0 : i32
    %dma_start3A_129 = tpu.memref_slice %arg2[%dma_start3A_127, %dma_start3A_128] : memref<1000000x64xf32, #tpu.memory_space<hbm>> -> memref<1000000x64xf32, #tpu.memory_space<hbm>>
    tpu.enqueue_indirect_dma source(%dma_start3A_129 : memref<1000000x64xf32, #tpu.memory_space<hbm>>) target(%dma_start3A_123 : memref<128x64xf32, #tpu.memory_space<vmem>>) offsets(%dma_start3A_126 : memref<128xi32, #tpu.memory_space<vmem>>) semaphore(%arg8 : memref<!tpu.dma_semaphore, #tpu.memory_space<semaphore_mem>>)
    %dma_start3A_130 = arith.constant 1 : i32
    %dma_start3A_131 = arith.constant 4 : i32
    %dma_start3A_132 = arith.constant 1 : i32
    %dma_start3A_133 = arith.constant 512 : i32
    %dma_start3A_134 = arith.constant 0 : i32
    %dma_start3A_135 = tpu.memref_slice %arg6[%dma_start3A_132, %dma_start3A_133, %dma_start3A_134] : memref<2x640x64xf32, #tpu.memory_space<vmem>> -> memref<1x128x64xf32, #tpu.memory_space<vmem>>
    %dma_start3A_136 = tpu.memref_squeeze %dma_start3A_135 : memref<1x128x64xf32, #tpu.memory_space<vmem>> -> memref<128x64xf32, #tpu.memory_space<vmem>>
    %dma_start3A_137 = arith.constant 0 : i32
    %dma_start3A_138 = tpu.memref_slice %arg5[%dma_start3A_130, %dma_start3A_131, %dma_start3A_137] : memref<2x5x128xi32, #tpu.memory_space<vmem>> -> memref<1x1x128xi32, #tpu.memory_space<vmem>>
    %dma_start3A_139 = tpu.memref_squeeze %dma_start3A_138 : memref<1x1x128xi32, #tpu.memory_space<vmem>> -> memref<128xi32, #tpu.memory_space<vmem>>
    %dma_start3A_140 = arith.constant 0 : i32
    %dma_start3A_141 = arith.constant 0 : i32
    %dma_start3A_142 = tpu.memref_slice %arg2[%dma_start3A_140, %dma_start3A_141] : memref<1000000x64xf32, #tpu.memory_space<hbm>> -> memref<1000000x64xf32, #tpu.memory_space<hbm>>
    tpu.enqueue_indirect_dma source(%dma_start3A_142 : memref<1000000x64xf32, #tpu.memory_space<hbm>>) target(%dma_start3A_136 : memref<128x64xf32, #tpu.memory_space<vmem>>) offsets(%dma_start3A_139 : memref<128xi32, #tpu.memory_space<vmem>>) semaphore(%arg8 : memref<!tpu.dma_semaphore, #tpu.memory_space<semaphore_mem>>)
    %scan3A = arith.constant 0 : i32
    %scan3A_143 = arith.constant 5 : i32
    %scan3A_144 = arith.addi %scan3A, %scan3A_143 : i32
    %scan3A_145 = arith.constant 1 : i32
    scf.for %scan3A_147 = %scan3A to %scan3A_144 step %scan3A_145  : i32 {
      %mul3A_148 = arith.constant 2 : i32
      %mul3A_149 = arith.muli %scan3A_147, %mul3A_148 : i32
      %add3A_150 = arith.constant 0 : i32
      %add3A_151 = arith.addi %add3A_150, %mul3A_149 : i32
      %add3A_152 = arith.constant 0 : i32
      %add3A_153 = arith.addi %add3A_151, %add3A_152 : i32
      %dma_wait3A = arith.constant 0 : i32
      %dma_wait3A_154 = arith.constant 0 : i32
      %dma_wait3A_155 = arith.constant 0 : i32
      %dma_wait3A_156 = tpu.memref_slice %arg6[%dma_wait3A, %dma_wait3A_154, %dma_wait3A_155] : memref<2x640x64xf32, #tpu.memory_space<vmem>> -> memref<1x640x64xf32, #tpu.memory_space<vmem>>
      %dma_wait3A_157 = tpu.memref_squeeze %dma_wait3A_156 : memref<1x640x64xf32, #tpu.memory_space<vmem>> -> memref<640x64xf32, #tpu.memory_space<vmem>>
      %dma_wait3A_158 = arith.constant 0 : i32
      %dma_wait3A_159 = arith.constant 0 : i32
      %dma_wait3A_160 = tpu.memref_slice %arg4[%dma_wait3A_158, %dma_wait3A_159] : memref<204800x64xf32, #tpu.memory_space<hbm>> -> memref<640x64xf32, #tpu.memory_space<hbm>>
      %dma_wait3A_161 = arith.constant 0 : i32
      %dma_wait3A_162 = arith.constant 0 : i32
      %dma_wait3A_163 = tpu.memref_slice %arg6[%dma_wait3A, %dma_wait3A_161, %dma_wait3A_162] : memref<2x640x64xf32, #tpu.memory_space<vmem>> -> memref<1x640x64xf32, #tpu.memory_space<vmem>>
      %dma_wait3A_164 = tpu.memref_squeeze %dma_wait3A_163 : memref<1x640x64xf32, #tpu.memory_space<vmem>> -> memref<640x64xf32, #tpu.memory_space<vmem>>
      %dma_wait3A_165 = arith.constant 0 : i32
      %dma_wait3A_166 = arith.constant 0 : i32
      %dma_wait3A_167 = tpu.memref_slice %arg4[%dma_wait3A_165, %dma_wait3A_166] : memref<204800x64xf32, #tpu.memory_space<hbm>> -> memref<640x64xf32, #tpu.memory_space<hbm>>
      tpu.wait_dma2 semaphore(%arg7 : memref<!tpu.dma_semaphore, #tpu.memory_space<semaphore_mem>>) src(%dma_wait3A_167 : memref<640x64xf32, #tpu.memory_space<hbm>>) dst(%dma_wait3A_164 : memref<640x64xf32, #tpu.memory_space<vmem>>)
      %mul3A_168 = arith.constant 5 : i32
      %mul3A_169 = arith.muli %add3A_153, %mul3A_168 : i32
      %mul3A_170 = arith.constant 128 : i32
      %mul3A_171 = arith.muli %mul3A_169, %mul3A_170 : i32
      %add3A_172 = arith.addi %mul3A_8, %mul3A_171 : i32
      %run_scoped3A_173 = arith.constant 0 : i32
      "tpu.region"() ({
        %run_scoped3A_208 = tpu.sem_alloc : memref<!tpu.dma_semaphore, #tpu.memory_space<semaphore_mem>>
        %dma_start3A_209 = arith.constant 0 : i32
        %dma_start3A_210 = arith.constant 0 : i32
        %dma_start3A_211 = tpu.memref_slice %arg6[%run_scoped3A_173, %dma_start3A_209, %dma_start3A_210] : memref<2x640x64xf32, #tpu.memory_space<vmem>> -> memref<1x640x64xf32, #tpu.memory_space<vmem>>
        %dma_start3A_212 = tpu.memref_squeeze %dma_start3A_211 : memref<1x640x64xf32, #tpu.memory_space<vmem>> -> memref<640x64xf32, #tpu.memory_space<vmem>>
        %dma_start3A_213 = arith.constant 0 : i32
        %dma_start3A_214 = tpu.memref_slice %arg4[%add3A_172, %dma_start3A_213] : memref<204800x64xf32, #tpu.memory_space<hbm>> -> memref<640x64xf32, #tpu.memory_space<hbm>>
        %dma_start3A_215 = arith.constant 0 : i32
        %dma_start3A_216 = tpu.memref_slice %arg4[%add3A_172, %dma_start3A_215] : memref<204800x64xf32, #tpu.memory_space<hbm>> -> memref<640x64xf32, #tpu.memory_space<hbm>>
        %dma_start3A_217 = arith.constant 0 : i32
        %dma_start3A_218 = arith.constant 0 : i32
        %dma_start3A_219 = tpu.memref_slice %arg6[%run_scoped3A_173, %dma_start3A_217, %dma_start3A_218] : memref<2x640x64xf32, #tpu.memory_space<vmem>> -> memref<1x640x64xf32, #tpu.memory_space<vmem>>
        %dma_start3A_220 = tpu.memref_squeeze %dma_start3A_219 : memref<1x640x64xf32, #tpu.memory_space<vmem>> -> memref<640x64xf32, #tpu.memory_space<vmem>>
        tpu.enqueue_dma source(%dma_start3A_220 : memref<640x64xf32, #tpu.memory_space<vmem>>) target(%dma_start3A_216 : memref<640x64xf32, #tpu.memory_space<hbm>>) target_semaphore(%run_scoped3A_208 : memref<!tpu.dma_semaphore, #tpu.memory_space<semaphore_mem>>)
        %dma_wait3A_221 = arith.constant 0 : i32
        %dma_wait3A_222 = arith.constant 0 : i32
        %dma_wait3A_223 = tpu.memref_slice %arg6[%run_scoped3A_173, %dma_wait3A_221, %dma_wait3A_222] : memref<2x640x64xf32, #tpu.memory_space<vmem>> -> memref<1x640x64xf32, #tpu.memory_space<vmem>>
        %dma_wait3A_224 = tpu.memref_squeeze %dma_wait3A_223 : memref<1x640x64xf32, #tpu.memory_space<vmem>> -> memref<640x64xf32, #tpu.memory_space<vmem>>
        %dma_wait3A_225 = arith.constant 0 : i32
        %dma_wait3A_226 = tpu.memref_slice %arg4[%add3A_172, %dma_wait3A_225] : memref<204800x64xf32, #tpu.memory_space<hbm>> -> memref<640x64xf32, #tpu.memory_space<hbm>>
        %dma_wait3A_227 = arith.constant 0 : i32
        %dma_wait3A_228 = tpu.memref_slice %arg4[%add3A_172, %dma_wait3A_227] : memref<204800x64xf32, #tpu.memory_space<hbm>> -> memref<640x64xf32, #tpu.memory_space<hbm>>
        %dma_wait3A_229 = arith.constant 0 : i32
        %dma_wait3A_230 = arith.constant 0 : i32
        %dma_wait3A_231 = tpu.memref_slice %arg6[%run_scoped3A_173, %dma_wait3A_229, %dma_wait3A_230] : memref<2x640x64xf32, #tpu.memory_space<vmem>> -> memref<1x640x64xf32, #tpu.memory_space<vmem>>
        %dma_wait3A_232 = tpu.memref_squeeze %dma_wait3A_231 : memref<1x640x64xf32, #tpu.memory_space<vmem>> -> memref<640x64xf32, #tpu.memory_space<vmem>>
        tpu.wait_dma2 semaphore(%run_scoped3A_208 : memref<!tpu.dma_semaphore, #tpu.memory_space<semaphore_mem>>) src(%dma_wait3A_232 : memref<640x64xf32, #tpu.memory_space<vmem>>) dst(%dma_wait3A_228 : memref<640x64xf32, #tpu.memory_space<hbm>>)
        tpu.yield
      }) : () -> ()
      %add3A_174 = arith.constant 2 : i32
      %add3A_175 = arith.addi %add3A_153, %add3A_174 : i32
      %lt3A = arith.constant 10 : i32
      %lt3A_176 = arith.cmpi slt, %add3A_175, %lt3A : i32
      %convert_element_type3A = arith.extui %lt3A_176 : i1 to i32
      %cond3A = arith.constant 0 : i32
      %cond3A_177 = arith.cmpi ne, %convert_element_type3A, %cond3A : i32
      scf.if %cond3A_177 {
        %add3A_208 = arith.constant 2 : i32
        %add3A_209 = arith.addi %add3A_153, %add3A_208 : i32
        %mul3A_210 = arith.constant 5 : i32
        %mul3A_211 = arith.muli %add3A_209, %mul3A_210 : i32
        %add3A_212 = arith.addi %add3A_4, %mul3A_211 : i32
        %run_scoped3A_213 = arith.constant 0 : i32
        "tpu.region"() ({
          %run_scoped3A_279 = tpu.sem_alloc : memref<!tpu.dma_semaphore, #tpu.memory_space<semaphore_mem>>
          %dma_start3A_280 = arith.constant 0 : i32
          %dma_start3A_281 = arith.constant 0 : i32
          %dma_start3A_282 = tpu.memref_slice %arg5[%run_scoped3A_213, %dma_start3A_280, %dma_start3A_281] : memref<2x5x128xi32, #tpu.memory_space<vmem>> -> memref<1x5x128xi32, #tpu.memory_space<vmem>>
          %dma_start3A_283 = tpu.memref_squeeze %dma_start3A_282 : memref<1x5x128xi32, #tpu.memory_space<vmem>> -> memref<5x128xi32, #tpu.memory_space<vmem>>
          %dma_start3A_284 = arith.constant 0 : i32
          %dma_start3A_285 = tpu.memref_slice %arg3[%add3A_212, %dma_start3A_284] : memref<6400x128xi32, #tpu.memory_space<hbm>> -> memref<5x128xi32, #tpu.memory_space<hbm>>
          %dma_start3A_286 = arith.constant 0 : i32
          %dma_start3A_287 = arith.constant 0 : i32
          %dma_start3A_288 = tpu.memref_slice %arg5[%run_scoped3A_213, %dma_start3A_286, %dma_start3A_287] : memref<2x5x128xi32, #tpu.memory_space<vmem>> -> memref<1x5x128xi32, #tpu.memory_space<vmem>>
          %dma_start3A_289 = tpu.memref_squeeze %dma_start3A_288 : memref<1x5x128xi32, #tpu.memory_space<vmem>> -> memref<5x128xi32, #tpu.memory_space<vmem>>
          %dma_start3A_290 = arith.constant 0 : i32
          %dma_start3A_291 = tpu.memref_slice %arg3[%add3A_212, %dma_start3A_290] : memref<6400x128xi32, #tpu.memory_space<hbm>> -> memref<5x128xi32, #tpu.memory_space<hbm>>
          tpu.enqueue_dma source(%dma_start3A_291 : memref<5x128xi32, #tpu.memory_space<hbm>>) target(%dma_start3A_289 : memref<5x128xi32, #tpu.memory_space<vmem>>) target_semaphore(%run_scoped3A_279 : memref<!tpu.dma_semaphore, #tpu.memory_space<semaphore_mem>>)
          %dma_wait3A_292 = arith.constant 0 : i32
          %dma_wait3A_293 = arith.constant 0 : i32
          %dma_wait3A_294 = tpu.memref_slice %arg5[%run_scoped3A_213, %dma_wait3A_292, %dma_wait3A_293] : memref<2x5x128xi32, #tpu.memory_space<vmem>> -> memref<1x5x128xi32, #tpu.memory_space<vmem>>
          %dma_wait3A_295 = tpu.memref_squeeze %dma_wait3A_294 : memref<1x5x128xi32, #tpu.memory_space<vmem>> -> memref<5x128xi32, #tpu.memory_space<vmem>>
          %dma_wait3A_296 = arith.constant 0 : i32
          %dma_wait3A_297 = tpu.memref_slice %arg3[%add3A_212, %dma_wait3A_296] : memref<6400x128xi32, #tpu.memory_space<hbm>> -> memref<5x128xi32, #tpu.memory_space<hbm>>
          %dma_wait3A_298 = arith.constant 0 : i32
          %dma_wait3A_299 = arith.constant 0 : i32
          %dma_wait3A_300 = tpu.memref_slice %arg5[%run_scoped3A_213, %dma_wait3A_298, %dma_wait3A_299] : memref<2x5x128xi32, #tpu.memory_space<vmem>> -> memref<1x5x128xi32, #tpu.memory_space<vmem>>
          %dma_wait3A_301 = tpu.memref_squeeze %dma_wait3A_300 : memref<1x5x128xi32, #tpu.memory_space<vmem>> -> memref<5x128xi32, #tpu.memory_space<vmem>>
          %dma_wait3A_302 = arith.constant 0 : i32
          %dma_wait3A_303 = tpu.memref_slice %arg3[%add3A_212, %dma_wait3A_302] : memref<6400x128xi32, #tpu.memory_space<hbm>> -> memref<5x128xi32, #tpu.memory_space<hbm>>
          tpu.wait_dma2 semaphore(%run_scoped3A_279 : memref<!tpu.dma_semaphore, #tpu.memory_space<semaphore_mem>>) src(%dma_wait3A_303 : memref<5x128xi32, #tpu.memory_space<hbm>>) dst(%dma_wait3A_301 : memref<5x128xi32, #tpu.memory_space<vmem>>)
          tpu.yield
        }) : () -> ()
        %dma_start3A_214 = arith.constant 0 : i32
        %dma_start3A_215 = arith.constant 0 : i32
        %dma_start3A_216 = arith.constant 0 : i32
        %dma_start3A_217 = arith.constant 0 : i32
        %dma_start3A_218 = arith.constant 0 : i32
        %dma_start3A_219 = tpu.memref_slice %arg6[%dma_start3A_216, %dma_start3A_217, %dma_start3A_218] : memref<2x640x64xf32, #tpu.memory_space<vmem>> -> memref<1x128x64xf32, #tpu.memory_space<vmem>>
        %dma_start3A_220 = tpu.memref_squeeze %dma_start3A_219 : memref<1x128x64xf32, #tpu.memory_space<vmem>> -> memref<128x64xf32, #tpu.memory_space<vmem>>
        %dma_start3A_221 = arith.constant 0 : i32
        %dma_start3A_222 = tpu.memref_slice %arg5[%dma_start3A_214, %dma_start3A_215, %dma_start3A_221] : memref<2x5x128xi32, #tpu.memory_space<vmem>> -> memref<1x1x128xi32, #tpu.memory_space<vmem>>
        %dma_start3A_223 = tpu.memref_squeeze %dma_start3A_222 : memref<1x1x128xi32, #tpu.memory_space<vmem>> -> memref<128xi32, #tpu.memory_space<vmem>>
        %dma_start3A_224 = arith.constant 0 : i32
        %dma_start3A_225 = arith.constant 0 : i32
        %dma_start3A_226 = tpu.memref_slice %arg2[%dma_start3A_224, %dma_start3A_225] : memref<1000000x64xf32, #tpu.memory_space<hbm>> -> memref<1000000x64xf32, #tpu.memory_space<hbm>>
        tpu.enqueue_indirect_dma source(%dma_start3A_226 : memref<1000000x64xf32, #tpu.memory_space<hbm>>) target(%dma_start3A_220 : memref<128x64xf32, #tpu.memory_space<vmem>>) offsets(%dma_start3A_223 : memref<128xi32, #tpu.memory_space<vmem>>) semaphore(%arg7 : memref<!tpu.dma_semaphore, #tpu.memory_space<semaphore_mem>>)
        %dma_start3A_227 = arith.constant 0 : i32
        %dma_start3A_228 = arith.constant 1 : i32
        %dma_start3A_229 = arith.constant 0 : i32
        %dma_start3A_230 = arith.constant 128 : i32
        %dma_start3A_231 = arith.constant 0 : i32
        %dma_start3A_232 = tpu.memref_slice %arg6[%dma_start3A_229, %dma_start3A_230, %dma_start3A_231] : memref<2x640x64xf32, #tpu.memory_space<vmem>> -> memref<1x128x64xf32, #tpu.memory_space<vmem>>
        %dma_start3A_233 = tpu.memref_squeeze %dma_start3A_232 : memref<1x128x64xf32, #tpu.memory_space<vmem>> -> memref<128x64xf32, #tpu.memory_space<vmem>>
        %dma_start3A_234 = arith.constant 0 : i32
        %dma_start3A_235 = tpu.memref_slice %arg5[%dma_start3A_227, %dma_start3A_228, %dma_start3A_234] : memref<2x5x128xi32, #tpu.memory_space<vmem>> -> memref<1x1x128xi32, #tpu.memory_space<vmem>>
        %dma_start3A_236 = tpu.memref_squeeze %dma_start3A_235 : memref<1x1x128xi32, #tpu.memory_space<vmem>> -> memref<128xi32, #tpu.memory_space<vmem>>
        %dma_start3A_237 = arith.constant 0 : i32
        %dma_start3A_238 = arith.constant 0 : i32
        %dma_start3A_239 = tpu.memref_slice %arg2[%dma_start3A_237, %dma_start3A_238] : memref<1000000x64xf32, #tpu.memory_space<hbm>> -> memref<1000000x64xf32, #tpu.memory_space<hbm>>
        tpu.enqueue_indirect_dma source(%dma_start3A_239 : memref<1000000x64xf32, #tpu.memory_space<hbm>>) target(%dma_start3A_233 : memref<128x64xf32, #tpu.memory_space<vmem>>) offsets(%dma_start3A_236 : memref<128xi32, #tpu.memory_space<vmem>>) semaphore(%arg7 : memref<!tpu.dma_semaphore, #tpu.memory_space<semaphore_mem>>)
        %dma_start3A_240 = arith.constant 0 : i32
        %dma_start3A_241 = arith.constant 2 : i32
        %dma_start3A_242 = arith.constant 0 : i32
        %dma_start3A_243 = arith.constant 256 : i32
        %dma_start3A_244 = arith.constant 0 : i32
        %dma_start3A_245 = tpu.memref_slice %arg6[%dma_start3A_242, %dma_start3A_243, %dma_start3A_244] : memref<2x640x64xf32, #tpu.memory_space<vmem>> -> memref<1x128x64xf32, #tpu.memory_space<vmem>>
        %dma_start3A_246 = tpu.memref_squeeze %dma_start3A_245 : memref<1x128x64xf32, #tpu.memory_space<vmem>> -> memref<128x64xf32, #tpu.memory_space<vmem>>
        %dma_start3A_247 = arith.constant 0 : i32
        %dma_start3A_248 = tpu.memref_slice %arg5[%dma_start3A_240, %dma_start3A_241, %dma_start3A_247] : memref<2x5x128xi32, #tpu.memory_space<vmem>> -> memref<1x1x128xi32, #tpu.memory_space<vmem>>
        %dma_start3A_249 = tpu.memref_squeeze %dma_start3A_248 : memref<1x1x128xi32, #tpu.memory_space<vmem>> -> memref<128xi32, #tpu.memory_space<vmem>>
        %dma_start3A_250 = arith.constant 0 : i32
        %dma_start3A_251 = arith.constant 0 : i32
        %dma_start3A_252 = tpu.memref_slice %arg2[%dma_start3A_250, %dma_start3A_251] : memref<1000000x64xf32, #tpu.memory_space<hbm>> -> memref<1000000x64xf32, #tpu.memory_space<hbm>>
        tpu.enqueue_indirect_dma source(%dma_start3A_252 : memref<1000000x64xf32, #tpu.memory_space<hbm>>) target(%dma_start3A_246 : memref<128x64xf32, #tpu.memory_space<vmem>>) offsets(%dma_start3A_249 : memref<128xi32, #tpu.memory_space<vmem>>) semaphore(%arg7 : memref<!tpu.dma_semaphore, #tpu.memory_space<semaphore_mem>>)
        %dma_start3A_253 = arith.constant 0 : i32
        %dma_start3A_254 = arith.constant 3 : i32
        %dma_start3A_255 = arith.constant 0 : i32
        %dma_start3A_256 = arith.constant 384 : i32
        %dma_start3A_257 = arith.constant 0 : i32
        %dma_start3A_258 = tpu.memref_slice %arg6[%dma_start3A_255, %dma_start3A_256, %dma_start3A_257] : memref<2x640x64xf32, #tpu.memory_space<vmem>> -> memref<1x128x64xf32, #tpu.memory_space<vmem>>
        %dma_start3A_259 = tpu.memref_squeeze %dma_start3A_258 : memref<1x128x64xf32, #tpu.memory_space<vmem>> -> memref<128x64xf32, #tpu.memory_space<vmem>>
        %dma_start3A_260 = arith.constant 0 : i32
        %dma_start3A_261 = tpu.memref_slice %arg5[%dma_start3A_253, %dma_start3A_254, %dma_start3A_260] : memref<2x5x128xi32, #tpu.memory_space<vmem>> -> memref<1x1x128xi32, #tpu.memory_space<vmem>>
        %dma_start3A_262 = tpu.memref_squeeze %dma_start3A_261 : memref<1x1x128xi32, #tpu.memory_space<vmem>> -> memref<128xi32, #tpu.memory_space<vmem>>
        %dma_start3A_263 = arith.constant 0 : i32
        %dma_start3A_264 = arith.constant 0 : i32
        %dma_start3A_265 = tpu.memref_slice %arg2[%dma_start3A_263, %dma_start3A_264] : memref<1000000x64xf32, #tpu.memory_space<hbm>> -> memref<1000000x64xf32, #tpu.memory_space<hbm>>
        tpu.enqueue_indirect_dma source(%dma_start3A_265 : memref<1000000x64xf32, #tpu.memory_space<hbm>>) target(%dma_start3A_259 : memref<128x64xf32, #tpu.memory_space<vmem>>) offsets(%dma_start3A_262 : memref<128xi32, #tpu.memory_space<vmem>>) semaphore(%arg7 : memref<!tpu.dma_semaphore, #tpu.memory_space<semaphore_mem>>)
        %dma_start3A_266 = arith.constant 0 : i32
        %dma_start3A_267 = arith.constant 4 : i32
        %dma_start3A_268 = arith.constant 0 : i32
        %dma_start3A_269 = arith.constant 512 : i32
        %dma_start3A_270 = arith.constant 0 : i32
        %dma_start3A_271 = tpu.memref_slice %arg6[%dma_start3A_268, %dma_start3A_269, %dma_start3A_270] : memref<2x640x64xf32, #tpu.memory_space<vmem>> -> memref<1x128x64xf32, #tpu.memory_space<vmem>>
        %dma_start3A_272 = tpu.memref_squeeze %dma_start3A_271 : memref<1x128x64xf32, #tpu.memory_space<vmem>> -> memref<128x64xf32, #tpu.memory_space<vmem>>
        %dma_start3A_273 = arith.constant 0 : i32
        %dma_start3A_274 = tpu.memref_slice %arg5[%dma_start3A_266, %dma_start3A_267, %dma_start3A_273] : memref<2x5x128xi32, #tpu.memory_space<vmem>> -> memref<1x1x128xi32, #tpu.memory_space<vmem>>
        %dma_start3A_275 = tpu.memref_squeeze %dma_start3A_274 : memref<1x1x128xi32, #tpu.memory_space<vmem>> -> memref<128xi32, #tpu.memory_space<vmem>>
        %dma_start3A_276 = arith.constant 0 : i32
        %dma_start3A_277 = arith.constant 0 : i32
        %dma_start3A_278 = tpu.memref_slice %arg2[%dma_start3A_276, %dma_start3A_277] : memref<1000000x64xf32, #tpu.memory_space<hbm>> -> memref<1000000x64xf32, #tpu.memory_space<hbm>>
        tpu.enqueue_indirect_dma source(%dma_start3A_278 : memref<1000000x64xf32, #tpu.memory_space<hbm>>) target(%dma_start3A_272 : memref<128x64xf32, #tpu.memory_space<vmem>>) offsets(%dma_start3A_275 : memref<128xi32, #tpu.memory_space<vmem>>) semaphore(%arg7 : memref<!tpu.dma_semaphore, #tpu.memory_space<semaphore_mem>>)
      } else {
      }
      %add3A_178 = arith.constant 1 : i32
      %add3A_179 = arith.addi %add3A_151, %add3A_178 : i32
      %dma_wait3A_180 = arith.constant 1 : i32
      %dma_wait3A_181 = arith.constant 0 : i32
      %dma_wait3A_182 = arith.constant 0 : i32
      %dma_wait3A_183 = tpu.memref_slice %arg6[%dma_wait3A_180, %dma_wait3A_181, %dma_wait3A_182] : memref<2x640x64xf32, #tpu.memory_space<vmem>> -> memref<1x640x64xf32, #tpu.memory_space<vmem>>
      %dma_wait3A_184 = tpu.memref_squeeze %dma_wait3A_183 : memref<1x640x64xf32, #tpu.memory_space<vmem>> -> memref<640x64xf32, #tpu.memory_space<vmem>>
      %dma_wait3A_185 = arith.constant 0 : i32
      %dma_wait3A_186 = arith.constant 0 : i32
      %dma_wait3A_187 = tpu.memref_slice %arg4[%dma_wait3A_185, %dma_wait3A_186] : memref<204800x64xf32, #tpu.memory_space<hbm>> -> memref<640x64xf32, #tpu.memory_space<hbm>>
      %dma_wait3A_188 = arith.constant 0 : i32
      %dma_wait3A_189 = arith.constant 0 : i32
      %dma_wait3A_190 = tpu.memref_slice %arg6[%dma_wait3A_180, %dma_wait3A_188, %dma_wait3A_189] : memref<2x640x64xf32, #tpu.memory_space<vmem>> -> memref<1x640x64xf32, #tpu.memory_space<vmem>>
      %dma_wait3A_191 = tpu.memref_squeeze %dma_wait3A_190 : memref<1x640x64xf32, #tpu.memory_space<vmem>> -> memref<640x64xf32, #tpu.memory_space<vmem>>
      %dma_wait3A_192 = arith.constant 0 : i32
      %dma_wait3A_193 = arith.constant 0 : i32
      %dma_wait3A_194 = tpu.memref_slice %arg4[%dma_wait3A_192, %dma_wait3A_193] : memref<204800x64xf32, #tpu.memory_space<hbm>> -> memref<640x64xf32, #tpu.memory_space<hbm>>
      tpu.wait_dma2 semaphore(%arg8 : memref<!tpu.dma_semaphore, #tpu.memory_space<semaphore_mem>>) src(%dma_wait3A_194 : memref<640x64xf32, #tpu.memory_space<hbm>>) dst(%dma_wait3A_191 : memref<640x64xf32, #tpu.memory_space<vmem>>)
      %mul3A_195 = arith.constant 5 : i32
      %mul3A_196 = arith.muli %add3A_179, %mul3A_195 : i32
      %mul3A_197 = arith.constant 128 : i32
      %mul3A_198 = arith.muli %mul3A_196, %mul3A_197 : i32
      %add3A_199 = arith.addi %mul3A_8, %mul3A_198 : i32
      %run_scoped3A_200 = arith.constant 1 : i32
      "tpu.region"() ({
        %run_scoped3A_208 = tpu.sem_alloc : memref<!tpu.dma_semaphore, #tpu.memory_space<semaphore_mem>>
        %dma_start3A_209 = arith.constant 0 : i32
        %dma_start3A_210 = arith.constant 0 : i32
        %dma_start3A_211 = tpu.memref_slice %arg6[%run_scoped3A_200, %dma_start3A_209, %dma_start3A_210] : memref<2x640x64xf32, #tpu.memory_space<vmem>> -> memref<1x640x64xf32, #tpu.memory_space<vmem>>
        %dma_start3A_212 = tpu.memref_squeeze %dma_start3A_211 : memref<1x640x64xf32, #tpu.memory_space<vmem>> -> memref<640x64xf32, #tpu.memory_space<vmem>>
        %dma_start3A_213 = arith.constant 0 : i32
        %dma_start3A_214 = tpu.memref_slice %arg4[%add3A_199, %dma_start3A_213] : memref<204800x64xf32, #tpu.memory_space<hbm>> -> memref<640x64xf32, #tpu.memory_space<hbm>>
        %dma_start3A_215 = arith.constant 0 : i32
        %dma_start3A_216 = tpu.memref_slice %arg4[%add3A_199, %dma_start3A_215] : memref<204800x64xf32, #tpu.memory_space<hbm>> -> memref<640x64xf32, #tpu.memory_space<hbm>>
        %dma_start3A_217 = arith.constant 0 : i32
        %dma_start3A_218 = arith.constant 0 : i32
        %dma_start3A_219 = tpu.memref_slice %arg6[%run_scoped3A_200, %dma_start3A_217, %dma_start3A_218] : memref<2x640x64xf32, #tpu.memory_space<vmem>> -> memref<1x640x64xf32, #tpu.memory_space<vmem>>
        %dma_start3A_220 = tpu.memref_squeeze %dma_start3A_219 : memref<1x640x64xf32, #tpu.memory_space<vmem>> -> memref<640x64xf32, #tpu.memory_space<vmem>>
        tpu.enqueue_dma source(%dma_start3A_220 : memref<640x64xf32, #tpu.memory_space<vmem>>) target(%dma_start3A_216 : memref<640x64xf32, #tpu.memory_space<hbm>>) target_semaphore(%run_scoped3A_208 : memref<!tpu.dma_semaphore, #tpu.memory_space<semaphore_mem>>)
        %dma_wait3A_221 = arith.constant 0 : i32
        %dma_wait3A_222 = arith.constant 0 : i32
        %dma_wait3A_223 = tpu.memref_slice %arg6[%run_scoped3A_200, %dma_wait3A_221, %dma_wait3A_222] : memref<2x640x64xf32, #tpu.memory_space<vmem>> -> memref<1x640x64xf32, #tpu.memory_space<vmem>>
        %dma_wait3A_224 = tpu.memref_squeeze %dma_wait3A_223 : memref<1x640x64xf32, #tpu.memory_space<vmem>> -> memref<640x64xf32, #tpu.memory_space<vmem>>
        %dma_wait3A_225 = arith.constant 0 : i32
        %dma_wait3A_226 = tpu.memref_slice %arg4[%add3A_199, %dma_wait3A_225] : memref<204800x64xf32, #tpu.memory_space<hbm>> -> memref<640x64xf32, #tpu.memory_space<hbm>>
        %dma_wait3A_227 = arith.constant 0 : i32
        %dma_wait3A_228 = tpu.memref_slice %arg4[%add3A_199, %dma_wait3A_227] : memref<204800x64xf32, #tpu.memory_space<hbm>> -> memref<640x64xf32, #tpu.memory_space<hbm>>
        %dma_wait3A_229 = arith.constant 0 : i32
        %dma_wait3A_230 = arith.constant 0 : i32
        %dma_wait3A_231 = tpu.memref_slice %arg6[%run_scoped3A_200, %dma_wait3A_229, %dma_wait3A_230] : memref<2x640x64xf32, #tpu.memory_space<vmem>> -> memref<1x640x64xf32, #tpu.memory_space<vmem>>
        %dma_wait3A_232 = tpu.memref_squeeze %dma_wait3A_231 : memref<1x640x64xf32, #tpu.memory_space<vmem>> -> memref<640x64xf32, #tpu.memory_space<vmem>>
        tpu.wait_dma2 semaphore(%run_scoped3A_208 : memref<!tpu.dma_semaphore, #tpu.memory_space<semaphore_mem>>) src(%dma_wait3A_232 : memref<640x64xf32, #tpu.memory_space<vmem>>) dst(%dma_wait3A_228 : memref<640x64xf32, #tpu.memory_space<hbm>>)
        tpu.yield
      }) : () -> ()
      %add3A_201 = arith.constant 2 : i32
      %add3A_202 = arith.addi %add3A_179, %add3A_201 : i32
      %lt3A_203 = arith.constant 10 : i32
      %lt3A_204 = arith.cmpi slt, %add3A_202, %lt3A_203 : i32
      %convert_element_type3A_205 = arith.extui %lt3A_204 : i1 to i32
      %cond3A_206 = arith.constant 0 : i32
      %cond3A_207 = arith.cmpi ne, %convert_element_type3A_205, %cond3A_206 : i32
      scf.if %cond3A_207 {
        %add3A_208 = arith.constant 2 : i32
        %add3A_209 = arith.addi %add3A_179, %add3A_208 : i32
        %mul3A_210 = arith.constant 5 : i32
        %mul3A_211 = arith.muli %add3A_209, %mul3A_210 : i32
        %add3A_212 = arith.addi %add3A_4, %mul3A_211 : i32
        %run_scoped3A_213 = arith.constant 1 : i32
        "tpu.region"() ({
          %run_scoped3A_279 = tpu.sem_alloc : memref<!tpu.dma_semaphore, #tpu.memory_space<semaphore_mem>>
          %dma_start3A_280 = arith.constant 0 : i32
          %dma_start3A_281 = arith.constant 0 : i32
          %dma_start3A_282 = tpu.memref_slice %arg5[%run_scoped3A_213, %dma_start3A_280, %dma_start3A_281] : memref<2x5x128xi32, #tpu.memory_space<vmem>> -> memref<1x5x128xi32, #tpu.memory_space<vmem>>
          %dma_start3A_283 = tpu.memref_squeeze %dma_start3A_282 : memref<1x5x128xi32, #tpu.memory_space<vmem>> -> memref<5x128xi32, #tpu.memory_space<vmem>>
          %dma_start3A_284 = arith.constant 0 : i32
          %dma_start3A_285 = tpu.memref_slice %arg3[%add3A_212, %dma_start3A_284] : memref<6400x128xi32, #tpu.memory_space<hbm>> -> memref<5x128xi32, #tpu.memory_space<hbm>>
          %dma_start3A_286 = arith.constant 0 : i32
          %dma_start3A_287 = arith.constant 0 : i32
          %dma_start3A_288 = tpu.memref_slice %arg5[%run_scoped3A_213, %dma_start3A_286, %dma_start3A_287] : memref<2x5x128xi32, #tpu.memory_space<vmem>> -> memref<1x5x128xi32, #tpu.memory_space<vmem>>
          %dma_start3A_289 = tpu.memref_squeeze %dma_start3A_288 : memref<1x5x128xi32, #tpu.memory_space<vmem>> -> memref<5x128xi32, #tpu.memory_space<vmem>>
          %dma_start3A_290 = arith.constant 0 : i32
          %dma_start3A_291 = tpu.memref_slice %arg3[%add3A_212, %dma_start3A_290] : memref<6400x128xi32, #tpu.memory_space<hbm>> -> memref<5x128xi32, #tpu.memory_space<hbm>>
          tpu.enqueue_dma source(%dma_start3A_291 : memref<5x128xi32, #tpu.memory_space<hbm>>) target(%dma_start3A_289 : memref<5x128xi32, #tpu.memory_space<vmem>>) target_semaphore(%run_scoped3A_279 : memref<!tpu.dma_semaphore, #tpu.memory_space<semaphore_mem>>)
          %dma_wait3A_292 = arith.constant 0 : i32
          %dma_wait3A_293 = arith.constant 0 : i32
          %dma_wait3A_294 = tpu.memref_slice %arg5[%run_scoped3A_213, %dma_wait3A_292, %dma_wait3A_293] : memref<2x5x128xi32, #tpu.memory_space<vmem>> -> memref<1x5x128xi32, #tpu.memory_space<vmem>>
          %dma_wait3A_295 = tpu.memref_squeeze %dma_wait3A_294 : memref<1x5x128xi32, #tpu.memory_space<vmem>> -> memref<5x128xi32, #tpu.memory_space<vmem>>
          %dma_wait3A_296 = arith.constant 0 : i32
          %dma_wait3A_297 = tpu.memref_slice %arg3[%add3A_212, %dma_wait3A_296] : memref<6400x128xi32, #tpu.memory_space<hbm>> -> memref<5x128xi32, #tpu.memory_space<hbm>>
          %dma_wait3A_298 = arith.constant 0 : i32
          %dma_wait3A_299 = arith.constant 0 : i32
          %dma_wait3A_300 = tpu.memref_slice %arg5[%run_scoped3A_213, %dma_wait3A_298, %dma_wait3A_299] : memref<2x5x128xi32, #tpu.memory_space<vmem>> -> memref<1x5x128xi32, #tpu.memory_space<vmem>>
          %dma_wait3A_301 = tpu.memref_squeeze %dma_wait3A_300 : memref<1x5x128xi32, #tpu.memory_space<vmem>> -> memref<5x128xi32, #tpu.memory_space<vmem>>
          %dma_wait3A_302 = arith.constant 0 : i32
          %dma_wait3A_303 = tpu.memref_slice %arg3[%add3A_212, %dma_wait3A_302] : memref<6400x128xi32, #tpu.memory_space<hbm>> -> memref<5x128xi32, #tpu.memory_space<hbm>>
          tpu.wait_dma2 semaphore(%run_scoped3A_279 : memref<!tpu.dma_semaphore, #tpu.memory_space<semaphore_mem>>) src(%dma_wait3A_303 : memref<5x128xi32, #tpu.memory_space<hbm>>) dst(%dma_wait3A_301 : memref<5x128xi32, #tpu.memory_space<vmem>>)
          tpu.yield
        }) : () -> ()
        %dma_start3A_214 = arith.constant 1 : i32
        %dma_start3A_215 = arith.constant 0 : i32
        %dma_start3A_216 = arith.constant 1 : i32
        %dma_start3A_217 = arith.constant 0 : i32
        %dma_start3A_218 = arith.constant 0 : i32
        %dma_start3A_219 = tpu.memref_slice %arg6[%dma_start3A_216, %dma_start3A_217, %dma_start3A_218] : memref<2x640x64xf32, #tpu.memory_space<vmem>> -> memref<1x128x64xf32, #tpu.memory_space<vmem>>
        %dma_start3A_220 = tpu.memref_squeeze %dma_start3A_219 : memref<1x128x64xf32, #tpu.memory_space<vmem>> -> memref<128x64xf32, #tpu.memory_space<vmem>>
        %dma_start3A_221 = arith.constant 0 : i32
        %dma_start3A_222 = tpu.memref_slice %arg5[%dma_start3A_214, %dma_start3A_215, %dma_start3A_221] : memref<2x5x128xi32, #tpu.memory_space<vmem>> -> memref<1x1x128xi32, #tpu.memory_space<vmem>>
        %dma_start3A_223 = tpu.memref_squeeze %dma_start3A_222 : memref<1x1x128xi32, #tpu.memory_space<vmem>> -> memref<128xi32, #tpu.memory_space<vmem>>
        %dma_start3A_224 = arith.constant 0 : i32
        %dma_start3A_225 = arith.constant 0 : i32
        %dma_start3A_226 = tpu.memref_slice %arg2[%dma_start3A_224, %dma_start3A_225] : memref<1000000x64xf32, #tpu.memory_space<hbm>> -> memref<1000000x64xf32, #tpu.memory_space<hbm>>
        tpu.enqueue_indirect_dma source(%dma_start3A_226 : memref<1000000x64xf32, #tpu.memory_space<hbm>>) target(%dma_start3A_220 : memref<128x64xf32, #tpu.memory_space<vmem>>) offsets(%dma_start3A_223 : memref<128xi32, #tpu.memory_space<vmem>>) semaphore(%arg8 : memref<!tpu.dma_semaphore, #tpu.memory_space<semaphore_mem>>)
        %dma_start3A_227 = arith.constant 1 : i32
        %dma_start3A_228 = arith.constant 1 : i32
        %dma_start3A_229 = arith.constant 1 : i32
        %dma_start3A_230 = arith.constant 128 : i32
        %dma_start3A_231 = arith.constant 0 : i32
        %dma_start3A_232 = tpu.memref_slice %arg6[%dma_start3A_229, %dma_start3A_230, %dma_start3A_231] : memref<2x640x64xf32, #tpu.memory_space<vmem>> -> memref<1x128x64xf32, #tpu.memory_space<vmem>>
        %dma_start3A_233 = tpu.memref_squeeze %dma_start3A_232 : memref<1x128x64xf32, #tpu.memory_space<vmem>> -> memref<128x64xf32, #tpu.memory_space<vmem>>
        %dma_start3A_234 = arith.constant 0 : i32
        %dma_start3A_235 = tpu.memref_slice %arg5[%dma_start3A_227, %dma_start3A_228, %dma_start3A_234] : memref<2x5x128xi32, #tpu.memory_space<vmem>> -> memref<1x1x128xi32, #tpu.memory_space<vmem>>
        %dma_start3A_236 = tpu.memref_squeeze %dma_start3A_235 : memref<1x1x128xi32, #tpu.memory_space<vmem>> -> memref<128xi32, #tpu.memory_space<vmem>>
        %dma_start3A_237 = arith.constant 0 : i32
        %dma_start3A_238 = arith.constant 0 : i32
        %dma_start3A_239 = tpu.memref_slice %arg2[%dma_start3A_237, %dma_start3A_238] : memref<1000000x64xf32, #tpu.memory_space<hbm>> -> memref<1000000x64xf32, #tpu.memory_space<hbm>>
        tpu.enqueue_indirect_dma source(%dma_start3A_239 : memref<1000000x64xf32, #tpu.memory_space<hbm>>) target(%dma_start3A_233 : memref<128x64xf32, #tpu.memory_space<vmem>>) offsets(%dma_start3A_236 : memref<128xi32, #tpu.memory_space<vmem>>) semaphore(%arg8 : memref<!tpu.dma_semaphore, #tpu.memory_space<semaphore_mem>>)
        %dma_start3A_240 = arith.constant 1 : i32
        %dma_start3A_241 = arith.constant 2 : i32
        %dma_start3A_242 = arith.constant 1 : i32
        %dma_start3A_243 = arith.constant 256 : i32
        %dma_start3A_244 = arith.constant 0 : i32
        %dma_start3A_245 = tpu.memref_slice %arg6[%dma_start3A_242, %dma_start3A_243, %dma_start3A_244] : memref<2x640x64xf32, #tpu.memory_space<vmem>> -> memref<1x128x64xf32, #tpu.memory_space<vmem>>
        %dma_start3A_246 = tpu.memref_squeeze %dma_start3A_245 : memref<1x128x64xf32, #tpu.memory_space<vmem>> -> memref<128x64xf32, #tpu.memory_space<vmem>>
        %dma_start3A_247 = arith.constant 0 : i32
        %dma_start3A_248 = tpu.memref_slice %arg5[%dma_start3A_240, %dma_start3A_241, %dma_start3A_247] : memref<2x5x128xi32, #tpu.memory_space<vmem>> -> memref<1x1x128xi32, #tpu.memory_space<vmem>>
        %dma_start3A_249 = tpu.memref_squeeze %dma_start3A_248 : memref<1x1x128xi32, #tpu.memory_space<vmem>> -> memref<128xi32, #tpu.memory_space<vmem>>
        %dma_start3A_250 = arith.constant 0 : i32
        %dma_start3A_251 = arith.constant 0 : i32
        %dma_start3A_252 = tpu.memref_slice %arg2[%dma_start3A_250, %dma_start3A_251] : memref<1000000x64xf32, #tpu.memory_space<hbm>> -> memref<1000000x64xf32, #tpu.memory_space<hbm>>
        tpu.enqueue_indirect_dma source(%dma_start3A_252 : memref<1000000x64xf32, #tpu.memory_space<hbm>>) target(%dma_start3A_246 : memref<128x64xf32, #tpu.memory_space<vmem>>) offsets(%dma_start3A_249 : memref<128xi32, #tpu.memory_space<vmem>>) semaphore(%arg8 : memref<!tpu.dma_semaphore, #tpu.memory_space<semaphore_mem>>)
        %dma_start3A_253 = arith.constant 1 : i32
        %dma_start3A_254 = arith.constant 3 : i32
        %dma_start3A_255 = arith.constant 1 : i32
        %dma_start3A_256 = arith.constant 384 : i32
        %dma_start3A_257 = arith.constant 0 : i32
        %dma_start3A_258 = tpu.memref_slice %arg6[%dma_start3A_255, %dma_start3A_256, %dma_start3A_257] : memref<2x640x64xf32, #tpu.memory_space<vmem>> -> memref<1x128x64xf32, #tpu.memory_space<vmem>>
        %dma_start3A_259 = tpu.memref_squeeze %dma_start3A_258 : memref<1x128x64xf32, #tpu.memory_space<vmem>> -> memref<128x64xf32, #tpu.memory_space<vmem>>
        %dma_start3A_260 = arith.constant 0 : i32
        %dma_start3A_261 = tpu.memref_slice %arg5[%dma_start3A_253, %dma_start3A_254, %dma_start3A_260] : memref<2x5x128xi32, #tpu.memory_space<vmem>> -> memref<1x1x128xi32, #tpu.memory_space<vmem>>
        %dma_start3A_262 = tpu.memref_squeeze %dma_start3A_261 : memref<1x1x128xi32, #tpu.memory_space<vmem>> -> memref<128xi32, #tpu.memory_space<vmem>>
        %dma_start3A_263 = arith.constant 0 : i32
        %dma_start3A_264 = arith.constant 0 : i32
        %dma_start3A_265 = tpu.memref_slice %arg2[%dma_start3A_263, %dma_start3A_264] : memref<1000000x64xf32, #tpu.memory_space<hbm>> -> memref<1000000x64xf32, #tpu.memory_space<hbm>>
        tpu.enqueue_indirect_dma source(%dma_start3A_265 : memref<1000000x64xf32, #tpu.memory_space<hbm>>) target(%dma_start3A_259 : memref<128x64xf32, #tpu.memory_space<vmem>>) offsets(%dma_start3A_262 : memref<128xi32, #tpu.memory_space<vmem>>) semaphore(%arg8 : memref<!tpu.dma_semaphore, #tpu.memory_space<semaphore_mem>>)
        %dma_start3A_266 = arith.constant 1 : i32
        %dma_start3A_267 = arith.constant 4 : i32
        %dma_start3A_268 = arith.constant 1 : i32
        %dma_start3A_269 = arith.constant 512 : i32
        %dma_start3A_270 = arith.constant 0 : i32
        %dma_start3A_271 = tpu.memref_slice %arg6[%dma_start3A_268, %dma_start3A_269, %dma_start3A_270] : memref<2x640x64xf32, #tpu.memory_space<vmem>> -> memref<1x128x64xf32, #tpu.memory_space<vmem>>
        %dma_start3A_272 = tpu.memref_squeeze %dma_start3A_271 : memref<1x128x64xf32, #tpu.memory_space<vmem>> -> memref<128x64xf32, #tpu.memory_space<vmem>>
        %dma_start3A_273 = arith.constant 0 : i32
        %dma_start3A_274 = tpu.memref_slice %arg5[%dma_start3A_266, %dma_start3A_267, %dma_start3A_273] : memref<2x5x128xi32, #tpu.memory_space<vmem>> -> memref<1x1x128xi32, #tpu.memory_space<vmem>>
        %dma_start3A_275 = tpu.memref_squeeze %dma_start3A_274 : memref<1x1x128xi32, #tpu.memory_space<vmem>> -> memref<128xi32, #tpu.memory_space<vmem>>
        %dma_start3A_276 = arith.constant 0 : i32
        %dma_start3A_277 = arith.constant 0 : i32
        %dma_start3A_278 = tpu.memref_slice %arg2[%dma_start3A_276, %dma_start3A_277] : memref<1000000x64xf32, #tpu.memory_space<hbm>> -> memref<1000000x64xf32, #tpu.memory_space<hbm>>
        tpu.enqueue_indirect_dma source(%dma_start3A_278 : memref<1000000x64xf32, #tpu.memory_space<hbm>>) target(%dma_start3A_272 : memref<128x64xf32, #tpu.memory_space<vmem>>) offsets(%dma_start3A_275 : memref<128xi32, #tpu.memory_space<vmem>>) semaphore(%arg8 : memref<!tpu.dma_semaphore, #tpu.memory_space<semaphore_mem>>)
      } else {
      }
    }
    %scan3A_146 = arith.constant 5 : i32
    return
  }
}

#map = affine_map<(d0, d1) -> (0, 0)>
module attributes {stable_mosaic.version = 14 : i64} {
  func.func @_embed_gather(%arg0: i32, %arg1: i32, %arg2: memref<1000000x64xf32, #tpu.memory_space<hbm>>, %arg3: memref<6400x128xi32, #tpu.memory_space<hbm>>, %arg4: memref<204800x64xf32, #tpu.memory_space<hbm>>, %arg5: memref<2x5x128xi32, #tpu.memory_space<vmem>>, %arg6: memref<2x640x64xf32, #tpu.memory_space<vmem>>, %arg7: memref<!tpu.dma_semaphore, #tpu.memory_space<semaphore_mem>>, %arg8: memref<!tpu.dma_semaphore, #tpu.memory_space<semaphore_mem>>) attributes {dimension_semantics = [#tpu.dimension_semantics<core_parallel>, #tpu.dimension_semantics<subcore_parallel>], iteration_bounds = array<i64: 2, 16>, scalar_prefetch = 0 : i64, scratch_operands = 4 : i64, tpu.core_type = #tpu.core_type<sc_vector_subcore>, window_params = [{transform_indices = #map}, {transform_indices = #map}, {transform_indices = #map}]} {
    %mul3A = arith.constant 2 : i32
    %mul3A_0 = arith.muli %arg1, %mul3A : i32
    %add3A = arith.addi %mul3A_0, %arg0 : i32
    %mul3A_1 = arith.constant 50 : i32
    %mul3A_2 = arith.muli %add3A, %mul3A_1 : i32
    %add3A_3 = arith.constant 4800 : i32
    %add3A_4 = arith.addi %add3A_3, %mul3A_2 : i32
    %mul3A_5 = arith.constant 50 : i32
    %mul3A_6 = arith.muli %add3A, %mul3A_5 : i32
    %mul3A_7 = arith.constant 128 : i32
    %mul3A_8 = arith.muli %mul3A_6, %mul3A_7 : i32
    %add3A_9 = arith.constant 0 : i32
    %add3A_10 = arith.addi %add3A_4, %add3A_9 : i32
    %run_scoped3A = arith.constant 0 : i32
    "tpu.region"() ({
      %run_scoped3A_147 = tpu.sem_alloc : memref<!tpu.dma_semaphore, #tpu.memory_space<semaphore_mem>>
      %dma_start3A_148 = arith.constant 0 : i32
      %dma_start3A_149 = arith.constant 0 : i32
      %dma_start3A_150 = tpu.memref_slice %arg5[%run_scoped3A, %dma_start3A_148, %dma_start3A_149] : memref<2x5x128xi32, #tpu.memory_space<vmem>> -> memref<1x5x128xi32, #tpu.memory_space<vmem>>
      %dma_start3A_151 = tpu.memref_squeeze %dma_start3A_150 : memref<1x5x128xi32, #tpu.memory_space<vmem>> -> memref<5x128xi32, #tpu.memory_space<vmem>>
      %dma_start3A_152 = arith.constant 0 : i32
      %dma_start3A_153 = tpu.memref_slice %arg3[%add3A_10, %dma_start3A_152] : memref<6400x128xi32, #tpu.memory_space<hbm>> -> memref<5x128xi32, #tpu.memory_space<hbm>>
      %dma_start3A_154 = arith.constant 0 : i32
      %dma_start3A_155 = arith.constant 0 : i32
      %dma_start3A_156 = tpu.memref_slice %arg5[%run_scoped3A, %dma_start3A_154, %dma_start3A_155] : memref<2x5x128xi32, #tpu.memory_space<vmem>> -> memref<1x5x128xi32, #tpu.memory_space<vmem>>
      %dma_start3A_157 = tpu.memref_squeeze %dma_start3A_156 : memref<1x5x128xi32, #tpu.memory_space<vmem>> -> memref<5x128xi32, #tpu.memory_space<vmem>>
      %dma_start3A_158 = arith.constant 0 : i32
      %dma_start3A_159 = tpu.memref_slice %arg3[%add3A_10, %dma_start3A_158] : memref<6400x128xi32, #tpu.memory_space<hbm>> -> memref<5x128xi32, #tpu.memory_space<hbm>>
      tpu.enqueue_dma source(%dma_start3A_159 : memref<5x128xi32, #tpu.memory_space<hbm>>) target(%dma_start3A_157 : memref<5x128xi32, #tpu.memory_space<vmem>>) target_semaphore(%run_scoped3A_147 : memref<!tpu.dma_semaphore, #tpu.memory_space<semaphore_mem>>)
      %dma_wait3A = arith.constant 0 : i32
      %dma_wait3A_160 = arith.constant 0 : i32
      %dma_wait3A_161 = tpu.memref_slice %arg5[%run_scoped3A, %dma_wait3A, %dma_wait3A_160] : memref<2x5x128xi32, #tpu.memory_space<vmem>> -> memref<1x5x128xi32, #tpu.memory_space<vmem>>
      %dma_wait3A_162 = tpu.memref_squeeze %dma_wait3A_161 : memref<1x5x128xi32, #tpu.memory_space<vmem>> -> memref<5x128xi32, #tpu.memory_space<vmem>>
      %dma_wait3A_163 = arith.constant 0 : i32
      %dma_wait3A_164 = tpu.memref_slice %arg3[%add3A_10, %dma_wait3A_163] : memref<6400x128xi32, #tpu.memory_space<hbm>> -> memref<5x128xi32, #tpu.memory_space<hbm>>
      %dma_wait3A_165 = arith.constant 0 : i32
      %dma_wait3A_166 = arith.constant 0 : i32
      %dma_wait3A_167 = tpu.memref_slice %arg5[%run_scoped3A, %dma_wait3A_165, %dma_wait3A_166] : memref<2x5x128xi32, #tpu.memory_space<vmem>> -> memref<1x5x128xi32, #tpu.memory_space<vmem>>
      %dma_wait3A_168 = tpu.memref_squeeze %dma_wait3A_167 : memref<1x5x128xi32, #tpu.memory_space<vmem>> -> memref<5x128xi32, #tpu.memory_space<vmem>>
      %dma_wait3A_169 = arith.constant 0 : i32
      %dma_wait3A_170 = tpu.memref_slice %arg3[%add3A_10, %dma_wait3A_169] : memref<6400x128xi32, #tpu.memory_space<hbm>> -> memref<5x128xi32, #tpu.memory_space<hbm>>
      tpu.wait_dma2 semaphore(%run_scoped3A_147 : memref<!tpu.dma_semaphore, #tpu.memory_space<semaphore_mem>>) src(%dma_wait3A_170 : memref<5x128xi32, #tpu.memory_space<hbm>>) dst(%dma_wait3A_168 : memref<5x128xi32, #tpu.memory_space<vmem>>)
      tpu.yield
    }) : () -> ()
    %dma_start3A = arith.constant 0 : i32
    %dma_start3A_11 = arith.constant 0 : i32
    %dma_start3A_12 = arith.constant 0 : i32
    %dma_start3A_13 = arith.constant 0 : i32
    %dma_start3A_14 = arith.constant 0 : i32
    %dma_start3A_15 = tpu.memref_slice %arg6[%dma_start3A_12, %dma_start3A_13, %dma_start3A_14] : memref<2x640x64xf32, #tpu.memory_space<vmem>> -> memref<1x128x64xf32, #tpu.memory_space<vmem>>
    %dma_start3A_16 = tpu.memref_squeeze %dma_start3A_15 : memref<1x128x64xf32, #tpu.memory_space<vmem>> -> memref<128x64xf32, #tpu.memory_space<vmem>>
    %dma_start3A_17 = arith.constant 0 : i32
    %dma_start3A_18 = tpu.memref_slice %arg5[%dma_start3A, %dma_start3A_11, %dma_start3A_17] : memref<2x5x128xi32, #tpu.memory_space<vmem>> -> memref<1x1x128xi32, #tpu.memory_space<vmem>>
    %dma_start3A_19 = tpu.memref_squeeze %dma_start3A_18 : memref<1x1x128xi32, #tpu.memory_space<vmem>> -> memref<128xi32, #tpu.memory_space<vmem>>
    %dma_start3A_20 = arith.constant 0 : i32
    %dma_start3A_21 = arith.constant 0 : i32
    %dma_start3A_22 = tpu.memref_slice %arg2[%dma_start3A_20, %dma_start3A_21] : memref<1000000x64xf32, #tpu.memory_space<hbm>> -> memref<1000000x64xf32, #tpu.memory_space<hbm>>
    tpu.enqueue_indirect_dma source(%dma_start3A_22 : memref<1000000x64xf32, #tpu.memory_space<hbm>>) target(%dma_start3A_16 : memref<128x64xf32, #tpu.memory_space<vmem>>) offsets(%dma_start3A_19 : memref<128xi32, #tpu.memory_space<vmem>>) semaphore(%arg7 : memref<!tpu.dma_semaphore, #tpu.memory_space<semaphore_mem>>)
    %dma_start3A_23 = arith.constant 0 : i32
    %dma_start3A_24 = arith.constant 1 : i32
    %dma_start3A_25 = arith.constant 0 : i32
    %dma_start3A_26 = arith.constant 128 : i32
    %dma_start3A_27 = arith.constant 0 : i32
    %dma_start3A_28 = tpu.memref_slice %arg6[%dma_start3A_25, %dma_start3A_26, %dma_start3A_27] : memref<2x640x64xf32, #tpu.memory_space<vmem>> -> memref<1x128x64xf32, #tpu.memory_space<vmem>>
    %dma_start3A_29 = tpu.memref_squeeze %dma_start3A_28 : memref<1x128x64xf32, #tpu.memory_space<vmem>> -> memref<128x64xf32, #tpu.memory_space<vmem>>
    %dma_start3A_30 = arith.constant 0 : i32
    %dma_start3A_31 = tpu.memref_slice %arg5[%dma_start3A_23, %dma_start3A_24, %dma_start3A_30] : memref<2x5x128xi32, #tpu.memory_space<vmem>> -> memref<1x1x128xi32, #tpu.memory_space<vmem>>
    %dma_start3A_32 = tpu.memref_squeeze %dma_start3A_31 : memref<1x1x128xi32, #tpu.memory_space<vmem>> -> memref<128xi32, #tpu.memory_space<vmem>>
    %dma_start3A_33 = arith.constant 0 : i32
    %dma_start3A_34 = arith.constant 0 : i32
    %dma_start3A_35 = tpu.memref_slice %arg2[%dma_start3A_33, %dma_start3A_34] : memref<1000000x64xf32, #tpu.memory_space<hbm>> -> memref<1000000x64xf32, #tpu.memory_space<hbm>>
    tpu.enqueue_indirect_dma source(%dma_start3A_35 : memref<1000000x64xf32, #tpu.memory_space<hbm>>) target(%dma_start3A_29 : memref<128x64xf32, #tpu.memory_space<vmem>>) offsets(%dma_start3A_32 : memref<128xi32, #tpu.memory_space<vmem>>) semaphore(%arg7 : memref<!tpu.dma_semaphore, #tpu.memory_space<semaphore_mem>>)
    %dma_start3A_36 = arith.constant 0 : i32
    %dma_start3A_37 = arith.constant 2 : i32
    %dma_start3A_38 = arith.constant 0 : i32
    %dma_start3A_39 = arith.constant 256 : i32
    %dma_start3A_40 = arith.constant 0 : i32
    %dma_start3A_41 = tpu.memref_slice %arg6[%dma_start3A_38, %dma_start3A_39, %dma_start3A_40] : memref<2x640x64xf32, #tpu.memory_space<vmem>> -> memref<1x128x64xf32, #tpu.memory_space<vmem>>
    %dma_start3A_42 = tpu.memref_squeeze %dma_start3A_41 : memref<1x128x64xf32, #tpu.memory_space<vmem>> -> memref<128x64xf32, #tpu.memory_space<vmem>>
    %dma_start3A_43 = arith.constant 0 : i32
    %dma_start3A_44 = tpu.memref_slice %arg5[%dma_start3A_36, %dma_start3A_37, %dma_start3A_43] : memref<2x5x128xi32, #tpu.memory_space<vmem>> -> memref<1x1x128xi32, #tpu.memory_space<vmem>>
    %dma_start3A_45 = tpu.memref_squeeze %dma_start3A_44 : memref<1x1x128xi32, #tpu.memory_space<vmem>> -> memref<128xi32, #tpu.memory_space<vmem>>
    %dma_start3A_46 = arith.constant 0 : i32
    %dma_start3A_47 = arith.constant 0 : i32
    %dma_start3A_48 = tpu.memref_slice %arg2[%dma_start3A_46, %dma_start3A_47] : memref<1000000x64xf32, #tpu.memory_space<hbm>> -> memref<1000000x64xf32, #tpu.memory_space<hbm>>
    tpu.enqueue_indirect_dma source(%dma_start3A_48 : memref<1000000x64xf32, #tpu.memory_space<hbm>>) target(%dma_start3A_42 : memref<128x64xf32, #tpu.memory_space<vmem>>) offsets(%dma_start3A_45 : memref<128xi32, #tpu.memory_space<vmem>>) semaphore(%arg7 : memref<!tpu.dma_semaphore, #tpu.memory_space<semaphore_mem>>)
    %dma_start3A_49 = arith.constant 0 : i32
    %dma_start3A_50 = arith.constant 3 : i32
    %dma_start3A_51 = arith.constant 0 : i32
    %dma_start3A_52 = arith.constant 384 : i32
    %dma_start3A_53 = arith.constant 0 : i32
    %dma_start3A_54 = tpu.memref_slice %arg6[%dma_start3A_51, %dma_start3A_52, %dma_start3A_53] : memref<2x640x64xf32, #tpu.memory_space<vmem>> -> memref<1x128x64xf32, #tpu.memory_space<vmem>>
    %dma_start3A_55 = tpu.memref_squeeze %dma_start3A_54 : memref<1x128x64xf32, #tpu.memory_space<vmem>> -> memref<128x64xf32, #tpu.memory_space<vmem>>
    %dma_start3A_56 = arith.constant 0 : i32
    %dma_start3A_57 = tpu.memref_slice %arg5[%dma_start3A_49, %dma_start3A_50, %dma_start3A_56] : memref<2x5x128xi32, #tpu.memory_space<vmem>> -> memref<1x1x128xi32, #tpu.memory_space<vmem>>
    %dma_start3A_58 = tpu.memref_squeeze %dma_start3A_57 : memref<1x1x128xi32, #tpu.memory_space<vmem>> -> memref<128xi32, #tpu.memory_space<vmem>>
    %dma_start3A_59 = arith.constant 0 : i32
    %dma_start3A_60 = arith.constant 0 : i32
    %dma_start3A_61 = tpu.memref_slice %arg2[%dma_start3A_59, %dma_start3A_60] : memref<1000000x64xf32, #tpu.memory_space<hbm>> -> memref<1000000x64xf32, #tpu.memory_space<hbm>>
    tpu.enqueue_indirect_dma source(%dma_start3A_61 : memref<1000000x64xf32, #tpu.memory_space<hbm>>) target(%dma_start3A_55 : memref<128x64xf32, #tpu.memory_space<vmem>>) offsets(%dma_start3A_58 : memref<128xi32, #tpu.memory_space<vmem>>) semaphore(%arg7 : memref<!tpu.dma_semaphore, #tpu.memory_space<semaphore_mem>>)
    %dma_start3A_62 = arith.constant 0 : i32
    %dma_start3A_63 = arith.constant 4 : i32
    %dma_start3A_64 = arith.constant 0 : i32
    %dma_start3A_65 = arith.constant 512 : i32
    %dma_start3A_66 = arith.constant 0 : i32
    %dma_start3A_67 = tpu.memref_slice %arg6[%dma_start3A_64, %dma_start3A_65, %dma_start3A_66] : memref<2x640x64xf32, #tpu.memory_space<vmem>> -> memref<1x128x64xf32, #tpu.memory_space<vmem>>
    %dma_start3A_68 = tpu.memref_squeeze %dma_start3A_67 : memref<1x128x64xf32, #tpu.memory_space<vmem>> -> memref<128x64xf32, #tpu.memory_space<vmem>>
    %dma_start3A_69 = arith.constant 0 : i32
    %dma_start3A_70 = tpu.memref_slice %arg5[%dma_start3A_62, %dma_start3A_63, %dma_start3A_69] : memref<2x5x128xi32, #tpu.memory_space<vmem>> -> memref<1x1x128xi32, #tpu.memory_space<vmem>>
    %dma_start3A_71 = tpu.memref_squeeze %dma_start3A_70 : memref<1x1x128xi32, #tpu.memory_space<vmem>> -> memref<128xi32, #tpu.memory_space<vmem>>
    %dma_start3A_72 = arith.constant 0 : i32
    %dma_start3A_73 = arith.constant 0 : i32
    %dma_start3A_74 = tpu.memref_slice %arg2[%dma_start3A_72, %dma_start3A_73] : memref<1000000x64xf32, #tpu.memory_space<hbm>> -> memref<1000000x64xf32, #tpu.memory_space<hbm>>
    tpu.enqueue_indirect_dma source(%dma_start3A_74 : memref<1000000x64xf32, #tpu.memory_space<hbm>>) target(%dma_start3A_68 : memref<128x64xf32, #tpu.memory_space<vmem>>) offsets(%dma_start3A_71 : memref<128xi32, #tpu.memory_space<vmem>>) semaphore(%arg7 : memref<!tpu.dma_semaphore, #tpu.memory_space<semaphore_mem>>)
    %add3A_75 = arith.constant 5 : i32
    %add3A_76 = arith.addi %add3A_4, %add3A_75 : i32
    %run_scoped3A_77 = arith.constant 1 : i32
    "tpu.region"() ({
      %run_scoped3A_147 = tpu.sem_alloc : memref<!tpu.dma_semaphore, #tpu.memory_space<semaphore_mem>>
      %dma_start3A_148 = arith.constant 0 : i32
      %dma_start3A_149 = arith.constant 0 : i32
      %dma_start3A_150 = tpu.memref_slice %arg5[%run_scoped3A_77, %dma_start3A_148, %dma_start3A_149] : memref<2x5x128xi32, #tpu.memory_space<vmem>> -> memref<1x5x128xi32, #tpu.memory_space<vmem>>
      %dma_start3A_151 = tpu.memref_squeeze %dma_start3A_150 : memref<1x5x128xi32, #tpu.memory_space<vmem>> -> memref<5x128xi32, #tpu.memory_space<vmem>>
      %dma_start3A_152 = arith.constant 0 : i32
      %dma_start3A_153 = tpu.memref_slice %arg3[%add3A_76, %dma_start3A_152] : memref<6400x128xi32, #tpu.memory_space<hbm>> -> memref<5x128xi32, #tpu.memory_space<hbm>>
      %dma_start3A_154 = arith.constant 0 : i32
      %dma_start3A_155 = arith.constant 0 : i32
      %dma_start3A_156 = tpu.memref_slice %arg5[%run_scoped3A_77, %dma_start3A_154, %dma_start3A_155] : memref<2x5x128xi32, #tpu.memory_space<vmem>> -> memref<1x5x128xi32, #tpu.memory_space<vmem>>
      %dma_start3A_157 = tpu.memref_squeeze %dma_start3A_156 : memref<1x5x128xi32, #tpu.memory_space<vmem>> -> memref<5x128xi32, #tpu.memory_space<vmem>>
      %dma_start3A_158 = arith.constant 0 : i32
      %dma_start3A_159 = tpu.memref_slice %arg3[%add3A_76, %dma_start3A_158] : memref<6400x128xi32, #tpu.memory_space<hbm>> -> memref<5x128xi32, #tpu.memory_space<hbm>>
      tpu.enqueue_dma source(%dma_start3A_159 : memref<5x128xi32, #tpu.memory_space<hbm>>) target(%dma_start3A_157 : memref<5x128xi32, #tpu.memory_space<vmem>>) target_semaphore(%run_scoped3A_147 : memref<!tpu.dma_semaphore, #tpu.memory_space<semaphore_mem>>)
      %dma_wait3A = arith.constant 0 : i32
      %dma_wait3A_160 = arith.constant 0 : i32
      %dma_wait3A_161 = tpu.memref_slice %arg5[%run_scoped3A_77, %dma_wait3A, %dma_wait3A_160] : memref<2x5x128xi32, #tpu.memory_space<vmem>> -> memref<1x5x128xi32, #tpu.memory_space<vmem>>
      %dma_wait3A_162 = tpu.memref_squeeze %dma_wait3A_161 : memref<1x5x128xi32, #tpu.memory_space<vmem>> -> memref<5x128xi32, #tpu.memory_space<vmem>>
      %dma_wait3A_163 = arith.constant 0 : i32
      %dma_wait3A_164 = tpu.memref_slice %arg3[%add3A_76, %dma_wait3A_163] : memref<6400x128xi32, #tpu.memory_space<hbm>> -> memref<5x128xi32, #tpu.memory_space<hbm>>
      %dma_wait3A_165 = arith.constant 0 : i32
      %dma_wait3A_166 = arith.constant 0 : i32
      %dma_wait3A_167 = tpu.memref_slice %arg5[%run_scoped3A_77, %dma_wait3A_165, %dma_wait3A_166] : memref<2x5x128xi32, #tpu.memory_space<vmem>> -> memref<1x5x128xi32, #tpu.memory_space<vmem>>
      %dma_wait3A_168 = tpu.memref_squeeze %dma_wait3A_167 : memref<1x5x128xi32, #tpu.memory_space<vmem>> -> memref<5x128xi32, #tpu.memory_space<vmem>>
      %dma_wait3A_169 = arith.constant 0 : i32
      %dma_wait3A_170 = tpu.memref_slice %arg3[%add3A_76, %dma_wait3A_169] : memref<6400x128xi32, #tpu.memory_space<hbm>> -> memref<5x128xi32, #tpu.memory_space<hbm>>
      tpu.wait_dma2 semaphore(%run_scoped3A_147 : memref<!tpu.dma_semaphore, #tpu.memory_space<semaphore_mem>>) src(%dma_wait3A_170 : memref<5x128xi32, #tpu.memory_space<hbm>>) dst(%dma_wait3A_168 : memref<5x128xi32, #tpu.memory_space<vmem>>)
      tpu.yield
    }) : () -> ()
    %dma_start3A_78 = arith.constant 1 : i32
    %dma_start3A_79 = arith.constant 0 : i32
    %dma_start3A_80 = arith.constant 1 : i32
    %dma_start3A_81 = arith.constant 0 : i32
    %dma_start3A_82 = arith.constant 0 : i32
    %dma_start3A_83 = tpu.memref_slice %arg6[%dma_start3A_80, %dma_start3A_81, %dma_start3A_82] : memref<2x640x64xf32, #tpu.memory_space<vmem>> -> memref<1x128x64xf32, #tpu.memory_space<vmem>>
    %dma_start3A_84 = tpu.memref_squeeze %dma_start3A_83 : memref<1x128x64xf32, #tpu.memory_space<vmem>> -> memref<128x64xf32, #tpu.memory_space<vmem>>
    %dma_start3A_85 = arith.constant 0 : i32
    %dma_start3A_86 = tpu.memref_slice %arg5[%dma_start3A_78, %dma_start3A_79, %dma_start3A_85] : memref<2x5x128xi32, #tpu.memory_space<vmem>> -> memref<1x1x128xi32, #tpu.memory_space<vmem>>
    %dma_start3A_87 = tpu.memref_squeeze %dma_start3A_86 : memref<1x1x128xi32, #tpu.memory_space<vmem>> -> memref<128xi32, #tpu.memory_space<vmem>>
    %dma_start3A_88 = arith.constant 0 : i32
    %dma_start3A_89 = arith.constant 0 : i32
    %dma_start3A_90 = tpu.memref_slice %arg2[%dma_start3A_88, %dma_start3A_89] : memref<1000000x64xf32, #tpu.memory_space<hbm>> -> memref<1000000x64xf32, #tpu.memory_space<hbm>>
    tpu.enqueue_indirect_dma source(%dma_start3A_90 : memref<1000000x64xf32, #tpu.memory_space<hbm>>) target(%dma_start3A_84 : memref<128x64xf32, #tpu.memory_space<vmem>>) offsets(%dma_start3A_87 : memref<128xi32, #tpu.memory_space<vmem>>) semaphore(%arg8 : memref<!tpu.dma_semaphore, #tpu.memory_space<semaphore_mem>>)
    %dma_start3A_91 = arith.constant 1 : i32
    %dma_start3A_92 = arith.constant 1 : i32
    %dma_start3A_93 = arith.constant 1 : i32
    %dma_start3A_94 = arith.constant 128 : i32
    %dma_start3A_95 = arith.constant 0 : i32
    %dma_start3A_96 = tpu.memref_slice %arg6[%dma_start3A_93, %dma_start3A_94, %dma_start3A_95] : memref<2x640x64xf32, #tpu.memory_space<vmem>> -> memref<1x128x64xf32, #tpu.memory_space<vmem>>
    %dma_start3A_97 = tpu.memref_squeeze %dma_start3A_96 : memref<1x128x64xf32, #tpu.memory_space<vmem>> -> memref<128x64xf32, #tpu.memory_space<vmem>>
    %dma_start3A_98 = arith.constant 0 : i32
    %dma_start3A_99 = tpu.memref_slice %arg5[%dma_start3A_91, %dma_start3A_92, %dma_start3A_98] : memref<2x5x128xi32, #tpu.memory_space<vmem>> -> memref<1x1x128xi32, #tpu.memory_space<vmem>>
    %dma_start3A_100 = tpu.memref_squeeze %dma_start3A_99 : memref<1x1x128xi32, #tpu.memory_space<vmem>> -> memref<128xi32, #tpu.memory_space<vmem>>
    %dma_start3A_101 = arith.constant 0 : i32
    %dma_start3A_102 = arith.constant 0 : i32
    %dma_start3A_103 = tpu.memref_slice %arg2[%dma_start3A_101, %dma_start3A_102] : memref<1000000x64xf32, #tpu.memory_space<hbm>> -> memref<1000000x64xf32, #tpu.memory_space<hbm>>
    tpu.enqueue_indirect_dma source(%dma_start3A_103 : memref<1000000x64xf32, #tpu.memory_space<hbm>>) target(%dma_start3A_97 : memref<128x64xf32, #tpu.memory_space<vmem>>) offsets(%dma_start3A_100 : memref<128xi32, #tpu.memory_space<vmem>>) semaphore(%arg8 : memref<!tpu.dma_semaphore, #tpu.memory_space<semaphore_mem>>)
    %dma_start3A_104 = arith.constant 1 : i32
    %dma_start3A_105 = arith.constant 2 : i32
    %dma_start3A_106 = arith.constant 1 : i32
    %dma_start3A_107 = arith.constant 256 : i32
    %dma_start3A_108 = arith.constant 0 : i32
    %dma_start3A_109 = tpu.memref_slice %arg6[%dma_start3A_106, %dma_start3A_107, %dma_start3A_108] : memref<2x640x64xf32, #tpu.memory_space<vmem>> -> memref<1x128x64xf32, #tpu.memory_space<vmem>>
    %dma_start3A_110 = tpu.memref_squeeze %dma_start3A_109 : memref<1x128x64xf32, #tpu.memory_space<vmem>> -> memref<128x64xf32, #tpu.memory_space<vmem>>
    %dma_start3A_111 = arith.constant 0 : i32
    %dma_start3A_112 = tpu.memref_slice %arg5[%dma_start3A_104, %dma_start3A_105, %dma_start3A_111] : memref<2x5x128xi32, #tpu.memory_space<vmem>> -> memref<1x1x128xi32, #tpu.memory_space<vmem>>
    %dma_start3A_113 = tpu.memref_squeeze %dma_start3A_112 : memref<1x1x128xi32, #tpu.memory_space<vmem>> -> memref<128xi32, #tpu.memory_space<vmem>>
    %dma_start3A_114 = arith.constant 0 : i32
    %dma_start3A_115 = arith.constant 0 : i32
    %dma_start3A_116 = tpu.memref_slice %arg2[%dma_start3A_114, %dma_start3A_115] : memref<1000000x64xf32, #tpu.memory_space<hbm>> -> memref<1000000x64xf32, #tpu.memory_space<hbm>>
    tpu.enqueue_indirect_dma source(%dma_start3A_116 : memref<1000000x64xf32, #tpu.memory_space<hbm>>) target(%dma_start3A_110 : memref<128x64xf32, #tpu.memory_space<vmem>>) offsets(%dma_start3A_113 : memref<128xi32, #tpu.memory_space<vmem>>) semaphore(%arg8 : memref<!tpu.dma_semaphore, #tpu.memory_space<semaphore_mem>>)
    %dma_start3A_117 = arith.constant 1 : i32
    %dma_start3A_118 = arith.constant 3 : i32
    %dma_start3A_119 = arith.constant 1 : i32
    %dma_start3A_120 = arith.constant 384 : i32
    %dma_start3A_121 = arith.constant 0 : i32
    %dma_start3A_122 = tpu.memref_slice %arg6[%dma_start3A_119, %dma_start3A_120, %dma_start3A_121] : memref<2x640x64xf32, #tpu.memory_space<vmem>> -> memref<1x128x64xf32, #tpu.memory_space<vmem>>
    %dma_start3A_123 = tpu.memref_squeeze %dma_start3A_122 : memref<1x128x64xf32, #tpu.memory_space<vmem>> -> memref<128x64xf32, #tpu.memory_space<vmem>>
    %dma_start3A_124 = arith.constant 0 : i32
    %dma_start3A_125 = tpu.memref_slice %arg5[%dma_start3A_117, %dma_start3A_118, %dma_start3A_124] : memref<2x5x128xi32, #tpu.memory_space<vmem>> -> memref<1x1x128xi32, #tpu.memory_space<vmem>>
    %dma_start3A_126 = tpu.memref_squeeze %dma_start3A_125 : memref<1x1x128xi32, #tpu.memory_space<vmem>> -> memref<128xi32, #tpu.memory_space<vmem>>
    %dma_start3A_127 = arith.constant 0 : i32
    %dma_start3A_128 = arith.constant 0 : i32
    %dma_start3A_129 = tpu.memref_slice %arg2[%dma_start3A_127, %dma_start3A_128] : memref<1000000x64xf32, #tpu.memory_space<hbm>> -> memref<1000000x64xf32, #tpu.memory_space<hbm>>
    tpu.enqueue_indirect_dma source(%dma_start3A_129 : memref<1000000x64xf32, #tpu.memory_space<hbm>>) target(%dma_start3A_123 : memref<128x64xf32, #tpu.memory_space<vmem>>) offsets(%dma_start3A_126 : memref<128xi32, #tpu.memory_space<vmem>>) semaphore(%arg8 : memref<!tpu.dma_semaphore, #tpu.memory_space<semaphore_mem>>)
    %dma_start3A_130 = arith.constant 1 : i32
    %dma_start3A_131 = arith.constant 4 : i32
    %dma_start3A_132 = arith.constant 1 : i32
    %dma_start3A_133 = arith.constant 512 : i32
    %dma_start3A_134 = arith.constant 0 : i32
    %dma_start3A_135 = tpu.memref_slice %arg6[%dma_start3A_132, %dma_start3A_133, %dma_start3A_134] : memref<2x640x64xf32, #tpu.memory_space<vmem>> -> memref<1x128x64xf32, #tpu.memory_space<vmem>>
    %dma_start3A_136 = tpu.memref_squeeze %dma_start3A_135 : memref<1x128x64xf32, #tpu.memory_space<vmem>> -> memref<128x64xf32, #tpu.memory_space<vmem>>
    %dma_start3A_137 = arith.constant 0 : i32
    %dma_start3A_138 = tpu.memref_slice %arg5[%dma_start3A_130, %dma_start3A_131, %dma_start3A_137] : memref<2x5x128xi32, #tpu.memory_space<vmem>> -> memref<1x1x128xi32, #tpu.memory_space<vmem>>
    %dma_start3A_139 = tpu.memref_squeeze %dma_start3A_138 : memref<1x1x128xi32, #tpu.memory_space<vmem>> -> memref<128xi32, #tpu.memory_space<vmem>>
    %dma_start3A_140 = arith.constant 0 : i32
    %dma_start3A_141 = arith.constant 0 : i32
    %dma_start3A_142 = tpu.memref_slice %arg2[%dma_start3A_140, %dma_start3A_141] : memref<1000000x64xf32, #tpu.memory_space<hbm>> -> memref<1000000x64xf32, #tpu.memory_space<hbm>>
    tpu.enqueue_indirect_dma source(%dma_start3A_142 : memref<1000000x64xf32, #tpu.memory_space<hbm>>) target(%dma_start3A_136 : memref<128x64xf32, #tpu.memory_space<vmem>>) offsets(%dma_start3A_139 : memref<128xi32, #tpu.memory_space<vmem>>) semaphore(%arg8 : memref<!tpu.dma_semaphore, #tpu.memory_space<semaphore_mem>>)
    %scan3A = arith.constant 0 : i32
    %scan3A_143 = arith.constant 5 : i32
    %scan3A_144 = arith.addi %scan3A, %scan3A_143 : i32
    %scan3A_145 = arith.constant 1 : i32
    scf.for %scan3A_147 = %scan3A to %scan3A_144 step %scan3A_145  : i32 {
      %mul3A_148 = arith.constant 2 : i32
      %mul3A_149 = arith.muli %scan3A_147, %mul3A_148 : i32
      %add3A_150 = arith.constant 0 : i32
      %add3A_151 = arith.addi %add3A_150, %mul3A_149 : i32
      %add3A_152 = arith.constant 0 : i32
      %add3A_153 = arith.addi %add3A_151, %add3A_152 : i32
      %dma_wait3A = arith.constant 0 : i32
      %dma_wait3A_154 = arith.constant 0 : i32
      %dma_wait3A_155 = arith.constant 0 : i32
      %dma_wait3A_156 = tpu.memref_slice %arg6[%dma_wait3A, %dma_wait3A_154, %dma_wait3A_155] : memref<2x640x64xf32, #tpu.memory_space<vmem>> -> memref<1x640x64xf32, #tpu.memory_space<vmem>>
      %dma_wait3A_157 = tpu.memref_squeeze %dma_wait3A_156 : memref<1x640x64xf32, #tpu.memory_space<vmem>> -> memref<640x64xf32, #tpu.memory_space<vmem>>
      %dma_wait3A_158 = arith.constant 0 : i32
      %dma_wait3A_159 = arith.constant 0 : i32
      %dma_wait3A_160 = tpu.memref_slice %arg4[%dma_wait3A_158, %dma_wait3A_159] : memref<204800x64xf32, #tpu.memory_space<hbm>> -> memref<640x64xf32, #tpu.memory_space<hbm>>
      %dma_wait3A_161 = arith.constant 0 : i32
      %dma_wait3A_162 = arith.constant 0 : i32
      %dma_wait3A_163 = tpu.memref_slice %arg6[%dma_wait3A, %dma_wait3A_161, %dma_wait3A_162] : memref<2x640x64xf32, #tpu.memory_space<vmem>> -> memref<1x640x64xf32, #tpu.memory_space<vmem>>
      %dma_wait3A_164 = tpu.memref_squeeze %dma_wait3A_163 : memref<1x640x64xf32, #tpu.memory_space<vmem>> -> memref<640x64xf32, #tpu.memory_space<vmem>>
      %dma_wait3A_165 = arith.constant 0 : i32
      %dma_wait3A_166 = arith.constant 0 : i32
      %dma_wait3A_167 = tpu.memref_slice %arg4[%dma_wait3A_165, %dma_wait3A_166] : memref<204800x64xf32, #tpu.memory_space<hbm>> -> memref<640x64xf32, #tpu.memory_space<hbm>>
      tpu.wait_dma2 semaphore(%arg7 : memref<!tpu.dma_semaphore, #tpu.memory_space<semaphore_mem>>) src(%dma_wait3A_167 : memref<640x64xf32, #tpu.memory_space<hbm>>) dst(%dma_wait3A_164 : memref<640x64xf32, #tpu.memory_space<vmem>>)
      %mul3A_168 = arith.constant 5 : i32
      %mul3A_169 = arith.muli %add3A_153, %mul3A_168 : i32
      %mul3A_170 = arith.constant 128 : i32
      %mul3A_171 = arith.muli %mul3A_169, %mul3A_170 : i32
      %add3A_172 = arith.addi %mul3A_8, %mul3A_171 : i32
      %run_scoped3A_173 = arith.constant 0 : i32
      "tpu.region"() ({
        %run_scoped3A_208 = tpu.sem_alloc : memref<!tpu.dma_semaphore, #tpu.memory_space<semaphore_mem>>
        %dma_start3A_209 = arith.constant 0 : i32
        %dma_start3A_210 = arith.constant 0 : i32
        %dma_start3A_211 = tpu.memref_slice %arg6[%run_scoped3A_173, %dma_start3A_209, %dma_start3A_210] : memref<2x640x64xf32, #tpu.memory_space<vmem>> -> memref<1x640x64xf32, #tpu.memory_space<vmem>>
        %dma_start3A_212 = tpu.memref_squeeze %dma_start3A_211 : memref<1x640x64xf32, #tpu.memory_space<vmem>> -> memref<640x64xf32, #tpu.memory_space<vmem>>
        %dma_start3A_213 = arith.constant 0 : i32
        %dma_start3A_214 = tpu.memref_slice %arg4[%add3A_172, %dma_start3A_213] : memref<204800x64xf32, #tpu.memory_space<hbm>> -> memref<640x64xf32, #tpu.memory_space<hbm>>
        %dma_start3A_215 = arith.constant 0 : i32
        %dma_start3A_216 = tpu.memref_slice %arg4[%add3A_172, %dma_start3A_215] : memref<204800x64xf32, #tpu.memory_space<hbm>> -> memref<640x64xf32, #tpu.memory_space<hbm>>
        %dma_start3A_217 = arith.constant 0 : i32
        %dma_start3A_218 = arith.constant 0 : i32
        %dma_start3A_219 = tpu.memref_slice %arg6[%run_scoped3A_173, %dma_start3A_217, %dma_start3A_218] : memref<2x640x64xf32, #tpu.memory_space<vmem>> -> memref<1x640x64xf32, #tpu.memory_space<vmem>>
        %dma_start3A_220 = tpu.memref_squeeze %dma_start3A_219 : memref<1x640x64xf32, #tpu.memory_space<vmem>> -> memref<640x64xf32, #tpu.memory_space<vmem>>
        tpu.enqueue_dma source(%dma_start3A_220 : memref<640x64xf32, #tpu.memory_space<vmem>>) target(%dma_start3A_216 : memref<640x64xf32, #tpu.memory_space<hbm>>) target_semaphore(%run_scoped3A_208 : memref<!tpu.dma_semaphore, #tpu.memory_space<semaphore_mem>>)
        %dma_wait3A_221 = arith.constant 0 : i32
        %dma_wait3A_222 = arith.constant 0 : i32
        %dma_wait3A_223 = tpu.memref_slice %arg6[%run_scoped3A_173, %dma_wait3A_221, %dma_wait3A_222] : memref<2x640x64xf32, #tpu.memory_space<vmem>> -> memref<1x640x64xf32, #tpu.memory_space<vmem>>
        %dma_wait3A_224 = tpu.memref_squeeze %dma_wait3A_223 : memref<1x640x64xf32, #tpu.memory_space<vmem>> -> memref<640x64xf32, #tpu.memory_space<vmem>>
        %dma_wait3A_225 = arith.constant 0 : i32
        %dma_wait3A_226 = tpu.memref_slice %arg4[%add3A_172, %dma_wait3A_225] : memref<204800x64xf32, #tpu.memory_space<hbm>> -> memref<640x64xf32, #tpu.memory_space<hbm>>
        %dma_wait3A_227 = arith.constant 0 : i32
        %dma_wait3A_228 = tpu.memref_slice %arg4[%add3A_172, %dma_wait3A_227] : memref<204800x64xf32, #tpu.memory_space<hbm>> -> memref<640x64xf32, #tpu.memory_space<hbm>>
        %dma_wait3A_229 = arith.constant 0 : i32
        %dma_wait3A_230 = arith.constant 0 : i32
        %dma_wait3A_231 = tpu.memref_slice %arg6[%run_scoped3A_173, %dma_wait3A_229, %dma_wait3A_230] : memref<2x640x64xf32, #tpu.memory_space<vmem>> -> memref<1x640x64xf32, #tpu.memory_space<vmem>>
        %dma_wait3A_232 = tpu.memref_squeeze %dma_wait3A_231 : memref<1x640x64xf32, #tpu.memory_space<vmem>> -> memref<640x64xf32, #tpu.memory_space<vmem>>
        tpu.wait_dma2 semaphore(%run_scoped3A_208 : memref<!tpu.dma_semaphore, #tpu.memory_space<semaphore_mem>>) src(%dma_wait3A_232 : memref<640x64xf32, #tpu.memory_space<vmem>>) dst(%dma_wait3A_228 : memref<640x64xf32, #tpu.memory_space<hbm>>)
        tpu.yield
      }) : () -> ()
      %add3A_174 = arith.constant 2 : i32
      %add3A_175 = arith.addi %add3A_153, %add3A_174 : i32
      %lt3A = arith.constant 10 : i32
      %lt3A_176 = arith.cmpi slt, %add3A_175, %lt3A : i32
      %convert_element_type3A = arith.extui %lt3A_176 : i1 to i32
      %cond3A = arith.constant 0 : i32
      %cond3A_177 = arith.cmpi ne, %convert_element_type3A, %cond3A : i32
      scf.if %cond3A_177 {
        %add3A_208 = arith.constant 2 : i32
        %add3A_209 = arith.addi %add3A_153, %add3A_208 : i32
        %mul3A_210 = arith.constant 5 : i32
        %mul3A_211 = arith.muli %add3A_209, %mul3A_210 : i32
        %add3A_212 = arith.addi %add3A_4, %mul3A_211 : i32
        %run_scoped3A_213 = arith.constant 0 : i32
        "tpu.region"() ({
          %run_scoped3A_279 = tpu.sem_alloc : memref<!tpu.dma_semaphore, #tpu.memory_space<semaphore_mem>>
          %dma_start3A_280 = arith.constant 0 : i32
          %dma_start3A_281 = arith.constant 0 : i32
          %dma_start3A_282 = tpu.memref_slice %arg5[%run_scoped3A_213, %dma_start3A_280, %dma_start3A_281] : memref<2x5x128xi32, #tpu.memory_space<vmem>> -> memref<1x5x128xi32, #tpu.memory_space<vmem>>
          %dma_start3A_283 = tpu.memref_squeeze %dma_start3A_282 : memref<1x5x128xi32, #tpu.memory_space<vmem>> -> memref<5x128xi32, #tpu.memory_space<vmem>>
          %dma_start3A_284 = arith.constant 0 : i32
          %dma_start3A_285 = tpu.memref_slice %arg3[%add3A_212, %dma_start3A_284] : memref<6400x128xi32, #tpu.memory_space<hbm>> -> memref<5x128xi32, #tpu.memory_space<hbm>>
          %dma_start3A_286 = arith.constant 0 : i32
          %dma_start3A_287 = arith.constant 0 : i32
          %dma_start3A_288 = tpu.memref_slice %arg5[%run_scoped3A_213, %dma_start3A_286, %dma_start3A_287] : memref<2x5x128xi32, #tpu.memory_space<vmem>> -> memref<1x5x128xi32, #tpu.memory_space<vmem>>
          %dma_start3A_289 = tpu.memref_squeeze %dma_start3A_288 : memref<1x5x128xi32, #tpu.memory_space<vmem>> -> memref<5x128xi32, #tpu.memory_space<vmem>>
          %dma_start3A_290 = arith.constant 0 : i32
          %dma_start3A_291 = tpu.memref_slice %arg3[%add3A_212, %dma_start3A_290] : memref<6400x128xi32, #tpu.memory_space<hbm>> -> memref<5x128xi32, #tpu.memory_space<hbm>>
          tpu.enqueue_dma source(%dma_start3A_291 : memref<5x128xi32, #tpu.memory_space<hbm>>) target(%dma_start3A_289 : memref<5x128xi32, #tpu.memory_space<vmem>>) target_semaphore(%run_scoped3A_279 : memref<!tpu.dma_semaphore, #tpu.memory_space<semaphore_mem>>)
          %dma_wait3A_292 = arith.constant 0 : i32
          %dma_wait3A_293 = arith.constant 0 : i32
          %dma_wait3A_294 = tpu.memref_slice %arg5[%run_scoped3A_213, %dma_wait3A_292, %dma_wait3A_293] : memref<2x5x128xi32, #tpu.memory_space<vmem>> -> memref<1x5x128xi32, #tpu.memory_space<vmem>>
          %dma_wait3A_295 = tpu.memref_squeeze %dma_wait3A_294 : memref<1x5x128xi32, #tpu.memory_space<vmem>> -> memref<5x128xi32, #tpu.memory_space<vmem>>
          %dma_wait3A_296 = arith.constant 0 : i32
          %dma_wait3A_297 = tpu.memref_slice %arg3[%add3A_212, %dma_wait3A_296] : memref<6400x128xi32, #tpu.memory_space<hbm>> -> memref<5x128xi32, #tpu.memory_space<hbm>>
          %dma_wait3A_298 = arith.constant 0 : i32
          %dma_wait3A_299 = arith.constant 0 : i32
          %dma_wait3A_300 = tpu.memref_slice %arg5[%run_scoped3A_213, %dma_wait3A_298, %dma_wait3A_299] : memref<2x5x128xi32, #tpu.memory_space<vmem>> -> memref<1x5x128xi32, #tpu.memory_space<vmem>>
          %dma_wait3A_301 = tpu.memref_squeeze %dma_wait3A_300 : memref<1x5x128xi32, #tpu.memory_space<vmem>> -> memref<5x128xi32, #tpu.memory_space<vmem>>
          %dma_wait3A_302 = arith.constant 0 : i32
          %dma_wait3A_303 = tpu.memref_slice %arg3[%add3A_212, %dma_wait3A_302] : memref<6400x128xi32, #tpu.memory_space<hbm>> -> memref<5x128xi32, #tpu.memory_space<hbm>>
          tpu.wait_dma2 semaphore(%run_scoped3A_279 : memref<!tpu.dma_semaphore, #tpu.memory_space<semaphore_mem>>) src(%dma_wait3A_303 : memref<5x128xi32, #tpu.memory_space<hbm>>) dst(%dma_wait3A_301 : memref<5x128xi32, #tpu.memory_space<vmem>>)
          tpu.yield
        }) : () -> ()
        %dma_start3A_214 = arith.constant 0 : i32
        %dma_start3A_215 = arith.constant 0 : i32
        %dma_start3A_216 = arith.constant 0 : i32
        %dma_start3A_217 = arith.constant 0 : i32
        %dma_start3A_218 = arith.constant 0 : i32
        %dma_start3A_219 = tpu.memref_slice %arg6[%dma_start3A_216, %dma_start3A_217, %dma_start3A_218] : memref<2x640x64xf32, #tpu.memory_space<vmem>> -> memref<1x128x64xf32, #tpu.memory_space<vmem>>
        %dma_start3A_220 = tpu.memref_squeeze %dma_start3A_219 : memref<1x128x64xf32, #tpu.memory_space<vmem>> -> memref<128x64xf32, #tpu.memory_space<vmem>>
        %dma_start3A_221 = arith.constant 0 : i32
        %dma_start3A_222 = tpu.memref_slice %arg5[%dma_start3A_214, %dma_start3A_215, %dma_start3A_221] : memref<2x5x128xi32, #tpu.memory_space<vmem>> -> memref<1x1x128xi32, #tpu.memory_space<vmem>>
        %dma_start3A_223 = tpu.memref_squeeze %dma_start3A_222 : memref<1x1x128xi32, #tpu.memory_space<vmem>> -> memref<128xi32, #tpu.memory_space<vmem>>
        %dma_start3A_224 = arith.constant 0 : i32
        %dma_start3A_225 = arith.constant 0 : i32
        %dma_start3A_226 = tpu.memref_slice %arg2[%dma_start3A_224, %dma_start3A_225] : memref<1000000x64xf32, #tpu.memory_space<hbm>> -> memref<1000000x64xf32, #tpu.memory_space<hbm>>
        tpu.enqueue_indirect_dma source(%dma_start3A_226 : memref<1000000x64xf32, #tpu.memory_space<hbm>>) target(%dma_start3A_220 : memref<128x64xf32, #tpu.memory_space<vmem>>) offsets(%dma_start3A_223 : memref<128xi32, #tpu.memory_space<vmem>>) semaphore(%arg7 : memref<!tpu.dma_semaphore, #tpu.memory_space<semaphore_mem>>)
        %dma_start3A_227 = arith.constant 0 : i32
        %dma_start3A_228 = arith.constant 1 : i32
        %dma_start3A_229 = arith.constant 0 : i32
        %dma_start3A_230 = arith.constant 128 : i32
        %dma_start3A_231 = arith.constant 0 : i32
        %dma_start3A_232 = tpu.memref_slice %arg6[%dma_start3A_229, %dma_start3A_230, %dma_start3A_231] : memref<2x640x64xf32, #tpu.memory_space<vmem>> -> memref<1x128x64xf32, #tpu.memory_space<vmem>>
        %dma_start3A_233 = tpu.memref_squeeze %dma_start3A_232 : memref<1x128x64xf32, #tpu.memory_space<vmem>> -> memref<128x64xf32, #tpu.memory_space<vmem>>
        %dma_start3A_234 = arith.constant 0 : i32
        %dma_start3A_235 = tpu.memref_slice %arg5[%dma_start3A_227, %dma_start3A_228, %dma_start3A_234] : memref<2x5x128xi32, #tpu.memory_space<vmem>> -> memref<1x1x128xi32, #tpu.memory_space<vmem>>
        %dma_start3A_236 = tpu.memref_squeeze %dma_start3A_235 : memref<1x1x128xi32, #tpu.memory_space<vmem>> -> memref<128xi32, #tpu.memory_space<vmem>>
        %dma_start3A_237 = arith.constant 0 : i32
        %dma_start3A_238 = arith.constant 0 : i32
        %dma_start3A_239 = tpu.memref_slice %arg2[%dma_start3A_237, %dma_start3A_238] : memref<1000000x64xf32, #tpu.memory_space<hbm>> -> memref<1000000x64xf32, #tpu.memory_space<hbm>>
        tpu.enqueue_indirect_dma source(%dma_start3A_239 : memref<1000000x64xf32, #tpu.memory_space<hbm>>) target(%dma_start3A_233 : memref<128x64xf32, #tpu.memory_space<vmem>>) offsets(%dma_start3A_236 : memref<128xi32, #tpu.memory_space<vmem>>) semaphore(%arg7 : memref<!tpu.dma_semaphore, #tpu.memory_space<semaphore_mem>>)
        %dma_start3A_240 = arith.constant 0 : i32
        %dma_start3A_241 = arith.constant 2 : i32
        %dma_start3A_242 = arith.constant 0 : i32
        %dma_start3A_243 = arith.constant 256 : i32
        %dma_start3A_244 = arith.constant 0 : i32
        %dma_start3A_245 = tpu.memref_slice %arg6[%dma_start3A_242, %dma_start3A_243, %dma_start3A_244] : memref<2x640x64xf32, #tpu.memory_space<vmem>> -> memref<1x128x64xf32, #tpu.memory_space<vmem>>
        %dma_start3A_246 = tpu.memref_squeeze %dma_start3A_245 : memref<1x128x64xf32, #tpu.memory_space<vmem>> -> memref<128x64xf32, #tpu.memory_space<vmem>>
        %dma_start3A_247 = arith.constant 0 : i32
        %dma_start3A_248 = tpu.memref_slice %arg5[%dma_start3A_240, %dma_start3A_241, %dma_start3A_247] : memref<2x5x128xi32, #tpu.memory_space<vmem>> -> memref<1x1x128xi32, #tpu.memory_space<vmem>>
        %dma_start3A_249 = tpu.memref_squeeze %dma_start3A_248 : memref<1x1x128xi32, #tpu.memory_space<vmem>> -> memref<128xi32, #tpu.memory_space<vmem>>
        %dma_start3A_250 = arith.constant 0 : i32
        %dma_start3A_251 = arith.constant 0 : i32
        %dma_start3A_252 = tpu.memref_slice %arg2[%dma_start3A_250, %dma_start3A_251] : memref<1000000x64xf32, #tpu.memory_space<hbm>> -> memref<1000000x64xf32, #tpu.memory_space<hbm>>
        tpu.enqueue_indirect_dma source(%dma_start3A_252 : memref<1000000x64xf32, #tpu.memory_space<hbm>>) target(%dma_start3A_246 : memref<128x64xf32, #tpu.memory_space<vmem>>) offsets(%dma_start3A_249 : memref<128xi32, #tpu.memory_space<vmem>>) semaphore(%arg7 : memref<!tpu.dma_semaphore, #tpu.memory_space<semaphore_mem>>)
        %dma_start3A_253 = arith.constant 0 : i32
        %dma_start3A_254 = arith.constant 3 : i32
        %dma_start3A_255 = arith.constant 0 : i32
        %dma_start3A_256 = arith.constant 384 : i32
        %dma_start3A_257 = arith.constant 0 : i32
        %dma_start3A_258 = tpu.memref_slice %arg6[%dma_start3A_255, %dma_start3A_256, %dma_start3A_257] : memref<2x640x64xf32, #tpu.memory_space<vmem>> -> memref<1x128x64xf32, #tpu.memory_space<vmem>>
        %dma_start3A_259 = tpu.memref_squeeze %dma_start3A_258 : memref<1x128x64xf32, #tpu.memory_space<vmem>> -> memref<128x64xf32, #tpu.memory_space<vmem>>
        %dma_start3A_260 = arith.constant 0 : i32
        %dma_start3A_261 = tpu.memref_slice %arg5[%dma_start3A_253, %dma_start3A_254, %dma_start3A_260] : memref<2x5x128xi32, #tpu.memory_space<vmem>> -> memref<1x1x128xi32, #tpu.memory_space<vmem>>
        %dma_start3A_262 = tpu.memref_squeeze %dma_start3A_261 : memref<1x1x128xi32, #tpu.memory_space<vmem>> -> memref<128xi32, #tpu.memory_space<vmem>>
        %dma_start3A_263 = arith.constant 0 : i32
        %dma_start3A_264 = arith.constant 0 : i32
        %dma_start3A_265 = tpu.memref_slice %arg2[%dma_start3A_263, %dma_start3A_264] : memref<1000000x64xf32, #tpu.memory_space<hbm>> -> memref<1000000x64xf32, #tpu.memory_space<hbm>>
        tpu.enqueue_indirect_dma source(%dma_start3A_265 : memref<1000000x64xf32, #tpu.memory_space<hbm>>) target(%dma_start3A_259 : memref<128x64xf32, #tpu.memory_space<vmem>>) offsets(%dma_start3A_262 : memref<128xi32, #tpu.memory_space<vmem>>) semaphore(%arg7 : memref<!tpu.dma_semaphore, #tpu.memory_space<semaphore_mem>>)
        %dma_start3A_266 = arith.constant 0 : i32
        %dma_start3A_267 = arith.constant 4 : i32
        %dma_start3A_268 = arith.constant 0 : i32
        %dma_start3A_269 = arith.constant 512 : i32
        %dma_start3A_270 = arith.constant 0 : i32
        %dma_start3A_271 = tpu.memref_slice %arg6[%dma_start3A_268, %dma_start3A_269, %dma_start3A_270] : memref<2x640x64xf32, #tpu.memory_space<vmem>> -> memref<1x128x64xf32, #tpu.memory_space<vmem>>
        %dma_start3A_272 = tpu.memref_squeeze %dma_start3A_271 : memref<1x128x64xf32, #tpu.memory_space<vmem>> -> memref<128x64xf32, #tpu.memory_space<vmem>>
        %dma_start3A_273 = arith.constant 0 : i32
        %dma_start3A_274 = tpu.memref_slice %arg5[%dma_start3A_266, %dma_start3A_267, %dma_start3A_273] : memref<2x5x128xi32, #tpu.memory_space<vmem>> -> memref<1x1x128xi32, #tpu.memory_space<vmem>>
        %dma_start3A_275 = tpu.memref_squeeze %dma_start3A_274 : memref<1x1x128xi32, #tpu.memory_space<vmem>> -> memref<128xi32, #tpu.memory_space<vmem>>
        %dma_start3A_276 = arith.constant 0 : i32
        %dma_start3A_277 = arith.constant 0 : i32
        %dma_start3A_278 = tpu.memref_slice %arg2[%dma_start3A_276, %dma_start3A_277] : memref<1000000x64xf32, #tpu.memory_space<hbm>> -> memref<1000000x64xf32, #tpu.memory_space<hbm>>
        tpu.enqueue_indirect_dma source(%dma_start3A_278 : memref<1000000x64xf32, #tpu.memory_space<hbm>>) target(%dma_start3A_272 : memref<128x64xf32, #tpu.memory_space<vmem>>) offsets(%dma_start3A_275 : memref<128xi32, #tpu.memory_space<vmem>>) semaphore(%arg7 : memref<!tpu.dma_semaphore, #tpu.memory_space<semaphore_mem>>)
      } else {
      }
      %add3A_178 = arith.constant 1 : i32
      %add3A_179 = arith.addi %add3A_151, %add3A_178 : i32
      %dma_wait3A_180 = arith.constant 1 : i32
      %dma_wait3A_181 = arith.constant 0 : i32
      %dma_wait3A_182 = arith.constant 0 : i32
      %dma_wait3A_183 = tpu.memref_slice %arg6[%dma_wait3A_180, %dma_wait3A_181, %dma_wait3A_182] : memref<2x640x64xf32, #tpu.memory_space<vmem>> -> memref<1x640x64xf32, #tpu.memory_space<vmem>>
      %dma_wait3A_184 = tpu.memref_squeeze %dma_wait3A_183 : memref<1x640x64xf32, #tpu.memory_space<vmem>> -> memref<640x64xf32, #tpu.memory_space<vmem>>
      %dma_wait3A_185 = arith.constant 0 : i32
      %dma_wait3A_186 = arith.constant 0 : i32
      %dma_wait3A_187 = tpu.memref_slice %arg4[%dma_wait3A_185, %dma_wait3A_186] : memref<204800x64xf32, #tpu.memory_space<hbm>> -> memref<640x64xf32, #tpu.memory_space<hbm>>
      %dma_wait3A_188 = arith.constant 0 : i32
      %dma_wait3A_189 = arith.constant 0 : i32
      %dma_wait3A_190 = tpu.memref_slice %arg6[%dma_wait3A_180, %dma_wait3A_188, %dma_wait3A_189] : memref<2x640x64xf32, #tpu.memory_space<vmem>> -> memref<1x640x64xf32, #tpu.memory_space<vmem>>
      %dma_wait3A_191 = tpu.memref_squeeze %dma_wait3A_190 : memref<1x640x64xf32, #tpu.memory_space<vmem>> -> memref<640x64xf32, #tpu.memory_space<vmem>>
      %dma_wait3A_192 = arith.constant 0 : i32
      %dma_wait3A_193 = arith.constant 0 : i32
      %dma_wait3A_194 = tpu.memref_slice %arg4[%dma_wait3A_192, %dma_wait3A_193] : memref<204800x64xf32, #tpu.memory_space<hbm>> -> memref<640x64xf32, #tpu.memory_space<hbm>>
      tpu.wait_dma2 semaphore(%arg8 : memref<!tpu.dma_semaphore, #tpu.memory_space<semaphore_mem>>) src(%dma_wait3A_194 : memref<640x64xf32, #tpu.memory_space<hbm>>) dst(%dma_wait3A_191 : memref<640x64xf32, #tpu.memory_space<vmem>>)
      %mul3A_195 = arith.constant 5 : i32
      %mul3A_196 = arith.muli %add3A_179, %mul3A_195 : i32
      %mul3A_197 = arith.constant 128 : i32
      %mul3A_198 = arith.muli %mul3A_196, %mul3A_197 : i32
      %add3A_199 = arith.addi %mul3A_8, %mul3A_198 : i32
      %run_scoped3A_200 = arith.constant 1 : i32
      "tpu.region"() ({
        %run_scoped3A_208 = tpu.sem_alloc : memref<!tpu.dma_semaphore, #tpu.memory_space<semaphore_mem>>
        %dma_start3A_209 = arith.constant 0 : i32
        %dma_start3A_210 = arith.constant 0 : i32
        %dma_start3A_211 = tpu.memref_slice %arg6[%run_scoped3A_200, %dma_start3A_209, %dma_start3A_210] : memref<2x640x64xf32, #tpu.memory_space<vmem>> -> memref<1x640x64xf32, #tpu.memory_space<vmem>>
        %dma_start3A_212 = tpu.memref_squeeze %dma_start3A_211 : memref<1x640x64xf32, #tpu.memory_space<vmem>> -> memref<640x64xf32, #tpu.memory_space<vmem>>
        %dma_start3A_213 = arith.constant 0 : i32
        %dma_start3A_214 = tpu.memref_slice %arg4[%add3A_199, %dma_start3A_213] : memref<204800x64xf32, #tpu.memory_space<hbm>> -> memref<640x64xf32, #tpu.memory_space<hbm>>
        %dma_start3A_215 = arith.constant 0 : i32
        %dma_start3A_216 = tpu.memref_slice %arg4[%add3A_199, %dma_start3A_215] : memref<204800x64xf32, #tpu.memory_space<hbm>> -> memref<640x64xf32, #tpu.memory_space<hbm>>
        %dma_start3A_217 = arith.constant 0 : i32
        %dma_start3A_218 = arith.constant 0 : i32
        %dma_start3A_219 = tpu.memref_slice %arg6[%run_scoped3A_200, %dma_start3A_217, %dma_start3A_218] : memref<2x640x64xf32, #tpu.memory_space<vmem>> -> memref<1x640x64xf32, #tpu.memory_space<vmem>>
        %dma_start3A_220 = tpu.memref_squeeze %dma_start3A_219 : memref<1x640x64xf32, #tpu.memory_space<vmem>> -> memref<640x64xf32, #tpu.memory_space<vmem>>
        tpu.enqueue_dma source(%dma_start3A_220 : memref<640x64xf32, #tpu.memory_space<vmem>>) target(%dma_start3A_216 : memref<640x64xf32, #tpu.memory_space<hbm>>) target_semaphore(%run_scoped3A_208 : memref<!tpu.dma_semaphore, #tpu.memory_space<semaphore_mem>>)
        %dma_wait3A_221 = arith.constant 0 : i32
        %dma_wait3A_222 = arith.constant 0 : i32
        %dma_wait3A_223 = tpu.memref_slice %arg6[%run_scoped3A_200, %dma_wait3A_221, %dma_wait3A_222] : memref<2x640x64xf32, #tpu.memory_space<vmem>> -> memref<1x640x64xf32, #tpu.memory_space<vmem>>
        %dma_wait3A_224 = tpu.memref_squeeze %dma_wait3A_223 : memref<1x640x64xf32, #tpu.memory_space<vmem>> -> memref<640x64xf32, #tpu.memory_space<vmem>>
        %dma_wait3A_225 = arith.constant 0 : i32
        %dma_wait3A_226 = tpu.memref_slice %arg4[%add3A_199, %dma_wait3A_225] : memref<204800x64xf32, #tpu.memory_space<hbm>> -> memref<640x64xf32, #tpu.memory_space<hbm>>
        %dma_wait3A_227 = arith.constant 0 : i32
        %dma_wait3A_228 = tpu.memref_slice %arg4[%add3A_199, %dma_wait3A_227] : memref<204800x64xf32, #tpu.memory_space<hbm>> -> memref<640x64xf32, #tpu.memory_space<hbm>>
        %dma_wait3A_229 = arith.constant 0 : i32
        %dma_wait3A_230 = arith.constant 0 : i32
        %dma_wait3A_231 = tpu.memref_slice %arg6[%run_scoped3A_200, %dma_wait3A_229, %dma_wait3A_230] : memref<2x640x64xf32, #tpu.memory_space<vmem>> -> memref<1x640x64xf32, #tpu.memory_space<vmem>>
        %dma_wait3A_232 = tpu.memref_squeeze %dma_wait3A_231 : memref<1x640x64xf32, #tpu.memory_space<vmem>> -> memref<640x64xf32, #tpu.memory_space<vmem>>
        tpu.wait_dma2 semaphore(%run_scoped3A_208 : memref<!tpu.dma_semaphore, #tpu.memory_space<semaphore_mem>>) src(%dma_wait3A_232 : memref<640x64xf32, #tpu.memory_space<vmem>>) dst(%dma_wait3A_228 : memref<640x64xf32, #tpu.memory_space<hbm>>)
        tpu.yield
      }) : () -> ()
      %add3A_201 = arith.constant 2 : i32
      %add3A_202 = arith.addi %add3A_179, %add3A_201 : i32
      %lt3A_203 = arith.constant 10 : i32
      %lt3A_204 = arith.cmpi slt, %add3A_202, %lt3A_203 : i32
      %convert_element_type3A_205 = arith.extui %lt3A_204 : i1 to i32
      %cond3A_206 = arith.constant 0 : i32
      %cond3A_207 = arith.cmpi ne, %convert_element_type3A_205, %cond3A_206 : i32
      scf.if %cond3A_207 {
        %add3A_208 = arith.constant 2 : i32
        %add3A_209 = arith.addi %add3A_179, %add3A_208 : i32
        %mul3A_210 = arith.constant 5 : i32
        %mul3A_211 = arith.muli %add3A_209, %mul3A_210 : i32
        %add3A_212 = arith.addi %add3A_4, %mul3A_211 : i32
        %run_scoped3A_213 = arith.constant 1 : i32
        "tpu.region"() ({
          %run_scoped3A_279 = tpu.sem_alloc : memref<!tpu.dma_semaphore, #tpu.memory_space<semaphore_mem>>
          %dma_start3A_280 = arith.constant 0 : i32
          %dma_start3A_281 = arith.constant 0 : i32
          %dma_start3A_282 = tpu.memref_slice %arg5[%run_scoped3A_213, %dma_start3A_280, %dma_start3A_281] : memref<2x5x128xi32, #tpu.memory_space<vmem>> -> memref<1x5x128xi32, #tpu.memory_space<vmem>>
          %dma_start3A_283 = tpu.memref_squeeze %dma_start3A_282 : memref<1x5x128xi32, #tpu.memory_space<vmem>> -> memref<5x128xi32, #tpu.memory_space<vmem>>
          %dma_start3A_284 = arith.constant 0 : i32
          %dma_start3A_285 = tpu.memref_slice %arg3[%add3A_212, %dma_start3A_284] : memref<6400x128xi32, #tpu.memory_space<hbm>> -> memref<5x128xi32, #tpu.memory_space<hbm>>
          %dma_start3A_286 = arith.constant 0 : i32
          %dma_start3A_287 = arith.constant 0 : i32
          %dma_start3A_288 = tpu.memref_slice %arg5[%run_scoped3A_213, %dma_start3A_286, %dma_start3A_287] : memref<2x5x128xi32, #tpu.memory_space<vmem>> -> memref<1x5x128xi32, #tpu.memory_space<vmem>>
          %dma_start3A_289 = tpu.memref_squeeze %dma_start3A_288 : memref<1x5x128xi32, #tpu.memory_space<vmem>> -> memref<5x128xi32, #tpu.memory_space<vmem>>
          %dma_start3A_290 = arith.constant 0 : i32
          %dma_start3A_291 = tpu.memref_slice %arg3[%add3A_212, %dma_start3A_290] : memref<6400x128xi32, #tpu.memory_space<hbm>> -> memref<5x128xi32, #tpu.memory_space<hbm>>
          tpu.enqueue_dma source(%dma_start3A_291 : memref<5x128xi32, #tpu.memory_space<hbm>>) target(%dma_start3A_289 : memref<5x128xi32, #tpu.memory_space<vmem>>) target_semaphore(%run_scoped3A_279 : memref<!tpu.dma_semaphore, #tpu.memory_space<semaphore_mem>>)
          %dma_wait3A_292 = arith.constant 0 : i32
          %dma_wait3A_293 = arith.constant 0 : i32
          %dma_wait3A_294 = tpu.memref_slice %arg5[%run_scoped3A_213, %dma_wait3A_292, %dma_wait3A_293] : memref<2x5x128xi32, #tpu.memory_space<vmem>> -> memref<1x5x128xi32, #tpu.memory_space<vmem>>
          %dma_wait3A_295 = tpu.memref_squeeze %dma_wait3A_294 : memref<1x5x128xi32, #tpu.memory_space<vmem>> -> memref<5x128xi32, #tpu.memory_space<vmem>>
          %dma_wait3A_296 = arith.constant 0 : i32
          %dma_wait3A_297 = tpu.memref_slice %arg3[%add3A_212, %dma_wait3A_296] : memref<6400x128xi32, #tpu.memory_space<hbm>> -> memref<5x128xi32, #tpu.memory_space<hbm>>
          %dma_wait3A_298 = arith.constant 0 : i32
          %dma_wait3A_299 = arith.constant 0 : i32
          %dma_wait3A_300 = tpu.memref_slice %arg5[%run_scoped3A_213, %dma_wait3A_298, %dma_wait3A_299] : memref<2x5x128xi32, #tpu.memory_space<vmem>> -> memref<1x5x128xi32, #tpu.memory_space<vmem>>
          %dma_wait3A_301 = tpu.memref_squeeze %dma_wait3A_300 : memref<1x5x128xi32, #tpu.memory_space<vmem>> -> memref<5x128xi32, #tpu.memory_space<vmem>>
          %dma_wait3A_302 = arith.constant 0 : i32
          %dma_wait3A_303 = tpu.memref_slice %arg3[%add3A_212, %dma_wait3A_302] : memref<6400x128xi32, #tpu.memory_space<hbm>> -> memref<5x128xi32, #tpu.memory_space<hbm>>
          tpu.wait_dma2 semaphore(%run_scoped3A_279 : memref<!tpu.dma_semaphore, #tpu.memory_space<semaphore_mem>>) src(%dma_wait3A_303 : memref<5x128xi32, #tpu.memory_space<hbm>>) dst(%dma_wait3A_301 : memref<5x128xi32, #tpu.memory_space<vmem>>)
          tpu.yield
        }) : () -> ()
        %dma_start3A_214 = arith.constant 1 : i32
        %dma_start3A_215 = arith.constant 0 : i32
        %dma_start3A_216 = arith.constant 1 : i32
        %dma_start3A_217 = arith.constant 0 : i32
        %dma_start3A_218 = arith.constant 0 : i32
        %dma_start3A_219 = tpu.memref_slice %arg6[%dma_start3A_216, %dma_start3A_217, %dma_start3A_218] : memref<2x640x64xf32, #tpu.memory_space<vmem>> -> memref<1x128x64xf32, #tpu.memory_space<vmem>>
        %dma_start3A_220 = tpu.memref_squeeze %dma_start3A_219 : memref<1x128x64xf32, #tpu.memory_space<vmem>> -> memref<128x64xf32, #tpu.memory_space<vmem>>
        %dma_start3A_221 = arith.constant 0 : i32
        %dma_start3A_222 = tpu.memref_slice %arg5[%dma_start3A_214, %dma_start3A_215, %dma_start3A_221] : memref<2x5x128xi32, #tpu.memory_space<vmem>> -> memref<1x1x128xi32, #tpu.memory_space<vmem>>
        %dma_start3A_223 = tpu.memref_squeeze %dma_start3A_222 : memref<1x1x128xi32, #tpu.memory_space<vmem>> -> memref<128xi32, #tpu.memory_space<vmem>>
        %dma_start3A_224 = arith.constant 0 : i32
        %dma_start3A_225 = arith.constant 0 : i32
        %dma_start3A_226 = tpu.memref_slice %arg2[%dma_start3A_224, %dma_start3A_225] : memref<1000000x64xf32, #tpu.memory_space<hbm>> -> memref<1000000x64xf32, #tpu.memory_space<hbm>>
        tpu.enqueue_indirect_dma source(%dma_start3A_226 : memref<1000000x64xf32, #tpu.memory_space<hbm>>) target(%dma_start3A_220 : memref<128x64xf32, #tpu.memory_space<vmem>>) offsets(%dma_start3A_223 : memref<128xi32, #tpu.memory_space<vmem>>) semaphore(%arg8 : memref<!tpu.dma_semaphore, #tpu.memory_space<semaphore_mem>>)
        %dma_start3A_227 = arith.constant 1 : i32
        %dma_start3A_228 = arith.constant 1 : i32
        %dma_start3A_229 = arith.constant 1 : i32
        %dma_start3A_230 = arith.constant 128 : i32
        %dma_start3A_231 = arith.constant 0 : i32
        %dma_start3A_232 = tpu.memref_slice %arg6[%dma_start3A_229, %dma_start3A_230, %dma_start3A_231] : memref<2x640x64xf32, #tpu.memory_space<vmem>> -> memref<1x128x64xf32, #tpu.memory_space<vmem>>
        %dma_start3A_233 = tpu.memref_squeeze %dma_start3A_232 : memref<1x128x64xf32, #tpu.memory_space<vmem>> -> memref<128x64xf32, #tpu.memory_space<vmem>>
        %dma_start3A_234 = arith.constant 0 : i32
        %dma_start3A_235 = tpu.memref_slice %arg5[%dma_start3A_227, %dma_start3A_228, %dma_start3A_234] : memref<2x5x128xi32, #tpu.memory_space<vmem>> -> memref<1x1x128xi32, #tpu.memory_space<vmem>>
        %dma_start3A_236 = tpu.memref_squeeze %dma_start3A_235 : memref<1x1x128xi32, #tpu.memory_space<vmem>> -> memref<128xi32, #tpu.memory_space<vmem>>
        %dma_start3A_237 = arith.constant 0 : i32
        %dma_start3A_238 = arith.constant 0 : i32
        %dma_start3A_239 = tpu.memref_slice %arg2[%dma_start3A_237, %dma_start3A_238] : memref<1000000x64xf32, #tpu.memory_space<hbm>> -> memref<1000000x64xf32, #tpu.memory_space<hbm>>
        tpu.enqueue_indirect_dma source(%dma_start3A_239 : memref<1000000x64xf32, #tpu.memory_space<hbm>>) target(%dma_start3A_233 : memref<128x64xf32, #tpu.memory_space<vmem>>) offsets(%dma_start3A_236 : memref<128xi32, #tpu.memory_space<vmem>>) semaphore(%arg8 : memref<!tpu.dma_semaphore, #tpu.memory_space<semaphore_mem>>)
        %dma_start3A_240 = arith.constant 1 : i32
        %dma_start3A_241 = arith.constant 2 : i32
        %dma_start3A_242 = arith.constant 1 : i32
        %dma_start3A_243 = arith.constant 256 : i32
        %dma_start3A_244 = arith.constant 0 : i32
        %dma_start3A_245 = tpu.memref_slice %arg6[%dma_start3A_242, %dma_start3A_243, %dma_start3A_244] : memref<2x640x64xf32, #tpu.memory_space<vmem>> -> memref<1x128x64xf32, #tpu.memory_space<vmem>>
        %dma_start3A_246 = tpu.memref_squeeze %dma_start3A_245 : memref<1x128x64xf32, #tpu.memory_space<vmem>> -> memref<128x64xf32, #tpu.memory_space<vmem>>
        %dma_start3A_247 = arith.constant 0 : i32
        %dma_start3A_248 = tpu.memref_slice %arg5[%dma_start3A_240, %dma_start3A_241, %dma_start3A_247] : memref<2x5x128xi32, #tpu.memory_space<vmem>> -> memref<1x1x128xi32, #tpu.memory_space<vmem>>
        %dma_start3A_249 = tpu.memref_squeeze %dma_start3A_248 : memref<1x1x128xi32, #tpu.memory_space<vmem>> -> memref<128xi32, #tpu.memory_space<vmem>>
        %dma_start3A_250 = arith.constant 0 : i32
        %dma_start3A_251 = arith.constant 0 : i32
        %dma_start3A_252 = tpu.memref_slice %arg2[%dma_start3A_250, %dma_start3A_251] : memref<1000000x64xf32, #tpu.memory_space<hbm>> -> memref<1000000x64xf32, #tpu.memory_space<hbm>>
        tpu.enqueue_indirect_dma source(%dma_start3A_252 : memref<1000000x64xf32, #tpu.memory_space<hbm>>) target(%dma_start3A_246 : memref<128x64xf32, #tpu.memory_space<vmem>>) offsets(%dma_start3A_249 : memref<128xi32, #tpu.memory_space<vmem>>) semaphore(%arg8 : memref<!tpu.dma_semaphore, #tpu.memory_space<semaphore_mem>>)
        %dma_start3A_253 = arith.constant 1 : i32
        %dma_start3A_254 = arith.constant 3 : i32
        %dma_start3A_255 = arith.constant 1 : i32
        %dma_start3A_256 = arith.constant 384 : i32
        %dma_start3A_257 = arith.constant 0 : i32
        %dma_start3A_258 = tpu.memref_slice %arg6[%dma_start3A_255, %dma_start3A_256, %dma_start3A_257] : memref<2x640x64xf32, #tpu.memory_space<vmem>> -> memref<1x128x64xf32, #tpu.memory_space<vmem>>
        %dma_start3A_259 = tpu.memref_squeeze %dma_start3A_258 : memref<1x128x64xf32, #tpu.memory_space<vmem>> -> memref<128x64xf32, #tpu.memory_space<vmem>>
        %dma_start3A_260 = arith.constant 0 : i32
        %dma_start3A_261 = tpu.memref_slice %arg5[%dma_start3A_253, %dma_start3A_254, %dma_start3A_260] : memref<2x5x128xi32, #tpu.memory_space<vmem>> -> memref<1x1x128xi32, #tpu.memory_space<vmem>>
        %dma_start3A_262 = tpu.memref_squeeze %dma_start3A_261 : memref<1x1x128xi32, #tpu.memory_space<vmem>> -> memref<128xi32, #tpu.memory_space<vmem>>
        %dma_start3A_263 = arith.constant 0 : i32
        %dma_start3A_264 = arith.constant 0 : i32
        %dma_start3A_265 = tpu.memref_slice %arg2[%dma_start3A_263, %dma_start3A_264] : memref<1000000x64xf32, #tpu.memory_space<hbm>> -> memref<1000000x64xf32, #tpu.memory_space<hbm>>
        tpu.enqueue_indirect_dma source(%dma_start3A_265 : memref<1000000x64xf32, #tpu.memory_space<hbm>>) target(%dma_start3A_259 : memref<128x64xf32, #tpu.memory_space<vmem>>) offsets(%dma_start3A_262 : memref<128xi32, #tpu.memory_space<vmem>>) semaphore(%arg8 : memref<!tpu.dma_semaphore, #tpu.memory_space<semaphore_mem>>)
        %dma_start3A_266 = arith.constant 1 : i32
        %dma_start3A_267 = arith.constant 4 : i32
        %dma_start3A_268 = arith.constant 1 : i32
        %dma_start3A_269 = arith.constant 512 : i32
        %dma_start3A_270 = arith.constant 0 : i32
        %dma_start3A_271 = tpu.memref_slice %arg6[%dma_start3A_268, %dma_start3A_269, %dma_start3A_270] : memref<2x640x64xf32, #tpu.memory_space<vmem>> -> memref<1x128x64xf32, #tpu.memory_space<vmem>>
        %dma_start3A_272 = tpu.memref_squeeze %dma_start3A_271 : memref<1x128x64xf32, #tpu.memory_space<vmem>> -> memref<128x64xf32, #tpu.memory_space<vmem>>
        %dma_start3A_273 = arith.constant 0 : i32
        %dma_start3A_274 = tpu.memref_slice %arg5[%dma_start3A_266, %dma_start3A_267, %dma_start3A_273] : memref<2x5x128xi32, #tpu.memory_space<vmem>> -> memref<1x1x128xi32, #tpu.memory_space<vmem>>
        %dma_start3A_275 = tpu.memref_squeeze %dma_start3A_274 : memref<1x1x128xi32, #tpu.memory_space<vmem>> -> memref<128xi32, #tpu.memory_space<vmem>>
        %dma_start3A_276 = arith.constant 0 : i32
        %dma_start3A_277 = arith.constant 0 : i32
        %dma_start3A_278 = tpu.memref_slice %arg2[%dma_start3A_276, %dma_start3A_277] : memref<1000000x64xf32, #tpu.memory_space<hbm>> -> memref<1000000x64xf32, #tpu.memory_space<hbm>>
        tpu.enqueue_indirect_dma source(%dma_start3A_278 : memref<1000000x64xf32, #tpu.memory_space<hbm>>) target(%dma_start3A_272 : memref<128x64xf32, #tpu.memory_space<vmem>>) offsets(%dma_start3A_275 : memref<128xi32, #tpu.memory_space<vmem>>) semaphore(%arg8 : memref<!tpu.dma_semaphore, #tpu.memory_space<semaphore_mem>>)
      } else {
      }
    }
    %scan3A_146 = arith.constant 5 : i32
    return
  }
}

module attributes {stable_mosaic.version = 14 : i64} {
  func.func @_retile_body(%arg0: i32, %arg1: memref<3200x128xf32, #tpu.memory_space<vmem>>, %arg2: memref<50x8x1x8x128xf32, #tpu.memory_space<vmem>>) attributes {dimension_semantics = [#tpu.dimension_semantics<parallel>], iteration_bounds = array<i64: 32>, scalar_prefetch = 0 : i64, scratch_operands = 0 : i64, tpu.core_type = #tpu.core_type<tc>, window_params = [{transform_indices = @transform_0, window_bounds = array<i64: 3200, 128>}, {transform_indices = @transform_1, window_bounds = array<i64: 50, 8, 1, 8, 128>}]} {
    %get3A = arith.constant 0 : index
    %get3A_0 = arith.constant 0 : index
    %get3A_1 = vector.load %arg1[%get3A, %get3A_0] : memref<3200x128xf32, #tpu.memory_space<vmem>>, vector<3200x128xf32>
    %reshape3A = vector.shape_cast %get3A_1 : vector<3200x128xf32> to vector<128x25x128xf32>
    %transpose3A = tpu.transpose %reshape3A, [1, 2, 0] : vector<128x25x128xf32> -> vector<25x128x128xf32>
    %reshape3A_2 = vector.shape_cast %transpose3A : vector<25x128x128xf32> to vector<25x2x8x8x1x128xf32>
    %transpose3A_3 = tpu.transpose %reshape3A_2, [0, 1, 2, 4, 3, 5] : vector<25x2x8x8x1x128xf32> -> vector<25x2x8x1x8x128xf32>
    %reshape3A_4 = vector.shape_cast %transpose3A_3 : vector<25x2x8x1x8x128xf32> to vector<50x8x1x8x128xf32>
    %swap3A = arith.constant 0 : index
    %swap3A_5 = arith.constant 0 : index
    %swap3A_6 = arith.constant 0 : index
    %swap3A_7 = arith.constant 0 : index
    %swap3A_8 = arith.constant 0 : index
    %swap3A_9 = vector.load %arg2[%swap3A, %swap3A_5, %swap3A_6, %swap3A_7, %swap3A_8] : memref<50x8x1x8x128xf32, #tpu.memory_space<vmem>>, vector<50x8x1x8x128xf32>
    tpu.vector_store %arg2[%swap3A, %swap3A_5, %swap3A_6, %swap3A_7, %swap3A_8], %reshape3A_4 {strides = array<i32>} : memref<50x8x1x8x128xf32, #tpu.memory_space<vmem>>, vector<50x8x1x8x128xf32>,
    return
  }
  func.func @transform_0(%arg0: i32) -> (i32, i32) {
    %c0_i32 = arith.constant 0 : i32
    %c0_i32_0 = arith.constant 0 : i32
    return %arg0, %c0_i32 : i32, i32
  }
  func.func @transform_1(%arg0: i32) -> (i32, i32, i32, i32, i32) {
    %add3A = arith.constant 0 : i32
    %add3A_0 = arith.addi %add3A, %arg0 : i32
    %c0_i32 = arith.constant 0 : i32
    %c0_i32_1 = arith.constant 0 : i32
    %c0_i32_2 = arith.constant 0 : i32
    %c0_i32_3 = arith.constant 0 : i32
    %c0_i32_4 = arith.constant 0 : i32
    return %c0_i32, %c0_i32_1, %add3A_0, %c0_i32_2, %c0_i32_3 : i32, i32, i32, i32, i32
  }
}

module attributes {stable_mosaic.version = 14 : i64} {
  func.func @_aliased_body(%arg0: i32, %arg1: memref<3200x128xf32, #tpu.memory_space<vmem>>, %arg2: memref<50x8x128x8x128xf32, #tpu.memory_space<hbm>>, %arg3: memref<50x8x1x8x128xf32, #tpu.memory_space<vmem>>) attributes {dimension_semantics = [#tpu.dimension_semantics<parallel>], iteration_bounds = array<i64: 32>, scalar_prefetch = 0 : i64, scratch_operands = 0 : i64, tpu.core_type = #tpu.core_type<tc>, window_params = [{transform_indices = @transform_0, window_bounds = array<i64: 3200, 128>}, {}, {transform_indices = @transform_2, window_bounds = array<i64: 50, 8, 1, 8, 128>}]} {
    %get3A = arith.constant 0 : index
    %get3A_0 = arith.constant 0 : index
    %get3A_1 = vector.load %arg1[%get3A, %get3A_0] : memref<3200x128xf32, #tpu.memory_space<vmem>>, vector<3200x128xf32>
    %reshape3A = vector.shape_cast %get3A_1 : vector<3200x128xf32> to vector<128x25x128xf32>
    %transpose3A = tpu.transpose %reshape3A, [1, 2, 0] : vector<128x25x128xf32> -> vector<25x128x128xf32>
    %reshape3A_2 = vector.shape_cast %transpose3A : vector<25x128x128xf32> to vector<25x2x8x8x1x128xf32>
    %transpose3A_3 = tpu.transpose %reshape3A_2, [0, 1, 2, 4, 3, 5] : vector<25x2x8x8x1x128xf32> -> vector<25x2x8x1x8x128xf32>
    %reshape3A_4 = vector.shape_cast %transpose3A_3 : vector<25x2x8x1x8x128xf32> to vector<50x8x1x8x128xf32>
    %swap3A = arith.constant 0 : index
    %swap3A_5 = arith.constant 0 : index
    %swap3A_6 = arith.constant 0 : index
    %swap3A_7 = arith.constant 0 : index
    %swap3A_8 = arith.constant 0 : index
    %swap3A_9 = vector.load %arg3[%swap3A, %swap3A_5, %swap3A_6, %swap3A_7, %swap3A_8] : memref<50x8x1x8x128xf32, #tpu.memory_space<vmem>>, vector<50x8x1x8x128xf32>
    tpu.vector_store %arg3[%swap3A, %swap3A_5, %swap3A_6, %swap3A_7, %swap3A_8], %reshape3A_4 {strides = array<i32>} : memref<50x8x1x8x128xf32, #tpu.memory_space<vmem>>, vector<50x8x1x8x128xf32>,
    return
  }
  func.func @transform_0(%arg0: i32) -> (i32, i32) {
    %c0_i32 = arith.constant 0 : i32
    %c0_i32_0 = arith.constant 0 : i32
    return %arg0, %c0_i32 : i32, i32
  }
  func.func @transform_2(%arg0: i32) -> (i32, i32, i32, i32, i32) {
    %add3A = arith.constant 32 : i32
    %add3A_0 = arith.addi %add3A, %arg0 : i32
    %c0_i32 = arith.constant 0 : i32
    %c0_i32_1 = arith.constant 0 : i32
    %c0_i32_2 = arith.constant 0 : i32
    %c0_i32_3 = arith.constant 0 : i32
    %c0_i32_4 = arith.constant 0 : i32
    return %c0_i32, %c0_i32_1, %add3A_0, %c0_i32_2, %c0_i32_3 : i32, i32, i32, i32, i32
  }
}

module attributes {stable_mosaic.version = 14 : i64} {
  func.func @_aliased_body(%arg0: i32, %arg1: memref<3200x128xf32, #tpu.memory_space<vmem>>, %arg2: memref<50x8x128x8x128xf32, #tpu.memory_space<hbm>>, %arg3: memref<50x8x1x8x128xf32, #tpu.memory_space<vmem>>) attributes {dimension_semantics = [#tpu.dimension_semantics<parallel>], iteration_bounds = array<i64: 32>, scalar_prefetch = 0 : i64, scratch_operands = 0 : i64, tpu.core_type = #tpu.core_type<tc>, window_params = [{transform_indices = @transform_0, window_bounds = array<i64: 3200, 128>}, {}, {transform_indices = @transform_2, window_bounds = array<i64: 50, 8, 1, 8, 128>}]} {
    %get3A = arith.constant 0 : index
    %get3A_0 = arith.constant 0 : index
    %get3A_1 = vector.load %arg1[%get3A, %get3A_0] : memref<3200x128xf32, #tpu.memory_space<vmem>>, vector<3200x128xf32>
    %reshape3A = vector.shape_cast %get3A_1 : vector<3200x128xf32> to vector<128x25x128xf32>
    %transpose3A = tpu.transpose %reshape3A, [1, 2, 0] : vector<128x25x128xf32> -> vector<25x128x128xf32>
    %reshape3A_2 = vector.shape_cast %transpose3A : vector<25x128x128xf32> to vector<25x2x8x8x1x128xf32>
    %transpose3A_3 = tpu.transpose %reshape3A_2, [0, 1, 2, 4, 3, 5] : vector<25x2x8x8x1x128xf32> -> vector<25x2x8x1x8x128xf32>
    %reshape3A_4 = vector.shape_cast %transpose3A_3 : vector<25x2x8x1x8x128xf32> to vector<50x8x1x8x128xf32>
    %swap3A = arith.constant 0 : index
    %swap3A_5 = arith.constant 0 : index
    %swap3A_6 = arith.constant 0 : index
    %swap3A_7 = arith.constant 0 : index
    %swap3A_8 = arith.constant 0 : index
    %swap3A_9 = vector.load %arg3[%swap3A, %swap3A_5, %swap3A_6, %swap3A_7, %swap3A_8] : memref<50x8x1x8x128xf32, #tpu.memory_space<vmem>>, vector<50x8x1x8x128xf32>
    tpu.vector_store %arg3[%swap3A, %swap3A_5, %swap3A_6, %swap3A_7, %swap3A_8], %reshape3A_4 {strides = array<i32>} : memref<50x8x1x8x128xf32, #tpu.memory_space<vmem>>, vector<50x8x1x8x128xf32>,
    return
  }
  func.func @transform_0(%arg0: i32) -> (i32, i32) {
    %c0_i32 = arith.constant 0 : i32
    %c0_i32_0 = arith.constant 0 : i32
    return %arg0, %c0_i32 : i32, i32
  }
  func.func @transform_2(%arg0: i32) -> (i32, i32, i32, i32, i32) {
    %add3A = arith.constant 64 : i32
    %add3A_0 = arith.addi %add3A, %arg0 : i32
    %c0_i32 = arith.constant 0 : i32
    %c0_i32_1 = arith.constant 0 : i32
    %c0_i32_2 = arith.constant 0 : i32
    %c0_i32_3 = arith.constant 0 : i32
    %c0_i32_4 = arith.constant 0 : i32
    return %c0_i32, %c0_i32_1, %add3A_0, %c0_i32_2, %c0_i32_3 : i32, i32, i32, i32, i32
  }
}

module attributes {stable_mosaic.version = 14 : i64} {
  func.func @_aliased_body(%arg0: i32, %arg1: memref<3200x128xf32, #tpu.memory_space<vmem>>, %arg2: memref<50x8x128x8x128xf32, #tpu.memory_space<hbm>>, %arg3: memref<50x8x1x8x128xf32, #tpu.memory_space<vmem>>) attributes {dimension_semantics = [#tpu.dimension_semantics<parallel>], iteration_bounds = array<i64: 32>, scalar_prefetch = 0 : i64, scratch_operands = 0 : i64, tpu.core_type = #tpu.core_type<tc>, window_params = [{transform_indices = @transform_0, window_bounds = array<i64: 3200, 128>}, {}, {transform_indices = @transform_2, window_bounds = array<i64: 50, 8, 1, 8, 128>}]} {
    %get3A = arith.constant 0 : index
    %get3A_0 = arith.constant 0 : index
    %get3A_1 = vector.load %arg1[%get3A, %get3A_0] : memref<3200x128xf32, #tpu.memory_space<vmem>>, vector<3200x128xf32>
    %reshape3A = vector.shape_cast %get3A_1 : vector<3200x128xf32> to vector<128x25x128xf32>
    %transpose3A = tpu.transpose %reshape3A, [1, 2, 0] : vector<128x25x128xf32> -> vector<25x128x128xf32>
    %reshape3A_2 = vector.shape_cast %transpose3A : vector<25x128x128xf32> to vector<25x2x8x8x1x128xf32>
    %transpose3A_3 = tpu.transpose %reshape3A_2, [0, 1, 2, 4, 3, 5] : vector<25x2x8x8x1x128xf32> -> vector<25x2x8x1x8x128xf32>
    %reshape3A_4 = vector.shape_cast %transpose3A_3 : vector<25x2x8x1x8x128xf32> to vector<50x8x1x8x128xf32>
    %swap3A = arith.constant 0 : index
    %swap3A_5 = arith.constant 0 : index
    %swap3A_6 = arith.constant 0 : index
    %swap3A_7 = arith.constant 0 : index
    %swap3A_8 = arith.constant 0 : index
    %swap3A_9 = vector.load %arg3[%swap3A, %swap3A_5, %swap3A_6, %swap3A_7, %swap3A_8] : memref<50x8x1x8x128xf32, #tpu.memory_space<vmem>>, vector<50x8x1x8x128xf32>
    tpu.vector_store %arg3[%swap3A, %swap3A_5, %swap3A_6, %swap3A_7, %swap3A_8], %reshape3A_4 {strides = array<i32>} : memref<50x8x1x8x128xf32, #tpu.memory_space<vmem>>, vector<50x8x1x8x128xf32>,
    return
  }
  func.func @transform_0(%arg0: i32) -> (i32, i32) {
    %c0_i32 = arith.constant 0 : i32
    %c0_i32_0 = arith.constant 0 : i32
    return %arg0, %c0_i32 : i32, i32
  }
  func.func @transform_2(%arg0: i32) -> (i32, i32, i32, i32, i32) {
    %add3A = arith.constant 96 : i32
    %add3A_0 = arith.addi %add3A, %arg0 : i32
    %c0_i32 = arith.constant 0 : i32
    %c0_i32_1 = arith.constant 0 : i32
    %c0_i32_2 = arith.constant 0 : i32
    %c0_i32_3 = arith.constant 0 : i32
    %c0_i32_4 = arith.constant 0 : i32
    return %c0_i32, %c0_i32_1, %add3A_0, %c0_i32_2, %c0_i32_3 : i32, i32, i32, i32, i32
  }
}

</mosaic_0001>

<sc_bundles>
// kernel: kernel.10.cloned.1.call-start
scs
__scs_entry_jumppad:
0x0: {  	(pc) =	sbr.rel $0x88, $3  }
0x1: {  	(tag) =	ssettag $0x0;
	lr =	simm.s32 $0x1  }
0x2: {  	[smem:$0x3F9F] =	sst lr;
	_ =	strace $0xD0000000  }
0x3: {  	_ = 	snop  }
0x4: {  	_ = 	snop  }
0x5: {  	_ = 	snop  }
0x6: {  	_ = 	snop  }
0x7: {  	_ = 	snop  }
__scs_overlays_trampoline_lowered:
0x8: {  	[smem:$0x3FAE] =	sst s0  }
0x9: {  	[smem:$0x3FAF] =	sst s1  }
0xa: {  	[smem:$0x3FB0] =	sst s2  }
0xb: {  	[smem:$0x3FB1] =	sst s3  }
0xc: {  	[smem:$0x3FB2] =	sst s4  }
0xd: {  	[smem:$0x3FB3] =	sst s5  }
0xe: {  	[smem:$0x3FB4] =	sst s6  }
0xf: {  	[smem:$0x3FB5] =	sst s7  }
0x10: {  	[smem:$0x3FB6] =	sst s8  }
0x11: {  	[smem:$0x3FB7] =	sst s9;
	s0 =	simm.s32 @!p0 $0x0  }
0x12: {  	s1 =	sld [smem:$0x3F9D];
	s0 =	simm.s32 @p0 $0x1  }
0x13: {  	[smem:$0x3FB8] =	sst s0;
	s0 =	simm.s32 @!p1 $0x0  }
0x14: {  	s2 =	sld [smem:$0x3F9C];
	s0 =	simm.s32 @p1 $0x1  }
0x15: {  	[smem:$0x3FB9] =	sst s0;
	s0 =	simm.s32 @!p2 $0x0  }
0x16: {  	s3 =	sld [smem:$0x3FDB];
	s0 =	simm.s32 @p2 $0x1  }
0x17: {  	s4 =	simm.s32 $0x1BF5;
	[smem:$0x3FBB] =	sst s0  }
0x18: {  	s0 =	sld [smem:$0x3F9E];
	_ =	swait.ge [sflag:s4], $0x0  }
0x19: {  	s7 =	sld [smem:$0x3F9F]  }
0x1a: {  	s8 =	sadd.s32 $0xFFFFE003, lr  }
0x1b: {  	s9 =	sadd.s32 $0xFFFFFEF7, lr;
	s5 =	simm.s32 $0xFFFFFFFF;
	p2 =	slt.u32 s8, $0xFFFFF086  }
0x1c: {  	p1 =	slt.u32 s9, $0xF7A;
	s5 =	simm.s32 @!p2 $0x0  }
0x1d: {  	s5 =	simm.s32 @p1 $0x1;
	p0 =	seq.s32 s7, s2  }
0x1e: {  	s7 =	smul.u32 @!p0 $0xF7A, s2;
	p2 =	seq.s32 @!p0 s5, $0x0  }
0x1f: {  	s9 =	smul.u32 $0xF7A, s1;
	s8 =	simm.s32 @!p0 $0x1BF5;
	p2 =	por !p2, p0  }
0x20: {  	[sflag:s8] =	ssyncset.s32 @!p0 $0xFFFFF086;
	s6 =	sadd.s32 @!p0 s3, s7;
	s7 =	simm.s32 @!p0 $0x108  }
0x21: {  	s3 =	sadd.s32 s3, s9;
	s6 =	sadd.s32 @!p0 $0x88, s6;
	s7 =	simm.s32 @p2 $0x1082  }
0x22: {  	[simem:s7], [sflag:s8] =	dma.local @!p0 [hbm:s6], $0xF7A  }
0x23: {  	s9 =	sor.u32 $0xD0000000, s2;
	s6 =	simm.s32 $0x108;
	_ =	swait.ge @!p0 [sflag:s8], $0x0  }
0x24: {  	s3 =	sadd.s32 $0x88, s3;
	s6 =	simm.s32 @!p1 $0x1082;
	[sflag:s4] =	ssyncset.s32 $0xFFFFF086  }
0x25: {  	[simem:s6], [sflag:s4] =	dma.local [hbm:s3], $0xF7A  }
0x26: {  	[smem:$0x3F9F] =	sst s1;
	(tag) =	ssettag s2;
	_ =	strace s9  }
0x27: {  	s1 =	sld [smem:$0x3FAF]  }
0x28: {  	s2 =	sld [smem:$0x3FB0]  }
0x29: {  	s4 =	sld [smem:$0x3FB2]  }
0x2a: {  	p0 =	seq.s32 s5, $0x0;
	s5 =	sld [smem:$0x3FB3]  }
0x2b: {  	s6 =	sld [smem:$0x3FB4]  }
0x2c: {  	s7 =	sld [smem:$0x3FB5]  }
0x2d: {  	s3 =	simm.s32 $0x108;
	s8 =	sld [smem:$0x3FB6]  }
0x2e: {  	s3 =	simm.s32 @!p0 $0x1082;
	s9 =	sld [smem:$0x3FB7]  }
0x2f: {  	lr =	sadd.s32 s0, s3;
	s0 =	sld [smem:$0x3FAE]  }
0x30: {  	s3 =	sld [smem:$0x3FB1]  }
0x31: {  	[smem:$0x3FBA] =	sst s10  }
0x32: {  	s10 =	sld [smem:$0x3FB8];
	_ =	sdelay $0x3  }
0x33: {  	p0 =	seq.s32 s10, $0x1;
	s10 =	sld [smem:$0x3FBA];
	_ =	sdelay $0x3  }
0x34: {  	[smem:$0x3FBA] =	sst s10  }
0x35: {  	s10 =	sld [smem:$0x3FB9];
	_ =	sdelay $0x3  }
0x36: {  	p1 =	seq.s32 s10, $0x1;
	s10 =	sld [smem:$0x3FBA];
	_ =	sdelay $0x3  }
0x37: {  	[smem:$0x3FBA] =	sst s10  }
0x38: {  	s10 =	sld [smem:$0x3FBB]  }
0x39: {  	_ = 	snop;
	(pc) =	sbr.ind lr, $3  }
0x3a: {  	_ = 	snop  }
0x3b: {  	_ = 	snop  }
0x3c: {  	p2 =	seq.s32 s10, $0x1;
	s10 =	sld [smem:$0x3FBA]  }
0x3d: {  	_ =	shalt  }
0x3e: {  	_ =	shalt  }
0x3f: {  	_ =	shalt  }
0x40: {  	_ =	shalt  }
0x41: {  	_ =	shalt  }
0x42: {  	_ =	shalt  }
0x43: {  	_ =	shalt  }
0x44: {  	_ =	shalt  }
0x45: {  	_ =	shalt  }
0x46: {  	_ =	shalt  }
0x47: {  	_ =	shalt  }
0x48: {  	_ =	shalt  }
0x49: {  	_ =	shalt  }
0x4a: {  	_ =	shalt  }
0x4b: {  	_ =	shalt  }
0x4c: {  	_ =	shalt  }
0x4d: {  	_ =	shalt  }
0x4e: {  	_ =	shalt  }
0x4f: {  	_ =	shalt  }
0x50: {  	_ =	shalt  }
0x51: {  	_ =	shalt  }
0x52: {  	_ =	shalt  }
0x53: {  	_ =	shalt  }
0x54: {  	_ =	shalt  }
0x55: {  	_ =	shalt  }
0x56: {  	_ =	shalt  }
0x57: {  	_ =	shalt  }
0x58: {  	_ =	shalt  }
0x59: {  	_ =	shalt  }
0x5a: {  	_ =	shalt  }
0x5b: {  	_ =	shalt  }
0x5c: {  	_ =	shalt  }
0x5d: {  	_ =	shalt  }
0x5e: {  	_ =	shalt  }
0x5f: {  	_ =	shalt  }
0x60: {  	_ =	shalt  }
0x61: {  	_ =	shalt  }
0x62: {  	_ =	shalt  }
0x63: {  	_ =	shalt  }
0x64: {  	_ =	shalt  }
0x65: {  	_ =	shalt  }
0x66: {  	_ =	shalt  }
0x67: {  	_ =	shalt  }
0x68: {  	_ =	shalt  }
0x69: {  	_ =	shalt  }
0x6a: {  	_ =	shalt  }
0x6b: {  	_ =	shalt  }
0x6c: {  	_ =	shalt  }
0x6d: {  	_ =	shalt  }
0x6e: {  	_ =	shalt  }
0x6f: {  	_ =	shalt  }
0x70: {  	_ =	shalt  }
0x71: {  	_ =	shalt  }
0x72: {  	_ =	shalt  }
0x73: {  	_ =	shalt  }
0x74: {  	_ =	shalt  }
0x75: {  	_ =	shalt  }
0x76: {  	_ =	shalt  }
0x77: {  	_ =	shalt  }
0x78: {  	_ =	shalt  }
0x79: {  	_ =	shalt  }
0x7a: {  	_ =	shalt  }
0x7b: {  	_ =	shalt  }
0x7c: {  	_ =	shalt  }
0x7d: {  	_ =	shalt  }
0x7e: {  	_ =	shalt  }
0x7f: {  	_ =	shalt  }
0x80: {  	_ =	shalt  }
0x81: {  	_ =	shalt  }
0x82: {  	_ =	shalt  }
0x83: {  	_ =	shalt  }
0x84: {  	_ =	shalt  }
0x85: {  	_ =	shalt  }
0x86: {  	_ =	shalt  }
0x87: {  	_ =	shalt  }
.Lfunc_end0:
.L_simem_size_0:
called_computation_lowered:
.L_overlay_start_0:
0x88: {  	s2 =	sld [smem:$0x3FD9]  }
0x89: {  	s3 =	sld [smem:$0x3FFE];
	_ =	sdelay $0x1  }
0x8a: {  	s1 =	srdreg.scid  }
0x8b: {  	s0 =	sand.u32 $0x1, s1  }
0x8c: {  	s16 =	sshll.u32 s0, $0xA;
	s2 =	sadd.s32 s3, s2  }
0x8d: {  	s2 =	sadd.s32 s2, s16  }
0x8e: {  	[smem:$0x3FC6] =	sst s2  }
0x8f: {  	_ = 	snop  }
0x90: {  	(tm) =	ssettm $0x1  }
0x91: {  	s17 =	sld [smem:$0x3FFB];
	_ =	sdelay $0x3  }
0x92: {  	_ =	strace s17  }
0x93: {  	s2 =	sld [smem:$0x3FFC];
	_ =	sdelay $0x3  }
0x94: {  	_ =	strace s2  }
0x95: {  	s2 =	sld [smem:$0x3FFD];
	_ =	sdelay $0x3  }
0x96: {  	_ =	strace s2  }
0x97: {  	_ =	strace $0x8FFFFFFF  }
0x98: {  	s18 =	sld [smem:$0x3FDB];
	_ =	sdelay $0x1  }
0x99: {  	s19 =	simm.s32 $_scs_section_size  }
0x9a: {  	s4 =	simm.s32 $_size__tile_overlayer_lowered;
	s5 =	simm.s32 $_tile_overlayer_lowered  }
0x9b: {  	s22 =	simm.s32 $0x1BFF;
	s21 =	sshll.u32 s5, $0x1;
	s2 =	sadd.s32 s19, s18  }
0x9c: {  	s6 =	simm.s32 $0x0;
	s20 =	sshll.u32 s4, $0x1;
	s4 =	sadd.s32 s21, s2  }
0x9d: {  	[timem:s6], [sflag:s22] =	dma.local [hbm:s4], s20  }
0x9e: {  	_ =	swait.ge [sflag:s22], s20  }
0x9f: {  	s3 =	ssub.s32 $0x0, s20;
	[sflag:s22] =	ssyncset.done $0x0  }
0xa0: {  	[sflag:s22] =	ssyncadd.s32 s3;
	_ =	sdelay $0x1  }
0xa1: {  	s23 =	simm.s32 $0x1B8B  }
0xa2: {  	_ =	swait.ge [sflag:s23], $0x1  }
0xa3: {  	[sflag:s23] =	ssyncset.done $0x0  }
0xa4: {  	s25 =	simm.s32 $0x1B8E;
	s24 =	sld [smem:$0x3FFE];
	[sflag:s23] =	ssyncadd.s32 $0xFFFFFFFF  }
0xa5: {  	s26 =	simm.s32 $execute0_lowered;
	[smem:$0x3FD2] =	sst s25  }
0xa6: {  	s4 =	sshll.u32 s26, $0x1;
	_ =	strace $0x80000046;
	[dreg:$0x1] =	wrdreg $0xFFFFFFFF  }
0xa7: {  	s28 =	simm.s32 $_size_execute0_lowered;
	s2 =	sadd.s32 s2, s4;
	[dreg:$0x0] =	wrdreg $0x0  }
0xa8: {  	s4 =	sshll.u32 s28, $0x1;
	[dreg:$0x2] =	wrdreg s2  }
0xa9: {  	[dreg:$0x3] =	wrdreg s4  }
0xaa: {  	[dreg:$0x4] =	wrdreg $0xC0  }
0xab: {  	_ =	task [dreg:s6], $0x5FFFF  }
0xac: {  	[dreg:$0x1] =	wrdreg $0xFFFFFFFF  }
0xad: {  	[dreg:$0x0] =	wrdreg $0x60  }
0xae: {  	[dreg:$0x2] =	wrdreg s24  }
0xaf: {  	[dreg:$0x3] =	wrdreg $0x9  }
0xb0: {  	_ =	task.clear_ibuf [dreg:s6], $0x4FFFF;
	_ =	strace $0x90000046  }
0xb1: {  	s29 =	simm.s32 $0x9;
	_ =	strace $0x80000048  }
0xb2: {  	_ =	swait.ge [sflag:s29], $0x1  }
0xb3: {  	[sflag:s29] =	ssyncadd.s32 $0xFFFFFFFF  }
0xb4: {  	_ =	strace $0x90000048  }
0xb5: {  	_ =	sfence  }
0xb6: {  	s30 =	sld [smem:$0x0];
	_ =	sdelay $0x2  }
0xb7: {  	s31 =	sshll.u32 s1, $0xD;
	s1 =	sshrl.u32 s1, $0x2  }
0xb8: {  	s3 =	sand.u32 $0x4000, s31;
	s1 =	sadd.s32 s1, s30  }
0xb9: {  	s0 =	sor.u32 s3, s0;
	s1 =	sshll.u32 s1, $0x11  }
0xba: {  	s0 =	sor.u32 s1, s0  }
0xbb: {  	s0 =	sadd.s32 $0x8F2B, s0  }
0xbc: {  	[sflag:s0] =	ssyncadd.remote.s32 $0x1  }
0xbd: {  	_ =	sfence.sel $0xFFFF  }
0xbe: {  	[dreg:$0x0] =	wrdreg $0xFFFFFFFF;
	(pc) =	sbr.abs _section_cstart, $3  }
0xbf: {  	[dreg:$0x1] =	wrdreg $0xFFFFFFFF  }
0xc0: {  	_ =	task.clear_ibuf [dreg:s6], $0x2FFFF;
	_ =	strace $0x9FFFFFFF  }
0xc1: {  	(tm) =	ssettm $0x7FFFFFFF  }
tec
execute0_lowered:
.L_overlay_start_1:
0x0: {  	(tag) =	ssettag $0x1  }
0x1: {  	s0 =	srdreg.scid;
	s13 =	stileid.u32  }
0x2: {  	s1 =	rddreg [dreg:$0x0];
	s2 =	simm.s32 $0x0;
	s14 =	simm.s32 $0x2500  }
0x3: {  	s15 =	simm.s32 $0x100;
	s16 =	simm.s32 $0x4500;
	s17 =	simm.s32 $0x180  }
0x4: {  	s18 =	simm.s32 $0x6500;
	s28 =	simm.s32 $0x400;
	s10 =	smul.u32 $0x3200, s13  }
0x5: {  	s29 =	simm.s32 $0x10500;
	s30 =	simm.s32 $0x480;
	s19 =	smul.u32 $0x64, s13  }
0x6: {  	s31 =	simm.s32 $0x12500;
	s0 =	sand.u32 $0x1, s0;
	s24 =	smul.u32 $0x19000, s13  }
0x7: {  	s3 =	sshll.u32 s13, $0x1;
	[smem:$0x7FF] =	sst s2;
	s11 =	smul.u32 $0x1900, s0  }
0x8: {  	s9 =	sadd.s32 $0x1200, s1;
	s4 =	sor.u32 s0, s3;
	s12 =	smul.u32 $0x32, s0  }
0x9: {  	_ =	strace $0x80000047;
	s7 =	ssub.s32 $0x2, s0;
	s0 =	smul.u32 $0xC800, s0  }
0xa: {  	s13 =	simm.s32 $0x500;
	s3 =	sadd.s32 $0xF43600, s1;
	s5 =	smul.u32 $0x1900, s4  }
0xb: {  	s1 =	sadd.s32 $0x1A200, s1;
	s6 =	smul.u32 $0x320, s4;
	s8 =	sshrl.u32 s7, $0x1  }
0xc: {  	s4 =	smul.u32 $0xC800, s4;
	s7 =	ssub.s32 s7, s8;
	s22 =	sadd.s32 s11, s10  }
0xd: {  	s23 =	sadd.s32 s12, s19;
	s11 =	simm.s32 $0x3;
	s12 =	simm.s32 $0x80  }
0xe: {  	s19 =	simm.s32 $0x200;
	s6 =	sadd.s32 s9, s6;
	s5 =	sshrl.u32 s5, $0x3  }
0xf: {  	s4 =	sadd.s32 s1, s4;
	s20 =	smax.u32 s7, $0x1;
	[dreg:$0x4] =	wrdreg s6  }
0x10: {  	s5 =	sadd.s32 s9, s5;
	[dreg:$0x6] =	wrdreg s20;
	s21 =	sadd.s32 $0xA000, s4  }
0x11: {  	s4 =	sadd.s32 $0xB400, s4;
	s20 =	simm.s32 $0x8500;
	[dreg:$0x7] =	wrdreg s21  }
0x12: {  	s5 =	sadd.s32 $0x50, s5;
	[dreg:$0x8] =	wrdreg s4;
	s4 =	sshll.u32 s22, $0x3  }
0x13: {  	s21 =	simm.s32 $0x280;
	s22 =	simm.s32 $0xA500;
	[dreg:$0x5] =	wrdreg s5  }
0x14: {  	s5 =	sshll.u32 s23, $0x4;
	s4 =	sadd.s32 s1, s4;
	s1 =	sadd.s32 s24, s1  }
0x15: {  	s23 =	simm.s32 $0x300;
	s24 =	simm.s32 $0xC500;
	s5 =	sadd.s32 s9, s5  }
0x16: {  	s4 =	sadd.s32 $0x1400, s4;
	s10 =	sadd.s32 s0, s1;
	s1 =	simm.s32 $0x1  }
0x17: {  	s0 =	simm.s32 $0x2;
	[dreg:$0x9] =	wrdreg s4;
	s25 =	sadd.s32 $0xF0, s5  }
0x18: {  	s26 =	sadd.s32 $0xA0, s5;
	s4 =	simm.s32 $0x0;
	[dreg:$0x2] =	wrdreg s25  }
0x19: {  	[dreg:$0x3] =	wrdreg s26;
	s25 =	simm.s32 $0x380;
	s26 =	simm.s32 $0xE500  }
.LBB2_1:
0x1a: {  	s5 =	rddreg [dreg:$0x4]  }
0x1b: {  	[tilespmem:s2], [sflag:$0x3] =	stream.linear.gather [hbm4b:s5+s2], $0x280, $0x38;
	[tilespmem:$0x14500] =	vst v63  }
0x1c: {  	_ =	swait.ge [sflag:s11], $0x280  }
0x1d: {  	[sflag:s11] =	ssyncset.done $0x0  }
0x1e: {  	[sflag:s11] =	ssyncadd.s32 $0xFFFFFD80  }
0x1f: {  	[tilespmem:s13], [sflag:$0x1] =	stream.indirect.gather [hbm4b:s3+s12], $0x40, s2, s12, $0xb8;
	[tilespmem:$0x14500] =	vst v63  }
0x20: {  	_ = 	snop  }
0x21: {  	[tilespmem:s14], [sflag:$0x1] =	stream.indirect.gather [hbm4b:s3+s12], $0x40, s12, s12, $0xb8;
	[tilespmem:$0x14500] =	vst v63  }
0x22: {  	_ = 	snop  }
0x23: {  	[tilespmem:s16], [sflag:$0x1] =	stream.indirect.gather [hbm4b:s3+s12], $0x40, s15, s12, $0xb8;
	[tilespmem:$0x14500] =	vst v63  }
0x24: {  	_ = 	snop  }
0x25: {  	[tilespmem:s18], [sflag:$0x1] =	stream.indirect.gather [hbm4b:s3+s12], $0x40, s17, s12, $0xb8;
	[tilespmem:$0x14500] =	vst v63  }
0x26: {  	_ = 	snop  }
0x27: {  	[tilespmem:s20], [sflag:$0x1] =	stream.indirect.gather [hbm4b:s3+s12], $0x40, s19, s12, $0xb8;
	[tilespmem:$0x14500] =	vst v63  }
0x28: {  	s7 =	rddreg [dreg:$0x5]  }
0x29: {  	[tilespmem:s21], [sflag:$0x3] =	stream.linear.gather [hbm4b:s7+s2], $0x280, $0x38;
	[tilespmem:$0x14500] =	vst v63  }
0x2a: {  	_ =	swait.ge [sflag:s11], $0x280  }
0x2b: {  	[sflag:s11] =	ssyncset.done $0x0  }
0x2c: {  	[sflag:s11] =	ssyncadd.s32 $0xFFFFFD80  }
0x2d: {  	[tilespmem:s22], [sflag:$0x2] =	stream.indirect.gather [hbm4b:s3+s12], $0x40, s21, s12, $0xb8;
	[tilespmem:$0x14500] =	vst v63  }
0x2e: {  	_ = 	snop  }
0x2f: {  	[tilespmem:s24], [sflag:$0x2] =	stream.indirect.gather [hbm4b:s3+s12], $0x40, s23, s12, $0xb8;
	[tilespmem:$0x14500] =	vst v63  }
0x30: {  	_ = 	snop  }
0x31: {  	[tilespmem:s26], [sflag:$0x2] =	stream.indirect.gather [hbm4b:s3+s12], $0x40, s25, s12, $0xb8;
	[tilespmem:$0x14500] =	vst v63  }
0x32: {  	_ = 	snop  }
0x33: {  	[tilespmem:s29], [sflag:$0x2] =	stream.indirect.gather [hbm4b:s3+s12], $0x40, s28, s12, $0xb8;
	[tilespmem:$0x14500] =	vst v63  }
0x34: {  	_ = 	snop  }
0x35: {  	[tilespmem:s31], [sflag:$0x2] =	stream.indirect.gather [hbm4b:s3+s12], $0x40, s30, s12, $0xb8;
	[tilespmem:$0x14500] =	vst v63  }
0x36: {  	_ =	swait.ge [sflag:s1], $0xA000  }
0x37: {  	[sflag:s1] =	ssyncset.done $0x0  }
0x38: {  	[sflag:s1] =	ssyncadd.s32 $0xFFFF6000  }
0x39: {  	[hbm4b:s10+s2] =	stream.linear.scatter [tilespmem:s13], [sflag:$0x3], $0xA000, $0x38;
	[tilespmem:$0x14500] =	vst v63  }
0x3a: {  	_ =	swait.ge [sflag:s11], $0xA000  }
0x3b: {  	s8 =	rddreg [dreg:$0x3];
	[sflag:s11] =	ssyncset.done $0x0  }
0x3c: {  	[sflag:s11] =	ssyncadd.s32 $0xFFFF6000;
	s5 =	sadd.s32 $0x0, s8  }
0x3d: {  	[tilespmem:s2], [sflag:$0x3] =	stream.linear.gather [hbm4b:s5+s2], $0x280, $0x38;
	[tilespmem:$0x14500] =	vst v63  }
0x3e: {  	_ =	swait.ge [sflag:s11], $0x280  }
0x3f: {  	[sflag:s11] =	ssyncset.done $0x0  }
0x40: {  	[sflag:s11] =	ssyncadd.s32 $0xFFFFFD80  }
0x41: {  	[tilespmem:s13], [sflag:$0x1] =	stream.indirect.gather [hbm4b:s3+s12], $0x40, s2, s12, $0xb8;
	[tilespmem:$0x14500] =	vst v63  }
0x42: {  	_ = 	snop  }
0x43: {  	[tilespmem:s14], [sflag:$0x1] =	stream.indirect.gather [hbm4b:s3+s12], $0x40, s12, s12, $0xb8;
	[tilespmem:$0x14500] =	vst v63  }
0x44: {  	_ = 	snop  }
0x45: {  	[tilespmem:s16], [sflag:$0x1] =	stream.indirect.gather [hbm4b:s3+s12], $0x40, s15, s12, $0xb8;
	[tilespmem:$0x14500] =	vst v63  }
0x46: {  	_ = 	snop  }
0x47: {  	[tilespmem:s18], [sflag:$0x1] =	stream.indirect.gather [hbm4b:s3+s12], $0x40, s17, s12, $0xb8;
	[tilespmem:$0x14500] =	vst v63  }
0x48: {  	_ = 	snop  }
0x49: {  	[tilespmem:s20], [sflag:$0x1] =	stream.indirect.gather [hbm4b:s3+s12], $0x40, s19, s12, $0xb8;
	[tilespmem:$0x14500] =	vst v63  }
0x4a: {  	_ =	swait.ge [sflag:s0], $0xA000  }
0x4b: {  	[sflag:s0] =	ssyncset.done $0x0  }
0x4c: {  	s6 =	rddreg [dreg:$0x9];
	[sflag:s0] =	ssyncadd.s32 $0xFFFF6000  }
0x4d: {  	[hbm4b:s6+s2] =	stream.linear.scatter [tilespmem:s22], [sflag:$0x3], $0xA000, $0x38;
	[tilespmem:$0x14500] =	vst v63  }
0x4e: {  	_ =	swait.ge [sflag:s11], $0xA000  }
0x4f: {  	s9 =	rddreg [dreg:$0x2];
	[sflag:s11] =	ssyncset.done $0x0  }
0x50: {  	[sflag:s11] =	ssyncadd.s32 $0xFFFF6000;
	s5 =	sadd.s32 $0x0, s9  }
0x51: {  	[tilespmem:s21], [sflag:$0x3] =	stream.linear.gather [hbm4b:s5+s2], $0x280, $0x38;
	[tilespmem:$0x14500] =	vst v63  }
0x52: {  	_ =	swait.ge [sflag:s11], $0x280  }
0x53: {  	[sflag:s11] =	ssyncset.done $0x0  }
0x54: {  	[sflag:s11] =	ssyncadd.s32 $0xFFFFFD80  }
0x55: {  	[tilespmem:s22], [sflag:$0x2] =	stream.indirect.gather [hbm4b:s3+s12], $0x40, s21, s12, $0xb8;
	[tilespmem:$0x14500] =	vst v63  }
0x56: {  	_ = 	snop  }
0x57: {  	[tilespmem:s24], [sflag:$0x2] =	stream.indirect.gather [hbm4b:s3+s12], $0x40, s23, s12, $0xb8;
	[tilespmem:$0x14500] =	vst v63  }
0x58: {  	_ = 	snop  }
0x59: {  	[tilespmem:s26], [sflag:$0x2] =	stream.indirect.gather [hbm4b:s3+s12], $0x40, s25, s12, $0xb8;
	[tilespmem:$0x14500] =	vst v63  }
0x5a: {  	s7 =	sadd.s32 $0x2800, s10;
	s6 =	sadd.s32 $0x2800, s6;
	s5 =	simm.s32 $0xA0  }
0x5b: {  	[tilespmem:s29], [sflag:$0x2] =	stream.indirect.gather [hbm4b:s3+s12], $0x40, s28, s12, $0xb8;
	[tilespmem:$0x14500] =	vst v63  }
.LBB2_2:
0x5c: {  	[tilespmem:s31], [sflag:$0x2] =	stream.indirect.gather [hbm4b:s3+s12], $0x40, s30, s12, $0xb8;
	[tilespmem:$0x14500] =	vst v63  }
0x5d: {  	_ =	swait.ge [sflag:s1], $0xA000  }
0x5e: {  	[sflag:s1] =	ssyncset.done $0x0  }
0x5f: {  	[sflag:s1] =	ssyncadd.s32 $0xFFFF6000  }
0x60: {  	[hbm4b:s7+s2] =	stream.linear.scatter [tilespmem:s13], [sflag:$0x3], $0xA000, $0x38;
	[tilespmem:$0x14500] =	vst v63  }
0x61: {  	_ =	swait.ge [sflag:s11], $0xA000  }
0x62: {  	s8 =	smov.u32 s5;
	s9 =	rddreg [dreg:$0x3];
	[sflag:s11] =	ssyncset.done $0x0  }
0x63: {  	[sflag:s11] =	ssyncadd.s32 $0xFFFF6000;
	s9 =	sadd.s32 s8, s9  }
0x64: {  	[tilespmem:s2], [sflag:$0x3] =	stream.linear.gather [hbm4b:s9+s2], $0x280, $0x38;
	[tilespmem:$0x14500] =	vst v63  }
0x65: {  	_ =	swait.ge [sflag:s11], $0x280  }
0x66: {  	[sflag:s11] =	ssyncset.done $0x0  }
0x67: {  	[sflag:s11] =	ssyncadd.s32 $0xFFFFFD80  }
0x68: {  	[tilespmem:s13], [sflag:$0x1] =	stream.indirect.gather [hbm4b:s3+s12], $0x40, s2, s12, $0xb8;
	[tilespmem:$0x14500] =	vst v63  }
0x69: {  	_ = 	snop  }
0x6a: {  	[tilespmem:s14], [sflag:$0x1] =	stream.indirect.gather [hbm4b:s3+s12], $0x40, s12, s12, $0xb8;
	[tilespmem:$0x14500] =	vst v63  }
0x6b: {  	_ = 	snop  }
0x6c: {  	[tilespmem:s16], [sflag:$0x1] =	stream.indirect.gather [hbm4b:s3+s12], $0x40, s15, s12, $0xb8;
	[tilespmem:$0x14500] =	vst v63  }
0x6d: {  	_ = 	snop  }
0x6e: {  	[tilespmem:s18], [sflag:$0x1] =	stream.indirect.gather [hbm4b:s3+s12], $0x40, s17, s12, $0xb8;
	[tilespmem:$0x14500] =	vst v63  }
0x6f: {  	_ = 	snop  }
0x70: {  	[tilespmem:s20], [sflag:$0x1] =	stream.indirect.gather [hbm4b:s3+s12], $0x40, s19, s12, $0xb8;
	[tilespmem:$0x14500] =	vst v63  }
0x71: {  	_ =	swait.ge [sflag:s0], $0xA000  }
0x72: {  	[sflag:s0] =	ssyncset.done $0x0  }
0x73: {  	[sflag:s0] =	ssyncadd.s32 $0xFFFF6000  }
0x74: {  	[hbm4b:s6+s2] =	stream.linear.scatter [tilespmem:s22], [sflag:$0x3], $0xA000, $0x38;
	[tilespmem:$0x14500] =	vst v63  }
0x75: {  	_ =	swait.ge [sflag:s11], $0xA000  }
0x76: {  	s9 =	rddreg [dreg:$0x2];
	[sflag:s11] =	ssyncset.done $0x0  }
0x77: {  	[sflag:s11] =	ssyncadd.s32 $0xFFFF6000;
	s8 =	sadd.s32 s8, s9  }
0x78: {  	[tilespmem:s21], [sflag:$0x3] =	stream.linear.gather [hbm4b:s8+s2], $0x280, $0x38;
	[tilespmem:$0x14500] =	vst v63  }
0x79: {  	_ =	swait.ge [sflag:s11], $0x280  }
0x7a: {  	[sflag:s11] =	ssyncset.done $0x0  }
0x7b: {  	[sflag:s11] =	ssyncadd.s32 $0xFFFFFD80  }
0x7c: {  	[tilespmem:s22], [sflag:$0x2] =	stream.indirect.gather [hbm4b:s3+s12], $0x40, s21, s12, $0xb8;
	[tilespmem:$0x14500] =	vst v63  }
0x7d: {  	p0 =	sne.s32 s5, $0x1E0  }
0x7e: {  	[tilespmem:s24], [sflag:$0x2] =	stream.indirect.gather [hbm4b:s3+s12], $0x40, s23, s12, $0xb8;
	[tilespmem:$0x14500] =	vst v63  }
.Ltmp0:
0x7f: {  	_ = 	snop;
	(pc) =	sbr.rel @p0 .LBB2_2-.Ltmp0, $4  }
0x80: {  	_ = 	snop  }
0x81: {  	[tilespmem:s26], [sflag:$0x2] =	stream.indirect.gather [hbm4b:s3+s12], $0x40, s25, s12, $0xb8;
	[tilespmem:$0x14500] =	vst v63  }
0x82: {  	s5 =	sadd.s32 $0xA0, s5;
	s7 =	sadd.s32 $0x2800, s7;
	s6 =	sadd.s32 $0x2800, s6  }
0x83: {  	[tilespmem:s29], [sflag:$0x2] =	stream.indirect.gather [hbm4b:s3+s12], $0x40, s28, s12, $0xb8;
	[tilespmem:$0x14500] =	vst v63  }
0x84: {  	[tilespmem:s31], [sflag:$0x2] =	stream.indirect.gather [hbm4b:s3+s12], $0x40, s30, s12, $0xb8;
	[tilespmem:$0x14500] =	vst v63  }
0x85: {  	_ =	swait.ge [sflag:s1], $0xA000  }
0x86: {  	[sflag:s1] =	ssyncset.done $0x0  }
0x87: {  	s5 =	rddreg [dreg:$0x7];
	[sflag:s1] =	ssyncadd.s32 $0xFFFF6000  }
0x88: {  	[hbm4b:s5+s2] =	stream.linear.scatter [tilespmem:s13], [sflag:$0x3], $0xA000, $0x38;
	[tilespmem:$0x14500] =	vst v63  }
0x89: {  	_ =	swait.ge [sflag:s11], $0xA000  }
0x8a: {  	[sflag:s11] =	ssyncset.done $0x0  }
0x8b: {  	[sflag:s11] =	ssyncadd.s32 $0xFFFF6000  }
0x8c: {  	_ =	swait.ge [sflag:s0], $0xA000  }
0x8d: {  	[sflag:s0] =	ssyncset.done $0x0  }
0x8e: {  	s8 =	rddreg [dreg:$0x8];
	[sflag:s0] =	ssyncadd.s32 $0xFFFF6000  }
0x8f: {  	[hbm4b:s8+s2] =	stream.linear.scatter [tilespmem:s22], [sflag:$0x3], $0xA000, $0x38;
	[tilespmem:$0x14500] =	vst v63  }
0x90: {  	_ =	swait.ge [sflag:s11], $0xA000  }
0x91: {  	s4 =	sadd.s32 $0x1, s4;
	s9 =	rddreg [dreg:$0x6]  }
0x92: {  	p0 =	sne.s32 s4, s9  }
.Ltmp1:
0x93: {  	_ = 	snop;
	(pc) =	sbr.rel @p0 .LBB2_1-.Ltmp1, $3  }
0x94: {  	_ =	sdelay $0x1  }
0x95: {  	[sflag:s11] =	ssyncset.done $0x0  }
0x96: {  	[sflag:s11] =	ssyncadd.s32 $0xFFFF6000  }
0x97: {  	_ =	sfence.sel $0x180000  }
0x98: {  	[bflag:$0x0] =	sbarrier.arrive $0xFFFF  }
0x99: {  	_ =	strace $0x90000047  }
0x9a: {  	s0 =	stileid.u32;
	[bflag:$0x2] =	sbarrier.arrive $0xFFFF  }
0x9b: {  	p0 =	sne.s32 s0, $0x0;
	s0 =	rddreg [dreg:$0x1]  }
0x9c: {  	s0 =	sadd.s32 @!p0 $0x100000, s0  }
0x9d: {  	[sflag:s0] =	ssyncadd.tile.s32 @!p0 $0x1;
	_ =	shalt  }
.Lfunc_end2:
_tile_overlayer_lowered:
.L_overlay_start_2:
0x9e: {  	(tag) =	ssettag $0x2  }
0x9f: {  	s0 =	rddreg [dreg:$0x0];
	s2 =	stileid.u32  }
0xa0: {  	s1 =	rddreg [dreg:$0x1];
	p0 =	sne.s32 s2, $0x0  }
0xa1: {  	s3 =	rddreg [dreg:$0x2];
	[bflag:$0x3] =	sbarrier.arrive $0xFFFF;
	s2 =	simm.s32 @!p0 $0x1C03  }
0xa2: {  	[timem:s3], [sflag:s2] =	dma.local @!p0 [hbm:s0], s1  }
0xa3: {  	s0 =	simm.s32 @!p0 $0x3  }
0xa4: {  	_ =	swait.ge @!p0 [sflag:s0], s1  }
0xa5: {  	s1 =	ssub.s32 @!p0 $0x0, s1;
	[sflag:s0] =	ssyncset.done @!p0 $0x0  }
0xa6: {  	[sflag:s0] =	ssyncadd.s32 @!p0 s1  }
0xa7: {  	[bflag:$0x3] =	sbarrier.arrive $0xFFFF  }
0xa8: {  	_ =	shalt  }

// kernel: kernel.13.cloned.1.call-start
scs
__scs_entry_jumppad:
0x0: {  	(pc) =	sbr.rel $0x88, $3  }
0x1: {  	(tag) =	ssettag $0x0;
	lr =	simm.s32 $0x1  }
0x2: {  	[smem:$0x3F9F] =	sst lr;
	_ =	strace $0xD0000000  }
0x3: {  	_ = 	snop  }
0x4: {  	_ = 	snop  }
0x5: {  	_ = 	snop  }
0x6: {  	_ = 	snop  }
0x7: {  	_ = 	snop  }
__scs_overlays_trampoline_lowered:
0x8: {  	[smem:$0x3FAE] =	sst s0  }
0x9: {  	[smem:$0x3FAF] =	sst s1  }
0xa: {  	[smem:$0x3FB0] =	sst s2  }
0xb: {  	[smem:$0x3FB1] =	sst s3  }
0xc: {  	[smem:$0x3FB2] =	sst s4  }
0xd: {  	[smem:$0x3FB3] =	sst s5  }
0xe: {  	[smem:$0x3FB4] =	sst s6  }
0xf: {  	[smem:$0x3FB5] =	sst s7  }
0x10: {  	[smem:$0x3FB6] =	sst s8  }
0x11: {  	[smem:$0x3FB7] =	sst s9;
	s0 =	simm.s32 @!p0 $0x0  }
0x12: {  	s1 =	sld [smem:$0x3F9D];
	s0 =	simm.s32 @p0 $0x1  }
0x13: {  	[smem:$0x3FB8] =	sst s0;
	s0 =	simm.s32 @!p1 $0x0  }
0x14: {  	s2 =	sld [smem:$0x3F9C];
	s0 =	simm.s32 @p1 $0x1  }
0x15: {  	[smem:$0x3FB9] =	sst s0;
	s0 =	simm.s32 @!p2 $0x0  }
0x16: {  	s3 =	sld [smem:$0x3FDB];
	s0 =	simm.s32 @p2 $0x1  }
0x17: {  	s4 =	simm.s32 $0x1BF5;
	[smem:$0x3FBB] =	sst s0  }
0x18: {  	s0 =	sld [smem:$0x3F9E];
	_ =	swait.ge [sflag:s4], $0x0  }
0x19: {  	s7 =	sld [smem:$0x3F9F]  }
0x1a: {  	s8 =	sadd.s32 $0xFFFFE003, lr  }
0x1b: {  	s9 =	sadd.s32 $0xFFFFFEF7, lr;
	s5 =	simm.s32 $0xFFFFFFFF;
	p2 =	slt.u32 s8, $0xFFFFF086  }
0x1c: {  	p1 =	slt.u32 s9, $0xF7A;
	s5 =	simm.s32 @!p2 $0x0  }
0x1d: {  	s5 =	simm.s32 @p1 $0x1;
	p0 =	seq.s32 s7, s2  }
0x1e: {  	s7 =	smul.u32 @!p0 $0xF7A, s2;
	p2 =	seq.s32 @!p0 s5, $0x0  }
0x1f: {  	s9 =	smul.u32 $0xF7A, s1;
	s8 =	simm.s32 @!p0 $0x1BF5;
	p2 =	por !p2, p0  }
0x20: {  	[sflag:s8] =	ssyncset.s32 @!p0 $0xFFFFF086;
	s6 =	sadd.s32 @!p0 s3, s7;
	s7 =	simm.s32 @!p0 $0x108  }
0x21: {  	s3 =	sadd.s32 s3, s9;
	s6 =	sadd.s32 @!p0 $0x88, s6;
	s7 =	simm.s32 @p2 $0x1082  }
0x22: {  	[simem:s7], [sflag:s8] =	dma.local @!p0 [hbm:s6], $0xF7A  }
0x23: {  	s9 =	sor.u32 $0xD0000000, s2;
	s6 =	simm.s32 $0x108;
	_ =	swait.ge @!p0 [sflag:s8], $0x0  }
0x24: {  	s3 =	sadd.s32 $0x88, s3;
	s6 =	simm.s32 @!p1 $0x1082;
	[sflag:s4] =	ssyncset.s32 $0xFFFFF086  }
0x25: {  	[simem:s6], [sflag:s4] =	dma.local [hbm:s3], $0xF7A  }
0x26: {  	[smem:$0x3F9F] =	sst s1;
	(tag) =	ssettag s2;
	_ =	strace s9  }
0x27: {  	s1 =	sld [smem:$0x3FAF]  }
0x28: {  	s2 =	sld [smem:$0x3FB0]  }
0x29: {  	s4 =	sld [smem:$0x3FB2]  }
0x2a: {  	p0 =	seq.s32 s5, $0x0;
	s5 =	sld [smem:$0x3FB3]  }
0x2b: {  	s6 =	sld [smem:$0x3FB4]  }
0x2c: {  	s7 =	sld [smem:$0x3FB5]  }
0x2d: {  	s3 =	simm.s32 $0x108;
	s8 =	sld [smem:$0x3FB6]  }
0x2e: {  	s3 =	simm.s32 @!p0 $0x1082;
	s9 =	sld [smem:$0x3FB7]  }
0x2f: {  	lr =	sadd.s32 s0, s3;
	s0 =	sld [smem:$0x3FAE]  }
0x30: {  	s3 =	sld [smem:$0x3FB1]  }
0x31: {  	[smem:$0x3FBA] =	sst s10  }
0x32: {  	s10 =	sld [smem:$0x3FB8];
	_ =	sdelay $0x3  }
0x33: {  	p0 =	seq.s32 s10, $0x1;
	s10 =	sld [smem:$0x3FBA];
	_ =	sdelay $0x3  }
0x34: {  	[smem:$0x3FBA] =	sst s10  }
0x35: {  	s10 =	sld [smem:$0x3FB9];
	_ =	sdelay $0x3  }
0x36: {  	p1 =	seq.s32 s10, $0x1;
	s10 =	sld [smem:$0x3FBA];
	_ =	sdelay $0x3  }
0x37: {  	[smem:$0x3FBA] =	sst s10  }
0x38: {  	s10 =	sld [smem:$0x3FBB]  }
0x39: {  	_ = 	snop;
	(pc) =	sbr.ind lr, $3  }
0x3a: {  	_ = 	snop  }
0x3b: {  	_ = 	snop  }
0x3c: {  	p2 =	seq.s32 s10, $0x1;
	s10 =	sld [smem:$0x3FBA]  }
0x3d: {  	_ =	shalt  }
0x3e: {  	_ =	shalt  }
0x3f: {  	_ =	shalt  }
0x40: {  	_ =	shalt  }
0x41: {  	_ =	shalt  }
0x42: {  	_ =	shalt  }
0x43: {  	_ =	shalt  }
0x44: {  	_ =	shalt  }
0x45: {  	_ =	shalt  }
0x46: {  	_ =	shalt  }
0x47: {  	_ =	shalt  }
0x48: {  	_ =	shalt  }
0x49: {  	_ =	shalt  }
0x4a: {  	_ =	shalt  }
0x4b: {  	_ =	shalt  }
0x4c: {  	_ =	shalt  }
0x4d: {  	_ =	shalt  }
0x4e: {  	_ =	shalt  }
0x4f: {  	_ =	shalt  }
0x50: {  	_ =	shalt  }
0x51: {  	_ =	shalt  }
0x52: {  	_ =	shalt  }
0x53: {  	_ =	shalt  }
0x54: {  	_ =	shalt  }
0x55: {  	_ =	shalt  }
0x56: {  	_ =	shalt  }
0x57: {  	_ =	shalt  }
0x58: {  	_ =	shalt  }
0x59: {  	_ =	shalt  }
0x5a: {  	_ =	shalt  }
0x5b: {  	_ =	shalt  }
0x5c: {  	_ =	shalt  }
0x5d: {  	_ =	shalt  }
0x5e: {  	_ =	shalt  }
0x5f: {  	_ =	shalt  }
0x60: {  	_ =	shalt  }
0x61: {  	_ =	shalt  }
0x62: {  	_ =	shalt  }
0x63: {  	_ =	shalt  }
0x64: {  	_ =	shalt  }
0x65: {  	_ =	shalt  }
0x66: {  	_ =	shalt  }
0x67: {  	_ =	shalt  }
0x68: {  	_ =	shalt  }
0x69: {  	_ =	shalt  }
0x6a: {  	_ =	shalt  }
0x6b: {  	_ =	shalt  }
0x6c: {  	_ =	shalt  }
0x6d: {  	_ =	shalt  }
0x6e: {  	_ =	shalt  }
0x6f: {  	_ =	shalt  }
0x70: {  	_ =	shalt  }
0x71: {  	_ =	shalt  }
0x72: {  	_ =	shalt  }
0x73: {  	_ =	shalt  }
0x74: {  	_ =	shalt  }
0x75: {  	_ =	shalt  }
0x76: {  	_ =	shalt  }
0x77: {  	_ =	shalt  }
0x78: {  	_ =	shalt  }
0x79: {  	_ =	shalt  }
0x7a: {  	_ =	shalt  }
0x7b: {  	_ =	shalt  }
0x7c: {  	_ =	shalt  }
0x7d: {  	_ =	shalt  }
0x7e: {  	_ =	shalt  }
0x7f: {  	_ =	shalt  }
0x80: {  	_ =	shalt  }
0x81: {  	_ =	shalt  }
0x82: {  	_ =	shalt  }
0x83: {  	_ =	shalt  }
0x84: {  	_ =	shalt  }
0x85: {  	_ =	shalt  }
0x86: {  	_ =	shalt  }
0x87: {  	_ =	shalt  }
.Lfunc_end0:
.L_simem_size_0:
called_computation.1_lowered:
.L_overlay_start_0:
0x88: {  	s2 =	sld [smem:$0x3FD9]  }
0x89: {  	s3 =	sld [smem:$0x3FFE];
	_ =	sdelay $0x1  }
0x8a: {  	s1 =	srdreg.scid  }
0x8b: {  	s0 =	sand.u32 $0x1, s1  }
0x8c: {  	s17 =	sshll.u32 s0, $0xA;
	s2 =	sadd.s32 s3, s2  }
0x8d: {  	s2 =	sadd.s32 s2, s17  }
0x8e: {  	[smem:$0x3FC6] =	sst s2  }
0x8f: {  	_ = 	snop  }
0x90: {  	(tm) =	ssettm $0x1  }
0x91: {  	s18 =	sld [smem:$0x3FFB];
	_ =	sdelay $0x3  }
0x92: {  	_ =	strace s18  }
0x93: {  	s2 =	sld [smem:$0x3FFC];
	_ =	sdelay $0x3  }
0x94: {  	_ =	strace s2  }
0x95: {  	s2 =	sld [smem:$0x3FFD];
	_ =	sdelay $0x3  }
0x96: {  	_ =	strace s2  }
0x97: {  	_ =	strace $0x8FFFFFFF  }
0x98: {  	s19 =	sld [smem:$0x3FDB];
	_ =	sdelay $0x1  }
0x99: {  	s20 =	simm.s32 $_scs_section_size  }
0x9a: {  	s4 =	simm.s32 $_size__tile_overlayer_lowered;
	s5 =	simm.s32 $_tile_overlayer_lowered  }
0x9b: {  	s6 =	simm.s32 $0x1BFF;
	s21 =	sshll.u32 s5, $0x1;
	s3 =	sadd.s32 s20, s19  }
0x9c: {  	s22 =	simm.s32 $0x0;
	s4 =	sshll.u32 s4, $0x1;
	s5 =	sadd.s32 s21, s3  }
0x9d: {  	[timem:s22], [sflag:s6] =	dma.local [hbm:s5], s4  }
0x9e: {  	_ =	swait.ge [sflag:s6], s4  }
0x9f: {  	s4 =	ssub.s32 $0x0, s4;
	[sflag:s6] =	ssyncset.done $0x0  }
0xa0: {  	[sflag:s6] =	ssyncadd.s32 s4;
	_ =	sdelay $0x1  }
0xa1: {  	s23 =	simm.s32 $0x1B8B  }
0xa2: {  	_ =	swait.ge [sflag:s23], $0x1  }
0xa3: {  	[sflag:s23] =	ssyncset.done $0x0  }
0xa4: {  	[sflag:s23] =	ssyncadd.s32 $0xFFFFFFFF  }
0xa5: {  	s4 =	sld [smem:$0x0]  }
0xa6: {  	s5 =	sand.u32 $0xFFFFFFFE, s1  }
0xa7: {  	p0 =	sne.s32 s1, s5  }
0xa8: {  	s5 =	sshll.u32 @p0 s5, $0xE  }
0xa9: {  	s5 =	sadd.s32 @p0 $0x11B8D, s5;
	s6 =	sshll.u32 @p0 s4, $0x11  }
0xaa: {  	s5 =	sor.u32 @p0 s6, s5  }
0xab: {  	[sflag:s5] =	ssyncadd.remote.s32 @p0 $0x1;
	_ =	sdelay $0x1  }
0xac: {  	s5 =	simm.s32 @p0 $0x1B8D  }
0xad: {  	_ =	swait.eq @p0 [sflag:s5], $0x1  }
0xae: {  	[sflag:s5] =	ssyncadd.s32 @p0 $0xFFFFFFFF  }
0xaf: {  	s6 =	sshll.u32 @!p0 s1, $0xE  }
0xb0: {  	s6 =	sor.u32 @!p0 $0x4000, s6;
	s5 =	simm.s32 @!p0 $0x1B8D  }
0xb1: {  	s4 =	sshll.u32 @!p0 s4, $0x11;
	s6 =	sadd.s32 @!p0 $0x11B8D, s6;
	_ =	swait.eq @!p0 [sflag:s5], $0x1  }
0xb2: {  	s4 =	sor.u32 @!p0 s4, s6;
	[sflag:s5] =	ssyncadd.s32 @!p0 $0xFFFFFFFF  }
0xb3: {  	s25 =	simm.s32 $0x1B8E;
	s24 =	sld [smem:$0x3FFE];
	[sflag:s4] =	ssyncadd.remote.s32 @!p0 $0x1  }
0xb4: {  	s26 =	simm.s32 $execute0_lowered;
	[smem:$0x3FD2] =	sst s25  }
0xb5: {  	s5 =	sshll.u32 s26, $0x1;
	_ =	strace $0x80000049;
	[dreg:$0x1] =	wrdreg $0xFFFFFFFF  }
0xb6: {  	s28 =	simm.s32 $_size_execute0_lowered;
	s3 =	sadd.s32 s3, s5;
	[dreg:$0x0] =	wrdreg $0x0  }
0xb7: {  	s5 =	sshll.u32 s28, $0x1;
	[dreg:$0x2] =	wrdreg s3  }
0xb8: {  	[dreg:$0x3] =	wrdreg s5  }
0xb9: {  	[dreg:$0x4] =	wrdreg $0xC0  }
0xba: {  	_ =	task [dreg:s22], $0x5FFFF  }
0xbb: {  	[dreg:$0x1] =	wrdreg $0xFFFFFFFF  }
0xbc: {  	[dreg:$0x0] =	wrdreg $0x60  }
0xbd: {  	[dreg:$0x2] =	wrdreg s24  }
0xbe: {  	[dreg:$0x3] =	wrdreg $0xA  }
0xbf: {  	_ =	task.clear_ibuf [dreg:s22], $0x4FFFF;
	_ =	strace $0x90000049  }
0xc0: {  	s29 =	simm.s32 $0xA;
	_ =	strace $0x8000004B  }
0xc1: {  	_ =	swait.ge [sflag:s29], $0x1  }
0xc2: {  	[sflag:s29] =	ssyncadd.s32 $0xFFFFFFFF  }
0xc3: {  	_ =	strace $0x9000004B  }
0xc4: {  	_ =	sfence  }
0xc5: {  	s30 =	sld [smem:$0x0];
	_ =	sdelay $0x2  }
0xc6: {  	s31 =	sshll.u32 s1, $0xD;
	s1 =	sshrl.u32 s1, $0x2  }
0xc7: {  	s4 =	sand.u32 $0x4000, s31;
	s1 =	sadd.s32 s1, s30  }
0xc8: {  	s0 =	sor.u32 s4, s0;
	s1 =	sshll.u32 s1, $0x11  }
0xc9: {  	s0 =	sor.u32 s1, s0  }
0xca: {  	s0 =	sadd.s32 $0x8F2B, s0  }
0xcb: {  	[sflag:s0] =	ssyncadd.remote.s32 $0x1  }
0xcc: {  	_ =	sfence.sel $0xFFFF  }
0xcd: {  	[dreg:$0x0] =	wrdreg $0xFFFFFFFF;
	(pc) =	sbr.abs _section_cstart, $3  }
0xce: {  	[dreg:$0x1] =	wrdreg $0xFFFFFFFF  }
0xcf: {  	_ =	task.clear_ibuf [dreg:s22], $0x2FFFF;
	_ =	strace $0x9FFFFFFF  }
0xd0: {  	(tm) =	ssettm $0x7FFFFFFF  }
0xd1: {  	_ =	shalt  }
tec
execute0_lowered:
.L_overlay_start_1:
0x0: {  	(tag) =	ssettag $0x1  }
0x1: {  	s0 =	rddreg [dreg:$0x0]  }
0x2: {  	s1 =	srdreg.scid;
	s12 =	stileid.u32  }
0x3: {  	s2 =	simm.s32 $0x0;
	s13 =	simm.s32 $0x500;
	s14 =	simm.s32 $0x2500  }
0x4: {  	s15 =	simm.s32 $0x100;
	s16 =	simm.s32 $0x4500;
	s10 =	smul.u32 $0x3200, s12  }
0x5: {  	s17 =	simm.s32 $0x180;
	s28 =	simm.s32 $0x400;
	s19 =	smul.u32 $0x64, s12  }
0x6: {  	s29 =	simm.s32 $0x10500;
	s1 =	sand.u32 $0x1, s1;
	s24 =	smul.u32 $0x19000, s12  }
0x7: {  	s30 =	simm.s32 $0x480;
	s31 =	simm.s32 $0x12500;
	s18 =	smul.u32 $0x1900, s1  }
0x8: {  	s3 =	sshll.u32 s12, $0x1;
	[smem:$0x7FF] =	sst s2;
	s11 =	smul.u32 $0x32, s1  }
0x9: {  	s4 =	sor.u32 s1, s3;
	s8 =	ssub.s32 $0x2, s1;
	s1 =	smul.u32 $0xC800, s1  }
0xa: {  	s7 =	sadd.s32 $0x1200, s0;
	_ =	strace $0x8000004A;
	s5 =	smul.u32 $0x1900, s4  }
0xb: {  	s12 =	simm.s32 $0x80;
	s3 =	sadd.s32 $0xF43600, s0;
	s6 =	smul.u32 $0x320, s4  }
0xc: {  	s0 =	sadd.s32 $0x1AA200, s0;
	s4 =	smul.u32 $0xC800, s4;
	s9 =	sshrl.u32 s8, $0x1  }
0xd: {  	s8 =	ssub.s32 s8, s9;
	s22 =	sadd.s32 s18, s10;
	s23 =	sadd.s32 s11, s19  }
0xe: {  	s11 =	simm.s32 $0x3;
	s18 =	simm.s32 $0x6500;
	s19 =	simm.s32 $0x200  }
0xf: {  	s6 =	sadd.s32 s7, s6;
	s5 =	sshrl.u32 s5, $0x3;
	s20 =	smax.u32 s8, $0x1  }
0x10: {  	s4 =	sadd.s32 s0, s4;
	s6 =	sadd.s32 $0x6400, s6;
	[dreg:$0x6] =	wrdreg s20  }
0x11: {  	s5 =	sadd.s32 s7, s5;
	s21 =	sadd.s32 $0xA000, s4;
	[dreg:$0x4] =	wrdreg s6  }
0x12: {  	s4 =	sadd.s32 $0xB400, s4;
	s20 =	simm.s32 $0x8500;
	[dreg:$0x7] =	wrdreg s21  }
0x13: {  	s5 =	sadd.s32 $0x6450, s5;
	[dreg:$0x8] =	wrdreg s4;
	s4 =	sshll.u32 s22, $0x3  }
0x14: {  	s21 =	simm.s32 $0x280;
	s22 =	simm.s32 $0xA500;
	[dreg:$0x5] =	wrdreg s5  }
0x15: {  	s5 =	sshll.u32 s23, $0x4;
	s4 =	sadd.s32 s0, s4;
	s0 =	sadd.s32 s24, s0  }
0x16: {  	s23 =	simm.s32 $0x300;
	s24 =	simm.s32 $0xC500;
	s5 =	sadd.s32 s7, s5  }
0x17: {  	s4 =	sadd.s32 $0x1400, s4;
	s10 =	sadd.s32 s1, s0;
	s0 =	simm.s32 $0x1  }
0x18: {  	s1 =	simm.s32 $0x2;
	[dreg:$0x9] =	wrdreg s4;
	s25 =	sadd.s32 $0x64F0, s5  }
0x19: {  	s26 =	sadd.s32 $0x64A0, s5;
	s4 =	simm.s32 $0x0;
	[dreg:$0x2] =	wrdreg s25  }
0x1a: {  	[dreg:$0x3] =	wrdreg s26;
	s25 =	simm.s32 $0x380;
	s26 =	simm.s32 $0xE500  }
.LBB2_1:
0x1b: {  	s5 =	rddreg [dreg:$0x4]  }
0x1c: {  	[tilespmem:s2], [sflag:$0x3] =	stream.linear.gather [hbm4b:s5+s2], $0x280, $0x38;
	[tilespmem:$0x14500] =	vst v63  }
0x1d: {  	_ =	swait.ge [sflag:s11], $0x280  }
0x1e: {  	[sflag:s11] =	ssyncset.done $0x0  }
0x1f: {  	[sflag:s11] =	ssyncadd.s32 $0xFFFFFD80  }
0x20: {  	[tilespmem:s13], [sflag:$0x1] =	stream.indirect.gather [hbm4b:s3+s12], $0x40, s2, s12, $0xb8;
	[tilespmem:$0x14500] =	vst v63  }
0x21: {  	_ = 	snop  }
0x22: {  	[tilespmem:s14], [sflag:$0x1] =	stream.indirect.gather [hbm4b:s3+s12], $0x40, s12, s12, $0xb8;
	[tilespmem:$0x14500] =	vst v63  }
0x23: {  	_ = 	snop  }
0x24: {  	[tilespmem:s16], [sflag:$0x1] =	stream.indirect.gather [hbm4b:s3+s12], $0x40, s15, s12, $0xb8;
	[tilespmem:$0x14500] =	vst v63  }
0x25: {  	_ = 	snop  }
0x26: {  	[tilespmem:s18], [sflag:$0x1] =	stream.indirect.gather [hbm4b:s3+s12], $0x40, s17, s12, $0xb8;
	[tilespmem:$0x14500] =	vst v63  }
0x27: {  	_ = 	snop  }
0x28: {  	[tilespmem:s20], [sflag:$0x1] =	stream.indirect.gather [hbm4b:s3+s12], $0x40, s19, s12, $0xb8;
	[tilespmem:$0x14500] =	vst v63  }
0x29: {  	s7 =	rddreg [dreg:$0x5]  }
0x2a: {  	[tilespmem:s21], [sflag:$0x3] =	stream.linear.gather [hbm4b:s7+s2], $0x280, $0x38;
	[tilespmem:$0x14500] =	vst v63  }
0x2b: {  	_ =	swait.ge [sflag:s11], $0x280  }
0x2c: {  	[sflag:s11] =	ssyncset.done $0x0  }
0x2d: {  	[sflag:s11] =	ssyncadd.s32 $0xFFFFFD80  }
0x2e: {  	[tilespmem:s22], [sflag:$0x2] =	stream.indirect.gather [hbm4b:s3+s12], $0x40, s21, s12, $0xb8;
	[tilespmem:$0x14500] =	vst v63  }
0x2f: {  	_ = 	snop  }
0x30: {  	[tilespmem:s24], [sflag:$0x2] =	stream.indirect.gather [hbm4b:s3+s12], $0x40, s23, s12, $0xb8;
	[tilespmem:$0x14500] =	vst v63  }
0x31: {  	_ = 	snop  }
0x32: {  	[tilespmem:s26], [sflag:$0x2] =	stream.indirect.gather [hbm4b:s3+s12], $0x40, s25, s12, $0xb8;
	[tilespmem:$0x14500] =	vst v63  }
0x33: {  	_ = 	snop  }
0x34: {  	[tilespmem:s29], [sflag:$0x2] =	stream.indirect.gather [hbm4b:s3+s12], $0x40, s28, s12, $0xb8;
	[tilespmem:$0x14500] =	vst v63  }
0x35: {  	_ = 	snop  }
0x36: {  	[tilespmem:s31], [sflag:$0x2] =	stream.indirect.gather [hbm4b:s3+s12], $0x40, s30, s12, $0xb8;
	[tilespmem:$0x14500] =	vst v63  }
0x37: {  	_ =	swait.ge [sflag:s0], $0xA000  }
0x38: {  	[sflag:s0] =	ssyncset.done $0x0  }
0x39: {  	[sflag:s0] =	ssyncadd.s32 $0xFFFF6000  }
0x3a: {  	[hbm4b:s10+s2] =	stream.linear.scatter [tilespmem:s13], [sflag:$0x3], $0xA000, $0x38;
	[tilespmem:$0x14500] =	vst v63  }
0x3b: {  	_ =	swait.ge [sflag:s11], $0xA000  }
0x3c: {  	s8 =	rddreg [dreg:$0x3];
	[sflag:s11] =	ssyncset.done $0x0  }
0x3d: {  	[sflag:s11] =	ssyncadd.s32 $0xFFFF6000;
	s5 =	sadd.s32 $0x0, s8  }
0x3e: {  	[tilespmem:s2], [sflag:$0x3] =	stream.linear.gather [hbm4b:s5+s2], $0x280, $0x38;
	[tilespmem:$0x14500] =	vst v63  }
0x3f: {  	_ =	swait.ge [sflag:s11], $0x280  }
0x40: {  	[sflag:s11] =	ssyncset.done $0x0  }
0x41: {  	[sflag:s11] =	ssyncadd.s32 $0xFFFFFD80  }
0x42: {  	[tilespmem:s13], [sflag:$0x1] =	stream.indirect.gather [hbm4b:s3+s12], $0x40, s2, s12, $0xb8;
	[tilespmem:$0x14500] =	vst v63  }
0x43: {  	_ = 	snop  }
0x44: {  	[tilespmem:s14], [sflag:$0x1] =	stream.indirect.gather [hbm4b:s3+s12], $0x40, s12, s12, $0xb8;
	[tilespmem:$0x14500] =	vst v63  }
0x45: {  	_ = 	snop  }
0x46: {  	[tilespmem:s16], [sflag:$0x1] =	stream.indirect.gather [hbm4b:s3+s12], $0x40, s15, s12, $0xb8;
	[tilespmem:$0x14500] =	vst v63  }
0x47: {  	_ = 	snop  }
0x48: {  	[tilespmem:s18], [sflag:$0x1] =	stream.indirect.gather [hbm4b:s3+s12], $0x40, s17, s12, $0xb8;
	[tilespmem:$0x14500] =	vst v63  }
0x49: {  	_ = 	snop  }
0x4a: {  	[tilespmem:s20], [sflag:$0x1] =	stream.indirect.gather [hbm4b:s3+s12], $0x40, s19, s12, $0xb8;
	[tilespmem:$0x14500] =	vst v63  }
0x4b: {  	_ =	swait.ge [sflag:s1], $0xA000  }
0x4c: {  	[sflag:s1] =	ssyncset.done $0x0  }
0x4d: {  	s6 =	rddreg [dreg:$0x9];
	[sflag:s1] =	ssyncadd.s32 $0xFFFF6000  }
0x4e: {  	[hbm4b:s6+s2] =	stream.linear.scatter [tilespmem:s22], [sflag:$0x3], $0xA000, $0x38;
	[tilespmem:$0x14500] =	vst v63  }
0x4f: {  	_ =	swait.ge [sflag:s11], $0xA000  }
0x50: {  	s9 =	rddreg [dreg:$0x2];
	[sflag:s11] =	ssyncset.done $0x0  }
0x51: {  	[sflag:s11] =	ssyncadd.s32 $0xFFFF6000;
	s5 =	sadd.s32 $0x0, s9  }
0x52: {  	[tilespmem:s21], [sflag:$0x3] =	stream.linear.gather [hbm4b:s5+s2], $0x280, $0x38;
	[tilespmem:$0x14500] =	vst v63  }
0x53: {  	_ =	swait.ge [sflag:s11], $0x280  }
0x54: {  	[sflag:s11] =	ssyncset.done $0x0  }
0x55: {  	[sflag:s11] =	ssyncadd.s32 $0xFFFFFD80  }
0x56: {  	[tilespmem:s22], [sflag:$0x2] =	stream.indirect.gather [hbm4b:s3+s12], $0x40, s21, s12, $0xb8;
	[tilespmem:$0x14500] =	vst v63  }
0x57: {  	_ = 	snop  }
0x58: {  	[tilespmem:s24], [sflag:$0x2] =	stream.indirect.gather [hbm4b:s3+s12], $0x40, s23, s12, $0xb8;
	[tilespmem:$0x14500] =	vst v63  }
0x59: {  	_ = 	snop  }
0x5a: {  	[tilespmem:s26], [sflag:$0x2] =	stream.indirect.gather [hbm4b:s3+s12], $0x40, s25, s12, $0xb8;
	[tilespmem:$0x14500] =	vst v63  }
0x5b: {  	s7 =	sadd.s32 $0x2800, s10;
	s6 =	sadd.s32 $0x2800, s6;
	s5 =	simm.s32 $0xA0  }
0x5c: {  	[tilespmem:s29], [sflag:$0x2] =	stream.indirect.gather [hbm4b:s3+s12], $0x40, s28, s12, $0xb8;
	[tilespmem:$0x14500] =	vst v63  }
.LBB2_2:
0x5d: {  	[tilespmem:s31], [sflag:$0x2] =	stream.indirect.gather [hbm4b:s3+s12], $0x40, s30, s12, $0xb8;
	[tilespmem:$0x14500] =	vst v63  }
0x5e: {  	_ =	swait.ge [sflag:s0], $0xA000  }
0x5f: {  	[sflag:s0] =	ssyncset.done $0x0  }
0x60: {  	[sflag:s0] =	ssyncadd.s32 $0xFFFF6000  }
0x61: {  	[hbm4b:s7+s2] =	stream.linear.scatter [tilespmem:s13], [sflag:$0x3], $0xA000, $0x38;
	[tilespmem:$0x14500] =	vst v63  }
0x62: {  	_ =	swait.ge [sflag:s11], $0xA000  }
0x63: {  	s8 =	smov.u32 s5;
	s9 =	rddreg [dreg:$0x3];
	[sflag:s11] =	ssyncset.done $0x0  }
0x64: {  	[sflag:s11] =	ssyncadd.s32 $0xFFFF6000;
	s9 =	sadd.s32 s8, s9  }
0x65: {  	[tilespmem:s2], [sflag:$0x3] =	stream.linear.gather [hbm4b:s9+s2], $0x280, $0x38;
	[tilespmem:$0x14500] =	vst v63  }
0x66: {  	_ =	swait.ge [sflag:s11], $0x280  }
0x67: {  	[sflag:s11] =	ssyncset.done $0x0  }
0x68: {  	[sflag:s11] =	ssyncadd.s32 $0xFFFFFD80  }
0x69: {  	[tilespmem:s13], [sflag:$0x1] =	stream.indirect.gather [hbm4b:s3+s12], $0x40, s2, s12, $0xb8;
	[tilespmem:$0x14500] =	vst v63  }
0x6a: {  	_ = 	snop  }
0x6b: {  	[tilespmem:s14], [sflag:$0x1] =	stream.indirect.gather [hbm4b:s3+s12], $0x40, s12, s12, $0xb8;
	[tilespmem:$0x14500] =	vst v63  }
0x6c: {  	_ = 	snop  }
0x6d: {  	[tilespmem:s16], [sflag:$0x1] =	stream.indirect.gather [hbm4b:s3+s12], $0x40, s15, s12, $0xb8;
	[tilespmem:$0x14500] =	vst v63  }
0x6e: {  	_ = 	snop  }
0x6f: {  	[tilespmem:s18], [sflag:$0x1] =	stream.indirect.gather [hbm4b:s3+s12], $0x40, s17, s12, $0xb8;
	[tilespmem:$0x14500] =	vst v63  }
0x70: {  	_ = 	snop  }
0x71: {  	[tilespmem:s20], [sflag:$0x1] =	stream.indirect.gather [hbm4b:s3+s12], $0x40, s19, s12, $0xb8;
	[tilespmem:$0x14500] =	vst v63  }
0x72: {  	_ =	swait.ge [sflag:s1], $0xA000  }
0x73: {  	[sflag:s1] =	ssyncset.done $0x0  }
0x74: {  	[sflag:s1] =	ssyncadd.s32 $0xFFFF6000  }
0x75: {  	[hbm4b:s6+s2] =	stream.linear.scatter [tilespmem:s22], [sflag:$0x3], $0xA000, $0x38;
	[tilespmem:$0x14500] =	vst v63  }
0x76: {  	_ =	swait.ge [sflag:s11], $0xA000  }
0x77: {  	s9 =	rddreg [dreg:$0x2];
	[sflag:s11] =	ssyncset.done $0x0  }
0x78: {  	[sflag:s11] =	ssyncadd.s32 $0xFFFF6000;
	s8 =	sadd.s32 s8, s9  }
0x79: {  	[tilespmem:s21], [sflag:$0x3] =	stream.linear.gather [hbm4b:s8+s2], $0x280, $0x38;
	[tilespmem:$0x14500] =	vst v63  }
0x7a: {  	_ =	swait.ge [sflag:s11], $0x280  }
0x7b: {  	[sflag:s11] =	ssyncset.done $0x0  }
0x7c: {  	[sflag:s11] =	ssyncadd.s32 $0xFFFFFD80  }
0x7d: {  	[tilespmem:s22], [sflag:$0x2] =	stream.indirect.gather [hbm4b:s3+s12], $0x40, s21, s12, $0xb8;
	[tilespmem:$0x14500] =	vst v63  }
0x7e: {  	p0 =	sne.s32 s5, $0x1E0  }
0x7f: {  	[tilespmem:s24], [sflag:$0x2] =	stream.indirect.gather [hbm4b:s3+s12], $0x40, s23, s12, $0xb8;
	[tilespmem:$0x14500] =	vst v63  }
.Ltmp0:
0x80: {  	_ = 	snop;
	(pc) =	sbr.rel @p0 .LBB2_2-.Ltmp0, $4  }
0x81: {  	_ = 	snop  }
0x82: {  	[tilespmem:s26], [sflag:$0x2] =	stream.indirect.gather [hbm4b:s3+s12], $0x40, s25, s12, $0xb8;
	[tilespmem:$0x14500] =	vst v63  }
0x83: {  	s5 =	sadd.s32 $0xA0, s5;
	s7 =	sadd.s32 $0x2800, s7;
	s6 =	sadd.s32 $0x2800, s6  }
0x84: {  	[tilespmem:s29], [sflag:$0x2] =	stream.indirect.gather [hbm4b:s3+s12], $0x40, s28, s12, $0xb8;
	[tilespmem:$0x14500] =	vst v63  }
0x85: {  	[tilespmem:s31], [sflag:$0x2] =	stream.indirect.gather [hbm4b:s3+s12], $0x40, s30, s12, $0xb8;
	[tilespmem:$0x14500] =	vst v63  }
0x86: {  	_ =	swait.ge [sflag:s0], $0xA000  }
0x87: {  	[sflag:s0] =	ssyncset.done $0x0  }
0x88: {  	s5 =	rddreg [dreg:$0x7];
	[sflag:s0] =	ssyncadd.s32 $0xFFFF6000  }
0x89: {  	[hbm4b:s5+s2] =	stream.linear.scatter [tilespmem:s13], [sflag:$0x3], $0xA000, $0x38;
	[tilespmem:$0x14500] =	vst v63  }
0x8a: {  	_ =	swait.ge [sflag:s11], $0xA000  }
0x8b: {  	[sflag:s11] =	ssyncset.done $0x0  }
0x8c: {  	[sflag:s11] =	ssyncadd.s32 $0xFFFF6000  }
0x8d: {  	_ =	swait.ge [sflag:s1], $0xA000  }
0x8e: {  	[sflag:s1] =	ssyncset.done $0x0  }
0x8f: {  	s8 =	rddreg [dreg:$0x8];
	[sflag:s1] =	ssyncadd.s32 $0xFFFF6000  }
0x90: {  	[hbm4b:s8+s2] =	stream.linear.scatter [tilespmem:s22], [sflag:$0x3], $0xA000, $0x38;
	[tilespmem:$0x14500] =	vst v63  }
0x91: {  	_ =	swait.ge [sflag:s11], $0xA000  }
0x92: {  	s4 =	sadd.s32 $0x1, s4;
	s9 =	rddreg [dreg:$0x6]  }
0x93: {  	p0 =	sne.s32 s4, s9  }
.Ltmp1:
0x94: {  	_ = 	snop;
	(pc) =	sbr.rel @p0 .LBB2_1-.Ltmp1, $3  }
0x95: {  	_ =	sdelay $0x1  }
0x96: {  	[sflag:s11] =	ssyncset.done $0x0  }
0x97: {  	[sflag:s11] =	ssyncadd.s32 $0xFFFF6000  }
0x98: {  	_ =	sfence.sel $0x180000  }
0x99: {  	[bflag:$0x0] =	sbarrier.arrive $0xFFFF  }
0x9a: {  	_ =	strace $0x9000004A  }
0x9b: {  	s0 =	stileid.u32;
	[bflag:$0x2] =	sbarrier.arrive $0xFFFF  }
0x9c: {  	p0 =	sne.s32 s0, $0x0;
	s0 =	rddreg [dreg:$0x1]  }
0x9d: {  	s0 =	sadd.s32 @!p0 $0x100000, s0  }
0x9e: {  	[sflag:s0] =	ssyncadd.tile.s32 @!p0 $0x1;
	_ =	shalt  }
.Lfunc_end2:
_tile_overlayer_lowered:
.L_overlay_start_2:
0x9f: {  	(tag) =	ssettag $0x2  }
0xa0: {  	s0 =	rddreg [dreg:$0x0];
	s2 =	stileid.u32  }
0xa1: {  	s1 =	rddreg [dreg:$0x1];
	p0 =	sne.s32 s2, $0x0  }
0xa2: {  	s3 =	rddreg [dreg:$0x2];
	[bflag:$0x3] =	sbarrier.arrive $0xFFFF;
	s2 =	simm.s32 @!p0 $0x1C03  }
0xa3: {  	[timem:s3], [sflag:s2] =	dma.local @!p0 [hbm:s0], s1  }
0xa4: {  	s0 =	simm.s32 @!p0 $0x3  }
0xa5: {  	_ =	swait.ge @!p0 [sflag:s0], s1  }
0xa6: {  	s1 =	ssub.s32 @!p0 $0x0, s1;
	[sflag:s0] =	ssyncset.done @!p0 $0x0  }
0xa7: {  	[sflag:s0] =	ssyncadd.s32 @!p0 s1  }
0xa8: {  	[bflag:$0x3] =	sbarrier.arrive $0xFFFF  }
0xa9: {  	_ =	shalt  }

// kernel: kernel.16.cloned.1.call-start
scs
__scs_entry_jumppad:
0x0: {  	(pc) =	sbr.rel $0x88, $3  }
0x1: {  	(tag) =	ssettag $0x0;
	lr =	simm.s32 $0x1  }
0x2: {  	[smem:$0x3F9F] =	sst lr;
	_ =	strace $0xD0000000  }
0x3: {  	_ = 	snop  }
0x4: {  	_ = 	snop  }
0x5: {  	_ = 	snop  }
0x6: {  	_ = 	snop  }
0x7: {  	_ = 	snop  }
__scs_overlays_trampoline_lowered:
0x8: {  	[smem:$0x3FAE] =	sst s0  }
0x9: {  	[smem:$0x3FAF] =	sst s1  }
0xa: {  	[smem:$0x3FB0] =	sst s2  }
0xb: {  	[smem:$0x3FB1] =	sst s3  }
0xc: {  	[smem:$0x3FB2] =	sst s4  }
0xd: {  	[smem:$0x3FB3] =	sst s5  }
0xe: {  	[smem:$0x3FB4] =	sst s6  }
0xf: {  	[smem:$0x3FB5] =	sst s7  }
0x10: {  	[smem:$0x3FB6] =	sst s8  }
0x11: {  	[smem:$0x3FB7] =	sst s9;
	s0 =	simm.s32 @!p0 $0x0  }
0x12: {  	s1 =	sld [smem:$0x3F9D];
	s0 =	simm.s32 @p0 $0x1  }
0x13: {  	[smem:$0x3FB8] =	sst s0;
	s0 =	simm.s32 @!p1 $0x0  }
0x14: {  	s2 =	sld [smem:$0x3F9C];
	s0 =	simm.s32 @p1 $0x1  }
0x15: {  	[smem:$0x3FB9] =	sst s0;
	s0 =	simm.s32 @!p2 $0x0  }
0x16: {  	s3 =	sld [smem:$0x3FDB];
	s0 =	simm.s32 @p2 $0x1  }
0x17: {  	s4 =	simm.s32 $0x1BF5;
	[smem:$0x3FBB] =	sst s0  }
0x18: {  	s0 =	sld [smem:$0x3F9E];
	_ =	swait.ge [sflag:s4], $0x0  }
0x19: {  	s7 =	sld [smem:$0x3F9F]  }
0x1a: {  	s8 =	sadd.s32 $0xFFFFE003, lr  }
0x1b: {  	s9 =	sadd.s32 $0xFFFFFEF7, lr;
	s5 =	simm.s32 $0xFFFFFFFF;
	p2 =	slt.u32 s8, $0xFFFFF086  }
0x1c: {  	p1 =	slt.u32 s9, $0xF7A;
	s5 =	simm.s32 @!p2 $0x0  }
0x1d: {  	s5 =	simm.s32 @p1 $0x1;
	p0 =	seq.s32 s7, s2  }
0x1e: {  	s7 =	smul.u32 @!p0 $0xF7A, s2;
	p2 =	seq.s32 @!p0 s5, $0x0  }
0x1f: {  	s9 =	smul.u32 $0xF7A, s1;
	s8 =	simm.s32 @!p0 $0x1BF5;
	p2 =	por !p2, p0  }
0x20: {  	[sflag:s8] =	ssyncset.s32 @!p0 $0xFFFFF086;
	s6 =	sadd.s32 @!p0 s3, s7;
	s7 =	simm.s32 @!p0 $0x108  }
0x21: {  	s3 =	sadd.s32 s3, s9;
	s6 =	sadd.s32 @!p0 $0x88, s6;
	s7 =	simm.s32 @p2 $0x1082  }
0x22: {  	[simem:s7], [sflag:s8] =	dma.local @!p0 [hbm:s6], $0xF7A  }
0x23: {  	s9 =	sor.u32 $0xD0000000, s2;
	s6 =	simm.s32 $0x108;
	_ =	swait.ge @!p0 [sflag:s8], $0x0  }
0x24: {  	s3 =	sadd.s32 $0x88, s3;
	s6 =	simm.s32 @!p1 $0x1082;
	[sflag:s4] =	ssyncset.s32 $0xFFFFF086  }
0x25: {  	[simem:s6], [sflag:s4] =	dma.local [hbm:s3], $0xF7A  }
0x26: {  	[smem:$0x3F9F] =	sst s1;
	(tag) =	ssettag s2;
	_ =	strace s9  }
0x27: {  	s1 =	sld [smem:$0x3FAF]  }
0x28: {  	s2 =	sld [smem:$0x3FB0]  }
0x29: {  	s4 =	sld [smem:$0x3FB2]  }
0x2a: {  	p0 =	seq.s32 s5, $0x0;
	s5 =	sld [smem:$0x3FB3]  }
0x2b: {  	s6 =	sld [smem:$0x3FB4]  }
0x2c: {  	s7 =	sld [smem:$0x3FB5]  }
0x2d: {  	s3 =	simm.s32 $0x108;
	s8 =	sld [smem:$0x3FB6]  }
0x2e: {  	s3 =	simm.s32 @!p0 $0x1082;
	s9 =	sld [smem:$0x3FB7]  }
0x2f: {  	lr =	sadd.s32 s0, s3;
	s0 =	sld [smem:$0x3FAE]  }
0x30: {  	s3 =	sld [smem:$0x3FB1]  }
0x31: {  	[smem:$0x3FBA] =	sst s10  }
0x32: {  	s10 =	sld [smem:$0x3FB8];
	_ =	sdelay $0x3  }
0x33: {  	p0 =	seq.s32 s10, $0x1;
	s10 =	sld [smem:$0x3FBA];
	_ =	sdelay $0x3  }
0x34: {  	[smem:$0x3FBA] =	sst s10  }
0x35: {  	s10 =	sld [smem:$0x3FB9];
	_ =	sdelay $0x3  }
0x36: {  	p1 =	seq.s32 s10, $0x1;
	s10 =	sld [smem:$0x3FBA];
	_ =	sdelay $0x3  }
0x37: {  	[smem:$0x3FBA] =	sst s10  }
0x38: {  	s10 =	sld [smem:$0x3FBB]  }
0x39: {  	_ = 	snop;
	(pc) =	sbr.ind lr, $3  }
0x3a: {  	_ = 	snop  }
0x3b: {  	_ = 	snop  }
0x3c: {  	p2 =	seq.s32 s10, $0x1;
	s10 =	sld [smem:$0x3FBA]  }
0x3d: {  	_ =	shalt  }
0x3e: {  	_ =	shalt  }
0x3f: {  	_ =	shalt  }
0x40: {  	_ =	shalt  }
0x41: {  	_ =	shalt  }
0x42: {  	_ =	shalt  }
0x43: {  	_ =	shalt  }
0x44: {  	_ =	shalt  }
0x45: {  	_ =	shalt  }
0x46: {  	_ =	shalt  }
0x47: {  	_ =	shalt  }
0x48: {  	_ =	shalt  }
0x49: {  	_ =	shalt  }
0x4a: {  	_ =	shalt  }
0x4b: {  	_ =	shalt  }
0x4c: {  	_ =	shalt  }
0x4d: {  	_ =	shalt  }
0x4e: {  	_ =	shalt  }
0x4f: {  	_ =	shalt  }
0x50: {  	_ =	shalt  }
0x51: {  	_ =	shalt  }
0x52: {  	_ =	shalt  }
0x53: {  	_ =	shalt  }
0x54: {  	_ =	shalt  }
0x55: {  	_ =	shalt  }
0x56: {  	_ =	shalt  }
0x57: {  	_ =	shalt  }
0x58: {  	_ =	shalt  }
0x59: {  	_ =	shalt  }
0x5a: {  	_ =	shalt  }
0x5b: {  	_ =	shalt  }
0x5c: {  	_ =	shalt  }
0x5d: {  	_ =	shalt  }
0x5e: {  	_ =	shalt  }
0x5f: {  	_ =	shalt  }
0x60: {  	_ =	shalt  }
0x61: {  	_ =	shalt  }
0x62: {  	_ =	shalt  }
0x63: {  	_ =	shalt  }
0x64: {  	_ =	shalt  }
0x65: {  	_ =	shalt  }
0x66: {  	_ =	shalt  }
0x67: {  	_ =	shalt  }
0x68: {  	_ =	shalt  }
0x69: {  	_ =	shalt  }
0x6a: {  	_ =	shalt  }
0x6b: {  	_ =	shalt  }
0x6c: {  	_ =	shalt  }
0x6d: {  	_ =	shalt  }
0x6e: {  	_ =	shalt  }
0x6f: {  	_ =	shalt  }
0x70: {  	_ =	shalt  }
0x71: {  	_ =	shalt  }
0x72: {  	_ =	shalt  }
0x73: {  	_ =	shalt  }
0x74: {  	_ =	shalt  }
0x75: {  	_ =	shalt  }
0x76: {  	_ =	shalt  }
0x77: {  	_ =	shalt  }
0x78: {  	_ =	shalt  }
0x79: {  	_ =	shalt  }
0x7a: {  	_ =	shalt  }
0x7b: {  	_ =	shalt  }
0x7c: {  	_ =	shalt  }
0x7d: {  	_ =	shalt  }
0x7e: {  	_ =	shalt  }
0x7f: {  	_ =	shalt  }
0x80: {  	_ =	shalt  }
0x81: {  	_ =	shalt  }
0x82: {  	_ =	shalt  }
0x83: {  	_ =	shalt  }
0x84: {  	_ =	shalt  }
0x85: {  	_ =	shalt  }
0x86: {  	_ =	shalt  }
0x87: {  	_ =	shalt  }
.Lfunc_end0:
.L_simem_size_0:
called_computation.2_lowered:
.L_overlay_start_0:
0x88: {  	s2 =	sld [smem:$0x3FD9]  }
0x89: {  	s3 =	sld [smem:$0x3FFE];
	_ =	sdelay $0x1  }
0x8a: {  	s1 =	srdreg.scid  }
0x8b: {  	s0 =	sand.u32 $0x1, s1  }
0x8c: {  	s17 =	sshll.u32 s0, $0xA;
	s2 =	sadd.s32 s3, s2  }
0x8d: {  	s2 =	sadd.s32 s2, s17  }
0x8e: {  	[smem:$0x3FC6] =	sst s2  }
0x8f: {  	_ = 	snop  }
0x90: {  	(tm) =	ssettm $0x1  }
0x91: {  	s18 =	sld [smem:$0x3FFB];
	_ =	sdelay $0x3  }
0x92: {  	_ =	strace s18  }
0x93: {  	s2 =	sld [smem:$0x3FFC];
	_ =	sdelay $0x3  }
0x94: {  	_ =	strace s2  }
0x95: {  	s2 =	sld [smem:$0x3FFD];
	_ =	sdelay $0x3  }
0x96: {  	_ =	strace s2  }
0x97: {  	_ =	strace $0x8FFFFFFF  }
0x98: {  	s19 =	sld [smem:$0x3FDB];
	_ =	sdelay $0x1  }
0x99: {  	s20 =	simm.s32 $_scs_section_size  }
0x9a: {  	s4 =	simm.s32 $_size__tile_overlayer_lowered;
	s5 =	simm.s32 $_tile_overlayer_lowered  }
0x9b: {  	s6 =	simm.s32 $0x1BFF;
	s21 =	sshll.u32 s5, $0x1;
	s3 =	sadd.s32 s20, s19  }
0x9c: {  	s22 =	simm.s32 $0x0;
	s4 =	sshll.u32 s4, $0x1;
	s5 =	sadd.s32 s21, s3  }
0x9d: {  	[timem:s22], [sflag:s6] =	dma.local [hbm:s5], s4  }
0x9e: {  	_ =	swait.ge [sflag:s6], s4  }
0x9f: {  	s4 =	ssub.s32 $0x0, s4;
	[sflag:s6] =	ssyncset.done $0x0  }
0xa0: {  	[sflag:s6] =	ssyncadd.s32 s4;
	_ =	sdelay $0x1  }
0xa1: {  	s23 =	simm.s32 $0x1B8B  }
0xa2: {  	_ =	swait.ge [sflag:s23], $0x1  }
0xa3: {  	[sflag:s23] =	ssyncset.done $0x0  }
0xa4: {  	[sflag:s23] =	ssyncadd.s32 $0xFFFFFFFF  }
0xa5: {  	s4 =	sld [smem:$0x0]  }
0xa6: {  	s5 =	sand.u32 $0xFFFFFFFE, s1  }
0xa7: {  	p0 =	sne.s32 s1, s5  }
0xa8: {  	s5 =	sshll.u32 @p0 s5, $0xE  }
0xa9: {  	s5 =	sadd.s32 @p0 $0x11B8D, s5;
	s6 =	sshll.u32 @p0 s4, $0x11  }
0xaa: {  	s5 =	sor.u32 @p0 s6, s5  }
0xab: {  	[sflag:s5] =	ssyncadd.remote.s32 @p0 $0x1;
	_ =	sdelay $0x1  }
0xac: {  	s5 =	simm.s32 @p0 $0x1B8D  }
0xad: {  	_ =	swait.eq @p0 [sflag:s5], $0x1  }
0xae: {  	[sflag:s5] =	ssyncadd.s32 @p0 $0xFFFFFFFF  }
0xaf: {  	s6 =	sshll.u32 @!p0 s1, $0xE  }
0xb0: {  	s6 =	sor.u32 @!p0 $0x4000, s6;
	s5 =	simm.s32 @!p0 $0x1B8D  }
0xb1: {  	s4 =	sshll.u32 @!p0 s4, $0x11;
	s6 =	sadd.s32 @!p0 $0x11B8D, s6;
	_ =	swait.eq @!p0 [sflag:s5], $0x1  }
0xb2: {  	s4 =	sor.u32 @!p0 s4, s6;
	[sflag:s5] =	ssyncadd.s32 @!p0 $0xFFFFFFFF  }
0xb3: {  	s25 =	simm.s32 $0x1B8E;
	s24 =	sld [smem:$0x3FFE];
	[sflag:s4] =	ssyncadd.remote.s32 @!p0 $0x1  }
0xb4: {  	s26 =	simm.s32 $execute0_lowered;
	[smem:$0x3FD2] =	sst s25  }
0xb5: {  	s5 =	sshll.u32 s26, $0x1;
	_ =	strace $0x8000004C;
	[dreg:$0x1] =	wrdreg $0xFFFFFFFF  }
0xb6: {  	s28 =	simm.s32 $_size_execute0_lowered;
	s3 =	sadd.s32 s3, s5;
	[dreg:$0x0] =	wrdreg $0x0  }
0xb7: {  	s5 =	sshll.u32 s28, $0x1;
	[dreg:$0x2] =	wrdreg s3  }
0xb8: {  	[dreg:$0x3] =	wrdreg s5  }
0xb9: {  	[dreg:$0x4] =	wrdreg $0xC0  }
0xba: {  	_ =	task [dreg:s22], $0x5FFFF  }
0xbb: {  	[dreg:$0x1] =	wrdreg $0xFFFFFFFF  }
0xbc: {  	[dreg:$0x0] =	wrdreg $0x60  }
0xbd: {  	[dreg:$0x2] =	wrdreg s24  }
0xbe: {  	[dreg:$0x3] =	wrdreg $0xB  }
0xbf: {  	_ =	task.clear_ibuf [dreg:s22], $0x4FFFF;
	_ =	strace $0x9000004C  }
0xc0: {  	s29 =	simm.s32 $0xB;
	_ =	strace $0x8000004E  }
0xc1: {  	_ =	swait.ge [sflag:s29], $0x1  }
0xc2: {  	[sflag:s29] =	ssyncadd.s32 $0xFFFFFFFF  }
0xc3: {  	_ =	strace $0x9000004E  }
0xc4: {  	_ =	sfence  }
0xc5: {  	s30 =	sld [smem:$0x0];
	_ =	sdelay $0x2  }
0xc6: {  	s31 =	sshll.u32 s1, $0xD;
	s1 =	sshrl.u32 s1, $0x2  }
0xc7: {  	s4 =	sand.u32 $0x4000, s31;
	s1 =	sadd.s32 s1, s30  }
0xc8: {  	s0 =	sor.u32 s4, s0;
	s1 =	sshll.u32 s1, $0x11  }
0xc9: {  	s0 =	sor.u32 s1, s0  }
0xca: {  	s0 =	sadd.s32 $0x8F2B, s0  }
0xcb: {  	[sflag:s0] =	ssyncadd.remote.s32 $0x1  }
0xcc: {  	_ =	sfence.sel $0xFFFF  }
0xcd: {  	[dreg:$0x0] =	wrdreg $0xFFFFFFFF;
	(pc) =	sbr.abs _section_cstart, $3  }
0xce: {  	[dreg:$0x1] =	wrdreg $0xFFFFFFFF  }
0xcf: {  	_ =	task.clear_ibuf [dreg:s22], $0x2FFFF;
	_ =	strace $0x9FFFFFFF  }
0xd0: {  	(tm) =	ssettm $0x7FFFFFFF  }
0xd1: {  	_ =	shalt  }
tec
execute0_lowered:
.L_overlay_start_1:
0x0: {  	(tag) =	ssettag $0x1  }
0x1: {  	s0 =	rddreg [dreg:$0x0]  }
0x2: {  	s1 =	srdreg.scid;
	s12 =	stileid.u32  }
0x3: {  	s2 =	simm.s32 $0x0;
	s13 =	simm.s32 $0x500;
	s14 =	simm.s32 $0x2500  }
0x4: {  	s15 =	simm.s32 $0x100;
	s16 =	simm.s32 $0x4500;
	s10 =	smul.u32 $0x3200, s12  }
0x5: {  	s17 =	simm.s32 $0x180;
	s28 =	simm.s32 $0x400;
	s19 =	smul.u32 $0x64, s12  }
0x6: {  	s29 =	simm.s32 $0x10500;
	s1 =	sand.u32 $0x1, s1;
	s24 =	smul.u32 $0x19000, s12  }
0x7: {  	s30 =	simm.s32 $0x480;
	s31 =	simm.s32 $0x12500;
	s18 =	smul.u32 $0x1900, s1  }
0x8: {  	s3 =	sshll.u32 s12, $0x1;
	[smem:$0x7FF] =	sst s2;
	s11 =	smul.u32 $0x32, s1  }
0x9: {  	s4 =	sor.u32 s1, s3;
	s8 =	ssub.s32 $0x2, s1;
	s1 =	smul.u32 $0xC800, s1  }
0xa: {  	s7 =	sadd.s32 $0x1200, s0;
	_ =	strace $0x8000004D;
	s5 =	smul.u32 $0x1900, s4  }
0xb: {  	s12 =	simm.s32 $0x80;
	s3 =	sadd.s32 $0xF43600, s0;
	s6 =	smul.u32 $0x320, s4  }
0xc: {  	s0 =	sadd.s32 $0x33A200, s0;
	s4 =	smul.u32 $0xC800, s4;
	s9 =	sshrl.u32 s8, $0x1  }
0xd: {  	s8 =	ssub.s32 s8, s9;
	s22 =	sadd.s32 s18, s10;
	s23 =	sadd.s32 s11, s19  }
0xe: {  	s11 =	simm.s32 $0x3;
	s18 =	simm.s32 $0x6500;
	s19 =	simm.s32 $0x200  }
0xf: {  	s6 =	sadd.s32 s7, s6;
	s5 =	sshrl.u32 s5, $0x3;
	s20 =	smax.u32 s8, $0x1  }
0x10: {  	s4 =	sadd.s32 s0, s4;
	s6 =	sadd.s32 $0xC800, s6;
	[dreg:$0x6] =	wrdreg s20  }
0x11: {  	s5 =	sadd.s32 s7, s5;
	s21 =	sadd.s32 $0xA000, s4;
	[dreg:$0x4] =	wrdreg s6  }
0x12: {  	s4 =	sadd.s32 $0xB400, s4;
	s20 =	simm.s32 $0x8500;
	[dreg:$0x7] =	wrdreg s21  }
0x13: {  	s5 =	sadd.s32 $0xC850, s5;
	[dreg:$0x8] =	wrdreg s4;
	s4 =	sshll.u32 s22, $0x3  }
0x14: {  	s21 =	simm.s32 $0x280;
	s22 =	simm.s32 $0xA500;
	[dreg:$0x5] =	wrdreg s5  }
0x15: {  	s5 =	sshll.u32 s23, $0x4;
	s4 =	sadd.s32 s0, s4;
	s0 =	sadd.s32 s24, s0  }
0x16: {  	s23 =	simm.s32 $0x300;
	s24 =	simm.s32 $0xC500;
	s5 =	sadd.s32 s7, s5  }
0x17: {  	s4 =	sadd.s32 $0x1400, s4;
	s10 =	sadd.s32 s1, s0;
	s0 =	simm.s32 $0x1  }
0x18: {  	s1 =	simm.s32 $0x2;
	[dreg:$0x9] =	wrdreg s4;
	s25 =	sadd.s32 $0xC8F0, s5  }
0x19: {  	s26 =	sadd.s32 $0xC8A0, s5;
	s4 =	simm.s32 $0x0;
	[dreg:$0x2] =	wrdreg s25  }
0x1a: {  	[dreg:$0x3] =	wrdreg s26;
	s25 =	simm.s32 $0x380;
	s26 =	simm.s32 $0xE500  }
.LBB2_1:
0x1b: {  	s5 =	rddreg [dreg:$0x4]  }
0x1c: {  	[tilespmem:s2], [sflag:$0x3] =	stream.linear.gather [hbm4b:s5+s2], $0x280, $0x38;
	[tilespmem:$0x14500] =	vst v63  }
0x1d: {  	_ =	swait.ge [sflag:s11], $0x280  }
0x1e: {  	[sflag:s11] =	ssyncset.done $0x0  }
0x1f: {  	[sflag:s11] =	ssyncadd.s32 $0xFFFFFD80  }
0x20: {  	[tilespmem:s13], [sflag:$0x1] =	stream.indirect.gather [hbm4b:s3+s12], $0x40, s2, s12, $0xb8;
	[tilespmem:$0x14500] =	vst v63  }
0x21: {  	_ = 	snop  }
0x22: {  	[tilespmem:s14], [sflag:$0x1] =	stream.indirect.gather [hbm4b:s3+s12], $0x40, s12, s12, $0xb8;
	[tilespmem:$0x14500] =	vst v63  }
0x23: {  	_ = 	snop  }
0x24: {  	[tilespmem:s16], [sflag:$0x1] =	stream.indirect.gather [hbm4b:s3+s12], $0x40, s15, s12, $0xb8;
	[tilespmem:$0x14500] =	vst v63  }
0x25: {  	_ = 	snop  }
0x26: {  	[tilespmem:s18], [sflag:$0x1] =	stream.indirect.gather [hbm4b:s3+s12], $0x40, s17, s12, $0xb8;
	[tilespmem:$0x14500] =	vst v63  }
0x27: {  	_ = 	snop  }
0x28: {  	[tilespmem:s20], [sflag:$0x1] =	stream.indirect.gather [hbm4b:s3+s12], $0x40, s19, s12, $0xb8;
	[tilespmem:$0x14500] =	vst v63  }
0x29: {  	s7 =	rddreg [dreg:$0x5]  }
0x2a: {  	[tilespmem:s21], [sflag:$0x3] =	stream.linear.gather [hbm4b:s7+s2], $0x280, $0x38;
	[tilespmem:$0x14500] =	vst v63  }
0x2b: {  	_ =	swait.ge [sflag:s11], $0x280  }
0x2c: {  	[sflag:s11] =	ssyncset.done $0x0  }
0x2d: {  	[sflag:s11] =	ssyncadd.s32 $0xFFFFFD80  }
0x2e: {  	[tilespmem:s22], [sflag:$0x2] =	stream.indirect.gather [hbm4b:s3+s12], $0x40, s21, s12, $0xb8;
	[tilespmem:$0x14500] =	vst v63  }
0x2f: {  	_ = 	snop  }
0x30: {  	[tilespmem:s24], [sflag:$0x2] =	stream.indirect.gather [hbm4b:s3+s12], $0x40, s23, s12, $0xb8;
	[tilespmem:$0x14500] =	vst v63  }
0x31: {  	_ = 	snop  }
0x32: {  	[tilespmem:s26], [sflag:$0x2] =	stream.indirect.gather [hbm4b:s3+s12], $0x40, s25, s12, $0xb8;
	[tilespmem:$0x14500] =	vst v63  }
0x33: {  	_ = 	snop  }
0x34: {  	[tilespmem:s29], [sflag:$0x2] =	stream.indirect.gather [hbm4b:s3+s12], $0x40, s28, s12, $0xb8;
	[tilespmem:$0x14500] =	vst v63  }
0x35: {  	_ = 	snop  }
0x36: {  	[tilespmem:s31], [sflag:$0x2] =	stream.indirect.gather [hbm4b:s3+s12], $0x40, s30, s12, $0xb8;
	[tilespmem:$0x14500] =	vst v63  }
0x37: {  	_ =	swait.ge [sflag:s0], $0xA000  }
0x38: {  	[sflag:s0] =	ssyncset.done $0x0  }
0x39: {  	[sflag:s0] =	ssyncadd.s32 $0xFFFF6000  }
0x3a: {  	[hbm4b:s10+s2] =	stream.linear.scatter [tilespmem:s13], [sflag:$0x3], $0xA000, $0x38;
	[tilespmem:$0x14500] =	vst v63  }
0x3b: {  	_ =	swait.ge [sflag:s11], $0xA000  }
0x3c: {  	s8 =	rddreg [dreg:$0x3];
	[sflag:s11] =	ssyncset.done $0x0  }
0x3d: {  	[sflag:s11] =	ssyncadd.s32 $0xFFFF6000;
	s5 =	sadd.s32 $0x0, s8  }
0x3e: {  	[tilespmem:s2], [sflag:$0x3] =	stream.linear.gather [hbm4b:s5+s2], $0x280, $0x38;
	[tilespmem:$0x14500] =	vst v63  }
0x3f: {  	_ =	swait.ge [sflag:s11], $0x280  }
0x40: {  	[sflag:s11] =	ssyncset.done $0x0  }
0x41: {  	[sflag:s11] =	ssyncadd.s32 $0xFFFFFD80  }
0x42: {  	[tilespmem:s13], [sflag:$0x1] =	stream.indirect.gather [hbm4b:s3+s12], $0x40, s2, s12, $0xb8;
	[tilespmem:$0x14500] =	vst v63  }
0x43: {  	_ = 	snop  }
0x44: {  	[tilespmem:s14], [sflag:$0x1] =	stream.indirect.gather [hbm4b:s3+s12], $0x40, s12, s12, $0xb8;
	[tilespmem:$0x14500] =	vst v63  }
0x45: {  	_ = 	snop  }
0x46: {  	[tilespmem:s16], [sflag:$0x1] =	stream.indirect.gather [hbm4b:s3+s12], $0x40, s15, s12, $0xb8;
	[tilespmem:$0x14500] =	vst v63  }
0x47: {  	_ = 	snop  }
0x48: {  	[tilespmem:s18], [sflag:$0x1] =	stream.indirect.gather [hbm4b:s3+s12], $0x40, s17, s12, $0xb8;
	[tilespmem:$0x14500] =	vst v63  }
0x49: {  	_ = 	snop  }
0x4a: {  	[tilespmem:s20], [sflag:$0x1] =	stream.indirect.gather [hbm4b:s3+s12], $0x40, s19, s12, $0xb8;
	[tilespmem:$0x14500] =	vst v63  }
0x4b: {  	_ =	swait.ge [sflag:s1], $0xA000  }
0x4c: {  	[sflag:s1] =	ssyncset.done $0x0  }
0x4d: {  	s6 =	rddreg [dreg:$0x9];
	[sflag:s1] =	ssyncadd.s32 $0xFFFF6000  }
0x4e: {  	[hbm4b:s6+s2] =	stream.linear.scatter [tilespmem:s22], [sflag:$0x3], $0xA000, $0x38;
	[tilespmem:$0x14500] =	vst v63  }
0x4f: {  	_ =	swait.ge [sflag:s11], $0xA000  }
0x50: {  	s9 =	rddreg [dreg:$0x2];
	[sflag:s11] =	ssyncset.done $0x0  }
0x51: {  	[sflag:s11] =	ssyncadd.s32 $0xFFFF6000;
	s5 =	sadd.s32 $0x0, s9  }
0x52: {  	[tilespmem:s21], [sflag:$0x3] =	stream.linear.gather [hbm4b:s5+s2], $0x280, $0x38;
	[tilespmem:$0x14500] =	vst v63  }
0x53: {  	_ =	swait.ge [sflag:s11], $0x280  }
0x54: {  	[sflag:s11] =	ssyncset.done $0x0  }
0x55: {  	[sflag:s11] =	ssyncadd.s32 $0xFFFFFD80  }
0x56: {  	[tilespmem:s22], [sflag:$0x2] =	stream.indirect.gather [hbm4b:s3+s12], $0x40, s21, s12, $0xb8;
	[tilespmem:$0x14500] =	vst v63  }
0x57: {  	_ = 	snop  }
0x58: {  	[tilespmem:s24], [sflag:$0x2] =	stream.indirect.gather [hbm4b:s3+s12], $0x40, s23, s12, $0xb8;
	[tilespmem:$0x14500] =	vst v63  }
0x59: {  	_ = 	snop  }
0x5a: {  	[tilespmem:s26], [sflag:$0x2] =	stream.indirect.gather [hbm4b:s3+s12], $0x40, s25, s12, $0xb8;
	[tilespmem:$0x14500] =	vst v63  }
0x5b: {  	s7 =	sadd.s32 $0x2800, s10;
	s6 =	sadd.s32 $0x2800, s6;
	s5 =	simm.s32 $0xA0  }
0x5c: {  	[tilespmem:s29], [sflag:$0x2] =	stream.indirect.gather [hbm4b:s3+s12], $0x40, s28, s12, $0xb8;
	[tilespmem:$0x14500] =	vst v63  }
.LBB2_2:
0x5d: {  	[tilespmem:s31], [sflag:$0x2] =	stream.indirect.gather [hbm4b:s3+s12], $0x40, s30, s12, $0xb8;
	[tilespmem:$0x14500] =	vst v63  }
0x5e: {  	_ =	swait.ge [sflag:s0], $0xA000  }
0x5f: {  	[sflag:s0] =	ssyncset.done $0x0  }
0x60: {  	[sflag:s0] =	ssyncadd.s32 $0xFFFF6000  }
0x61: {  	[hbm4b:s7+s2] =	stream.linear.scatter [tilespmem:s13], [sflag:$0x3], $0xA000, $0x38;
	[tilespmem:$0x14500] =	vst v63  }
0x62: {  	_ =	swait.ge [sflag:s11], $0xA000  }
0x63: {  	s8 =	smov.u32 s5;
	s9 =	rddreg [dreg:$0x3];
	[sflag:s11] =	ssyncset.done $0x0  }
0x64: {  	[sflag:s11] =	ssyncadd.s32 $0xFFFF6000;
	s9 =	sadd.s32 s8, s9  }
0x65: {  	[tilespmem:s2], [sflag:$0x3] =	stream.linear.gather [hbm4b:s9+s2], $0x280, $0x38;
	[tilespmem:$0x14500] =	vst v63  }
0x66: {  	_ =	swait.ge [sflag:s11], $0x280  }
0x67: {  	[sflag:s11] =	ssyncset.done $0x0  }
0x68: {  	[sflag:s11] =	ssyncadd.s32 $0xFFFFFD80  }
0x69: {  	[tilespmem:s13], [sflag:$0x1] =	stream.indirect.gather [hbm4b:s3+s12], $0x40, s2, s12, $0xb8;
	[tilespmem:$0x14500] =	vst v63  }
0x6a: {  	_ = 	snop  }
0x6b: {  	[tilespmem:s14], [sflag:$0x1] =	stream.indirect.gather [hbm4b:s3+s12], $0x40, s12, s12, $0xb8;
	[tilespmem:$0x14500] =	vst v63  }
0x6c: {  	_ = 	snop  }
0x6d: {  	[tilespmem:s16], [sflag:$0x1] =	stream.indirect.gather [hbm4b:s3+s12], $0x40, s15, s12, $0xb8;
	[tilespmem:$0x14500] =	vst v63  }
0x6e: {  	_ = 	snop  }
0x6f: {  	[tilespmem:s18], [sflag:$0x1] =	stream.indirect.gather [hbm4b:s3+s12], $0x40, s17, s12, $0xb8;
	[tilespmem:$0x14500] =	vst v63  }
0x70: {  	_ = 	snop  }
0x71: {  	[tilespmem:s20], [sflag:$0x1] =	stream.indirect.gather [hbm4b:s3+s12], $0x40, s19, s12, $0xb8;
	[tilespmem:$0x14500] =	vst v63  }
0x72: {  	_ =	swait.ge [sflag:s1], $0xA000  }
0x73: {  	[sflag:s1] =	ssyncset.done $0x0  }
0x74: {  	[sflag:s1] =	ssyncadd.s32 $0xFFFF6000  }
0x75: {  	[hbm4b:s6+s2] =	stream.linear.scatter [tilespmem:s22], [sflag:$0x3], $0xA000, $0x38;
	[tilespmem:$0x14500] =	vst v63  }
0x76: {  	_ =	swait.ge [sflag:s11], $0xA000  }
0x77: {  	s9 =	rddreg [dreg:$0x2];
	[sflag:s11] =	ssyncset.done $0x0  }
0x78: {  	[sflag:s11] =	ssyncadd.s32 $0xFFFF6000;
	s8 =	sadd.s32 s8, s9  }
0x79: {  	[tilespmem:s21], [sflag:$0x3] =	stream.linear.gather [hbm4b:s8+s2], $0x280, $0x38;
	[tilespmem:$0x14500] =	vst v63  }
0x7a: {  	_ =	swait.ge [sflag:s11], $0x280  }
0x7b: {  	[sflag:s11] =	ssyncset.done $0x0  }
0x7c: {  	[sflag:s11] =	ssyncadd.s32 $0xFFFFFD80  }
0x7d: {  	[tilespmem:s22], [sflag:$0x2] =	stream.indirect.gather [hbm4b:s3+s12], $0x40, s21, s12, $0xb8;
	[tilespmem:$0x14500] =	vst v63  }
0x7e: {  	p0 =	sne.s32 s5, $0x1E0  }
0x7f: {  	[tilespmem:s24], [sflag:$0x2] =	stream.indirect.gather [hbm4b:s3+s12], $0x40, s23, s12, $0xb8;
	[tilespmem:$0x14500] =	vst v63  }
.Ltmp0:
0x80: {  	_ = 	snop;
	(pc) =	sbr.rel @p0 .LBB2_2-.Ltmp0, $4  }
0x81: {  	_ = 	snop  }
0x82: {  	[tilespmem:s26], [sflag:$0x2] =	stream.indirect.gather [hbm4b:s3+s12], $0x40, s25, s12, $0xb8;
	[tilespmem:$0x14500] =	vst v63  }
0x83: {  	s5 =	sadd.s32 $0xA0, s5;
	s7 =	sadd.s32 $0x2800, s7;
	s6 =	sadd.s32 $0x2800, s6  }
0x84: {  	[tilespmem:s29], [sflag:$0x2] =	stream.indirect.gather [hbm4b:s3+s12], $0x40, s28, s12, $0xb8;
	[tilespmem:$0x14500] =	vst v63  }
0x85: {  	[tilespmem:s31], [sflag:$0x2] =	stream.indirect.gather [hbm4b:s3+s12], $0x40, s30, s12, $0xb8;
	[tilespmem:$0x14500] =	vst v63  }
0x86: {  	_ =	swait.ge [sflag:s0], $0xA000  }
0x87: {  	[sflag:s0] =	ssyncset.done $0x0  }
0x88: {  	s5 =	rddreg [dreg:$0x7];
	[sflag:s0] =	ssyncadd.s32 $0xFFFF6000  }
0x89: {  	[hbm4b:s5+s2] =	stream.linear.scatter [tilespmem:s13], [sflag:$0x3], $0xA000, $0x38;
	[tilespmem:$0x14500] =	vst v63  }
0x8a: {  	_ =	swait.ge [sflag:s11], $0xA000  }
0x8b: {  	[sflag:s11] =	ssyncset.done $0x0  }
0x8c: {  	[sflag:s11] =	ssyncadd.s32 $0xFFFF6000  }
0x8d: {  	_ =	swait.ge [sflag:s1], $0xA000  }
0x8e: {  	[sflag:s1] =	ssyncset.done $0x0  }
0x8f: {  	s8 =	rddreg [dreg:$0x8];
	[sflag:s1] =	ssyncadd.s32 $0xFFFF6000  }
0x90: {  	[hbm4b:s8+s2] =	stream.linear.scatter [tilespmem:s22], [sflag:$0x3], $0xA000, $0x38;
	[tilespmem:$0x14500] =	vst v63  }
0x91: {  	_ =	swait.ge [sflag:s11], $0xA000  }
0x92: {  	s4 =	sadd.s32 $0x1, s4;
	s9 =	rddreg [dreg:$0x6]  }
0x93: {  	p0 =	sne.s32 s4, s9  }
.Ltmp1:
0x94: {  	_ = 	snop;
	(pc) =	sbr.rel @p0 .LBB2_1-.Ltmp1, $3  }
0x95: {  	_ =	sdelay $0x1  }
0x96: {  	[sflag:s11] =	ssyncset.done $0x0  }
0x97: {  	[sflag:s11] =	ssyncadd.s32 $0xFFFF6000  }
0x98: {  	_ =	sfence.sel $0x180000  }
0x99: {  	[bflag:$0x0] =	sbarrier.arrive $0xFFFF  }
0x9a: {  	_ =	strace $0x9000004D  }
0x9b: {  	s0 =	stileid.u32;
	[bflag:$0x2] =	sbarrier.arrive $0xFFFF  }
0x9c: {  	p0 =	sne.s32 s0, $0x0;
	s0 =	rddreg [dreg:$0x1]  }
0x9d: {  	s0 =	sadd.s32 @!p0 $0x100000, s0  }
0x9e: {  	[sflag:s0] =	ssyncadd.tile.s32 @!p0 $0x1;
	_ =	shalt  }
.Lfunc_end2:
_tile_overlayer_lowered:
.L_overlay_start_2:
0x9f: {  	(tag) =	ssettag $0x2  }
0xa0: {  	s0 =	rddreg [dreg:$0x0];
	s2 =	stileid.u32  }
0xa1: {  	s1 =	rddreg [dreg:$0x1];
	p0 =	sne.s32 s2, $0x0  }
0xa2: {  	s3 =	rddreg [dreg:$0x2];
	[bflag:$0x3] =	sbarrier.arrive $0xFFFF;
	s2 =	simm.s32 @!p0 $0x1C03  }
0xa3: {  	[timem:s3], [sflag:s2] =	dma.local @!p0 [hbm:s0], s1  }
0xa4: {  	s0 =	simm.s32 @!p0 $0x3  }
0xa5: {  	_ =	swait.ge @!p0 [sflag:s0], s1  }
0xa6: {  	s1 =	ssub.s32 @!p0 $0x0, s1;
	[sflag:s0] =	ssyncset.done @!p0 $0x0  }
0xa7: {  	[sflag:s0] =	ssyncadd.s32 @!p0 s1  }
0xa8: {  	[bflag:$0x3] =	sbarrier.arrive $0xFFFF  }
0xa9: {  	_ =	shalt  }

// kernel: kernel.19.cloned.1.call-start
scs
__scs_entry_jumppad:
0x0: {  	(pc) =	sbr.rel $0x88, $3  }
0x1: {  	(tag) =	ssettag $0x0;
	lr =	simm.s32 $0x1  }
0x2: {  	[smem:$0x3F9F] =	sst lr;
	_ =	strace $0xD0000000  }
0x3: {  	_ = 	snop  }
0x4: {  	_ = 	snop  }
0x5: {  	_ = 	snop  }
0x6: {  	_ = 	snop  }
0x7: {  	_ = 	snop  }
__scs_overlays_trampoline_lowered:
0x8: {  	[smem:$0x3FAE] =	sst s0  }
0x9: {  	[smem:$0x3FAF] =	sst s1  }
0xa: {  	[smem:$0x3FB0] =	sst s2  }
0xb: {  	[smem:$0x3FB1] =	sst s3  }
0xc: {  	[smem:$0x3FB2] =	sst s4  }
0xd: {  	[smem:$0x3FB3] =	sst s5  }
0xe: {  	[smem:$0x3FB4] =	sst s6  }
0xf: {  	[smem:$0x3FB5] =	sst s7  }
0x10: {  	[smem:$0x3FB6] =	sst s8  }
0x11: {  	[smem:$0x3FB7] =	sst s9;
	s0 =	simm.s32 @!p0 $0x0  }
0x12: {  	s1 =	sld [smem:$0x3F9D];
	s0 =	simm.s32 @p0 $0x1  }
0x13: {  	[smem:$0x3FB8] =	sst s0;
	s0 =	simm.s32 @!p1 $0x0  }
0x14: {  	s2 =	sld [smem:$0x3F9C];
	s0 =	simm.s32 @p1 $0x1  }
0x15: {  	[smem:$0x3FB9] =	sst s0;
	s0 =	simm.s32 @!p2 $0x0  }
0x16: {  	s3 =	sld [smem:$0x3FDB];
	s0 =	simm.s32 @p2 $0x1  }
0x17: {  	s4 =	simm.s32 $0x1BF5;
	[smem:$0x3FBB] =	sst s0  }
0x18: {  	s0 =	sld [smem:$0x3F9E];
	_ =	swait.ge [sflag:s4], $0x0  }
0x19: {  	s7 =	sld [smem:$0x3F9F]  }
0x1a: {  	s8 =	sadd.s32 $0xFFFFE003, lr  }
0x1b: {  	s9 =	sadd.s32 $0xFFFFFEF7, lr;
	s5 =	simm.s32 $0xFFFFFFFF;
	p2 =	slt.u32 s8, $0xFFFFF086  }
0x1c: {  	p1 =	slt.u32 s9, $0xF7A;
	s5 =	simm.s32 @!p2 $0x0  }
0x1d: {  	s5 =	simm.s32 @p1 $0x1;
	p0 =	seq.s32 s7, s2  }
0x1e: {  	s7 =	smul.u32 @!p0 $0xF7A, s2;
	p2 =	seq.s32 @!p0 s5, $0x0  }
0x1f: {  	s9 =	smul.u32 $0xF7A, s1;
	s8 =	simm.s32 @!p0 $0x1BF5;
	p2 =	por !p2, p0  }
0x20: {  	[sflag:s8] =	ssyncset.s32 @!p0 $0xFFFFF086;
	s6 =	sadd.s32 @!p0 s3, s7;
	s7 =	simm.s32 @!p0 $0x108  }
0x21: {  	s3 =	sadd.s32 s3, s9;
	s6 =	sadd.s32 @!p0 $0x88, s6;
	s7 =	simm.s32 @p2 $0x1082  }
0x22: {  	[simem:s7], [sflag:s8] =	dma.local @!p0 [hbm:s6], $0xF7A  }
0x23: {  	s9 =	sor.u32 $0xD0000000, s2;
	s6 =	simm.s32 $0x108;
	_ =	swait.ge @!p0 [sflag:s8], $0x0  }
0x24: {  	s3 =	sadd.s32 $0x88, s3;
	s6 =	simm.s32 @!p1 $0x1082;
	[sflag:s4] =	ssyncset.s32 $0xFFFFF086  }
0x25: {  	[simem:s6], [sflag:s4] =	dma.local [hbm:s3], $0xF7A  }
0x26: {  	[smem:$0x3F9F] =	sst s1;
	(tag) =	ssettag s2;
	_ =	strace s9  }
0x27: {  	s1 =	sld [smem:$0x3FAF]  }
0x28: {  	s2 =	sld [smem:$0x3FB0]  }
0x29: {  	s4 =	sld [smem:$0x3FB2]  }
0x2a: {  	p0 =	seq.s32 s5, $0x0;
	s5 =	sld [smem:$0x3FB3]  }
0x2b: {  	s6 =	sld [smem:$0x3FB4]  }
0x2c: {  	s7 =	sld [smem:$0x3FB5]  }
0x2d: {  	s3 =	simm.s32 $0x108;
	s8 =	sld [smem:$0x3FB6]  }
0x2e: {  	s3 =	simm.s32 @!p0 $0x1082;
	s9 =	sld [smem:$0x3FB7]  }
0x2f: {  	lr =	sadd.s32 s0, s3;
	s0 =	sld [smem:$0x3FAE]  }
0x30: {  	s3 =	sld [smem:$0x3FB1]  }
0x31: {  	[smem:$0x3FBA] =	sst s10  }
0x32: {  	s10 =	sld [smem:$0x3FB8];
	_ =	sdelay $0x3  }
0x33: {  	p0 =	seq.s32 s10, $0x1;
	s10 =	sld [smem:$0x3FBA];
	_ =	sdelay $0x3  }
0x34: {  	[smem:$0x3FBA] =	sst s10  }
0x35: {  	s10 =	sld [smem:$0x3FB9];
	_ =	sdelay $0x3  }
0x36: {  	p1 =	seq.s32 s10, $0x1;
	s10 =	sld [smem:$0x3FBA];
	_ =	sdelay $0x3  }
0x37: {  	[smem:$0x3FBA] =	sst s10  }
0x38: {  	s10 =	sld [smem:$0x3FBB]  }
0x39: {  	_ = 	snop;
	(pc) =	sbr.ind lr, $3  }
0x3a: {  	_ = 	snop  }
0x3b: {  	_ = 	snop  }
0x3c: {  	p2 =	seq.s32 s10, $0x1;
	s10 =	sld [smem:$0x3FBA]  }
0x3d: {  	_ =	shalt  }
0x3e: {  	_ =	shalt  }
0x3f: {  	_ =	shalt  }
0x40: {  	_ =	shalt  }
0x41: {  	_ =	shalt  }
0x42: {  	_ =	shalt  }
0x43: {  	_ =	shalt  }
0x44: {  	_ =	shalt  }
0x45: {  	_ =	shalt  }
0x46: {  	_ =	shalt  }
0x47: {  	_ =	shalt  }
0x48: {  	_ =	shalt  }
0x49: {  	_ =	shalt  }
0x4a: {  	_ =	shalt  }
0x4b: {  	_ =	shalt  }
0x4c: {  	_ =	shalt  }
0x4d: {  	_ =	shalt  }
0x4e: {  	_ =	shalt  }
0x4f: {  	_ =	shalt  }
0x50: {  	_ =	shalt  }
0x51: {  	_ =	shalt  }
0x52: {  	_ =	shalt  }
0x53: {  	_ =	shalt  }
0x54: {  	_ =	shalt  }
0x55: {  	_ =	shalt  }
0x56: {  	_ =	shalt  }
0x57: {  	_ =	shalt  }
0x58: {  	_ =	shalt  }
0x59: {  	_ =	shalt  }
0x5a: {  	_ =	shalt  }
0x5b: {  	_ =	shalt  }
0x5c: {  	_ =	shalt  }
0x5d: {  	_ =	shalt  }
0x5e: {  	_ =	shalt  }
0x5f: {  	_ =	shalt  }
0x60: {  	_ =	shalt  }
0x61: {  	_ =	shalt  }
0x62: {  	_ =	shalt  }
0x63: {  	_ =	shalt  }
0x64: {  	_ =	shalt  }
0x65: {  	_ =	shalt  }
0x66: {  	_ =	shalt  }
0x67: {  	_ =	shalt  }
0x68: {  	_ =	shalt  }
0x69: {  	_ =	shalt  }
0x6a: {  	_ =	shalt  }
0x6b: {  	_ =	shalt  }
0x6c: {  	_ =	shalt  }
0x6d: {  	_ =	shalt  }
0x6e: {  	_ =	shalt  }
0x6f: {  	_ =	shalt  }
0x70: {  	_ =	shalt  }
0x71: {  	_ =	shalt  }
0x72: {  	_ =	shalt  }
0x73: {  	_ =	shalt  }
0x74: {  	_ =	shalt  }
0x75: {  	_ =	shalt  }
0x76: {  	_ =	shalt  }
0x77: {  	_ =	shalt  }
0x78: {  	_ =	shalt  }
0x79: {  	_ =	shalt  }
0x7a: {  	_ =	shalt  }
0x7b: {  	_ =	shalt  }
0x7c: {  	_ =	shalt  }
0x7d: {  	_ =	shalt  }
0x7e: {  	_ =	shalt  }
0x7f: {  	_ =	shalt  }
0x80: {  	_ =	shalt  }
0x81: {  	_ =	shalt  }
0x82: {  	_ =	shalt  }
0x83: {  	_ =	shalt  }
0x84: {  	_ =	shalt  }
0x85: {  	_ =	shalt  }
0x86: {  	_ =	shalt  }
0x87: {  	_ =	shalt  }
.Lfunc_end0:
.L_simem_size_0:
called_computation.3_lowered:
.L_overlay_start_0:
0x88: {  	s2 =	sld [smem:$0x3FD9]  }
0x89: {  	s3 =	sld [smem:$0x3FFE];
	_ =	sdelay $0x1  }
0x8a: {  	s1 =	srdreg.scid  }
0x8b: {  	s0 =	sand.u32 $0x1, s1  }
0x8c: {  	s17 =	sshll.u32 s0, $0xA;
	s2 =	sadd.s32 s3, s2  }
0x8d: {  	s2 =	sadd.s32 s2, s17  }
0x8e: {  	[smem:$0x3FC6] =	sst s2  }
0x8f: {  	_ = 	snop  }
0x90: {  	(tm) =	ssettm $0x1  }
0x91: {  	s18 =	sld [smem:$0x3FFB];
	_ =	sdelay $0x3  }
0x92: {  	_ =	strace s18  }
0x93: {  	s2 =	sld [smem:$0x3FFC];
	_ =	sdelay $0x3  }
0x94: {  	_ =	strace s2  }
0x95: {  	s2 =	sld [smem:$0x3FFD];
	_ =	sdelay $0x3  }
0x96: {  	_ =	strace s2  }
0x97: {  	_ =	strace $0x8FFFFFFF  }
0x98: {  	s19 =	sld [smem:$0x3FDB];
	_ =	sdelay $0x1  }
0x99: {  	s20 =	simm.s32 $_scs_section_size  }
0x9a: {  	s4 =	simm.s32 $_size__tile_overlayer_lowered;
	s5 =	simm.s32 $_tile_overlayer_lowered  }
0x9b: {  	s6 =	simm.s32 $0x1BFF;
	s21 =	sshll.u32 s5, $0x1;
	s3 =	sadd.s32 s20, s19  }
0x9c: {  	s22 =	simm.s32 $0x0;
	s4 =	sshll.u32 s4, $0x1;
	s5 =	sadd.s32 s21, s3  }
0x9d: {  	[timem:s22], [sflag:s6] =	dma.local [hbm:s5], s4  }
0x9e: {  	_ =	swait.ge [sflag:s6], s4  }
0x9f: {  	s4 =	ssub.s32 $0x0, s4;
	[sflag:s6] =	ssyncset.done $0x0  }
0xa0: {  	[sflag:s6] =	ssyncadd.s32 s4;
	_ =	sdelay $0x1  }
0xa1: {  	s23 =	simm.s32 $0x1B8B  }
0xa2: {  	_ =	swait.ge [sflag:s23], $0x1  }
0xa3: {  	[sflag:s23] =	ssyncset.done $0x0  }
0xa4: {  	[sflag:s23] =	ssyncadd.s32 $0xFFFFFFFF  }
0xa5: {  	s4 =	sld [smem:$0x0]  }
0xa6: {  	s5 =	sand.u32 $0xFFFFFFFE, s1  }
0xa7: {  	p0 =	sne.s32 s1, s5  }
0xa8: {  	s5 =	sshll.u32 @p0 s5, $0xE  }
0xa9: {  	s5 =	sadd.s32 @p0 $0x11B8D, s5;
	s6 =	sshll.u32 @p0 s4, $0x11  }
0xaa: {  	s5 =	sor.u32 @p0 s6, s5  }
0xab: {  	[sflag:s5] =	ssyncadd.remote.s32 @p0 $0x1;
	_ =	sdelay $0x1  }
0xac: {  	s5 =	simm.s32 @p0 $0x1B8D  }
0xad: {  	_ =	swait.eq @p0 [sflag:s5], $0x1  }
0xae: {  	[sflag:s5] =	ssyncadd.s32 @p0 $0xFFFFFFFF  }
0xaf: {  	s6 =	sshll.u32 @!p0 s1, $0xE  }
0xb0: {  	s6 =	sor.u32 @!p0 $0x4000, s6;
	s5 =	simm.s32 @!p0 $0x1B8D  }
0xb1: {  	s4 =	sshll.u32 @!p0 s4, $0x11;
	s6 =	sadd.s32 @!p0 $0x11B8D, s6;
	_ =	swait.eq @!p0 [sflag:s5], $0x1  }
0xb2: {  	s4 =	sor.u32 @!p0 s4, s6;
	[sflag:s5] =	ssyncadd.s32 @!p0 $0xFFFFFFFF  }
0xb3: {  	s25 =	simm.s32 $0x1B8E;
	s24 =	sld [smem:$0x3FFE];
	[sflag:s4] =	ssyncadd.remote.s32 @!p0 $0x1  }
0xb4: {  	s26 =	simm.s32 $execute0_lowered;
	[smem:$0x3FD2] =	sst s25  }
0xb5: {  	s5 =	sshll.u32 s26, $0x1;
	_ =	strace $0x8000004F;
	[dreg:$0x1] =	wrdreg $0xFFFFFFFF  }
0xb6: {  	s28 =	simm.s32 $_size_execute0_lowered;
	s3 =	sadd.s32 s3, s5;
	[dreg:$0x0] =	wrdreg $0x0  }
0xb7: {  	s5 =	sshll.u32 s28, $0x1;
	[dreg:$0x2] =	wrdreg s3  }
0xb8: {  	[dreg:$0x3] =	wrdreg s5  }
0xb9: {  	[dreg:$0x4] =	wrdreg $0xC0  }
0xba: {  	_ =	task [dreg:s22], $0x5FFFF  }
0xbb: {  	[dreg:$0x1] =	wrdreg $0xFFFFFFFF  }
0xbc: {  	[dreg:$0x0] =	wrdreg $0x60  }
0xbd: {  	[dreg:$0x2] =	wrdreg s24  }
0xbe: {  	[dreg:$0x3] =	wrdreg $0xC  }
0xbf: {  	_ =	task.clear_ibuf [dreg:s22], $0x4FFFF;
	_ =	strace $0x9000004F  }
0xc0: {  	s29 =	simm.s32 $0xC;
	_ =	strace $0x80000051  }
0xc1: {  	_ =	swait.ge [sflag:s29], $0x1  }
0xc2: {  	[sflag:s29] =	ssyncadd.s32 $0xFFFFFFFF  }
0xc3: {  	_ =	strace $0x90000051  }
0xc4: {  	_ =	sfence  }
0xc5: {  	s30 =	sld [smem:$0x0];
	_ =	sdelay $0x2  }
0xc6: {  	s31 =	sshll.u32 s1, $0xD;
	s1 =	sshrl.u32 s1, $0x2  }
0xc7: {  	s4 =	sand.u32 $0x4000, s31;
	s1 =	sadd.s32 s1, s30  }
0xc8: {  	s0 =	sor.u32 s4, s0;
	s1 =	sshll.u32 s1, $0x11  }
0xc9: {  	s0 =	sor.u32 s1, s0  }
0xca: {  	s0 =	sadd.s32 $0x8F2B, s0  }
0xcb: {  	[sflag:s0] =	ssyncadd.remote.s32 $0x1  }
0xcc: {  	_ =	sfence.sel $0xFFFF  }
0xcd: {  	[dreg:$0x0] =	wrdreg $0xFFFFFFFF;
	(pc) =	sbr.abs _section_cstart, $3  }
0xce: {  	[dreg:$0x1] =	wrdreg $0xFFFFFFFF  }
0xcf: {  	_ =	task.clear_ibuf [dreg:s22], $0x2FFFF;
	_ =	strace $0x9FFFFFFF  }
0xd0: {  	(tm) =	ssettm $0x7FFFFFFF  }
0xd1: {  	_ =	shalt  }
tec
execute0_lowered:
.L_overlay_start_1:
0x0: {  	(tag) =	ssettag $0x1  }
0x1: {  	s0 =	rddreg [dreg:$0x0]  }
0x2: {  	s1 =	srdreg.scid;
	s12 =	stileid.u32  }
0x3: {  	s2 =	simm.s32 $0x0;
	s13 =	simm.s32 $0x500;
	s14 =	simm.s32 $0x2500  }
0x4: {  	s15 =	simm.s32 $0x100;
	s16 =	simm.s32 $0x4500;
	s10 =	smul.u32 $0x3200, s12  }
0x5: {  	s17 =	simm.s32 $0x180;
	s28 =	simm.s32 $0x400;
	s19 =	smul.u32 $0x64, s12  }
0x6: {  	s29 =	simm.s32 $0x10500;
	s1 =	sand.u32 $0x1, s1;
	s24 =	smul.u32 $0x19000, s12  }
0x7: {  	s30 =	simm.s32 $0x480;
	s31 =	simm.s32 $0x12500;
	s18 =	smul.u32 $0x1900, s1  }
0x8: {  	s3 =	sshll.u32 s12, $0x1;
	[smem:$0x7FF] =	sst s2;
	s11 =	smul.u32 $0x32, s1  }
0x9: {  	s4 =	sor.u32 s1, s3;
	s8 =	ssub.s32 $0x2, s1;
	s1 =	smul.u32 $0xC800, s1  }
0xa: {  	s7 =	sadd.s32 $0x1200, s0;
	_ =	strace $0x80000050;
	s5 =	smul.u32 $0x1900, s4  }
0xb: {  	s12 =	simm.s32 $0x80;
	s3 =	sadd.s32 $0xF43600, s0;
	s6 =	smul.u32 $0x320, s4  }
0xc: {  	s0 =	sadd.s32 $0x4CA200, s0;
	s4 =	smul.u32 $0xC800, s4;
	s9 =	sshrl.u32 s8, $0x1  }
0xd: {  	s8 =	ssub.s32 s8, s9;
	s22 =	sadd.s32 s18, s10;
	s23 =	sadd.s32 s11, s19  }
0xe: {  	s11 =	simm.s32 $0x3;
	s18 =	simm.s32 $0x6500;
	s19 =	simm.s32 $0x200  }
0xf: {  	s6 =	sadd.s32 s7, s6;
	s5 =	sshrl.u32 s5, $0x3;
	s20 =	smax.u32 s8, $0x1  }
0x10: {  	s4 =	sadd.s32 s0, s4;
	s6 =	sadd.s32 $0x12C00, s6;
	[dreg:$0x6] =	wrdreg s20  }
0x11: {  	s5 =	sadd.s32 s7, s5;
	s21 =	sadd.s32 $0xA000, s4;
	[dreg:$0x4] =	wrdreg s6  }
0x12: {  	s4 =	sadd.s32 $0xB400, s4;
	s20 =	simm.s32 $0x8500;
	[dreg:$0x7] =	wrdreg s21  }
0x13: {  	s5 =	sadd.s32 $0x12C50, s5;
	[dreg:$0x8] =	wrdreg s4;
	s4 =	sshll.u32 s22, $0x3  }
0x14: {  	s21 =	simm.s32 $0x280;
	s22 =	simm.s32 $0xA500;
	[dreg:$0x5] =	wrdreg s5  }
0x15: {  	s5 =	sshll.u32 s23, $0x4;
	s4 =	sadd.s32 s0, s4;
	s0 =	sadd.s32 s24, s0  }
0x16: {  	s23 =	simm.s32 $0x300;
	s24 =	simm.s32 $0xC500;
	s5 =	sadd.s32 s7, s5  }
0x17: {  	s4 =	sadd.s32 $0x1400, s4;
	s10 =	sadd.s32 s1, s0;
	s0 =	simm.s32 $0x1  }
0x18: {  	s1 =	simm.s32 $0x2;
	[dreg:$0x9] =	wrdreg s4;
	s25 =	sadd.s32 $0x12CF0, s5  }
0x19: {  	s26 =	sadd.s32 $0x12CA0, s5;
	s4 =	simm.s32 $0x0;
	[dreg:$0x2] =	wrdreg s25  }
0x1a: {  	[dreg:$0x3] =	wrdreg s26;
	s25 =	simm.s32 $0x380;
	s26 =	simm.s32 $0xE500  }
.LBB2_1:
0x1b: {  	s5 =	rddreg [dreg:$0x4]  }
0x1c: {  	[tilespmem:s2], [sflag:$0x3] =	stream.linear.gather [hbm4b:s5+s2], $0x280, $0x38;
	[tilespmem:$0x14500] =	vst v63  }
0x1d: {  	_ =	swait.ge [sflag:s11], $0x280  }
0x1e: {  	[sflag:s11] =	ssyncset.done $0x0  }
0x1f: {  	[sflag:s11] =	ssyncadd.s32 $0xFFFFFD80  }
0x20: {  	[tilespmem:s13], [sflag:$0x1] =	stream.indirect.gather [hbm4b:s3+s12], $0x40, s2, s12, $0xb8;
	[tilespmem:$0x14500] =	vst v63  }
0x21: {  	_ = 	snop  }
0x22: {  	[tilespmem:s14], [sflag:$0x1] =	stream.indirect.gather [hbm4b:s3+s12], $0x40, s12, s12, $0xb8;
	[tilespmem:$0x14500] =	vst v63  }
0x23: {  	_ = 	snop  }
0x24: {  	[tilespmem:s16], [sflag:$0x1] =	stream.indirect.gather [hbm4b:s3+s12], $0x40, s15, s12, $0xb8;
	[tilespmem:$0x14500] =	vst v63  }
0x25: {  	_ = 	snop  }
0x26: {  	[tilespmem:s18], [sflag:$0x1] =	stream.indirect.gather [hbm4b:s3+s12], $0x40, s17, s12, $0xb8;
	[tilespmem:$0x14500] =	vst v63  }
0x27: {  	_ = 	snop  }
0x28: {  	[tilespmem:s20], [sflag:$0x1] =	stream.indirect.gather [hbm4b:s3+s12], $0x40, s19, s12, $0xb8;
	[tilespmem:$0x14500] =	vst v63  }
0x29: {  	s7 =	rddreg [dreg:$0x5]  }
0x2a: {  	[tilespmem:s21], [sflag:$0x3] =	stream.linear.gather [hbm4b:s7+s2], $0x280, $0x38;
	[tilespmem:$0x14500] =	vst v63  }
0x2b: {  	_ =	swait.ge [sflag:s11], $0x280  }
0x2c: {  	[sflag:s11] =	ssyncset.done $0x0  }
0x2d: {  	[sflag:s11] =	ssyncadd.s32 $0xFFFFFD80  }
0x2e: {  	[tilespmem:s22], [sflag:$0x2] =	stream.indirect.gather [hbm4b:s3+s12], $0x40, s21, s12, $0xb8;
	[tilespmem:$0x14500] =	vst v63  }
0x2f: {  	_ = 	snop  }
0x30: {  	[tilespmem:s24], [sflag:$0x2] =	stream.indirect.gather [hbm4b:s3+s12], $0x40, s23, s12, $0xb8;
	[tilespmem:$0x14500] =	vst v63  }
0x31: {  	_ = 	snop  }
0x32: {  	[tilespmem:s26], [sflag:$0x2] =	stream.indirect.gather [hbm4b:s3+s12], $0x40, s25, s12, $0xb8;
	[tilespmem:$0x14500] =	vst v63  }
0x33: {  	_ = 	snop  }
0x34: {  	[tilespmem:s29], [sflag:$0x2] =	stream.indirect.gather [hbm4b:s3+s12], $0x40, s28, s12, $0xb8;
	[tilespmem:$0x14500] =	vst v63  }
0x35: {  	_ = 	snop  }
0x36: {  	[tilespmem:s31], [sflag:$0x2] =	stream.indirect.gather [hbm4b:s3+s12], $0x40, s30, s12, $0xb8;
	[tilespmem:$0x14500] =	vst v63  }
0x37: {  	_ =	swait.ge [sflag:s0], $0xA000  }
0x38: {  	[sflag:s0] =	ssyncset.done $0x0  }
0x39: {  	[sflag:s0] =	ssyncadd.s32 $0xFFFF6000  }
0x3a: {  	[hbm4b:s10+s2] =	stream.linear.scatter [tilespmem:s13], [sflag:$0x3], $0xA000, $0x38;
	[tilespmem:$0x14500] =	vst v63  }
0x3b: {  	_ =	swait.ge [sflag:s11], $0xA000  }
0x3c: {  	s8 =	rddreg [dreg:$0x3];
	[sflag:s11] =	ssyncset.done $0x0  }
0x3d: {  	[sflag:s11] =	ssyncadd.s32 $0xFFFF6000;
	s5 =	sadd.s32 $0x0, s8  }
0x3e: {  	[tilespmem:s2], [sflag:$0x3] =	stream.linear.gather [hbm4b:s5+s2], $0x280, $0x38;
	[tilespmem:$0x14500] =	vst v63  }
0x3f: {  	_ =	swait.ge [sflag:s11], $0x280  }
0x40: {  	[sflag:s11] =	ssyncset.done $0x0  }
0x41: {  	[sflag:s11] =	ssyncadd.s32 $0xFFFFFD80  }
0x42: {  	[tilespmem:s13], [sflag:$0x1] =	stream.indirect.gather [hbm4b:s3+s12], $0x40, s2, s12, $0xb8;
	[tilespmem:$0x14500] =	vst v63  }
0x43: {  	_ = 	snop  }
0x44: {  	[tilespmem:s14], [sflag:$0x1] =	stream.indirect.gather [hbm4b:s3+s12], $0x40, s12, s12, $0xb8;
	[tilespmem:$0x14500] =	vst v63  }
0x45: {  	_ = 	snop  }
0x46: {  	[tilespmem:s16], [sflag:$0x1] =	stream.indirect.gather [hbm4b:s3+s12], $0x40, s15, s12, $0xb8;
	[tilespmem:$0x14500] =	vst v63  }
0x47: {  	_ = 	snop  }
0x48: {  	[tilespmem:s18], [sflag:$0x1] =	stream.indirect.gather [hbm4b:s3+s12], $0x40, s17, s12, $0xb8;
	[tilespmem:$0x14500] =	vst v63  }
0x49: {  	_ = 	snop  }
0x4a: {  	[tilespmem:s20], [sflag:$0x1] =	stream.indirect.gather [hbm4b:s3+s12], $0x40, s19, s12, $0xb8;
	[tilespmem:$0x14500] =	vst v63  }
0x4b: {  	_ =	swait.ge [sflag:s1], $0xA000  }
0x4c: {  	[sflag:s1] =	ssyncset.done $0x0  }
0x4d: {  	s6 =	rddreg [dreg:$0x9];
	[sflag:s1] =	ssyncadd.s32 $0xFFFF6000  }
0x4e: {  	[hbm4b:s6+s2] =	stream.linear.scatter [tilespmem:s22], [sflag:$0x3], $0xA000, $0x38;
	[tilespmem:$0x14500] =	vst v63  }
0x4f: {  	_ =	swait.ge [sflag:s11], $0xA000  }
0x50: {  	s9 =	rddreg [dreg:$0x2];
	[sflag:s11] =	ssyncset.done $0x0  }
0x51: {  	[sflag:s11] =	ssyncadd.s32 $0xFFFF6000;
	s5 =	sadd.s32 $0x0, s9  }
0x52: {  	[tilespmem:s21], [sflag:$0x3] =	stream.linear.gather [hbm4b:s5+s2], $0x280, $0x38;
	[tilespmem:$0x14500] =	vst v63  }
0x53: {  	_ =	swait.ge [sflag:s11], $0x280  }
0x54: {  	[sflag:s11] =	ssyncset.done $0x0  }
0x55: {  	[sflag:s11] =	ssyncadd.s32 $0xFFFFFD80  }
0x56: {  	[tilespmem:s22], [sflag:$0x2] =	stream.indirect.gather [hbm4b:s3+s12], $0x40, s21, s12, $0xb8;
	[tilespmem:$0x14500] =	vst v63  }
0x57: {  	_ = 	snop  }
0x58: {  	[tilespmem:s24], [sflag:$0x2] =	stream.indirect.gather [hbm4b:s3+s12], $0x40, s23, s12, $0xb8;
	[tilespmem:$0x14500] =	vst v63  }
0x59: {  	_ = 	snop  }
0x5a: {  	[tilespmem:s26], [sflag:$0x2] =	stream.indirect.gather [hbm4b:s3+s12], $0x40, s25, s12, $0xb8;
	[tilespmem:$0x14500] =	vst v63  }
0x5b: {  	s7 =	sadd.s32 $0x2800, s10;
	s6 =	sadd.s32 $0x2800, s6;
	s5 =	simm.s32 $0xA0  }
0x5c: {  	[tilespmem:s29], [sflag:$0x2] =	stream.indirect.gather [hbm4b:s3+s12], $0x40, s28, s12, $0xb8;
	[tilespmem:$0x14500] =	vst v63  }
.LBB2_2:
0x5d: {  	[tilespmem:s31], [sflag:$0x2] =	stream.indirect.gather [hbm4b:s3+s12], $0x40, s30, s12, $0xb8;
	[tilespmem:$0x14500] =	vst v63  }
0x5e: {  	_ =	swait.ge [sflag:s0], $0xA000  }
0x5f: {  	[sflag:s0] =	ssyncset.done $0x0  }
0x60: {  	[sflag:s0] =	ssyncadd.s32 $0xFFFF6000  }
0x61: {  	[hbm4b:s7+s2] =	stream.linear.scatter [tilespmem:s13], [sflag:$0x3], $0xA000, $0x38;
	[tilespmem:$0x14500] =	vst v63  }
0x62: {  	_ =	swait.ge [sflag:s11], $0xA000  }
0x63: {  	s8 =	smov.u32 s5;
	s9 =	rddreg [dreg:$0x3];
	[sflag:s11] =	ssyncset.done $0x0  }
0x64: {  	[sflag:s11] =	ssyncadd.s32 $0xFFFF6000;
	s9 =	sadd.s32 s8, s9  }
0x65: {  	[tilespmem:s2], [sflag:$0x3] =	stream.linear.gather [hbm4b:s9+s2], $0x280, $0x38;
	[tilespmem:$0x14500] =	vst v63  }
0x66: {  	_ =	swait.ge [sflag:s11], $0x280  }
0x67: {  	[sflag:s11] =	ssyncset.done $0x0  }
0x68: {  	[sflag:s11] =	ssyncadd.s32 $0xFFFFFD80  }
0x69: {  	[tilespmem:s13], [sflag:$0x1] =	stream.indirect.gather [hbm4b:s3+s12], $0x40, s2, s12, $0xb8;
	[tilespmem:$0x14500] =	vst v63  }
0x6a: {  	_ = 	snop  }
0x6b: {  	[tilespmem:s14], [sflag:$0x1] =	stream.indirect.gather [hbm4b:s3+s12], $0x40, s12, s12, $0xb8;
	[tilespmem:$0x14500] =	vst v63  }
0x6c: {  	_ = 	snop  }
0x6d: {  	[tilespmem:s16], [sflag:$0x1] =	stream.indirect.gather [hbm4b:s3+s12], $0x40, s15, s12, $0xb8;
	[tilespmem:$0x14500] =	vst v63  }
0x6e: {  	_ = 	snop  }
0x6f: {  	[tilespmem:s18], [sflag:$0x1] =	stream.indirect.gather [hbm4b:s3+s12], $0x40, s17, s12, $0xb8;
	[tilespmem:$0x14500] =	vst v63  }
0x70: {  	_ = 	snop  }
0x71: {  	[tilespmem:s20], [sflag:$0x1] =	stream.indirect.gather [hbm4b:s3+s12], $0x40, s19, s12, $0xb8;
	[tilespmem:$0x14500] =	vst v63  }
0x72: {  	_ =	swait.ge [sflag:s1], $0xA000  }
0x73: {  	[sflag:s1] =	ssyncset.done $0x0  }
0x74: {  	[sflag:s1] =	ssyncadd.s32 $0xFFFF6000  }
0x75: {  	[hbm4b:s6+s2] =	stream.linear.scatter [tilespmem:s22], [sflag:$0x3], $0xA000, $0x38;
	[tilespmem:$0x14500] =	vst v63  }
0x76: {  	_ =	swait.ge [sflag:s11], $0xA000  }
0x77: {  	s9 =	rddreg [dreg:$0x2];
	[sflag:s11] =	ssyncset.done $0x0  }
0x78: {  	[sflag:s11] =	ssyncadd.s32 $0xFFFF6000;
	s8 =	sadd.s32 s8, s9  }
0x79: {  	[tilespmem:s21], [sflag:$0x3] =	stream.linear.gather [hbm4b:s8+s2], $0x280, $0x38;
	[tilespmem:$0x14500] =	vst v63  }
0x7a: {  	_ =	swait.ge [sflag:s11], $0x280  }
0x7b: {  	[sflag:s11] =	ssyncset.done $0x0  }
0x7c: {  	[sflag:s11] =	ssyncadd.s32 $0xFFFFFD80  }
0x7d: {  	[tilespmem:s22], [sflag:$0x2] =	stream.indirect.gather [hbm4b:s3+s12], $0x40, s21, s12, $0xb8;
	[tilespmem:$0x14500] =	vst v63  }
0x7e: {  	p0 =	sne.s32 s5, $0x1E0  }
0x7f: {  	[tilespmem:s24], [sflag:$0x2] =	stream.indirect.gather [hbm4b:s3+s12], $0x40, s23, s12, $0xb8;
	[tilespmem:$0x14500] =	vst v63  }
.Ltmp0:
0x80: {  	_ = 	snop;
	(pc) =	sbr.rel @p0 .LBB2_2-.Ltmp0, $4  }
0x81: {  	_ = 	snop  }
0x82: {  	[tilespmem:s26], [sflag:$0x2] =	stream.indirect.gather [hbm4b:s3+s12], $0x40, s25, s12, $0xb8;
	[tilespmem:$0x14500] =	vst v63  }
0x83: {  	s5 =	sadd.s32 $0xA0, s5;
	s7 =	sadd.s32 $0x2800, s7;
	s6 =	sadd.s32 $0x2800, s6  }
0x84: {  	[tilespmem:s29], [sflag:$0x2] =	stream.indirect.gather [hbm4b:s3+s12], $0x40, s28, s12, $0xb8;
	[tilespmem:$0x14500] =	vst v63  }
0x85: {  	[tilespmem:s31], [sflag:$0x2] =	stream.indirect.gather [hbm4b:s3+s12], $0x40, s30, s12, $0xb8;
	[tilespmem:$0x14500] =	vst v63  }
0x86: {  	_ =	swait.ge [sflag:s0], $0xA000  }
0x87: {  	[sflag:s0] =	ssyncset.done $0x0  }
0x88: {  	s5 =	rddreg [dreg:$0x7];
	[sflag:s0] =	ssyncadd.s32 $0xFFFF6000  }
0x89: {  	[hbm4b:s5+s2] =	stream.linear.scatter [tilespmem:s13], [sflag:$0x3], $0xA000, $0x38;
	[tilespmem:$0x14500] =	vst v63  }
0x8a: {  	_ =	swait.ge [sflag:s11], $0xA000  }
0x8b: {  	[sflag:s11] =	ssyncset.done $0x0  }
0x8c: {  	[sflag:s11] =	ssyncadd.s32 $0xFFFF6000  }
0x8d: {  	_ =	swait.ge [sflag:s1], $0xA000  }
0x8e: {  	[sflag:s1] =	ssyncset.done $0x0  }
0x8f: {  	s8 =	rddreg [dreg:$0x8];
	[sflag:s1] =	ssyncadd.s32 $0xFFFF6000  }
0x90: {  	[hbm4b:s8+s2] =	stream.linear.scatter [tilespmem:s22], [sflag:$0x3], $0xA000, $0x38;
	[tilespmem:$0x14500] =	vst v63  }
0x91: {  	_ =	swait.ge [sflag:s11], $0xA000  }
0x92: {  	s4 =	sadd.s32 $0x1, s4;
	s9 =	rddreg [dreg:$0x6]  }
0x93: {  	p0 =	sne.s32 s4, s9  }
.Ltmp1:
0x94: {  	_ = 	snop;
	(pc) =	sbr.rel @p0 .LBB2_1-.Ltmp1, $3  }
0x95: {  	_ =	sdelay $0x1  }
0x96: {  	[sflag:s11] =	ssyncset.done $0x0  }
0x97: {  	[sflag:s11] =	ssyncadd.s32 $0xFFFF6000  }
0x98: {  	_ =	sfence.sel $0x180000  }
0x99: {  	[bflag:$0x0] =	sbarrier.arrive $0xFFFF  }
0x9a: {  	_ =	strace $0x90000050  }
0x9b: {  	s0 =	stileid.u32;
	[bflag:$0x2] =	sbarrier.arrive $0xFFFF  }
0x9c: {  	p0 =	sne.s32 s0, $0x0;
	s0 =	rddreg [dreg:$0x1]  }
0x9d: {  	s0 =	sadd.s32 @!p0 $0x100000, s0  }
0x9e: {  	[sflag:s0] =	ssyncadd.tile.s32 @!p0 $0x1;
	_ =	shalt  }
.Lfunc_end2:
_tile_overlayer_lowered:
.L_overlay_start_2:
0x9f: {  	(tag) =	ssettag $0x2  }
0xa0: {  	s0 =	rddreg [dreg:$0x0];
	s2 =	stileid.u32  }
0xa1: {  	s1 =	rddreg [dreg:$0x1];
	p0 =	sne.s32 s2, $0x0  }
0xa2: {  	s3 =	rddreg [dreg:$0x2];
	[bflag:$0x3] =	sbarrier.arrive $0xFFFF;
	s2 =	simm.s32 @!p0 $0x1C03  }
0xa3: {  	[timem:s3], [sflag:s2] =	dma.local @!p0 [hbm:s0], s1  }
0xa4: {  	s0 =	simm.s32 @!p0 $0x3  }
0xa5: {  	_ =	swait.ge @!p0 [sflag:s0], s1  }
0xa6: {  	s1 =	ssub.s32 @!p0 $0x0, s1;
	[sflag:s0] =	ssyncset.done @!p0 $0x0  }
0xa7: {  	[sflag:s0] =	ssyncadd.s32 @!p0 s1  }
0xa8: {  	[bflag:$0x3] =	sbarrier.arrive $0xFFFF  }
0xa9: {  	_ =	shalt  }

</sc_bundles>
